<compile_context>
chip_gen: v7x
topology: tpu7x:2x2x1
jax: 0.10.2.dev20260603
libtpu: 0.0.44.dev20260713+nightly
codegen_flags: <defaults>
</compile_context>

<pallas_src>
import functools

import jax
import jax.numpy as jnp
from jax import lax
from jax.experimental import pallas as pl
from jax.experimental.pallas import tpu as pltpu
from jax.experimental.pallas import tpu_sc as plsc

N = 10000
E = 10000
NNZ = 320000
F = 128

NC, NS = 2, 16
NW = NC * NS
NNZ_W = NNZ // NW
N_PAD = 10240
RPT = N_PAD // NS

MBLK = 2000
GRID = N // MBLK

_SC_MESH = dict(core_axis_name="c", subcore_axis_name="s",
                num_cores=NC, num_subcores=NS)



CH = 104
NFC = NNZ_W // CH
TCH = NNZ_W - NFC * CH
NB = 3


def _sc_segsum(src, gidx, sidx, zf):
    mesh = plsc.VectorSubcoreMesh(**_SC_MESH)

    @functools.partial(
        pl.kernel, mesh=mesh,
        out_type=jax.ShapeDtypeStruct((NC * N_PAD, F), jnp.float32),
        scratch_types=(
            [pltpu.VMEM((CH,), jnp.int32)] * NB
            + [pltpu.VMEM((CH,), jnp.int32)] * NB
            + [pltpu.VMEM((CH, F), jnp.float32)] * NB
            + [pltpu.VMEM((TCH,), jnp.int32)] * 2
            + [pltpu.VMEM((TCH, F), jnp.float32)]
            + [pltpu.VMEM_SHARED((N_PAD, F), jnp.float32)]
            + [pltpu.SemaphoreType.DMA] * (4 * NB + 1)
        ),
    )
    def k(src_hbm, gidx_hbm, sidx_hbm, zf_hbm, out_hbm, *scr):
        gi, si = scr[0:NB], scr[NB:2 * NB]
        rows = scr[2 * NB:3 * NB]
        git, sit, rowst = scr[3 * NB:3 * NB + 3]
        acc_sh = scr[3 * NB + 3]
        sems = scr[3 * NB + 4:]
        isg, iss = sems[0:NB], sems[NB:2 * NB]
        gsm, ssm = sems[2 * NB:3 * NB], sems[3 * NB:4 * NB]
        tsem = sems[4 * NB]

        c = lax.axis_index("c")
        s = lax.axis_index("s")
        base = (s * NC + c) * NNZ_W

        def ld_gi(j, b):
            pltpu.async_copy(gidx_hbm.at[pl.ds(base + j * CH, CH)], gi[b], isg[b])

        def ld_si(j, b):
            pltpu.async_copy(sidx_hbm.at[pl.ds(base + j * CH, CH)], si[b], iss[b])

        def wait_gi(b):
            pltpu.make_async_copy(gidx_hbm.at[pl.ds(base, CH)], gi[b], isg[b]).wait()

        def wait_si(b):
            pltpu.make_async_copy(sidx_hbm.at[pl.ds(base, CH)], si[b], iss[b]).wait()

        def gather(b):
            pltpu.async_copy(src_hbm.at[gi[b]], rows[b], gsm[b])

        def wait_gather(b):
            pltpu.make_async_copy(src_hbm.at[gi[b]], rows[b], gsm[b]).wait()

        def scat(b):
            pltpu.async_copy(rows[b], acc_sh.at[si[b]], ssm[b], add=True)

        def wait_scat(b):
            pltpu.make_async_copy(rows[b], acc_sh.at[si[b]], ssm[b]).wait()

        pltpu.sync_copy(zf_hbm, acc_sh.at[pl.ds(s * RPT, RPT)])
        plsc.subcore_barrier()

        ld_gi(0, 0); ld_si(0, 0)
        wait_gi(0); gather(0)
        ld_gi(1, 1); ld_si(1, 1)
        wait_gather(0); wait_si(0); scat(0)
        wait_gi(1); gather(1)
        ld_gi(2, 2); ld_si(2, 2)
        wait_gather(1); wait_si(1); scat(1)
        wait_gi(2); gather(2)
        ld_gi(3, 0)

        @pl.loop(1, NFC // NB)
        def _(g):
            for b in range(NB):
                j = g * NB + b
                bn = (b + 1) % NB
                bp = (b + NB - 1) % NB
                wait_scat(b)
                ld_si(j, b)
                ld_gi(jnp.minimum(j + 1, NFC - 1), bn)
                wait_gi(b); gather(b)
                wait_gather(bp); wait_si(bp); scat(bp)

        last = (NFC - 1) % NB
        wait_gi((NFC) % NB)
        wait_gather(last); wait_si(last); scat(last)
        pltpu.sync_copy(gidx_hbm.at[pl.ds(base + NFC * CH, TCH)], git)
        pltpu.sync_copy(sidx_hbm.at[pl.ds(base + NFC * CH, TCH)], sit)
        pltpu.async_copy(src_hbm.at[git], rowst, tsem).wait()
        pltpu.sync_copy(rowst, acc_sh.at[sit], add=True)
        for b in range(NB):
            wait_scat(b)
        plsc.subcore_barrier()
        pltpu.sync_copy(acc_sh.at[pl.ds(s * RPT, RPT)],
                        out_hbm.at[pl.ds(c * N_PAD + s * RPT, RPT)])

    return k(src, gidx, sidx, zf)


def _sc_counts(nidx, eidx, ones_rows, zf):
    mesh = plsc.VectorSubcoreMesh(**_SC_MESH)

    @functools.partial(
        pl.kernel, mesh=mesh,
        out_type=(jax.ShapeDtypeStruct((NC * N_PAD, F), jnp.float32),
                  jax.ShapeDtypeStruct((NC * N_PAD, F), jnp.float32)),
        scratch_types=(
            [pltpu.VMEM((CH,), jnp.int32)] * NB
            + [pltpu.VMEM((TCH,), jnp.int32)]
            + [pltpu.VMEM((CH, F), jnp.float32)]
            + [pltpu.VMEM_SHARED((N_PAD, F), jnp.float32)]
            + [pltpu.SemaphoreType.DMA] * (2 * NB)
        ),
    )
    def k(nidx_hbm, eidx_hbm, ones_hbm, zf_hbm, outd_hbm, outb_hbm, *scr):
        si = scr[0:NB]
        sit = scr[NB]
        ones_v = scr[NB + 1]
        acc_sh = scr[NB + 2]
        iss = scr[NB + 3:NB + 3 + NB]
        ssm = scr[NB + 3 + NB:NB + 3 + 2 * NB]

        c = lax.axis_index("c")
        s = lax.axis_index("s")
        base = (s * NC + c) * NNZ_W
        pltpu.sync_copy(ones_hbm, ones_v)

        def phase(idx_hbm, out_hbm):
            def ld_si(j, b):
                pltpu.async_copy(idx_hbm.at[pl.ds(base + j * CH, CH)], si[b], iss[b])

            def wait_si(b):
                pltpu.make_async_copy(idx_hbm.at[pl.ds(base, CH)], si[b], iss[b]).wait()

            def scat(b):
                pltpu.async_copy(ones_v, acc_sh.at[si[b]], ssm[b], add=True)

            def wait_scat(b):
                pltpu.make_async_copy(ones_v, acc_sh.at[si[b]], ssm[b]).wait()

            pltpu.sync_copy(zf_hbm, acc_sh.at[pl.ds(s * RPT, RPT)])
            plsc.subcore_barrier()

            ld_si(0, 0)
            ld_si(1, 1)
            wait_si(0); scat(0)
            ld_si(2, 2)
            wait_si(1); scat(1)

            @pl.loop(1, NFC // NB)
            def _(g):
                for b in range(NB):
                    j = g * NB + b
                    bp = (b + NB - 1) % NB
                    wait_scat(b)
                    ld_si(j, b)
                    wait_si(bp); scat(bp)

            last = (NFC - 1) % NB
            wait_si(last); scat(last)
            pltpu.sync_copy(idx_hbm.at[pl.ds(base + NFC * CH, TCH)], sit)
            pltpu.sync_copy(ones_v.at[pl.ds(0, TCH)], acc_sh.at[sit], add=True)
            for b in range(NB):
                wait_scat(b)
            plsc.subcore_barrier()
            pltpu.sync_copy(acc_sh.at[pl.ds(s * RPT, RPT)],
                            out_hbm.at[pl.ds(c * N_PAD + s * RPT, RPT)])

        phase(nidx_hbm, outd_hbm)
        plsc.subcore_barrier()
        phase(eidx_hbm, outb_hbm)

    return k(nidx, eidx, ones_rows, zf)



def _inv_from_counts(c_ref):
    cnt = c_ref[0][:, 0:1] + c_ref[1][:, 0:1]
    return jnp.where(cnt > 0, 1.0 / jnp.where(cnt > 0, cnt, 1.0), 0.0)


def _tc_mm(x, w):
    def body(x_ref, w_ref, o_ref):
        o_ref[...] = jnp.dot(x_ref[...], w_ref[...],
                             preferred_element_type=jnp.float32)

    return pl.pallas_call(
        body,
        grid=(GRID,),
        in_specs=[pl.BlockSpec((MBLK, F), lambda i: (i, 0)),
                  pl.BlockSpec((F, F), lambda i: (0, 0))],
        out_specs=pl.BlockSpec((MBLK, F), lambda i: (i, 0)),
        out_shape=jax.ShapeDtypeStruct((N, F), jnp.float32),
    )(x, w)


def _tc_combine_scale(p, cnt):
    def body(p_ref, c_ref, o_ref):
        o_ref[...] = (p_ref[0] + p_ref[1]) * _inv_from_counts(c_ref)

    return pl.pallas_call(
        body,
        grid=(GRID,),
        in_specs=[pl.BlockSpec((NC, MBLK, F), lambda i: (0, i, 0)),
                  pl.BlockSpec((NC, MBLK, F), lambda i: (0, i, 0))],
        out_specs=pl.BlockSpec((MBLK, F), lambda i: (i, 0)),
        out_shape=jax.ShapeDtypeStruct((N, F), jnp.float32),
    )(p.reshape(NC, N_PAD, F), cnt.reshape(NC, N_PAD, F))


def _tc_combine_scale_bias_mm(q, cnt, b, w):
    def body(q_ref, c_ref, b_ref, w_ref, o_ref):
        t = (q_ref[0] + q_ref[1]) * _inv_from_counts(c_ref) + b_ref[...]
        o_ref[...] = jnp.dot(t, w_ref[...], preferred_element_type=jnp.float32)

    return pl.pallas_call(
        body,
        grid=(GRID,),
        in_specs=[pl.BlockSpec((NC, MBLK, F), lambda i: (0, i, 0)),
                  pl.BlockSpec((NC, MBLK, F), lambda i: (0, i, 0)),
                  pl.BlockSpec((1, F), lambda i: (0, 0)),
                  pl.BlockSpec((F, F), lambda i: (0, 0))],
        out_specs=pl.BlockSpec((MBLK, F), lambda i: (i, 0)),
        out_shape=jax.ShapeDtypeStruct((N, F), jnp.float32),
    )(q.reshape(NC, N_PAD, F), cnt.reshape(NC, N_PAD, F), b.reshape(1, F), w)


def _tc_final(q, cnt, b, w0, b0, w1, b1):
    def body(q_ref, c_ref, b_ref, w0_ref, b0_ref, w1_ref, b1_ref, o_ref):
        z = (q_ref[0] + q_ref[1]) * _inv_from_counts(c_ref) + b_ref[...]
        h = jnp.maximum(
            jnp.dot(z, w0_ref[...], preferred_element_type=jnp.float32)
            + b0_ref[...], 0.0)
        logits = jnp.dot(h, w1_ref[...],
                         preferred_element_type=jnp.float32) + b1_ref[...]
        m = jnp.max(logits, axis=1, keepdims=True)
        ex = jnp.exp(logits - m)
        o_ref[...] = ex / jnp.sum(ex, axis=1, keepdims=True)

    return pl.pallas_call(
        body,
        grid=(GRID,),
        in_specs=[pl.BlockSpec((NC, MBLK, F), lambda i: (0, i, 0)),
                  pl.BlockSpec((NC, MBLK, F), lambda i: (0, i, 0)),
                  pl.BlockSpec((1, F), lambda i: (0, 0)),
                  pl.BlockSpec((F, 64), lambda i: (0, 0)),
                  pl.BlockSpec((1, 64), lambda i: (0, 0)),
                  pl.BlockSpec((64, 8), lambda i: (0, 0)),
                  pl.BlockSpec((1, 8), lambda i: (0, 0))],
        out_specs=pl.BlockSpec((MBLK, 8), lambda i: (i, 0)),
        out_shape=jax.ShapeDtypeStruct((N, 8), jnp.float32),
    )(q.reshape(NC, N_PAD, F), cnt.reshape(NC, N_PAD, F), b.reshape(1, F),
      w0, b0.reshape(1, 64), w1, b1.reshape(1, 8))



def kernel(x, inc_idx, conv0_W, conv0_b, conv1_W, conv1_b,
           mlp0_W, mlp0_b, mlp1_W, mlp1_b):
    nidx = inc_idx[0]
    eidx = inc_idx[1]
    ones_rows = jnp.ones((CH, F), jnp.float32)
    zf = jnp.zeros((RPT, F), jnp.float32)

    cnt_d, cnt_b = _sc_counts(nidx, eidx, ones_rows, zf)

    h = _tc_mm(x, conv0_W)
    p = _sc_segsum(h, nidx, eidx, zf)
    ef = _tc_combine_scale(p, cnt_b)
    q = _sc_segsum(ef, eidx, nidx, zf)
    h = _tc_combine_scale_bias_mm(q, cnt_d, conv0_b, conv1_W)

    p = _sc_segsum(h, nidx, eidx, zf)
    ef = _tc_combine_scale(p, cnt_b)
    q = _sc_segsum(ef, eidx, nidx, zf)
    return _tc_final(q, cnt_d, conv1_b, mlp0_W, mlp0_b, mlp1_W, mlp1_b)

# --- scband reference (transcript-rebuilt; emitter-appended) ---
"""Pipeline reference for scband-hyper-gap-50972671869731 (READ-ONLY COPY).

The authoritative reference and input builder live on the scoring server;
editing this copy changes nothing except your own understanding.
"""

import jax, jax.numpy as jnp
import numpy as np

N_NODES = 10000
N_EDGES = 10000
NNZ = 320000


def _safe_inv(d):
    return jnp.where(d > 0, 1.0 / jnp.where(d > 0, d, 1.0), 0.0)


def _hconv(x, node_idx, edge_idx, W, b):
    # Faithful PyG HypergraphConv (attention=False, heads=1):
    # out = D^{-1} H W_e B^{-1} H^T (x Theta) + bias
    num_nodes = x.shape[0]
    x = x @ W
    hyperedge_weight = jnp.ones((N_EDGES,), dtype=x.dtype)
    D = jax.ops.segment_sum(hyperedge_weight[edge_idx], node_idx, num_segments=num_nodes)
    Dinv = _safe_inv(D)
    Bdeg = jax.ops.segment_sum(jnp.ones((edge_idx.shape[0],), dtype=x.dtype), edge_idx, num_segments=N_EDGES)
    Binv = _safe_inv(Bdeg)
    # propagate node -> hyperedge with norm B
    edge_feat = jax.ops.segment_sum(Binv[edge_idx][:, None] * x[node_idx], edge_idx, num_segments=N_EDGES)
    # propagate hyperedge -> node with norm D
    out = jax.ops.segment_sum(Dinv[node_idx][:, None] * edge_feat[edge_idx], node_idx, num_segments=num_nodes)
    return out + b


def setup_inputs(seed: int = 0):
    key = jax.random.key(seed)
    ks = jax.random.split(key, 8)
    inp = {}
    inp["x"] = jax.random.normal(ks[0], (N_NODES, 128), dtype=jnp.float32)
    inp["inc_idx"] = jax.random.randint(ks[1], (2, NNZ), 0, N_EDGES, dtype=jnp.int32)

    def glorot(k, shape):
        return jax.random.normal(k, shape, dtype=jnp.float32) / np.sqrt(shape[0])

    inp["conv0_W"] = glorot(ks[2], (128, 128))
    inp["conv0_b"] = jnp.zeros((128,), jnp.float32)
    inp["conv1_W"] = glorot(ks[3], (128, 128))
    inp["conv1_b"] = jnp.zeros((128,), jnp.float32)
    inp["mlp0_W"] = glorot(ks[4], (128, 64))
    inp["mlp0_b"] = jnp.zeros((64,), jnp.float32)
    inp["mlp1_W"] = glorot(ks[5], (64, 8))
    inp["mlp1_b"] = jnp.zeros((8,), jnp.float32)
    return inp


def reference(x, inc_idx, conv0_W, conv0_b, conv1_W, conv1_b, mlp0_W, mlp0_b, mlp1_W, mlp1_b):
    node_idx = inc_idx[0]
    edge_idx = inc_idx[1]
    h = _hconv(x, node_idx, edge_idx, conv0_W, conv0_b)
    h = _hconv(h, node_idx, edge_idx, conv1_W, conv1_b)
    h = jax.nn.relu(h @ mlp0_W + mlp0_b)
    logits = h @ mlp1_W + mlp1_b
    return jax.nn.softmax(logits, axis=1)

if __name__ == "__main__":
    import jax
    _d = setup_inputs()
    print(jax.jit(kernel)(*tuple(_d.values())))

</pallas_src>

<mosaic_0001>
#map = affine_map<(d0, d1) -> (0)>
#map1 = affine_map<(d0, d1) -> (0, 0)>
module attributes {stable_mosaic.version = 14 : i64} {
  func.func @k(%arg0: i32, %arg1: i32, %arg2: memref<320000xi32, #tpu.memory_space<hbm>>, %arg3: memref<320000xi32, #tpu.memory_space<hbm>>, %arg4: memref<104x128xf32, #tpu.memory_space<hbm>>, %arg5: memref<640x128xf32, #tpu.memory_space<hbm>>, %arg6: memref<20480x128xf32, #tpu.memory_space<hbm>>, %arg7: memref<20480x128xf32, #tpu.memory_space<hbm>>, %arg8: memref<104xi32, #tpu.memory_space<vmem>>, %arg9: memref<104xi32, #tpu.memory_space<vmem>>, %arg10: memref<104xi32, #tpu.memory_space<vmem>>, %arg11: memref<16xi32, #tpu.memory_space<vmem>>, %arg12: memref<104x128xf32, #tpu.memory_space<vmem>>, %arg13: memref<10240x128xf32, #tpu.memory_space<vmem_shared>>, %arg14: memref<!tpu.dma_semaphore, #tpu.memory_space<semaphore_mem>>, %arg15: memref<!tpu.dma_semaphore, #tpu.memory_space<semaphore_mem>>, %arg16: memref<!tpu.dma_semaphore, #tpu.memory_space<semaphore_mem>>, %arg17: memref<!tpu.dma_semaphore, #tpu.memory_space<semaphore_mem>>, %arg18: memref<!tpu.dma_semaphore, #tpu.memory_space<semaphore_mem>>, %arg19: memref<!tpu.dma_semaphore, #tpu.memory_space<semaphore_mem>>) attributes {dimension_semantics = [#tpu.dimension_semantics<core_parallel>, #tpu.dimension_semantics<subcore_parallel>], iteration_bounds = array<i64: 2, 16>, scalar_prefetch = 0 : i64, scratch_operands = 12 : i64, tpu.core_type = #tpu.core_type<sc_vector_subcore>, window_params = [{transform_indices = #map}, {transform_indices = #map}, {transform_indices = #map1}, {transform_indices = #map1}, {transform_indices = #map1}, {transform_indices = #map1}]} {
    %mul3A = arith.constant 2 : i32
    %mul3A_0 = arith.muli %arg1, %mul3A : i32
    %add3A = arith.addi %mul3A_0, %arg0 : i32
    %mul3A_1 = arith.constant 10000 : i32
    %mul3A_2 = arith.muli %add3A, %mul3A_1 : i32
    "tpu.region"() ({
      %run_scoped3A = tpu.sem_alloc : memref<!tpu.dma_semaphore, #tpu.memory_space<semaphore_mem>>
      tpu.enqueue_dma source(%arg4 : memref<104x128xf32, #tpu.memory_space<hbm>>) target(%arg12 : memref<104x128xf32, #tpu.memory_space<vmem>>) target_semaphore(%run_scoped3A : memref<!tpu.dma_semaphore, #tpu.memory_space<semaphore_mem>>)
      tpu.wait_dma2 semaphore(%run_scoped3A : memref<!tpu.dma_semaphore, #tpu.memory_space<semaphore_mem>>) src(%arg4 : memref<104x128xf32, #tpu.memory_space<hbm>>) dst(%arg12 : memref<104x128xf32, #tpu.memory_space<vmem>>)
      tpu.yield
    }) : () -> ()
    %mul3A_3 = arith.constant 640 : i32
    %mul3A_4 = arith.muli %arg1, %mul3A_3 : i32
    "tpu.region"() ({
      %run_scoped3A = tpu.sem_alloc : memref<!tpu.dma_semaphore, #tpu.memory_space<semaphore_mem>>
      %dma_start3A_108 = arith.constant 0 : i32
      %dma_start3A_109 = tpu.memref_slice %arg13[%mul3A_4, %dma_start3A_108] : memref<10240x128xf32, #tpu.memory_space<vmem_shared>> -> memref<640x128xf32, #tpu.memory_space<vmem_shared>>
      tpu.enqueue_dma source(%arg5 : memref<640x128xf32, #tpu.memory_space<hbm>>) target(%dma_start3A_109 : memref<640x128xf32, #tpu.memory_space<vmem_shared>>) target_semaphore(%run_scoped3A : memref<!tpu.dma_semaphore, #tpu.memory_space<semaphore_mem>>)
      %dma_wait3A_110 = arith.constant 0 : i32
      %dma_wait3A_111 = tpu.memref_slice %arg13[%mul3A_4, %dma_wait3A_110] : memref<10240x128xf32, #tpu.memory_space<vmem_shared>> -> memref<640x128xf32, #tpu.memory_space<vmem_shared>>
      tpu.wait_dma2 semaphore(%run_scoped3A : memref<!tpu.dma_semaphore, #tpu.memory_space<semaphore_mem>>) src(%arg5 : memref<640x128xf32, #tpu.memory_space<hbm>>) dst(%dma_wait3A_111 : memref<640x128xf32, #tpu.memory_space<vmem_shared>>)
      tpu.yield
    }) : () -> ()
    %barrier3A = arith.constant 0 : index
    tpu.barrier barrier_id(%barrier3A)
    %add3A_5 = arith.constant 0 : i32
    %add3A_6 = arith.addi %mul3A_2, %add3A_5 : i32
    %dma_start3A = tpu.memref_slice %arg2[%add3A_6] : memref<320000xi32, #tpu.memory_space<hbm>> -> memref<104xi32, #tpu.memory_space<hbm>>
    %dma_start3A_7 = tpu.memref_slice %arg2[%add3A_6] : memref<320000xi32, #tpu.memory_space<hbm>> -> memref<104xi32, #tpu.memory_space<hbm>>
    tpu.enqueue_dma source(%dma_start3A_7 : memref<104xi32, #tpu.memory_space<hbm>>) target(%arg8 : memref<104xi32, #tpu.memory_space<vmem>>) target_semaphore(%arg14 : memref<!tpu.dma_semaphore, #tpu.memory_space<semaphore_mem>>)
    %add3A_8 = arith.constant 104 : i32
    %add3A_9 = arith.addi %mul3A_2, %add3A_8 : i32
    %dma_start3A_10 = tpu.memref_slice %arg2[%add3A_9] : memref<320000xi32, #tpu.memory_space<hbm>> -> memref<104xi32, #tpu.memory_space<hbm>>
    %dma_start3A_11 = tpu.memref_slice %arg2[%add3A_9] : memref<320000xi32, #tpu.memory_space<hbm>> -> memref<104xi32, #tpu.memory_space<hbm>>
    tpu.enqueue_dma source(%dma_start3A_11 : memref<104xi32, #tpu.memory_space<hbm>>) target(%arg9 : memref<104xi32, #tpu.memory_space<vmem>>) target_semaphore(%arg15 : memref<!tpu.dma_semaphore, #tpu.memory_space<semaphore_mem>>)
    %dma_wait3A = tpu.memref_slice %arg2[%mul3A_2] : memref<320000xi32, #tpu.memory_space<hbm>> -> memref<104xi32, #tpu.memory_space<hbm>>
    %dma_wait3A_12 = tpu.memref_slice %arg2[%mul3A_2] : memref<320000xi32, #tpu.memory_space<hbm>> -> memref<104xi32, #tpu.memory_space<hbm>>
    tpu.wait_dma2 semaphore(%arg14 : memref<!tpu.dma_semaphore, #tpu.memory_space<semaphore_mem>>) src(%dma_wait3A_12 : memref<104xi32, #tpu.memory_space<hbm>>) dst(%arg8 : memref<104xi32, #tpu.memory_space<vmem>>)
    %dma_start3A_13 = arith.constant 0 : i32
    %dma_start3A_14 = arith.constant 0 : i32
    %dma_start3A_15 = tpu.memref_slice %arg13[%dma_start3A_13, %dma_start3A_14] : memref<10240x128xf32, #tpu.memory_space<vmem_shared>> -> memref<10240x128xf32, #tpu.memory_space<vmem_shared>>
    tpu.enqueue_indirect_dma source(%arg12 : memref<104x128xf32, #tpu.memory_space<vmem>>) target(%dma_start3A_15 : memref<10240x128xf32, #tpu.memory_space<vmem_shared>>) offsets(%arg8 : memref<104xi32, #tpu.memory_space<vmem>>) semaphore(%arg17 : memref<!tpu.dma_semaphore, #tpu.memory_space<semaphore_mem>>) {add = true}
    %add3A_16 = arith.constant 208 : i32
    %add3A_17 = arith.addi %mul3A_2, %add3A_16 : i32
    %dma_start3A_18 = tpu.memref_slice %arg2[%add3A_17] : memref<320000xi32, #tpu.memory_space<hbm>> -> memref<104xi32, #tpu.memory_space<hbm>>
    %dma_start3A_19 = tpu.memref_slice %arg2[%add3A_17] : memref<320000xi32, #tpu.memory_space<hbm>> -> memref<104xi32, #tpu.memory_space<hbm>>
    tpu.enqueue_dma source(%dma_start3A_19 : memref<104xi32, #tpu.memory_space<hbm>>) target(%arg10 : memref<104xi32, #tpu.memory_space<vmem>>) target_semaphore(%arg16 : memref<!tpu.dma_semaphore, #tpu.memory_space<semaphore_mem>>)
    %dma_wait3A_20 = tpu.memref_slice %arg2[%mul3A_2] : memref<320000xi32, #tpu.memory_space<hbm>> -> memref<104xi32, #tpu.memory_space<hbm>>
    %dma_wait3A_21 = tpu.memref_slice %arg2[%mul3A_2] : memref<320000xi32, #tpu.memory_space<hbm>> -> memref<104xi32, #tpu.memory_space<hbm>>
    tpu.wait_dma2 semaphore(%arg15 : memref<!tpu.dma_semaphore, #tpu.memory_space<semaphore_mem>>) src(%dma_wait3A_21 : memref<104xi32, #tpu.memory_space<hbm>>) dst(%arg9 : memref<104xi32, #tpu.memory_space<vmem>>)
    %dma_start3A_22 = arith.constant 0 : i32
    %dma_start3A_23 = arith.constant 0 : i32
    %dma_start3A_24 = tpu.memref_slice %arg13[%dma_start3A_22, %dma_start3A_23] : memref<10240x128xf32, #tpu.memory_space<vmem_shared>> -> memref<10240x128xf32, #tpu.memory_space<vmem_shared>>
    tpu.enqueue_indirect_dma source(%arg12 : memref<104x128xf32, #tpu.memory_space<vmem>>) target(%dma_start3A_24 : memref<10240x128xf32, #tpu.memory_space<vmem_shared>>) offsets(%arg9 : memref<104xi32, #tpu.memory_space<vmem>>) semaphore(%arg18 : memref<!tpu.dma_semaphore, #tpu.memory_space<semaphore_mem>>) {add = true}
    %scan3A = arith.constant 0 : i32
    %scan3A_25 = arith.constant 31 : i32
    %scan3A_26 = arith.addi %scan3A, %scan3A_25 : i32
    %scan3A_27 = arith.constant 1 : i32
    scf.for %scan3A_108 = %scan3A to %scan3A_26 step %scan3A_27  : i32 {
      %mul3A_109 = arith.constant 1 : i32
      %mul3A_110 = arith.muli %scan3A_108, %mul3A_109 : i32
      %add3A_111 = arith.constant 1 : i32
      %add3A_112 = arith.addi %add3A_111, %mul3A_110 : i32
      %mul3A_113 = arith.constant 3 : i32
      %mul3A_114 = arith.muli %add3A_112, %mul3A_113 : i32
      %add3A_115 = arith.constant 0 : i32
      %add3A_116 = arith.addi %mul3A_114, %add3A_115 : i32
      %dma_wait3A_117 = arith.constant 0 : i32
      %dma_wait3A_118 = arith.constant 0 : i32
      %dma_wait3A_119 = tpu.memref_slice %arg13[%dma_wait3A_117, %dma_wait3A_118] : memref<10240x128xf32, #tpu.memory_space<vmem_shared>> -> memref<10240x128xf32, #tpu.memory_space<vmem_shared>>
      tpu.wait_indirect_dma semaphore(%arg17 : memref<!tpu.dma_semaphore, #tpu.memory_space<semaphore_mem>>) src(%arg12 : memref<104x128xf32, #tpu.memory_space<vmem>>) dst(%dma_wait3A_119 : memref<10240x128xf32, #tpu.memory_space<vmem_shared>>)
      %mul3A_120 = arith.constant 104 : i32
      %mul3A_121 = arith.muli %add3A_116, %mul3A_120 : i32
      %add3A_122 = arith.addi %mul3A_2, %mul3A_121 : i32
      %dma_start3A_123 = tpu.memref_slice %arg2[%add3A_122] : memref<320000xi32, #tpu.memory_space<hbm>> -> memref<104xi32, #tpu.memory_space<hbm>>
      %dma_start3A_124 = tpu.memref_slice %arg2[%add3A_122] : memref<320000xi32, #tpu.memory_space<hbm>> -> memref<104xi32, #tpu.memory_space<hbm>>
      tpu.enqueue_dma source(%dma_start3A_124 : memref<104xi32, #tpu.memory_space<hbm>>) target(%arg8 : memref<104xi32, #tpu.memory_space<vmem>>) target_semaphore(%arg14 : memref<!tpu.dma_semaphore, #tpu.memory_space<semaphore_mem>>)
      %dma_wait3A_125 = tpu.memref_slice %arg2[%mul3A_2] : memref<320000xi32, #tpu.memory_space<hbm>> -> memref<104xi32, #tpu.memory_space<hbm>>
      %dma_wait3A_126 = tpu.memref_slice %arg2[%mul3A_2] : memref<320000xi32, #tpu.memory_space<hbm>> -> memref<104xi32, #tpu.memory_space<hbm>>
      tpu.wait_dma2 semaphore(%arg16 : memref<!tpu.dma_semaphore, #tpu.memory_space<semaphore_mem>>) src(%dma_wait3A_126 : memref<104xi32, #tpu.memory_space<hbm>>) dst(%arg10 : memref<104xi32, #tpu.memory_space<vmem>>)
      %dma_start3A_127 = arith.constant 0 : i32
      %dma_start3A_128 = arith.constant 0 : i32
      %dma_start3A_129 = tpu.memref_slice %arg13[%dma_start3A_127, %dma_start3A_128] : memref<10240x128xf32, #tpu.memory_space<vmem_shared>> -> memref<10240x128xf32, #tpu.memory_space<vmem_shared>>
      tpu.enqueue_indirect_dma source(%arg12 : memref<104x128xf32, #tpu.memory_space<vmem>>) target(%dma_start3A_129 : memref<10240x128xf32, #tpu.memory_space<vmem_shared>>) offsets(%arg10 : memref<104xi32, #tpu.memory_space<vmem>>) semaphore(%arg19 : memref<!tpu.dma_semaphore, #tpu.memory_space<semaphore_mem>>) {add = true}
      %mul3A_130 = arith.constant 3 : i32
      %mul3A_131 = arith.muli %add3A_112, %mul3A_130 : i32
      %add3A_132 = arith.constant 1 : i32
      %add3A_133 = arith.addi %mul3A_131, %add3A_132 : i32
      %dma_wait3A_134 = arith.constant 0 : i32
      %dma_wait3A_135 = arith.constant 0 : i32
      %dma_wait3A_136 = tpu.memref_slice %arg13[%dma_wait3A_134, %dma_wait3A_135] : memref<10240x128xf32, #tpu.memory_space<vmem_shared>> -> memref<10240x128xf32, #tpu.memory_space<vmem_shared>>
      tpu.wait_indirect_dma semaphore(%arg18 : memref<!tpu.dma_semaphore, #tpu.memory_space<semaphore_mem>>) src(%arg12 : memref<104x128xf32, #tpu.memory_space<vmem>>) dst(%dma_wait3A_136 : memref<10240x128xf32, #tpu.memory_space<vmem_shared>>)
      %mul3A_137 = arith.constant 104 : i32
      %mul3A_138 = arith.muli %add3A_133, %mul3A_137 : i32
      %add3A_139 = arith.addi %mul3A_2, %mul3A_138 : i32
      %dma_start3A_140 = tpu.memref_slice %arg2[%add3A_139] : memref<320000xi32, #tpu.memory_space<hbm>> -> memref<104xi32, #tpu.memory_space<hbm>>
      %dma_start3A_141 = tpu.memref_slice %arg2[%add3A_139] : memref<320000xi32, #tpu.memory_space<hbm>> -> memref<104xi32, #tpu.memory_space<hbm>>
      tpu.enqueue_dma source(%dma_start3A_141 : memref<104xi32, #tpu.memory_space<hbm>>) target(%arg9 : memref<104xi32, #tpu.memory_space<vmem>>) target_semaphore(%arg15 : memref<!tpu.dma_semaphore, #tpu.memory_space<semaphore_mem>>)
      %dma_wait3A_142 = tpu.memref_slice %arg2[%mul3A_2] : memref<320000xi32, #tpu.memory_space<hbm>> -> memref<104xi32, #tpu.memory_space<hbm>>
      %dma_wait3A_143 = tpu.memref_slice %arg2[%mul3A_2] : memref<320000xi32, #tpu.memory_space<hbm>> -> memref<104xi32, #tpu.memory_space<hbm>>
      tpu.wait_dma2 semaphore(%arg14 : memref<!tpu.dma_semaphore, #tpu.memory_space<semaphore_mem>>) src(%dma_wait3A_143 : memref<104xi32, #tpu.memory_space<hbm>>) dst(%arg8 : memref<104xi32, #tpu.memory_space<vmem>>)
      %dma_start3A_144 = arith.constant 0 : i32
      %dma_start3A_145 = arith.constant 0 : i32
      %dma_start3A_146 = tpu.memref_slice %arg13[%dma_start3A_144, %dma_start3A_145] : memref<10240x128xf32, #tpu.memory_space<vmem_shared>> -> memref<10240x128xf32, #tpu.memory_space<vmem_shared>>
      tpu.enqueue_indirect_dma source(%arg12 : memref<104x128xf32, #tpu.memory_space<vmem>>) target(%dma_start3A_146 : memref<10240x128xf32, #tpu.memory_space<vmem_shared>>) offsets(%arg8 : memref<104xi32, #tpu.memory_space<vmem>>) semaphore(%arg17 : memref<!tpu.dma_semaphore, #tpu.memory_space<semaphore_mem>>) {add = true}
      %mul3A_147 = arith.constant 3 : i32
      %mul3A_148 = arith.muli %add3A_112, %mul3A_147 : i32
      %add3A_149 = arith.constant 2 : i32
      %add3A_150 = arith.addi %mul3A_148, %add3A_149 : i32
      %dma_wait3A_151 = arith.constant 0 : i32
      %dma_wait3A_152 = arith.constant 0 : i32
      %dma_wait3A_153 = tpu.memref_slice %arg13[%dma_wait3A_151, %dma_wait3A_152] : memref<10240x128xf32, #tpu.memory_space<vmem_shared>> -> memref<10240x128xf32, #tpu.memory_space<vmem_shared>>
      tpu.wait_indirect_dma semaphore(%arg19 : memref<!tpu.dma_semaphore, #tpu.memory_space<semaphore_mem>>) src(%arg12 : memref<104x128xf32, #tpu.memory_space<vmem>>) dst(%dma_wait3A_153 : memref<10240x128xf32, #tpu.memory_space<vmem_shared>>)
      %mul3A_154 = arith.constant 104 : i32
      %mul3A_155 = arith.muli %add3A_150, %mul3A_154 : i32
      %add3A_156 = arith.addi %mul3A_2, %mul3A_155 : i32
      %dma_start3A_157 = tpu.memref_slice %arg2[%add3A_156] : memref<320000xi32, #tpu.memory_space<hbm>> -> memref<104xi32, #tpu.memory_space<hbm>>
      %dma_start3A_158 = tpu.memref_slice %arg2[%add3A_156] : memref<320000xi32, #tpu.memory_space<hbm>> -> memref<104xi32, #tpu.memory_space<hbm>>
      tpu.enqueue_dma source(%dma_start3A_158 : memref<104xi32, #tpu.memory_space<hbm>>) target(%arg10 : memref<104xi32, #tpu.memory_space<vmem>>) target_semaphore(%arg16 : memref<!tpu.dma_semaphore, #tpu.memory_space<semaphore_mem>>)
      %dma_wait3A_159 = tpu.memref_slice %arg2[%mul3A_2] : memref<320000xi32, #tpu.memory_space<hbm>> -> memref<104xi32, #tpu.memory_space<hbm>>
      %dma_wait3A_160 = tpu.memref_slice %arg2[%mul3A_2] : memref<320000xi32, #tpu.memory_space<hbm>> -> memref<104xi32, #tpu.memory_space<hbm>>
      tpu.wait_dma2 semaphore(%arg15 : memref<!tpu.dma_semaphore, #tpu.memory_space<semaphore_mem>>) src(%dma_wait3A_160 : memref<104xi32, #tpu.memory_space<hbm>>) dst(%arg9 : memref<104xi32, #tpu.memory_space<vmem>>)
      %dma_start3A_161 = arith.constant 0 : i32
      %dma_start3A_162 = arith.constant 0 : i32
      %dma_start3A_163 = tpu.memref_slice %arg13[%dma_start3A_161, %dma_start3A_162] : memref<10240x128xf32, #tpu.memory_space<vmem_shared>> -> memref<10240x128xf32, #tpu.memory_space<vmem_shared>>
      tpu.enqueue_indirect_dma source(%arg12 : memref<104x128xf32, #tpu.memory_space<vmem>>) target(%dma_start3A_163 : memref<10240x128xf32, #tpu.memory_space<vmem_shared>>) offsets(%arg9 : memref<104xi32, #tpu.memory_space<vmem>>) semaphore(%arg18 : memref<!tpu.dma_semaphore, #tpu.memory_space<semaphore_mem>>) {add = true}
    }
    %scan3A_28 = arith.constant 31 : i32
    %dma_wait3A_29 = tpu.memref_slice %arg2[%mul3A_2] : memref<320000xi32, #tpu.memory_space<hbm>> -> memref<104xi32, #tpu.memory_space<hbm>>
    %dma_wait3A_30 = tpu.memref_slice %arg2[%mul3A_2] : memref<320000xi32, #tpu.memory_space<hbm>> -> memref<104xi32, #tpu.memory_space<hbm>>
    tpu.wait_dma2 semaphore(%arg16 : memref<!tpu.dma_semaphore, #tpu.memory_space<semaphore_mem>>) src(%dma_wait3A_30 : memref<104xi32, #tpu.memory_space<hbm>>) dst(%arg10 : memref<104xi32, #tpu.memory_space<vmem>>)
    %dma_start3A_31 = arith.constant 0 : i32
    %dma_start3A_32 = arith.constant 0 : i32
    %dma_start3A_33 = tpu.memref_slice %arg13[%dma_start3A_31, %dma_start3A_32] : memref<10240x128xf32, #tpu.memory_space<vmem_shared>> -> memref<10240x128xf32, #tpu.memory_space<vmem_shared>>
    tpu.enqueue_indirect_dma source(%arg12 : memref<104x128xf32, #tpu.memory_space<vmem>>) target(%dma_start3A_33 : memref<10240x128xf32, #tpu.memory_space<vmem_shared>>) offsets(%arg10 : memref<104xi32, #tpu.memory_space<vmem>>) semaphore(%arg19 : memref<!tpu.dma_semaphore, #tpu.memory_space<semaphore_mem>>) {add = true}
    %add3A_34 = arith.constant 9984 : i32
    %add3A_35 = arith.addi %mul3A_2, %add3A_34 : i32
    "tpu.region"() ({
      %run_scoped3A = tpu.sem_alloc : memref<!tpu.dma_semaphore, #tpu.memory_space<semaphore_mem>>
      %dma_start3A_108 = tpu.memref_slice %arg2[%add3A_35] : memref<320000xi32, #tpu.memory_space<hbm>> -> memref<16xi32, #tpu.memory_space<hbm>>
      %dma_start3A_109 = tpu.memref_slice %arg2[%add3A_35] : memref<320000xi32, #tpu.memory_space<hbm>> -> memref<16xi32, #tpu.memory_space<hbm>>
      tpu.enqueue_dma source(%dma_start3A_109 : memref<16xi32, #tpu.memory_space<hbm>>) target(%arg11 : memref<16xi32, #tpu.memory_space<vmem>>) target_semaphore(%run_scoped3A : memref<!tpu.dma_semaphore, #tpu.memory_space<semaphore_mem>>)
      %dma_wait3A_110 = tpu.memref_slice %arg2[%add3A_35] : memref<320000xi32, #tpu.memory_space<hbm>> -> memref<16xi32, #tpu.memory_space<hbm>>
      %dma_wait3A_111 = tpu.memref_slice %arg2[%add3A_35] : memref<320000xi32, #tpu.memory_space<hbm>> -> memref<16xi32, #tpu.memory_space<hbm>>
      tpu.wait_dma2 semaphore(%run_scoped3A : memref<!tpu.dma_semaphore, #tpu.memory_space<semaphore_mem>>) src(%dma_wait3A_111 : memref<16xi32, #tpu.memory_space<hbm>>) dst(%arg11 : memref<16xi32, #tpu.memory_space<vmem>>)
      tpu.yield
    }) : () -> ()
    "tpu.region"() ({
      %run_scoped3A = tpu.sem_alloc : memref<!tpu.dma_semaphore, #tpu.memory_space<semaphore_mem>>
      %dma_start3A_108 = arith.constant 0 : i32
      %dma_start3A_109 = arith.constant 0 : i32
      %dma_start3A_110 = tpu.memref_slice %arg12[%dma_start3A_108, %dma_start3A_109] : memref<104x128xf32, #tpu.memory_space<vmem>> -> memref<16x128xf32, #tpu.memory_space<vmem>>
      %dma_start3A_111 = arith.constant 0 : i32
      %dma_start3A_112 = arith.constant 0 : i32
      %dma_start3A_113 = tpu.memref_slice %arg13[%dma_start3A_111, %dma_start3A_112] : memref<10240x128xf32, #tpu.memory_space<vmem_shared>> -> memref<10240x128xf32, #tpu.memory_space<vmem_shared>>
      tpu.enqueue_indirect_dma source(%dma_start3A_110 : memref<16x128xf32, #tpu.memory_space<vmem>>) target(%dma_start3A_113 : memref<10240x128xf32, #tpu.memory_space<vmem_shared>>) offsets(%arg11 : memref<16xi32, #tpu.memory_space<vmem>>) semaphore(%run_scoped3A : memref<!tpu.dma_semaphore, #tpu.memory_space<semaphore_mem>>) {add = true}
      %dma_wait3A_114 = arith.constant 0 : i32
      %dma_wait3A_115 = arith.constant 0 : i32
      %dma_wait3A_116 = tpu.memref_slice %arg12[%dma_wait3A_114, %dma_wait3A_115] : memref<104x128xf32, #tpu.memory_space<vmem>> -> memref<16x128xf32, #tpu.memory_space<vmem>>
      %dma_wait3A_117 = arith.constant 0 : i32
      %dma_wait3A_118 = arith.constant 0 : i32
      %dma_wait3A_119 = tpu.memref_slice %arg13[%dma_wait3A_117, %dma_wait3A_118] : memref<10240x128xf32, #tpu.memory_space<vmem_shared>> -> memref<10240x128xf32, #tpu.memory_space<vmem_shared>>
      tpu.wait_indirect_dma semaphore(%run_scoped3A : memref<!tpu.dma_semaphore, #tpu.memory_space<semaphore_mem>>) src(%dma_wait3A_116 : memref<16x128xf32, #tpu.memory_space<vmem>>) dst(%dma_wait3A_119 : memref<10240x128xf32, #tpu.memory_space<vmem_shared>>)
      tpu.yield
    }) : () -> ()
    %dma_wait3A_36 = arith.constant 0 : i32
    %dma_wait3A_37 = arith.constant 0 : i32
    %dma_wait3A_38 = tpu.memref_slice %arg13[%dma_wait3A_36, %dma_wait3A_37] : memref<10240x128xf32, #tpu.memory_space<vmem_shared>> -> memref<10240x128xf32, #tpu.memory_space<vmem_shared>>
    tpu.wait_indirect_dma semaphore(%arg17 : memref<!tpu.dma_semaphore, #tpu.memory_space<semaphore_mem>>) src(%arg12 : memref<104x128xf32, #tpu.memory_space<vmem>>) dst(%dma_wait3A_38 : memref<10240x128xf32, #tpu.memory_space<vmem_shared>>)
    %dma_wait3A_39 = arith.constant 0 : i32
    %dma_wait3A_40 = arith.constant 0 : i32
    %dma_wait3A_41 = tpu.memref_slice %arg13[%dma_wait3A_39, %dma_wait3A_40] : memref<10240x128xf32, #tpu.memory_space<vmem_shared>> -> memref<10240x128xf32, #tpu.memory_space<vmem_shared>>
    tpu.wait_indirect_dma semaphore(%arg18 : memref<!tpu.dma_semaphore, #tpu.memory_space<semaphore_mem>>) src(%arg12 : memref<104x128xf32, #tpu.memory_space<vmem>>) dst(%dma_wait3A_41 : memref<10240x128xf32, #tpu.memory_space<vmem_shared>>)
    %dma_wait3A_42 = arith.constant 0 : i32
    %dma_wait3A_43 = arith.constant 0 : i32
    %dma_wait3A_44 = tpu.memref_slice %arg13[%dma_wait3A_42, %dma_wait3A_43] : memref<10240x128xf32, #tpu.memory_space<vmem_shared>> -> memref<10240x128xf32, #tpu.memory_space<vmem_shared>>
    tpu.wait_indirect_dma semaphore(%arg19 : memref<!tpu.dma_semaphore, #tpu.memory_space<semaphore_mem>>) src(%arg12 : memref<104x128xf32, #tpu.memory_space<vmem>>) dst(%dma_wait3A_44 : memref<10240x128xf32, #tpu.memory_space<vmem_shared>>)
    %barrier3A_45 = arith.constant 0 : index
    tpu.barrier barrier_id(%barrier3A_45)
    %mul3A_46 = arith.constant 640 : i32
    %mul3A_47 = arith.muli %arg1, %mul3A_46 : i32
    %mul3A_48 = arith.constant 10240 : i32
    %mul3A_49 = arith.muli %arg0, %mul3A_48 : i32
    %mul3A_50 = arith.constant 640 : i32
    %mul3A_51 = arith.muli %arg1, %mul3A_50 : i32
    %add3A_52 = arith.addi %mul3A_49, %mul3A_51 : i32
    "tpu.region"() ({
      %run_scoped3A = tpu.sem_alloc : memref<!tpu.dma_semaphore, #tpu.memory_space<semaphore_mem>>
      %dma_start3A_108 = arith.constant 0 : i32
      %dma_start3A_109 = tpu.memref_slice %arg6[%add3A_52, %dma_start3A_108] : memref<20480x128xf32, #tpu.memory_space<hbm>> -> memref<640x128xf32, #tpu.memory_space<hbm>>
      %dma_start3A_110 = arith.constant 0 : i32
      %dma_start3A_111 = tpu.memref_slice %arg13[%mul3A_47, %dma_start3A_110] : memref<10240x128xf32, #tpu.memory_space<vmem_shared>> -> memref<640x128xf32, #tpu.memory_space<vmem_shared>>
      tpu.enqueue_dma source(%dma_start3A_111 : memref<640x128xf32, #tpu.memory_space<vmem_shared>>) target(%dma_start3A_109 : memref<640x128xf32, #tpu.memory_space<hbm>>) target_semaphore(%run_scoped3A : memref<!tpu.dma_semaphore, #tpu.memory_space<semaphore_mem>>)
      %dma_wait3A_112 = arith.constant 0 : i32
      %dma_wait3A_113 = tpu.memref_slice %arg6[%add3A_52, %dma_wait3A_112] : memref<20480x128xf32, #tpu.memory_space<hbm>> -> memref<640x128xf32, #tpu.memory_space<hbm>>
      %dma_wait3A_114 = arith.constant 0 : i32
      %dma_wait3A_115 = tpu.memref_slice %arg13[%mul3A_47, %dma_wait3A_114] : memref<10240x128xf32, #tpu.memory_space<vmem_shared>> -> memref<640x128xf32, #tpu.memory_space<vmem_shared>>
      tpu.wait_dma2 semaphore(%run_scoped3A : memref<!tpu.dma_semaphore, #tpu.memory_space<semaphore_mem>>) src(%dma_wait3A_115 : memref<640x128xf32, #tpu.memory_space<vmem_shared>>) dst(%dma_wait3A_113 : memref<640x128xf32, #tpu.memory_space<hbm>>)
      tpu.yield
    }) : () -> ()
    %barrier3A_53 = arith.constant 0 : index
    tpu.barrier barrier_id(%barrier3A_53)
    %mul3A_54 = arith.constant 640 : i32
    %mul3A_55 = arith.muli %arg1, %mul3A_54 : i32
    "tpu.region"() ({
      %run_scoped3A = tpu.sem_alloc : memref<!tpu.dma_semaphore, #tpu.memory_space<semaphore_mem>>
      %dma_start3A_108 = arith.constant 0 : i32
      %dma_start3A_109 = tpu.memref_slice %arg13[%mul3A_55, %dma_start3A_108] : memref<10240x128xf32, #tpu.memory_space<vmem_shared>> -> memref<640x128xf32, #tpu.memory_space<vmem_shared>>
      tpu.enqueue_dma source(%arg5 : memref<640x128xf32, #tpu.memory_space<hbm>>) target(%dma_start3A_109 : memref<640x128xf32, #tpu.memory_space<vmem_shared>>) target_semaphore(%run_scoped3A : memref<!tpu.dma_semaphore, #tpu.memory_space<semaphore_mem>>)
      %dma_wait3A_110 = arith.constant 0 : i32
      %dma_wait3A_111 = tpu.memref_slice %arg13[%mul3A_55, %dma_wait3A_110] : memref<10240x128xf32, #tpu.memory_space<vmem_shared>> -> memref<640x128xf32, #tpu.memory_space<vmem_shared>>
      tpu.wait_dma2 semaphore(%run_scoped3A : memref<!tpu.dma_semaphore, #tpu.memory_space<semaphore_mem>>) src(%arg5 : memref<640x128xf32, #tpu.memory_space<hbm>>) dst(%dma_wait3A_111 : memref<640x128xf32, #tpu.memory_space<vmem_shared>>)
      tpu.yield
    }) : () -> ()
    %barrier3A_56 = arith.constant 0 : index
    tpu.barrier barrier_id(%barrier3A_56)
    %add3A_57 = arith.constant 0 : i32
    %add3A_58 = arith.addi %mul3A_2, %add3A_57 : i32
    %dma_start3A_59 = tpu.memref_slice %arg3[%add3A_58] : memref<320000xi32, #tpu.memory_space<hbm>> -> memref<104xi32, #tpu.memory_space<hbm>>
    %dma_start3A_60 = tpu.memref_slice %arg3[%add3A_58] : memref<320000xi32, #tpu.memory_space<hbm>> -> memref<104xi32, #tpu.memory_space<hbm>>
    tpu.enqueue_dma source(%dma_start3A_60 : memref<104xi32, #tpu.memory_space<hbm>>) target(%arg8 : memref<104xi32, #tpu.memory_space<vmem>>) target_semaphore(%arg14 : memref<!tpu.dma_semaphore, #tpu.memory_space<semaphore_mem>>)
    %add3A_61 = arith.constant 104 : i32
    %add3A_62 = arith.addi %mul3A_2, %add3A_61 : i32
    %dma_start3A_63 = tpu.memref_slice %arg3[%add3A_62] : memref<320000xi32, #tpu.memory_space<hbm>> -> memref<104xi32, #tpu.memory_space<hbm>>
    %dma_start3A_64 = tpu.memref_slice %arg3[%add3A_62] : memref<320000xi32, #tpu.memory_space<hbm>> -> memref<104xi32, #tpu.memory_space<hbm>>
    tpu.enqueue_dma source(%dma_start3A_64 : memref<104xi32, #tpu.memory_space<hbm>>) target(%arg9 : memref<104xi32, #tpu.memory_space<vmem>>) target_semaphore(%arg15 : memref<!tpu.dma_semaphore, #tpu.memory_space<semaphore_mem>>)
    %dma_wait3A_65 = tpu.memref_slice %arg3[%mul3A_2] : memref<320000xi32, #tpu.memory_space<hbm>> -> memref<104xi32, #tpu.memory_space<hbm>>
    %dma_wait3A_66 = tpu.memref_slice %arg3[%mul3A_2] : memref<320000xi32, #tpu.memory_space<hbm>> -> memref<104xi32, #tpu.memory_space<hbm>>
    tpu.wait_dma2 semaphore(%arg14 : memref<!tpu.dma_semaphore, #tpu.memory_space<semaphore_mem>>) src(%dma_wait3A_66 : memref<104xi32, #tpu.memory_space<hbm>>) dst(%arg8 : memref<104xi32, #tpu.memory_space<vmem>>)
    %dma_start3A_67 = arith.constant 0 : i32
    %dma_start3A_68 = arith.constant 0 : i32
    %dma_start3A_69 = tpu.memref_slice %arg13[%dma_start3A_67, %dma_start3A_68] : memref<10240x128xf32, #tpu.memory_space<vmem_shared>> -> memref<10240x128xf32, #tpu.memory_space<vmem_shared>>
    tpu.enqueue_indirect_dma source(%arg12 : memref<104x128xf32, #tpu.memory_space<vmem>>) target(%dma_start3A_69 : memref<10240x128xf32, #tpu.memory_space<vmem_shared>>) offsets(%arg8 : memref<104xi32, #tpu.memory_space<vmem>>) semaphore(%arg17 : memref<!tpu.dma_semaphore, #tpu.memory_space<semaphore_mem>>) {add = true}
    %add3A_70 = arith.constant 208 : i32
    %add3A_71 = arith.addi %mul3A_2, %add3A_70 : i32
    %dma_start3A_72 = tpu.memref_slice %arg3[%add3A_71] : memref<320000xi32, #tpu.memory_space<hbm>> -> memref<104xi32, #tpu.memory_space<hbm>>
    %dma_start3A_73 = tpu.memref_slice %arg3[%add3A_71] : memref<320000xi32, #tpu.memory_space<hbm>> -> memref<104xi32, #tpu.memory_space<hbm>>
    tpu.enqueue_dma source(%dma_start3A_73 : memref<104xi32, #tpu.memory_space<hbm>>) target(%arg10 : memref<104xi32, #tpu.memory_space<vmem>>) target_semaphore(%arg16 : memref<!tpu.dma_semaphore, #tpu.memory_space<semaphore_mem>>)
    %dma_wait3A_74 = tpu.memref_slice %arg3[%mul3A_2] : memref<320000xi32, #tpu.memory_space<hbm>> -> memref<104xi32, #tpu.memory_space<hbm>>
    %dma_wait3A_75 = tpu.memref_slice %arg3[%mul3A_2] : memref<320000xi32, #tpu.memory_space<hbm>> -> memref<104xi32, #tpu.memory_space<hbm>>
    tpu.wait_dma2 semaphore(%arg15 : memref<!tpu.dma_semaphore, #tpu.memory_space<semaphore_mem>>) src(%dma_wait3A_75 : memref<104xi32, #tpu.memory_space<hbm>>) dst(%arg9 : memref<104xi32, #tpu.memory_space<vmem>>)
    %dma_start3A_76 = arith.constant 0 : i32
    %dma_start3A_77 = arith.constant 0 : i32
    %dma_start3A_78 = tpu.memref_slice %arg13[%dma_start3A_76, %dma_start3A_77] : memref<10240x128xf32, #tpu.memory_space<vmem_shared>> -> memref<10240x128xf32, #tpu.memory_space<vmem_shared>>
    tpu.enqueue_indirect_dma source(%arg12 : memref<104x128xf32, #tpu.memory_space<vmem>>) target(%dma_start3A_78 : memref<10240x128xf32, #tpu.memory_space<vmem_shared>>) offsets(%arg9 : memref<104xi32, #tpu.memory_space<vmem>>) semaphore(%arg18 : memref<!tpu.dma_semaphore, #tpu.memory_space<semaphore_mem>>) {add = true}
    %scan3A_79 = arith.constant 0 : i32
    %scan3A_80 = arith.constant 31 : i32
    %scan3A_81 = arith.addi %scan3A_79, %scan3A_80 : i32
    %scan3A_82 = arith.constant 1 : i32
    scf.for %scan3A_108 = %scan3A_79 to %scan3A_81 step %scan3A_82  : i32 {
      %mul3A_109 = arith.constant 1 : i32
      %mul3A_110 = arith.muli %scan3A_108, %mul3A_109 : i32
      %add3A_111 = arith.constant 1 : i32
      %add3A_112 = arith.addi %add3A_111, %mul3A_110 : i32
      %mul3A_113 = arith.constant 3 : i32
      %mul3A_114 = arith.muli %add3A_112, %mul3A_113 : i32
      %add3A_115 = arith.constant 0 : i32
      %add3A_116 = arith.addi %mul3A_114, %add3A_115 : i32
      %dma_wait3A_117 = arith.constant 0 : i32
      %dma_wait3A_118 = arith.constant 0 : i32
      %dma_wait3A_119 = tpu.memref_slice %arg13[%dma_wait3A_117, %dma_wait3A_118] : memref<10240x128xf32, #tpu.memory_space<vmem_shared>> -> memref<10240x128xf32, #tpu.memory_space<vmem_shared>>
      tpu.wait_indirect_dma semaphore(%arg17 : memref<!tpu.dma_semaphore, #tpu.memory_space<semaphore_mem>>) src(%arg12 : memref<104x128xf32, #tpu.memory_space<vmem>>) dst(%dma_wait3A_119 : memref<10240x128xf32, #tpu.memory_space<vmem_shared>>)
      %mul3A_120 = arith.constant 104 : i32
      %mul3A_121 = arith.muli %add3A_116, %mul3A_120 : i32
      %add3A_122 = arith.addi %mul3A_2, %mul3A_121 : i32
      %dma_start3A_123 = tpu.memref_slice %arg3[%add3A_122] : memref<320000xi32, #tpu.memory_space<hbm>> -> memref<104xi32, #tpu.memory_space<hbm>>
      %dma_start3A_124 = tpu.memref_slice %arg3[%add3A_122] : memref<320000xi32, #tpu.memory_space<hbm>> -> memref<104xi32, #tpu.memory_space<hbm>>
      tpu.enqueue_dma source(%dma_start3A_124 : memref<104xi32, #tpu.memory_space<hbm>>) target(%arg8 : memref<104xi32, #tpu.memory_space<vmem>>) target_semaphore(%arg14 : memref<!tpu.dma_semaphore, #tpu.memory_space<semaphore_mem>>)
      %dma_wait3A_125 = tpu.memref_slice %arg3[%mul3A_2] : memref<320000xi32, #tpu.memory_space<hbm>> -> memref<104xi32, #tpu.memory_space<hbm>>
      %dma_wait3A_126 = tpu.memref_slice %arg3[%mul3A_2] : memref<320000xi32, #tpu.memory_space<hbm>> -> memref<104xi32, #tpu.memory_space<hbm>>
      tpu.wait_dma2 semaphore(%arg16 : memref<!tpu.dma_semaphore, #tpu.memory_space<semaphore_mem>>) src(%dma_wait3A_126 : memref<104xi32, #tpu.memory_space<hbm>>) dst(%arg10 : memref<104xi32, #tpu.memory_space<vmem>>)
      %dma_start3A_127 = arith.constant 0 : i32
      %dma_start3A_128 = arith.constant 0 : i32
      %dma_start3A_129 = tpu.memref_slice %arg13[%dma_start3A_127, %dma_start3A_128] : memref<10240x128xf32, #tpu.memory_space<vmem_shared>> -> memref<10240x128xf32, #tpu.memory_space<vmem_shared>>
      tpu.enqueue_indirect_dma source(%arg12 : memref<104x128xf32, #tpu.memory_space<vmem>>) target(%dma_start3A_129 : memref<10240x128xf32, #tpu.memory_space<vmem_shared>>) offsets(%arg10 : memref<104xi32, #tpu.memory_space<vmem>>) semaphore(%arg19 : memref<!tpu.dma_semaphore, #tpu.memory_space<semaphore_mem>>) {add = true}
      %mul3A_130 = arith.constant 3 : i32
      %mul3A_131 = arith.muli %add3A_112, %mul3A_130 : i32
      %add3A_132 = arith.constant 1 : i32
      %add3A_133 = arith.addi %mul3A_131, %add3A_132 : i32
      %dma_wait3A_134 = arith.constant 0 : i32
      %dma_wait3A_135 = arith.constant 0 : i32
      %dma_wait3A_136 = tpu.memref_slice %arg13[%dma_wait3A_134, %dma_wait3A_135] : memref<10240x128xf32, #tpu.memory_space<vmem_shared>> -> memref<10240x128xf32, #tpu.memory_space<vmem_shared>>
      tpu.wait_indirect_dma semaphore(%arg18 : memref<!tpu.dma_semaphore, #tpu.memory_space<semaphore_mem>>) src(%arg12 : memref<104x128xf32, #tpu.memory_space<vmem>>) dst(%dma_wait3A_136 : memref<10240x128xf32, #tpu.memory_space<vmem_shared>>)
      %mul3A_137 = arith.constant 104 : i32
      %mul3A_138 = arith.muli %add3A_133, %mul3A_137 : i32
      %add3A_139 = arith.addi %mul3A_2, %mul3A_138 : i32
      %dma_start3A_140 = tpu.memref_slice %arg3[%add3A_139] : memref<320000xi32, #tpu.memory_space<hbm>> -> memref<104xi32, #tpu.memory_space<hbm>>
      %dma_start3A_141 = tpu.memref_slice %arg3[%add3A_139] : memref<320000xi32, #tpu.memory_space<hbm>> -> memref<104xi32, #tpu.memory_space<hbm>>
      tpu.enqueue_dma source(%dma_start3A_141 : memref<104xi32, #tpu.memory_space<hbm>>) target(%arg9 : memref<104xi32, #tpu.memory_space<vmem>>) target_semaphore(%arg15 : memref<!tpu.dma_semaphore, #tpu.memory_space<semaphore_mem>>)
      %dma_wait3A_142 = tpu.memref_slice %arg3[%mul3A_2] : memref<320000xi32, #tpu.memory_space<hbm>> -> memref<104xi32, #tpu.memory_space<hbm>>
      %dma_wait3A_143 = tpu.memref_slice %arg3[%mul3A_2] : memref<320000xi32, #tpu.memory_space<hbm>> -> memref<104xi32, #tpu.memory_space<hbm>>
      tpu.wait_dma2 semaphore(%arg14 : memref<!tpu.dma_semaphore, #tpu.memory_space<semaphore_mem>>) src(%dma_wait3A_143 : memref<104xi32, #tpu.memory_space<hbm>>) dst(%arg8 : memref<104xi32, #tpu.memory_space<vmem>>)
      %dma_start3A_144 = arith.constant 0 : i32
      %dma_start3A_145 = arith.constant 0 : i32
      %dma_start3A_146 = tpu.memref_slice %arg13[%dma_start3A_144, %dma_start3A_145] : memref<10240x128xf32, #tpu.memory_space<vmem_shared>> -> memref<10240x128xf32, #tpu.memory_space<vmem_shared>>
      tpu.enqueue_indirect_dma source(%arg12 : memref<104x128xf32, #tpu.memory_space<vmem>>) target(%dma_start3A_146 : memref<10240x128xf32, #tpu.memory_space<vmem_shared>>) offsets(%arg8 : memref<104xi32, #tpu.memory_space<vmem>>) semaphore(%arg17 : memref<!tpu.dma_semaphore, #tpu.memory_space<semaphore_mem>>) {add = true}
      %mul3A_147 = arith.constant 3 : i32
      %mul3A_148 = arith.muli %add3A_112, %mul3A_147 : i32
      %add3A_149 = arith.constant 2 : i32
      %add3A_150 = arith.addi %mul3A_148, %add3A_149 : i32
      %dma_wait3A_151 = arith.constant 0 : i32
      %dma_wait3A_152 = arith.constant 0 : i32
      %dma_wait3A_153 = tpu.memref_slice %arg13[%dma_wait3A_151, %dma_wait3A_152] : memref<10240x128xf32, #tpu.memory_space<vmem_shared>> -> memref<10240x128xf32, #tpu.memory_space<vmem_shared>>
      tpu.wait_indirect_dma semaphore(%arg19 : memref<!tpu.dma_semaphore, #tpu.memory_space<semaphore_mem>>) src(%arg12 : memref<104x128xf32, #tpu.memory_space<vmem>>) dst(%dma_wait3A_153 : memref<10240x128xf32, #tpu.memory_space<vmem_shared>>)
      %mul3A_154 = arith.constant 104 : i32
      %mul3A_155 = arith.muli %add3A_150, %mul3A_154 : i32
      %add3A_156 = arith.addi %mul3A_2, %mul3A_155 : i32
      %dma_start3A_157 = tpu.memref_slice %arg3[%add3A_156] : memref<320000xi32, #tpu.memory_space<hbm>> -> memref<104xi32, #tpu.memory_space<hbm>>
      %dma_start3A_158 = tpu.memref_slice %arg3[%add3A_156] : memref<320000xi32, #tpu.memory_space<hbm>> -> memref<104xi32, #tpu.memory_space<hbm>>
      tpu.enqueue_dma source(%dma_start3A_158 : memref<104xi32, #tpu.memory_space<hbm>>) target(%arg10 : memref<104xi32, #tpu.memory_space<vmem>>) target_semaphore(%arg16 : memref<!tpu.dma_semaphore, #tpu.memory_space<semaphore_mem>>)
      %dma_wait3A_159 = tpu.memref_slice %arg3[%mul3A_2] : memref<320000xi32, #tpu.memory_space<hbm>> -> memref<104xi32, #tpu.memory_space<hbm>>
      %dma_wait3A_160 = tpu.memref_slice %arg3[%mul3A_2] : memref<320000xi32, #tpu.memory_space<hbm>> -> memref<104xi32, #tpu.memory_space<hbm>>
      tpu.wait_dma2 semaphore(%arg15 : memref<!tpu.dma_semaphore, #tpu.memory_space<semaphore_mem>>) src(%dma_wait3A_160 : memref<104xi32, #tpu.memory_space<hbm>>) dst(%arg9 : memref<104xi32, #tpu.memory_space<vmem>>)
      %dma_start3A_161 = arith.constant 0 : i32
      %dma_start3A_162 = arith.constant 0 : i32
      %dma_start3A_163 = tpu.memref_slice %arg13[%dma_start3A_161, %dma_start3A_162] : memref<10240x128xf32, #tpu.memory_space<vmem_shared>> -> memref<10240x128xf32, #tpu.memory_space<vmem_shared>>
      tpu.enqueue_indirect_dma source(%arg12 : memref<104x128xf32, #tpu.memory_space<vmem>>) target(%dma_start3A_163 : memref<10240x128xf32, #tpu.memory_space<vmem_shared>>) offsets(%arg9 : memref<104xi32, #tpu.memory_space<vmem>>) semaphore(%arg18 : memref<!tpu.dma_semaphore, #tpu.memory_space<semaphore_mem>>) {add = true}
    }
    %scan3A_83 = arith.constant 31 : i32
    %dma_wait3A_84 = tpu.memref_slice %arg3[%mul3A_2] : memref<320000xi32, #tpu.memory_space<hbm>> -> memref<104xi32, #tpu.memory_space<hbm>>
    %dma_wait3A_85 = tpu.memref_slice %arg3[%mul3A_2] : memref<320000xi32, #tpu.memory_space<hbm>> -> memref<104xi32, #tpu.memory_space<hbm>>
    tpu.wait_dma2 semaphore(%arg16 : memref<!tpu.dma_semaphore, #tpu.memory_space<semaphore_mem>>) src(%dma_wait3A_85 : memref<104xi32, #tpu.memory_space<hbm>>) dst(%arg10 : memref<104xi32, #tpu.memory_space<vmem>>)
    %dma_start3A_86 = arith.constant 0 : i32
    %dma_start3A_87 = arith.constant 0 : i32
    %dma_start3A_88 = tpu.memref_slice %arg13[%dma_start3A_86, %dma_start3A_87] : memref<10240x128xf32, #tpu.memory_space<vmem_shared>> -> memref<10240x128xf32, #tpu.memory_space<vmem_shared>>
    tpu.enqueue_indirect_dma source(%arg12 : memref<104x128xf32, #tpu.memory_space<vmem>>) target(%dma_start3A_88 : memref<10240x128xf32, #tpu.memory_space<vmem_shared>>) offsets(%arg10 : memref<104xi32, #tpu.memory_space<vmem>>) semaphore(%arg19 : memref<!tpu.dma_semaphore, #tpu.memory_space<semaphore_mem>>) {add = true}
    %add3A_89 = arith.constant 9984 : i32
    %add3A_90 = arith.addi %mul3A_2, %add3A_89 : i32
    "tpu.region"() ({
      %run_scoped3A = tpu.sem_alloc : memref<!tpu.dma_semaphore, #tpu.memory_space<semaphore_mem>>
      %dma_start3A_108 = tpu.memref_slice %arg3[%add3A_90] : memref<320000xi32, #tpu.memory_space<hbm>> -> memref<16xi32, #tpu.memory_space<hbm>>
      %dma_start3A_109 = tpu.memref_slice %arg3[%add3A_90] : memref<320000xi32, #tpu.memory_space<hbm>> -> memref<16xi32, #tpu.memory_space<hbm>>
      tpu.enqueue_dma source(%dma_start3A_109 : memref<16xi32, #tpu.memory_space<hbm>>) target(%arg11 : memref<16xi32, #tpu.memory_space<vmem>>) target_semaphore(%run_scoped3A : memref<!tpu.dma_semaphore, #tpu.memory_space<semaphore_mem>>)
      %dma_wait3A_110 = tpu.memref_slice %arg3[%add3A_90] : memref<320000xi32, #tpu.memory_space<hbm>> -> memref<16xi32, #tpu.memory_space<hbm>>
      %dma_wait3A_111 = tpu.memref_slice %arg3[%add3A_90] : memref<320000xi32, #tpu.memory_space<hbm>> -> memref<16xi32, #tpu.memory_space<hbm>>
      tpu.wait_dma2 semaphore(%run_scoped3A : memref<!tpu.dma_semaphore, #tpu.memory_space<semaphore_mem>>) src(%dma_wait3A_111 : memref<16xi32, #tpu.memory_space<hbm>>) dst(%arg11 : memref<16xi32, #tpu.memory_space<vmem>>)
      tpu.yield
    }) : () -> ()
    "tpu.region"() ({
      %run_scoped3A = tpu.sem_alloc : memref<!tpu.dma_semaphore, #tpu.memory_space<semaphore_mem>>
      %dma_start3A_108 = arith.constant 0 : i32
      %dma_start3A_109 = arith.constant 0 : i32
      %dma_start3A_110 = tpu.memref_slice %arg12[%dma_start3A_108, %dma_start3A_109] : memref<104x128xf32, #tpu.memory_space<vmem>> -> memref<16x128xf32, #tpu.memory_space<vmem>>
      %dma_start3A_111 = arith.constant 0 : i32
      %dma_start3A_112 = arith.constant 0 : i32
      %dma_start3A_113 = tpu.memref_slice %arg13[%dma_start3A_111, %dma_start3A_112] : memref<10240x128xf32, #tpu.memory_space<vmem_shared>> -> memref<10240x128xf32, #tpu.memory_space<vmem_shared>>
      tpu.enqueue_indirect_dma source(%dma_start3A_110 : memref<16x128xf32, #tpu.memory_space<vmem>>) target(%dma_start3A_113 : memref<10240x128xf32, #tpu.memory_space<vmem_shared>>) offsets(%arg11 : memref<16xi32, #tpu.memory_space<vmem>>) semaphore(%run_scoped3A : memref<!tpu.dma_semaphore, #tpu.memory_space<semaphore_mem>>) {add = true}
      %dma_wait3A_114 = arith.constant 0 : i32
      %dma_wait3A_115 = arith.constant 0 : i32
      %dma_wait3A_116 = tpu.memref_slice %arg12[%dma_wait3A_114, %dma_wait3A_115] : memref<104x128xf32, #tpu.memory_space<vmem>> -> memref<16x128xf32, #tpu.memory_space<vmem>>
      %dma_wait3A_117 = arith.constant 0 : i32
      %dma_wait3A_118 = arith.constant 0 : i32
      %dma_wait3A_119 = tpu.memref_slice %arg13[%dma_wait3A_117, %dma_wait3A_118] : memref<10240x128xf32, #tpu.memory_space<vmem_shared>> -> memref<10240x128xf32, #tpu.memory_space<vmem_shared>>
      tpu.wait_indirect_dma semaphore(%run_scoped3A : memref<!tpu.dma_semaphore, #tpu.memory_space<semaphore_mem>>) src(%dma_wait3A_116 : memref<16x128xf32, #tpu.memory_space<vmem>>) dst(%dma_wait3A_119 : memref<10240x128xf32, #tpu.memory_space<vmem_shared>>)
      tpu.yield
    }) : () -> ()
    %dma_wait3A_91 = arith.constant 0 : i32
    %dma_wait3A_92 = arith.constant 0 : i32
    %dma_wait3A_93 = tpu.memref_slice %arg13[%dma_wait3A_91, %dma_wait3A_92] : memref<10240x128xf32, #tpu.memory_space<vmem_shared>> -> memref<10240x128xf32, #tpu.memory_space<vmem_shared>>
    tpu.wait_indirect_dma semaphore(%arg17 : memref<!tpu.dma_semaphore, #tpu.memory_space<semaphore_mem>>) src(%arg12 : memref<104x128xf32, #tpu.memory_space<vmem>>) dst(%dma_wait3A_93 : memref<10240x128xf32, #tpu.memory_space<vmem_shared>>)
    %dma_wait3A_94 = arith.constant 0 : i32
    %dma_wait3A_95 = arith.constant 0 : i32
    %dma_wait3A_96 = tpu.memref_slice %arg13[%dma_wait3A_94, %dma_wait3A_95] : memref<10240x128xf32, #tpu.memory_space<vmem_shared>> -> memref<10240x128xf32, #tpu.memory_space<vmem_shared>>
    tpu.wait_indirect_dma semaphore(%arg18 : memref<!tpu.dma_semaphore, #tpu.memory_space<semaphore_mem>>) src(%arg12 : memref<104x128xf32, #tpu.memory_space<vmem>>) dst(%dma_wait3A_96 : memref<10240x128xf32, #tpu.memory_space<vmem_shared>>)
    %dma_wait3A_97 = arith.constant 0 : i32
    %dma_wait3A_98 = arith.constant 0 : i32
    %dma_wait3A_99 = tpu.memref_slice %arg13[%dma_wait3A_97, %dma_wait3A_98] : memref<10240x128xf32, #tpu.memory_space<vmem_shared>> -> memref<10240x128xf32, #tpu.memory_space<vmem_shared>>
    tpu.wait_indirect_dma semaphore(%arg19 : memref<!tpu.dma_semaphore, #tpu.memory_space<semaphore_mem>>) src(%arg12 : memref<104x128xf32, #tpu.memory_space<vmem>>) dst(%dma_wait3A_99 : memref<10240x128xf32, #tpu.memory_space<vmem_shared>>)
    %barrier3A_100 = arith.constant 0 : index
    tpu.barrier barrier_id(%barrier3A_100)
    %mul3A_101 = arith.constant 640 : i32
    %mul3A_102 = arith.muli %arg1, %mul3A_101 : i32
    %mul3A_103 = arith.constant 10240 : i32
    %mul3A_104 = arith.muli %arg0, %mul3A_103 : i32
    %mul3A_105 = arith.constant 640 : i32
    %mul3A_106 = arith.muli %arg1, %mul3A_105 : i32
    %add3A_107 = arith.addi %mul3A_104, %mul3A_106 : i32
    "tpu.region"() ({
      %run_scoped3A = tpu.sem_alloc : memref<!tpu.dma_semaphore, #tpu.memory_space<semaphore_mem>>
      %dma_start3A_108 = arith.constant 0 : i32
      %dma_start3A_109 = tpu.memref_slice %arg7[%add3A_107, %dma_start3A_108] : memref<20480x128xf32, #tpu.memory_space<hbm>> -> memref<640x128xf32, #tpu.memory_space<hbm>>
      %dma_start3A_110 = arith.constant 0 : i32
      %dma_start3A_111 = tpu.memref_slice %arg13[%mul3A_102, %dma_start3A_110] : memref<10240x128xf32, #tpu.memory_space<vmem_shared>> -> memref<640x128xf32, #tpu.memory_space<vmem_shared>>
      tpu.enqueue_dma source(%dma_start3A_111 : memref<640x128xf32, #tpu.memory_space<vmem_shared>>) target(%dma_start3A_109 : memref<640x128xf32, #tpu.memory_space<hbm>>) target_semaphore(%run_scoped3A : memref<!tpu.dma_semaphore, #tpu.memory_space<semaphore_mem>>)
      %dma_wait3A_112 = arith.constant 0 : i32
      %dma_wait3A_113 = tpu.memref_slice %arg7[%add3A_107, %dma_wait3A_112] : memref<20480x128xf32, #tpu.memory_space<hbm>> -> memref<640x128xf32, #tpu.memory_space<hbm>>
      %dma_wait3A_114 = arith.constant 0 : i32
      %dma_wait3A_115 = tpu.memref_slice %arg13[%mul3A_102, %dma_wait3A_114] : memref<10240x128xf32, #tpu.memory_space<vmem_shared>> -> memref<640x128xf32, #tpu.memory_space<vmem_shared>>
      tpu.wait_dma2 semaphore(%run_scoped3A : memref<!tpu.dma_semaphore, #tpu.memory_space<semaphore_mem>>) src(%dma_wait3A_115 : memref<640x128xf32, #tpu.memory_space<vmem_shared>>) dst(%dma_wait3A_113 : memref<640x128xf32, #tpu.memory_space<hbm>>)
      tpu.yield
    }) : () -> ()
    return
  }
}

#map = affine_map<(d0, d1) -> (0, 0)>
#map1 = affine_map<(d0, d1) -> (0)>
module attributes {stable_mosaic.version = 14 : i64} {
  func.func @k(%arg0: i32, %arg1: i32, %arg2: memref<10000x128xf32, #tpu.memory_space<hbm>>, %arg3: memref<320000xi32, #tpu.memory_space<hbm>>, %arg4: memref<320000xi32, #tpu.memory_space<hbm>>, %arg5: memref<640x128xf32, #tpu.memory_space<hbm>>, %arg6: memref<20480x128xf32, #tpu.memory_space<hbm>>, %arg7: memref<104xi32, #tpu.memory_space<vmem>>, %arg8: memref<104xi32, #tpu.memory_space<vmem>>, %arg9: memref<104xi32, #tpu.memory_space<vmem>>, %arg10: memref<104xi32, #tpu.memory_space<vmem>>, %arg11: memref<104xi32, #tpu.memory_space<vmem>>, %arg12: memref<104xi32, #tpu.memory_space<vmem>>, %arg13: memref<104x128xf32, #tpu.memory_space<vmem>>, %arg14: memref<104x128xf32, #tpu.memory_space<vmem>>, %arg15: memref<104x128xf32, #tpu.memory_space<vmem>>, %arg16: memref<16xi32, #tpu.memory_space<vmem>>, %arg17: memref<16xi32, #tpu.memory_space<vmem>>, %arg18: memref<16x128xf32, #tpu.memory_space<vmem>>, %arg19: memref<10240x128xf32, #tpu.memory_space<vmem_shared>>, %arg20: memref<!tpu.dma_semaphore, #tpu.memory_space<semaphore_mem>>, %arg21: memref<!tpu.dma_semaphore, #tpu.memory_space<semaphore_mem>>, %arg22: memref<!tpu.dma_semaphore, #tpu.memory_space<semaphore_mem>>, %arg23: memref<!tpu.dma_semaphore, #tpu.memory_space<semaphore_mem>>, %arg24: memref<!tpu.dma_semaphore, #tpu.memory_space<semaphore_mem>>, %arg25: memref<!tpu.dma_semaphore, #tpu.memory_space<semaphore_mem>>, %arg26: memref<!tpu.dma_semaphore, #tpu.memory_space<semaphore_mem>>, %arg27: memref<!tpu.dma_semaphore, #tpu.memory_space<semaphore_mem>>, %arg28: memref<!tpu.dma_semaphore, #tpu.memory_space<semaphore_mem>>, %arg29: memref<!tpu.dma_semaphore, #tpu.memory_space<semaphore_mem>>, %arg30: memref<!tpu.dma_semaphore, #tpu.memory_space<semaphore_mem>>, %arg31: memref<!tpu.dma_semaphore, #tpu.memory_space<semaphore_mem>>, %arg32: memref<!tpu.dma_semaphore, #tpu.memory_space<semaphore_mem>>) attributes {dimension_semantics = [#tpu.dimension_semantics<core_parallel>, #tpu.dimension_semantics<subcore_parallel>], iteration_bounds = array<i64: 2, 16>, scalar_prefetch = 0 : i64, scratch_operands = 26 : i64, tpu.core_type = #tpu.core_type<sc_vector_subcore>, window_params = [{transform_indices = #map}, {transform_indices = #map1}, {transform_indices = #map1}, {transform_indices = #map}, {transform_indices = #map}]} {
    %mul3A = arith.constant 2 : i32
    %mul3A_0 = arith.muli %arg1, %mul3A : i32
    %add3A = arith.addi %mul3A_0, %arg0 : i32
    %mul3A_1 = arith.constant 10000 : i32
    %mul3A_2 = arith.muli %add3A, %mul3A_1 : i32
    %mul3A_3 = arith.constant 640 : i32
    %mul3A_4 = arith.muli %arg1, %mul3A_3 : i32
    "tpu.region"() ({
      %run_scoped3A = tpu.sem_alloc : memref<!tpu.dma_semaphore, #tpu.memory_space<semaphore_mem>>
      %dma_start3A_103 = arith.constant 0 : i32
      %dma_start3A_104 = tpu.memref_slice %arg19[%mul3A_4, %dma_start3A_103] : memref<10240x128xf32, #tpu.memory_space<vmem_shared>> -> memref<640x128xf32, #tpu.memory_space<vmem_shared>>
      tpu.enqueue_dma source(%arg5 : memref<640x128xf32, #tpu.memory_space<hbm>>) target(%dma_start3A_104 : memref<640x128xf32, #tpu.memory_space<vmem_shared>>) target_semaphore(%run_scoped3A : memref<!tpu.dma_semaphore, #tpu.memory_space<semaphore_mem>>)
      %dma_wait3A_105 = arith.constant 0 : i32
      %dma_wait3A_106 = tpu.memref_slice %arg19[%mul3A_4, %dma_wait3A_105] : memref<10240x128xf32, #tpu.memory_space<vmem_shared>> -> memref<640x128xf32, #tpu.memory_space<vmem_shared>>
      tpu.wait_dma2 semaphore(%run_scoped3A : memref<!tpu.dma_semaphore, #tpu.memory_space<semaphore_mem>>) src(%arg5 : memref<640x128xf32, #tpu.memory_space<hbm>>) dst(%dma_wait3A_106 : memref<640x128xf32, #tpu.memory_space<vmem_shared>>)
      tpu.yield
    }) : () -> ()
    %barrier3A = arith.constant 0 : index
    tpu.barrier barrier_id(%barrier3A)
    %add3A_5 = arith.constant 0 : i32
    %add3A_6 = arith.addi %mul3A_2, %add3A_5 : i32
    %dma_start3A = tpu.memref_slice %arg3[%add3A_6] : memref<320000xi32, #tpu.memory_space<hbm>> -> memref<104xi32, #tpu.memory_space<hbm>>
    %dma_start3A_7 = tpu.memref_slice %arg3[%add3A_6] : memref<320000xi32, #tpu.memory_space<hbm>> -> memref<104xi32, #tpu.memory_space<hbm>>
    tpu.enqueue_dma source(%dma_start3A_7 : memref<104xi32, #tpu.memory_space<hbm>>) target(%arg7 : memref<104xi32, #tpu.memory_space<vmem>>) target_semaphore(%arg20 : memref<!tpu.dma_semaphore, #tpu.memory_space<semaphore_mem>>)
    %add3A_8 = arith.constant 0 : i32
    %add3A_9 = arith.addi %mul3A_2, %add3A_8 : i32
    %dma_start3A_10 = tpu.memref_slice %arg4[%add3A_9] : memref<320000xi32, #tpu.memory_space<hbm>> -> memref<104xi32, #tpu.memory_space<hbm>>
    %dma_start3A_11 = tpu.memref_slice %arg4[%add3A_9] : memref<320000xi32, #tpu.memory_space<hbm>> -> memref<104xi32, #tpu.memory_space<hbm>>
    tpu.enqueue_dma source(%dma_start3A_11 : memref<104xi32, #tpu.memory_space<hbm>>) target(%arg10 : memref<104xi32, #tpu.memory_space<vmem>>) target_semaphore(%arg23 : memref<!tpu.dma_semaphore, #tpu.memory_space<semaphore_mem>>)
    %dma_wait3A = tpu.memref_slice %arg3[%mul3A_2] : memref<320000xi32, #tpu.memory_space<hbm>> -> memref<104xi32, #tpu.memory_space<hbm>>
    %dma_wait3A_12 = tpu.memref_slice %arg3[%mul3A_2] : memref<320000xi32, #tpu.memory_space<hbm>> -> memref<104xi32, #tpu.memory_space<hbm>>
    tpu.wait_dma2 semaphore(%arg20 : memref<!tpu.dma_semaphore, #tpu.memory_space<semaphore_mem>>) src(%dma_wait3A_12 : memref<104xi32, #tpu.memory_space<hbm>>) dst(%arg7 : memref<104xi32, #tpu.memory_space<vmem>>)
    %dma_start3A_13 = arith.constant 0 : i32
    %dma_start3A_14 = arith.constant 0 : i32
    %dma_start3A_15 = tpu.memref_slice %arg2[%dma_start3A_13, %dma_start3A_14] : memref<10000x128xf32, #tpu.memory_space<hbm>> -> memref<10000x128xf32, #tpu.memory_space<hbm>>
    tpu.enqueue_indirect_dma source(%dma_start3A_15 : memref<10000x128xf32, #tpu.memory_space<hbm>>) target(%arg13 : memref<104x128xf32, #tpu.memory_space<vmem>>) offsets(%arg7 : memref<104xi32, #tpu.memory_space<vmem>>) semaphore(%arg26 : memref<!tpu.dma_semaphore, #tpu.memory_space<semaphore_mem>>)
    %add3A_16 = arith.constant 104 : i32
    %add3A_17 = arith.addi %mul3A_2, %add3A_16 : i32
    %dma_start3A_18 = tpu.memref_slice %arg3[%add3A_17] : memref<320000xi32, #tpu.memory_space<hbm>> -> memref<104xi32, #tpu.memory_space<hbm>>
    %dma_start3A_19 = tpu.memref_slice %arg3[%add3A_17] : memref<320000xi32, #tpu.memory_space<hbm>> -> memref<104xi32, #tpu.memory_space<hbm>>
    tpu.enqueue_dma source(%dma_start3A_19 : memref<104xi32, #tpu.memory_space<hbm>>) target(%arg8 : memref<104xi32, #tpu.memory_space<vmem>>) target_semaphore(%arg21 : memref<!tpu.dma_semaphore, #tpu.memory_space<semaphore_mem>>)
    %add3A_20 = arith.constant 104 : i32
    %add3A_21 = arith.addi %mul3A_2, %add3A_20 : i32
    %dma_start3A_22 = tpu.memref_slice %arg4[%add3A_21] : memref<320000xi32, #tpu.memory_space<hbm>> -> memref<104xi32, #tpu.memory_space<hbm>>
    %dma_start3A_23 = tpu.memref_slice %arg4[%add3A_21] : memref<320000xi32, #tpu.memory_space<hbm>> -> memref<104xi32, #tpu.memory_space<hbm>>
    tpu.enqueue_dma source(%dma_start3A_23 : memref<104xi32, #tpu.memory_space<hbm>>) target(%arg11 : memref<104xi32, #tpu.memory_space<vmem>>) target_semaphore(%arg24 : memref<!tpu.dma_semaphore, #tpu.memory_space<semaphore_mem>>)
    %dma_wait3A_24 = arith.constant 0 : i32
    %dma_wait3A_25 = arith.constant 0 : i32
    %dma_wait3A_26 = tpu.memref_slice %arg2[%dma_wait3A_24, %dma_wait3A_25] : memref<10000x128xf32, #tpu.memory_space<hbm>> -> memref<10000x128xf32, #tpu.memory_space<hbm>>
    tpu.wait_indirect_dma semaphore(%arg26 : memref<!tpu.dma_semaphore, #tpu.memory_space<semaphore_mem>>) src(%dma_wait3A_26 : memref<10000x128xf32, #tpu.memory_space<hbm>>) dst(%arg13 : memref<104x128xf32, #tpu.memory_space<vmem>>)
    %dma_wait3A_27 = tpu.memref_slice %arg4[%mul3A_2] : memref<320000xi32, #tpu.memory_space<hbm>> -> memref<104xi32, #tpu.memory_space<hbm>>
    %dma_wait3A_28 = tpu.memref_slice %arg4[%mul3A_2] : memref<320000xi32, #tpu.memory_space<hbm>> -> memref<104xi32, #tpu.memory_space<hbm>>
    tpu.wait_dma2 semaphore(%arg23 : memref<!tpu.dma_semaphore, #tpu.memory_space<semaphore_mem>>) src(%dma_wait3A_28 : memref<104xi32, #tpu.memory_space<hbm>>) dst(%arg10 : memref<104xi32, #tpu.memory_space<vmem>>)
    %dma_start3A_29 = arith.constant 0 : i32
    %dma_start3A_30 = arith.constant 0 : i32
    %dma_start3A_31 = tpu.memref_slice %arg19[%dma_start3A_29, %dma_start3A_30] : memref<10240x128xf32, #tpu.memory_space<vmem_shared>> -> memref<10240x128xf32, #tpu.memory_space<vmem_shared>>
    tpu.enqueue_indirect_dma source(%arg13 : memref<104x128xf32, #tpu.memory_space<vmem>>) target(%dma_start3A_31 : memref<10240x128xf32, #tpu.memory_space<vmem_shared>>) offsets(%arg10 : memref<104xi32, #tpu.memory_space<vmem>>) semaphore(%arg29 : memref<!tpu.dma_semaphore, #tpu.memory_space<semaphore_mem>>) {add = true}
    %dma_wait3A_32 = tpu.memref_slice %arg3[%mul3A_2] : memref<320000xi32, #tpu.memory_space<hbm>> -> memref<104xi32, #tpu.memory_space<hbm>>
    %dma_wait3A_33 = tpu.memref_slice %arg3[%mul3A_2] : memref<320000xi32, #tpu.memory_space<hbm>> -> memref<104xi32, #tpu.memory_space<hbm>>
    tpu.wait_dma2 semaphore(%arg21 : memref<!tpu.dma_semaphore, #tpu.memory_space<semaphore_mem>>) src(%dma_wait3A_33 : memref<104xi32, #tpu.memory_space<hbm>>) dst(%arg8 : memref<104xi32, #tpu.memory_space<vmem>>)
    %dma_start3A_34 = arith.constant 0 : i32
    %dma_start3A_35 = arith.constant 0 : i32
    %dma_start3A_36 = tpu.memref_slice %arg2[%dma_start3A_34, %dma_start3A_35] : memref<10000x128xf32, #tpu.memory_space<hbm>> -> memref<10000x128xf32, #tpu.memory_space<hbm>>
    tpu.enqueue_indirect_dma source(%dma_start3A_36 : memref<10000x128xf32, #tpu.memory_space<hbm>>) target(%arg14 : memref<104x128xf32, #tpu.memory_space<vmem>>) offsets(%arg8 : memref<104xi32, #tpu.memory_space<vmem>>) semaphore(%arg27 : memref<!tpu.dma_semaphore, #tpu.memory_space<semaphore_mem>>)
    %add3A_37 = arith.constant 208 : i32
    %add3A_38 = arith.addi %mul3A_2, %add3A_37 : i32
    %dma_start3A_39 = tpu.memref_slice %arg3[%add3A_38] : memref<320000xi32, #tpu.memory_space<hbm>> -> memref<104xi32, #tpu.memory_space<hbm>>
    %dma_start3A_40 = tpu.memref_slice %arg3[%add3A_38] : memref<320000xi32, #tpu.memory_space<hbm>> -> memref<104xi32, #tpu.memory_space<hbm>>
    tpu.enqueue_dma source(%dma_start3A_40 : memref<104xi32, #tpu.memory_space<hbm>>) target(%arg9 : memref<104xi32, #tpu.memory_space<vmem>>) target_semaphore(%arg22 : memref<!tpu.dma_semaphore, #tpu.memory_space<semaphore_mem>>)
    %add3A_41 = arith.constant 208 : i32
    %add3A_42 = arith.addi %mul3A_2, %add3A_41 : i32
    %dma_start3A_43 = tpu.memref_slice %arg4[%add3A_42] : memref<320000xi32, #tpu.memory_space<hbm>> -> memref<104xi32, #tpu.memory_space<hbm>>
    %dma_start3A_44 = tpu.memref_slice %arg4[%add3A_42] : memref<320000xi32, #tpu.memory_space<hbm>> -> memref<104xi32, #tpu.memory_space<hbm>>
    tpu.enqueue_dma source(%dma_start3A_44 : memref<104xi32, #tpu.memory_space<hbm>>) target(%arg12 : memref<104xi32, #tpu.memory_space<vmem>>) target_semaphore(%arg25 : memref<!tpu.dma_semaphore, #tpu.memory_space<semaphore_mem>>)
    %dma_wait3A_45 = arith.constant 0 : i32
    %dma_wait3A_46 = arith.constant 0 : i32
    %dma_wait3A_47 = tpu.memref_slice %arg2[%dma_wait3A_45, %dma_wait3A_46] : memref<10000x128xf32, #tpu.memory_space<hbm>> -> memref<10000x128xf32, #tpu.memory_space<hbm>>
    tpu.wait_indirect_dma semaphore(%arg27 : memref<!tpu.dma_semaphore, #tpu.memory_space<semaphore_mem>>) src(%dma_wait3A_47 : memref<10000x128xf32, #tpu.memory_space<hbm>>) dst(%arg14 : memref<104x128xf32, #tpu.memory_space<vmem>>)
    %dma_wait3A_48 = tpu.memref_slice %arg4[%mul3A_2] : memref<320000xi32, #tpu.memory_space<hbm>> -> memref<104xi32, #tpu.memory_space<hbm>>
    %dma_wait3A_49 = tpu.memref_slice %arg4[%mul3A_2] : memref<320000xi32, #tpu.memory_space<hbm>> -> memref<104xi32, #tpu.memory_space<hbm>>
    tpu.wait_dma2 semaphore(%arg24 : memref<!tpu.dma_semaphore, #tpu.memory_space<semaphore_mem>>) src(%dma_wait3A_49 : memref<104xi32, #tpu.memory_space<hbm>>) dst(%arg11 : memref<104xi32, #tpu.memory_space<vmem>>)
    %dma_start3A_50 = arith.constant 0 : i32
    %dma_start3A_51 = arith.constant 0 : i32
    %dma_start3A_52 = tpu.memref_slice %arg19[%dma_start3A_50, %dma_start3A_51] : memref<10240x128xf32, #tpu.memory_space<vmem_shared>> -> memref<10240x128xf32, #tpu.memory_space<vmem_shared>>
    tpu.enqueue_indirect_dma source(%arg14 : memref<104x128xf32, #tpu.memory_space<vmem>>) target(%dma_start3A_52 : memref<10240x128xf32, #tpu.memory_space<vmem_shared>>) offsets(%arg11 : memref<104xi32, #tpu.memory_space<vmem>>) semaphore(%arg30 : memref<!tpu.dma_semaphore, #tpu.memory_space<semaphore_mem>>) {add = true}
    %dma_wait3A_53 = tpu.memref_slice %arg3[%mul3A_2] : memref<320000xi32, #tpu.memory_space<hbm>> -> memref<104xi32, #tpu.memory_space<hbm>>
    %dma_wait3A_54 = tpu.memref_slice %arg3[%mul3A_2] : memref<320000xi32, #tpu.memory_space<hbm>> -> memref<104xi32, #tpu.memory_space<hbm>>
    tpu.wait_dma2 semaphore(%arg22 : memref<!tpu.dma_semaphore, #tpu.memory_space<semaphore_mem>>) src(%dma_wait3A_54 : memref<104xi32, #tpu.memory_space<hbm>>) dst(%arg9 : memref<104xi32, #tpu.memory_space<vmem>>)
    %dma_start3A_55 = arith.constant 0 : i32
    %dma_start3A_56 = arith.constant 0 : i32
    %dma_start3A_57 = tpu.memref_slice %arg2[%dma_start3A_55, %dma_start3A_56] : memref<10000x128xf32, #tpu.memory_space<hbm>> -> memref<10000x128xf32, #tpu.memory_space<hbm>>
    tpu.enqueue_indirect_dma source(%dma_start3A_57 : memref<10000x128xf32, #tpu.memory_space<hbm>>) target(%arg15 : memref<104x128xf32, #tpu.memory_space<vmem>>) offsets(%arg9 : memref<104xi32, #tpu.memory_space<vmem>>) semaphore(%arg28 : memref<!tpu.dma_semaphore, #tpu.memory_space<semaphore_mem>>)
    %add3A_58 = arith.constant 312 : i32
    %add3A_59 = arith.addi %mul3A_2, %add3A_58 : i32
    %dma_start3A_60 = tpu.memref_slice %arg3[%add3A_59] : memref<320000xi32, #tpu.memory_space<hbm>> -> memref<104xi32, #tpu.memory_space<hbm>>
    %dma_start3A_61 = tpu.memref_slice %arg3[%add3A_59] : memref<320000xi32, #tpu.memory_space<hbm>> -> memref<104xi32, #tpu.memory_space<hbm>>
    tpu.enqueue_dma source(%dma_start3A_61 : memref<104xi32, #tpu.memory_space<hbm>>) target(%arg7 : memref<104xi32, #tpu.memory_space<vmem>>) target_semaphore(%arg20 : memref<!tpu.dma_semaphore, #tpu.memory_space<semaphore_mem>>)
    %scan3A = arith.constant 0 : i32
    %scan3A_62 = arith.constant 31 : i32
    %scan3A_63 = arith.addi %scan3A, %scan3A_62 : i32
    %scan3A_64 = arith.constant 1 : i32
    scf.for %scan3A_103 = %scan3A to %scan3A_63 step %scan3A_64  : i32 {
      %mul3A_104 = arith.constant 1 : i32
      %mul3A_105 = arith.muli %scan3A_103, %mul3A_104 : i32
      %add3A_106 = arith.constant 1 : i32
      %add3A_107 = arith.addi %add3A_106, %mul3A_105 : i32
      %mul3A_108 = arith.constant 3 : i32
      %mul3A_109 = arith.muli %add3A_107, %mul3A_108 : i32
      %add3A_110 = arith.constant 0 : i32
      %add3A_111 = arith.addi %mul3A_109, %add3A_110 : i32
      %dma_wait3A_112 = arith.constant 0 : i32
      %dma_wait3A_113 = arith.constant 0 : i32
      %dma_wait3A_114 = tpu.memref_slice %arg19[%dma_wait3A_112, %dma_wait3A_113] : memref<10240x128xf32, #tpu.memory_space<vmem_shared>> -> memref<10240x128xf32, #tpu.memory_space<vmem_shared>>
      tpu.wait_indirect_dma semaphore(%arg29 : memref<!tpu.dma_semaphore, #tpu.memory_space<semaphore_mem>>) src(%arg13 : memref<104x128xf32, #tpu.memory_space<vmem>>) dst(%dma_wait3A_114 : memref<10240x128xf32, #tpu.memory_space<vmem_shared>>)
      %mul3A_115 = arith.constant 104 : i32
      %mul3A_116 = arith.muli %add3A_111, %mul3A_115 : i32
      %add3A_117 = arith.addi %mul3A_2, %mul3A_116 : i32
      %dma_start3A_118 = tpu.memref_slice %arg4[%add3A_117] : memref<320000xi32, #tpu.memory_space<hbm>> -> memref<104xi32, #tpu.memory_space<hbm>>
      %dma_start3A_119 = tpu.memref_slice %arg4[%add3A_117] : memref<320000xi32, #tpu.memory_space<hbm>> -> memref<104xi32, #tpu.memory_space<hbm>>
      tpu.enqueue_dma source(%dma_start3A_119 : memref<104xi32, #tpu.memory_space<hbm>>) target(%arg10 : memref<104xi32, #tpu.memory_space<vmem>>) target_semaphore(%arg23 : memref<!tpu.dma_semaphore, #tpu.memory_space<semaphore_mem>>)
      %add3A_120 = arith.constant 1 : i32
      %add3A_121 = arith.addi %add3A_111, %add3A_120 : i32
      %min3A = arith.constant 95 : i32
      %min3A_122 = arith.minsi %add3A_121, %min3A : i32
      %mul3A_123 = arith.constant 104 : i32
      %mul3A_124 = arith.muli %min3A_122, %mul3A_123 : i32
      %add3A_125 = arith.addi %mul3A_2, %mul3A_124 : i32
      %dma_start3A_126 = tpu.memref_slice %arg3[%add3A_125] : memref<320000xi32, #tpu.memory_space<hbm>> -> memref<104xi32, #tpu.memory_space<hbm>>
      %dma_start3A_127 = tpu.memref_slice %arg3[%add3A_125] : memref<320000xi32, #tpu.memory_space<hbm>> -> memref<104xi32, #tpu.memory_space<hbm>>
      tpu.enqueue_dma source(%dma_start3A_127 : memref<104xi32, #tpu.memory_space<hbm>>) target(%arg8 : memref<104xi32, #tpu.memory_space<vmem>>) target_semaphore(%arg21 : memref<!tpu.dma_semaphore, #tpu.memory_space<semaphore_mem>>)
      %dma_wait3A_128 = tpu.memref_slice %arg3[%mul3A_2] : memref<320000xi32, #tpu.memory_space<hbm>> -> memref<104xi32, #tpu.memory_space<hbm>>
      %dma_wait3A_129 = tpu.memref_slice %arg3[%mul3A_2] : memref<320000xi32, #tpu.memory_space<hbm>> -> memref<104xi32, #tpu.memory_space<hbm>>
      tpu.wait_dma2 semaphore(%arg20 : memref<!tpu.dma_semaphore, #tpu.memory_space<semaphore_mem>>) src(%dma_wait3A_129 : memref<104xi32, #tpu.memory_space<hbm>>) dst(%arg7 : memref<104xi32, #tpu.memory_space<vmem>>)
      %dma_start3A_130 = arith.constant 0 : i32
      %dma_start3A_131 = arith.constant 0 : i32
      %dma_start3A_132 = tpu.memref_slice %arg2[%dma_start3A_130, %dma_start3A_131] : memref<10000x128xf32, #tpu.memory_space<hbm>> -> memref<10000x128xf32, #tpu.memory_space<hbm>>
      tpu.enqueue_indirect_dma source(%dma_start3A_132 : memref<10000x128xf32, #tpu.memory_space<hbm>>) target(%arg13 : memref<104x128xf32, #tpu.memory_space<vmem>>) offsets(%arg7 : memref<104xi32, #tpu.memory_space<vmem>>) semaphore(%arg26 : memref<!tpu.dma_semaphore, #tpu.memory_space<semaphore_mem>>)
      %dma_wait3A_133 = arith.constant 0 : i32
      %dma_wait3A_134 = arith.constant 0 : i32
      %dma_wait3A_135 = tpu.memref_slice %arg2[%dma_wait3A_133, %dma_wait3A_134] : memref<10000x128xf32, #tpu.memory_space<hbm>> -> memref<10000x128xf32, #tpu.memory_space<hbm>>
      tpu.wait_indirect_dma semaphore(%arg28 : memref<!tpu.dma_semaphore, #tpu.memory_space<semaphore_mem>>) src(%dma_wait3A_135 : memref<10000x128xf32, #tpu.memory_space<hbm>>) dst(%arg15 : memref<104x128xf32, #tpu.memory_space<vmem>>)
      %dma_wait3A_136 = tpu.memref_slice %arg4[%mul3A_2] : memref<320000xi32, #tpu.memory_space<hbm>> -> memref<104xi32, #tpu.memory_space<hbm>>
      %dma_wait3A_137 = tpu.memref_slice %arg4[%mul3A_2] : memref<320000xi32, #tpu.memory_space<hbm>> -> memref<104xi32, #tpu.memory_space<hbm>>
      tpu.wait_dma2 semaphore(%arg25 : memref<!tpu.dma_semaphore, #tpu.memory_space<semaphore_mem>>) src(%dma_wait3A_137 : memref<104xi32, #tpu.memory_space<hbm>>) dst(%arg12 : memref<104xi32, #tpu.memory_space<vmem>>)
      %dma_start3A_138 = arith.constant 0 : i32
      %dma_start3A_139 = arith.constant 0 : i32
      %dma_start3A_140 = tpu.memref_slice %arg19[%dma_start3A_138, %dma_start3A_139] : memref<10240x128xf32, #tpu.memory_space<vmem_shared>> -> memref<10240x128xf32, #tpu.memory_space<vmem_shared>>
      tpu.enqueue_indirect_dma source(%arg15 : memref<104x128xf32, #tpu.memory_space<vmem>>) target(%dma_start3A_140 : memref<10240x128xf32, #tpu.memory_space<vmem_shared>>) offsets(%arg12 : memref<104xi32, #tpu.memory_space<vmem>>) semaphore(%arg31 : memref<!tpu.dma_semaphore, #tpu.memory_space<semaphore_mem>>) {add = true}
      %mul3A_141 = arith.constant 3 : i32
      %mul3A_142 = arith.muli %add3A_107, %mul3A_141 : i32
      %add3A_143 = arith.constant 1 : i32
      %add3A_144 = arith.addi %mul3A_142, %add3A_143 : i32
      %dma_wait3A_145 = arith.constant 0 : i32
      %dma_wait3A_146 = arith.constant 0 : i32
      %dma_wait3A_147 = tpu.memref_slice %arg19[%dma_wait3A_145, %dma_wait3A_146] : memref<10240x128xf32, #tpu.memory_space<vmem_shared>> -> memref<10240x128xf32, #tpu.memory_space<vmem_shared>>
      tpu.wait_indirect_dma semaphore(%arg30 : memref<!tpu.dma_semaphore, #tpu.memory_space<semaphore_mem>>) src(%arg14 : memref<104x128xf32, #tpu.memory_space<vmem>>) dst(%dma_wait3A_147 : memref<10240x128xf32, #tpu.memory_space<vmem_shared>>)
      %mul3A_148 = arith.constant 104 : i32
      %mul3A_149 = arith.muli %add3A_144, %mul3A_148 : i32
      %add3A_150 = arith.addi %mul3A_2, %mul3A_149 : i32
      %dma_start3A_151 = tpu.memref_slice %arg4[%add3A_150] : memref<320000xi32, #tpu.memory_space<hbm>> -> memref<104xi32, #tpu.memory_space<hbm>>
      %dma_start3A_152 = tpu.memref_slice %arg4[%add3A_150] : memref<320000xi32, #tpu.memory_space<hbm>> -> memref<104xi32, #tpu.memory_space<hbm>>
      tpu.enqueue_dma source(%dma_start3A_152 : memref<104xi32, #tpu.memory_space<hbm>>) target(%arg11 : memref<104xi32, #tpu.memory_space<vmem>>) target_semaphore(%arg24 : memref<!tpu.dma_semaphore, #tpu.memory_space<semaphore_mem>>)
      %add3A_153 = arith.constant 1 : i32
      %add3A_154 = arith.addi %add3A_144, %add3A_153 : i32
      %min3A_155 = arith.constant 95 : i32
      %min3A_156 = arith.minsi %add3A_154, %min3A_155 : i32
      %mul3A_157 = arith.constant 104 : i32
      %mul3A_158 = arith.muli %min3A_156, %mul3A_157 : i32
      %add3A_159 = arith.addi %mul3A_2, %mul3A_158 : i32
      %dma_start3A_160 = tpu.memref_slice %arg3[%add3A_159] : memref<320000xi32, #tpu.memory_space<hbm>> -> memref<104xi32, #tpu.memory_space<hbm>>
      %dma_start3A_161 = tpu.memref_slice %arg3[%add3A_159] : memref<320000xi32, #tpu.memory_space<hbm>> -> memref<104xi32, #tpu.memory_space<hbm>>
      tpu.enqueue_dma source(%dma_start3A_161 : memref<104xi32, #tpu.memory_space<hbm>>) target(%arg9 : memref<104xi32, #tpu.memory_space<vmem>>) target_semaphore(%arg22 : memref<!tpu.dma_semaphore, #tpu.memory_space<semaphore_mem>>)
      %dma_wait3A_162 = tpu.memref_slice %arg3[%mul3A_2] : memref<320000xi32, #tpu.memory_space<hbm>> -> memref<104xi32, #tpu.memory_space<hbm>>
      %dma_wait3A_163 = tpu.memref_slice %arg3[%mul3A_2] : memref<320000xi32, #tpu.memory_space<hbm>> -> memref<104xi32, #tpu.memory_space<hbm>>
      tpu.wait_dma2 semaphore(%arg21 : memref<!tpu.dma_semaphore, #tpu.memory_space<semaphore_mem>>) src(%dma_wait3A_163 : memref<104xi32, #tpu.memory_space<hbm>>) dst(%arg8 : memref<104xi32, #tpu.memory_space<vmem>>)
      %dma_start3A_164 = arith.constant 0 : i32
      %dma_start3A_165 = arith.constant 0 : i32
      %dma_start3A_166 = tpu.memref_slice %arg2[%dma_start3A_164, %dma_start3A_165] : memref<10000x128xf32, #tpu.memory_space<hbm>> -> memref<10000x128xf32, #tpu.memory_space<hbm>>
      tpu.enqueue_indirect_dma source(%dma_start3A_166 : memref<10000x128xf32, #tpu.memory_space<hbm>>) target(%arg14 : memref<104x128xf32, #tpu.memory_space<vmem>>) offsets(%arg8 : memref<104xi32, #tpu.memory_space<vmem>>) semaphore(%arg27 : memref<!tpu.dma_semaphore, #tpu.memory_space<semaphore_mem>>)
      %dma_wait3A_167 = arith.constant 0 : i32
      %dma_wait3A_168 = arith.constant 0 : i32
      %dma_wait3A_169 = tpu.memref_slice %arg2[%dma_wait3A_167, %dma_wait3A_168] : memref<10000x128xf32, #tpu.memory_space<hbm>> -> memref<10000x128xf32, #tpu.memory_space<hbm>>
      tpu.wait_indirect_dma semaphore(%arg26 : memref<!tpu.dma_semaphore, #tpu.memory_space<semaphore_mem>>) src(%dma_wait3A_169 : memref<10000x128xf32, #tpu.memory_space<hbm>>) dst(%arg13 : memref<104x128xf32, #tpu.memory_space<vmem>>)
      %dma_wait3A_170 = tpu.memref_slice %arg4[%mul3A_2] : memref<320000xi32, #tpu.memory_space<hbm>> -> memref<104xi32, #tpu.memory_space<hbm>>
      %dma_wait3A_171 = tpu.memref_slice %arg4[%mul3A_2] : memref<320000xi32, #tpu.memory_space<hbm>> -> memref<104xi32, #tpu.memory_space<hbm>>
      tpu.wait_dma2 semaphore(%arg23 : memref<!tpu.dma_semaphore, #tpu.memory_space<semaphore_mem>>) src(%dma_wait3A_171 : memref<104xi32, #tpu.memory_space<hbm>>) dst(%arg10 : memref<104xi32, #tpu.memory_space<vmem>>)
      %dma_start3A_172 = arith.constant 0 : i32
      %dma_start3A_173 = arith.constant 0 : i32
      %dma_start3A_174 = tpu.memref_slice %arg19[%dma_start3A_172, %dma_start3A_173] : memref<10240x128xf32, #tpu.memory_space<vmem_shared>> -> memref<10240x128xf32, #tpu.memory_space<vmem_shared>>
      tpu.enqueue_indirect_dma source(%arg13 : memref<104x128xf32, #tpu.memory_space<vmem>>) target(%dma_start3A_174 : memref<10240x128xf32, #tpu.memory_space<vmem_shared>>) offsets(%arg10 : memref<104xi32, #tpu.memory_space<vmem>>) semaphore(%arg29 : memref<!tpu.dma_semaphore, #tpu.memory_space<semaphore_mem>>) {add = true}
      %mul3A_175 = arith.constant 3 : i32
      %mul3A_176 = arith.muli %add3A_107, %mul3A_175 : i32
      %add3A_177 = arith.constant 2 : i32
      %add3A_178 = arith.addi %mul3A_176, %add3A_177 : i32
      %dma_wait3A_179 = arith.constant 0 : i32
      %dma_wait3A_180 = arith.constant 0 : i32
      %dma_wait3A_181 = tpu.memref_slice %arg19[%dma_wait3A_179, %dma_wait3A_180] : memref<10240x128xf32, #tpu.memory_space<vmem_shared>> -> memref<10240x128xf32, #tpu.memory_space<vmem_shared>>
      tpu.wait_indirect_dma semaphore(%arg31 : memref<!tpu.dma_semaphore, #tpu.memory_space<semaphore_mem>>) src(%arg15 : memref<104x128xf32, #tpu.memory_space<vmem>>) dst(%dma_wait3A_181 : memref<10240x128xf32, #tpu.memory_space<vmem_shared>>)
      %mul3A_182 = arith.constant 104 : i32
      %mul3A_183 = arith.muli %add3A_178, %mul3A_182 : i32
      %add3A_184 = arith.addi %mul3A_2, %mul3A_183 : i32
      %dma_start3A_185 = tpu.memref_slice %arg4[%add3A_184] : memref<320000xi32, #tpu.memory_space<hbm>> -> memref<104xi32, #tpu.memory_space<hbm>>
      %dma_start3A_186 = tpu.memref_slice %arg4[%add3A_184] : memref<320000xi32, #tpu.memory_space<hbm>> -> memref<104xi32, #tpu.memory_space<hbm>>
      tpu.enqueue_dma source(%dma_start3A_186 : memref<104xi32, #tpu.memory_space<hbm>>) target(%arg12 : memref<104xi32, #tpu.memory_space<vmem>>) target_semaphore(%arg25 : memref<!tpu.dma_semaphore, #tpu.memory_space<semaphore_mem>>)
      %add3A_187 = arith.constant 1 : i32
      %add3A_188 = arith.addi %add3A_178, %add3A_187 : i32
      %min3A_189 = arith.constant 95 : i32
      %min3A_190 = arith.minsi %add3A_188, %min3A_189 : i32
      %mul3A_191 = arith.constant 104 : i32
      %mul3A_192 = arith.muli %min3A_190, %mul3A_191 : i32
      %add3A_193 = arith.addi %mul3A_2, %mul3A_192 : i32
      %dma_start3A_194 = tpu.memref_slice %arg3[%add3A_193] : memref<320000xi32, #tpu.memory_space<hbm>> -> memref<104xi32, #tpu.memory_space<hbm>>
      %dma_start3A_195 = tpu.memref_slice %arg3[%add3A_193] : memref<320000xi32, #tpu.memory_space<hbm>> -> memref<104xi32, #tpu.memory_space<hbm>>
      tpu.enqueue_dma source(%dma_start3A_195 : memref<104xi32, #tpu.memory_space<hbm>>) target(%arg7 : memref<104xi32, #tpu.memory_space<vmem>>) target_semaphore(%arg20 : memref<!tpu.dma_semaphore, #tpu.memory_space<semaphore_mem>>)
      %dma_wait3A_196 = tpu.memref_slice %arg3[%mul3A_2] : memref<320000xi32, #tpu.memory_space<hbm>> -> memref<104xi32, #tpu.memory_space<hbm>>
      %dma_wait3A_197 = tpu.memref_slice %arg3[%mul3A_2] : memref<320000xi32, #tpu.memory_space<hbm>> -> memref<104xi32, #tpu.memory_space<hbm>>
      tpu.wait_dma2 semaphore(%arg22 : memref<!tpu.dma_semaphore, #tpu.memory_space<semaphore_mem>>) src(%dma_wait3A_197 : memref<104xi32, #tpu.memory_space<hbm>>) dst(%arg9 : memref<104xi32, #tpu.memory_space<vmem>>)
      %dma_start3A_198 = arith.constant 0 : i32
      %dma_start3A_199 = arith.constant 0 : i32
      %dma_start3A_200 = tpu.memref_slice %arg2[%dma_start3A_198, %dma_start3A_199] : memref<10000x128xf32, #tpu.memory_space<hbm>> -> memref<10000x128xf32, #tpu.memory_space<hbm>>
      tpu.enqueue_indirect_dma source(%dma_start3A_200 : memref<10000x128xf32, #tpu.memory_space<hbm>>) target(%arg15 : memref<104x128xf32, #tpu.memory_space<vmem>>) offsets(%arg9 : memref<104xi32, #tpu.memory_space<vmem>>) semaphore(%arg28 : memref<!tpu.dma_semaphore, #tpu.memory_space<semaphore_mem>>)
      %dma_wait3A_201 = arith.constant 0 : i32
      %dma_wait3A_202 = arith.constant 0 : i32
      %dma_wait3A_203 = tpu.memref_slice %arg2[%dma_wait3A_201, %dma_wait3A_202] : memref<10000x128xf32, #tpu.memory_space<hbm>> -> memref<10000x128xf32, #tpu.memory_space<hbm>>
      tpu.wait_indirect_dma semaphore(%arg27 : memref<!tpu.dma_semaphore, #tpu.memory_space<semaphore_mem>>) src(%dma_wait3A_203 : memref<10000x128xf32, #tpu.memory_space<hbm>>) dst(%arg14 : memref<104x128xf32, #tpu.memory_space<vmem>>)
      %dma_wait3A_204 = tpu.memref_slice %arg4[%mul3A_2] : memref<320000xi32, #tpu.memory_space<hbm>> -> memref<104xi32, #tpu.memory_space<hbm>>
      %dma_wait3A_205 = tpu.memref_slice %arg4[%mul3A_2] : memref<320000xi32, #tpu.memory_space<hbm>> -> memref<104xi32, #tpu.memory_space<hbm>>
      tpu.wait_dma2 semaphore(%arg24 : memref<!tpu.dma_semaphore, #tpu.memory_space<semaphore_mem>>) src(%dma_wait3A_205 : memref<104xi32, #tpu.memory_space<hbm>>) dst(%arg11 : memref<104xi32, #tpu.memory_space<vmem>>)
      %dma_start3A_206 = arith.constant 0 : i32
      %dma_start3A_207 = arith.constant 0 : i32
      %dma_start3A_208 = tpu.memref_slice %arg19[%dma_start3A_206, %dma_start3A_207] : memref<10240x128xf32, #tpu.memory_space<vmem_shared>> -> memref<10240x128xf32, #tpu.memory_space<vmem_shared>>
      tpu.enqueue_indirect_dma source(%arg14 : memref<104x128xf32, #tpu.memory_space<vmem>>) target(%dma_start3A_208 : memref<10240x128xf32, #tpu.memory_space<vmem_shared>>) offsets(%arg11 : memref<104xi32, #tpu.memory_space<vmem>>) semaphore(%arg30 : memref<!tpu.dma_semaphore, #tpu.memory_space<semaphore_mem>>) {add = true}
    }
    %scan3A_65 = arith.constant 31 : i32
    %dma_wait3A_66 = tpu.memref_slice %arg3[%mul3A_2] : memref<320000xi32, #tpu.memory_space<hbm>> -> memref<104xi32, #tpu.memory_space<hbm>>
    %dma_wait3A_67 = tpu.memref_slice %arg3[%mul3A_2] : memref<320000xi32, #tpu.memory_space<hbm>> -> memref<104xi32, #tpu.memory_space<hbm>>
    tpu.wait_dma2 semaphore(%arg20 : memref<!tpu.dma_semaphore, #tpu.memory_space<semaphore_mem>>) src(%dma_wait3A_67 : memref<104xi32, #tpu.memory_space<hbm>>) dst(%arg7 : memref<104xi32, #tpu.memory_space<vmem>>)
    %dma_wait3A_68 = arith.constant 0 : i32
    %dma_wait3A_69 = arith.constant 0 : i32
    %dma_wait3A_70 = tpu.memref_slice %arg2[%dma_wait3A_68, %dma_wait3A_69] : memref<10000x128xf32, #tpu.memory_space<hbm>> -> memref<10000x128xf32, #tpu.memory_space<hbm>>
    tpu.wait_indirect_dma semaphore(%arg28 : memref<!tpu.dma_semaphore, #tpu.memory_space<semaphore_mem>>) src(%dma_wait3A_70 : memref<10000x128xf32, #tpu.memory_space<hbm>>) dst(%arg15 : memref<104x128xf32, #tpu.memory_space<vmem>>)
    %dma_wait3A_71 = tpu.memref_slice %arg4[%mul3A_2] : memref<320000xi32, #tpu.memory_space<hbm>> -> memref<104xi32, #tpu.memory_space<hbm>>
    %dma_wait3A_72 = tpu.memref_slice %arg4[%mul3A_2] : memref<320000xi32, #tpu.memory_space<hbm>> -> memref<104xi32, #tpu.memory_space<hbm>>
    tpu.wait_dma2 semaphore(%arg25 : memref<!tpu.dma_semaphore, #tpu.memory_space<semaphore_mem>>) src(%dma_wait3A_72 : memref<104xi32, #tpu.memory_space<hbm>>) dst(%arg12 : memref<104xi32, #tpu.memory_space<vmem>>)
    %dma_start3A_73 = arith.constant 0 : i32
    %dma_start3A_74 = arith.constant 0 : i32
    %dma_start3A_75 = tpu.memref_slice %arg19[%dma_start3A_73, %dma_start3A_74] : memref<10240x128xf32, #tpu.memory_space<vmem_shared>> -> memref<10240x128xf32, #tpu.memory_space<vmem_shared>>
    tpu.enqueue_indirect_dma source(%arg15 : memref<104x128xf32, #tpu.memory_space<vmem>>) target(%dma_start3A_75 : memref<10240x128xf32, #tpu.memory_space<vmem_shared>>) offsets(%arg12 : memref<104xi32, #tpu.memory_space<vmem>>) semaphore(%arg31 : memref<!tpu.dma_semaphore, #tpu.memory_space<semaphore_mem>>) {add = true}
    %add3A_76 = arith.constant 9984 : i32
    %add3A_77 = arith.addi %mul3A_2, %add3A_76 : i32
    "tpu.region"() ({
      %run_scoped3A = tpu.sem_alloc : memref<!tpu.dma_semaphore, #tpu.memory_space<semaphore_mem>>
      %dma_start3A_103 = tpu.memref_slice %arg3[%add3A_77] : memref<320000xi32, #tpu.memory_space<hbm>> -> memref<16xi32, #tpu.memory_space<hbm>>
      %dma_start3A_104 = tpu.memref_slice %arg3[%add3A_77] : memref<320000xi32, #tpu.memory_space<hbm>> -> memref<16xi32, #tpu.memory_space<hbm>>
      tpu.enqueue_dma source(%dma_start3A_104 : memref<16xi32, #tpu.memory_space<hbm>>) target(%arg16 : memref<16xi32, #tpu.memory_space<vmem>>) target_semaphore(%run_scoped3A : memref<!tpu.dma_semaphore, #tpu.memory_space<semaphore_mem>>)
      %dma_wait3A_105 = tpu.memref_slice %arg3[%add3A_77] : memref<320000xi32, #tpu.memory_space<hbm>> -> memref<16xi32, #tpu.memory_space<hbm>>
      %dma_wait3A_106 = tpu.memref_slice %arg3[%add3A_77] : memref<320000xi32, #tpu.memory_space<hbm>> -> memref<16xi32, #tpu.memory_space<hbm>>
      tpu.wait_dma2 semaphore(%run_scoped3A : memref<!tpu.dma_semaphore, #tpu.memory_space<semaphore_mem>>) src(%dma_wait3A_106 : memref<16xi32, #tpu.memory_space<hbm>>) dst(%arg16 : memref<16xi32, #tpu.memory_space<vmem>>)
      tpu.yield
    }) : () -> ()
    %add3A_78 = arith.constant 9984 : i32
    %add3A_79 = arith.addi %mul3A_2, %add3A_78 : i32
    "tpu.region"() ({
      %run_scoped3A = tpu.sem_alloc : memref<!tpu.dma_semaphore, #tpu.memory_space<semaphore_mem>>
      %dma_start3A_103 = tpu.memref_slice %arg4[%add3A_79] : memref<320000xi32, #tpu.memory_space<hbm>> -> memref<16xi32, #tpu.memory_space<hbm>>
      %dma_start3A_104 = tpu.memref_slice %arg4[%add3A_79] : memref<320000xi32, #tpu.memory_space<hbm>> -> memref<16xi32, #tpu.memory_space<hbm>>
      tpu.enqueue_dma source(%dma_start3A_104 : memref<16xi32, #tpu.memory_space<hbm>>) target(%arg17 : memref<16xi32, #tpu.memory_space<vmem>>) target_semaphore(%run_scoped3A : memref<!tpu.dma_semaphore, #tpu.memory_space<semaphore_mem>>)
      %dma_wait3A_105 = tpu.memref_slice %arg4[%add3A_79] : memref<320000xi32, #tpu.memory_space<hbm>> -> memref<16xi32, #tpu.memory_space<hbm>>
      %dma_wait3A_106 = tpu.memref_slice %arg4[%add3A_79] : memref<320000xi32, #tpu.memory_space<hbm>> -> memref<16xi32, #tpu.memory_space<hbm>>
      tpu.wait_dma2 semaphore(%run_scoped3A : memref<!tpu.dma_semaphore, #tpu.memory_space<semaphore_mem>>) src(%dma_wait3A_106 : memref<16xi32, #tpu.memory_space<hbm>>) dst(%arg17 : memref<16xi32, #tpu.memory_space<vmem>>)
      tpu.yield
    }) : () -> ()
    %dma_start3A_80 = arith.constant 0 : i32
    %dma_start3A_81 = arith.constant 0 : i32
    %dma_start3A_82 = tpu.memref_slice %arg2[%dma_start3A_80, %dma_start3A_81] : memref<10000x128xf32, #tpu.memory_space<hbm>> -> memref<10000x128xf32, #tpu.memory_space<hbm>>
    tpu.enqueue_indirect_dma source(%dma_start3A_82 : memref<10000x128xf32, #tpu.memory_space<hbm>>) target(%arg18 : memref<16x128xf32, #tpu.memory_space<vmem>>) offsets(%arg16 : memref<16xi32, #tpu.memory_space<vmem>>) semaphore(%arg32 : memref<!tpu.dma_semaphore, #tpu.memory_space<semaphore_mem>>)
    %dma_wait3A_83 = arith.constant 0 : i32
    %dma_wait3A_84 = arith.constant 0 : i32
    %dma_wait3A_85 = tpu.memref_slice %arg2[%dma_wait3A_83, %dma_wait3A_84] : memref<10000x128xf32, #tpu.memory_space<hbm>> -> memref<10000x128xf32, #tpu.memory_space<hbm>>
    tpu.wait_indirect_dma semaphore(%arg32 : memref<!tpu.dma_semaphore, #tpu.memory_space<semaphore_mem>>) src(%dma_wait3A_85 : memref<10000x128xf32, #tpu.memory_space<hbm>>) dst(%arg18 : memref<16x128xf32, #tpu.memory_space<vmem>>)
    "tpu.region"() ({
      %run_scoped3A = tpu.sem_alloc : memref<!tpu.dma_semaphore, #tpu.memory_space<semaphore_mem>>
      %dma_start3A_103 = arith.constant 0 : i32
      %dma_start3A_104 = arith.constant 0 : i32
      %dma_start3A_105 = tpu.memref_slice %arg19[%dma_start3A_103, %dma_start3A_104] : memref<10240x128xf32, #tpu.memory_space<vmem_shared>> -> memref<10240x128xf32, #tpu.memory_space<vmem_shared>>
      tpu.enqueue_indirect_dma source(%arg18 : memref<16x128xf32, #tpu.memory_space<vmem>>) target(%dma_start3A_105 : memref<10240x128xf32, #tpu.memory_space<vmem_shared>>) offsets(%arg17 : memref<16xi32, #tpu.memory_space<vmem>>) semaphore(%run_scoped3A : memref<!tpu.dma_semaphore, #tpu.memory_space<semaphore_mem>>) {add = true}
      %dma_wait3A_106 = arith.constant 0 : i32
      %dma_wait3A_107 = arith.constant 0 : i32
      %dma_wait3A_108 = tpu.memref_slice %arg19[%dma_wait3A_106, %dma_wait3A_107] : memref<10240x128xf32, #tpu.memory_space<vmem_shared>> -> memref<10240x128xf32, #tpu.memory_space<vmem_shared>>
      tpu.wait_indirect_dma semaphore(%run_scoped3A : memref<!tpu.dma_semaphore, #tpu.memory_space<semaphore_mem>>) src(%arg18 : memref<16x128xf32, #tpu.memory_space<vmem>>) dst(%dma_wait3A_108 : memref<10240x128xf32, #tpu.memory_space<vmem_shared>>)
      tpu.yield
    }) : () -> ()
    %dma_wait3A_86 = arith.constant 0 : i32
    %dma_wait3A_87 = arith.constant 0 : i32
    %dma_wait3A_88 = tpu.memref_slice %arg19[%dma_wait3A_86, %dma_wait3A_87] : memref<10240x128xf32, #tpu.memory_space<vmem_shared>> -> memref<10240x128xf32, #tpu.memory_space<vmem_shared>>
    tpu.wait_indirect_dma semaphore(%arg29 : memref<!tpu.dma_semaphore, #tpu.memory_space<semaphore_mem>>) src(%arg13 : memref<104x128xf32, #tpu.memory_space<vmem>>) dst(%dma_wait3A_88 : memref<10240x128xf32, #tpu.memory_space<vmem_shared>>)
    %dma_wait3A_89 = arith.constant 0 : i32
    %dma_wait3A_90 = arith.constant 0 : i32
    %dma_wait3A_91 = tpu.memref_slice %arg19[%dma_wait3A_89, %dma_wait3A_90] : memref<10240x128xf32, #tpu.memory_space<vmem_shared>> -> memref<10240x128xf32, #tpu.memory_space<vmem_shared>>
    tpu.wait_indirect_dma semaphore(%arg30 : memref<!tpu.dma_semaphore, #tpu.memory_space<semaphore_mem>>) src(%arg14 : memref<104x128xf32, #tpu.memory_space<vmem>>) dst(%dma_wait3A_91 : memref<10240x128xf32, #tpu.memory_space<vmem_shared>>)
    %dma_wait3A_92 = arith.constant 0 : i32
    %dma_wait3A_93 = arith.constant 0 : i32
    %dma_wait3A_94 = tpu.memref_slice %arg19[%dma_wait3A_92, %dma_wait3A_93] : memref<10240x128xf32, #tpu.memory_space<vmem_shared>> -> memref<10240x128xf32, #tpu.memory_space<vmem_shared>>
    tpu.wait_indirect_dma semaphore(%arg31 : memref<!tpu.dma_semaphore, #tpu.memory_space<semaphore_mem>>) src(%arg15 : memref<104x128xf32, #tpu.memory_space<vmem>>) dst(%dma_wait3A_94 : memref<10240x128xf32, #tpu.memory_space<vmem_shared>>)
    %barrier3A_95 = arith.constant 0 : index
    tpu.barrier barrier_id(%barrier3A_95)
    %mul3A_96 = arith.constant 640 : i32
    %mul3A_97 = arith.muli %arg1, %mul3A_96 : i32
    %mul3A_98 = arith.constant 10240 : i32
    %mul3A_99 = arith.muli %arg0, %mul3A_98 : i32
    %mul3A_100 = arith.constant 640 : i32
    %mul3A_101 = arith.muli %arg1, %mul3A_100 : i32
    %add3A_102 = arith.addi %mul3A_99, %mul3A_101 : i32
    "tpu.region"() ({
      %run_scoped3A = tpu.sem_alloc : memref<!tpu.dma_semaphore, #tpu.memory_space<semaphore_mem>>
      %dma_start3A_103 = arith.constant 0 : i32
      %dma_start3A_104 = tpu.memref_slice %arg6[%add3A_102, %dma_start3A_103] : memref<20480x128xf32, #tpu.memory_space<hbm>> -> memref<640x128xf32, #tpu.memory_space<hbm>>
      %dma_start3A_105 = arith.constant 0 : i32
      %dma_start3A_106 = tpu.memref_slice %arg19[%mul3A_97, %dma_start3A_105] : memref<10240x128xf32, #tpu.memory_space<vmem_shared>> -> memref<640x128xf32, #tpu.memory_space<vmem_shared>>
      tpu.enqueue_dma source(%dma_start3A_106 : memref<640x128xf32, #tpu.memory_space<vmem_shared>>) target(%dma_start3A_104 : memref<640x128xf32, #tpu.memory_space<hbm>>) target_semaphore(%run_scoped3A : memref<!tpu.dma_semaphore, #tpu.memory_space<semaphore_mem>>)
      %dma_wait3A_107 = arith.constant 0 : i32
      %dma_wait3A_108 = tpu.memref_slice %arg6[%add3A_102, %dma_wait3A_107] : memref<20480x128xf32, #tpu.memory_space<hbm>> -> memref<640x128xf32, #tpu.memory_space<hbm>>
      %dma_wait3A_109 = arith.constant 0 : i32
      %dma_wait3A_110 = tpu.memref_slice %arg19[%mul3A_97, %dma_wait3A_109] : memref<10240x128xf32, #tpu.memory_space<vmem_shared>> -> memref<640x128xf32, #tpu.memory_space<vmem_shared>>
      tpu.wait_dma2 semaphore(%run_scoped3A : memref<!tpu.dma_semaphore, #tpu.memory_space<semaphore_mem>>) src(%dma_wait3A_110 : memref<640x128xf32, #tpu.memory_space<vmem_shared>>) dst(%dma_wait3A_108 : memref<640x128xf32, #tpu.memory_space<hbm>>)
      tpu.yield
    }) : () -> ()
    return
  }
}

#map = affine_map<(d0, d1) -> (0, 0)>
#map1 = affine_map<(d0, d1) -> (0)>
module attributes {stable_mosaic.version = 14 : i64} {
  func.func @k(%arg0: i32, %arg1: i32, %arg2: memref<10000x128xf32, #tpu.memory_space<hbm>>, %arg3: memref<320000xi32, #tpu.memory_space<hbm>>, %arg4: memref<320000xi32, #tpu.memory_space<hbm>>, %arg5: memref<640x128xf32, #tpu.memory_space<hbm>>, %arg6: memref<20480x128xf32, #tpu.memory_space<hbm>>, %arg7: memref<104xi32, #tpu.memory_space<vmem>>, %arg8: memref<104xi32, #tpu.memory_space<vmem>>, %arg9: memref<104xi32, #tpu.memory_space<vmem>>, %arg10: memref<104xi32, #tpu.memory_space<vmem>>, %arg11: memref<104xi32, #tpu.memory_space<vmem>>, %arg12: memref<104xi32, #tpu.memory_space<vmem>>, %arg13: memref<104x128xf32, #tpu.memory_space<vmem>>, %arg14: memref<104x128xf32, #tpu.memory_space<vmem>>, %arg15: memref<104x128xf32, #tpu.memory_space<vmem>>, %arg16: memref<16xi32, #tpu.memory_space<vmem>>, %arg17: memref<16xi32, #tpu.memory_space<vmem>>, %arg18: memref<16x128xf32, #tpu.memory_space<vmem>>, %arg19: memref<10240x128xf32, #tpu.memory_space<vmem_shared>>, %arg20: memref<!tpu.dma_semaphore, #tpu.memory_space<semaphore_mem>>, %arg21: memref<!tpu.dma_semaphore, #tpu.memory_space<semaphore_mem>>, %arg22: memref<!tpu.dma_semaphore, #tpu.memory_space<semaphore_mem>>, %arg23: memref<!tpu.dma_semaphore, #tpu.memory_space<semaphore_mem>>, %arg24: memref<!tpu.dma_semaphore, #tpu.memory_space<semaphore_mem>>, %arg25: memref<!tpu.dma_semaphore, #tpu.memory_space<semaphore_mem>>, %arg26: memref<!tpu.dma_semaphore, #tpu.memory_space<semaphore_mem>>, %arg27: memref<!tpu.dma_semaphore, #tpu.memory_space<semaphore_mem>>, %arg28: memref<!tpu.dma_semaphore, #tpu.memory_space<semaphore_mem>>, %arg29: memref<!tpu.dma_semaphore, #tpu.memory_space<semaphore_mem>>, %arg30: memref<!tpu.dma_semaphore, #tpu.memory_space<semaphore_mem>>, %arg31: memref<!tpu.dma_semaphore, #tpu.memory_space<semaphore_mem>>, %arg32: memref<!tpu.dma_semaphore, #tpu.memory_space<semaphore_mem>>) attributes {dimension_semantics = [#tpu.dimension_semantics<core_parallel>, #tpu.dimension_semantics<subcore_parallel>], iteration_bounds = array<i64: 2, 16>, scalar_prefetch = 0 : i64, scratch_operands = 26 : i64, tpu.core_type = #tpu.core_type<sc_vector_subcore>, window_params = [{transform_indices = #map}, {transform_indices = #map1}, {transform_indices = #map1}, {transform_indices = #map}, {transform_indices = #map}]} {
    %mul3A = arith.constant 2 : i32
    %mul3A_0 = arith.muli %arg1, %mul3A : i32
    %add3A = arith.addi %mul3A_0, %arg0 : i32
    %mul3A_1 = arith.constant 10000 : i32
    %mul3A_2 = arith.muli %add3A, %mul3A_1 : i32
    %mul3A_3 = arith.constant 640 : i32
    %mul3A_4 = arith.muli %arg1, %mul3A_3 : i32
    "tpu.region"() ({
      %run_scoped3A = tpu.sem_alloc : memref<!tpu.dma_semaphore, #tpu.memory_space<semaphore_mem>>
      %dma_start3A_103 = arith.constant 0 : i32
      %dma_start3A_104 = tpu.memref_slice %arg19[%mul3A_4, %dma_start3A_103] : memref<10240x128xf32, #tpu.memory_space<vmem_shared>> -> memref<640x128xf32, #tpu.memory_space<vmem_shared>>
      tpu.enqueue_dma source(%arg5 : memref<640x128xf32, #tpu.memory_space<hbm>>) target(%dma_start3A_104 : memref<640x128xf32, #tpu.memory_space<vmem_shared>>) target_semaphore(%run_scoped3A : memref<!tpu.dma_semaphore, #tpu.memory_space<semaphore_mem>>)
      %dma_wait3A_105 = arith.constant 0 : i32
      %dma_wait3A_106 = tpu.memref_slice %arg19[%mul3A_4, %dma_wait3A_105] : memref<10240x128xf32, #tpu.memory_space<vmem_shared>> -> memref<640x128xf32, #tpu.memory_space<vmem_shared>>
      tpu.wait_dma2 semaphore(%run_scoped3A : memref<!tpu.dma_semaphore, #tpu.memory_space<semaphore_mem>>) src(%arg5 : memref<640x128xf32, #tpu.memory_space<hbm>>) dst(%dma_wait3A_106 : memref<640x128xf32, #tpu.memory_space<vmem_shared>>)
      tpu.yield
    }) : () -> ()
    %barrier3A = arith.constant 0 : index
    tpu.barrier barrier_id(%barrier3A)
    %add3A_5 = arith.constant 0 : i32
    %add3A_6 = arith.addi %mul3A_2, %add3A_5 : i32
    %dma_start3A = tpu.memref_slice %arg3[%add3A_6] : memref<320000xi32, #tpu.memory_space<hbm>> -> memref<104xi32, #tpu.memory_space<hbm>>
    %dma_start3A_7 = tpu.memref_slice %arg3[%add3A_6] : memref<320000xi32, #tpu.memory_space<hbm>> -> memref<104xi32, #tpu.memory_space<hbm>>
    tpu.enqueue_dma source(%dma_start3A_7 : memref<104xi32, #tpu.memory_space<hbm>>) target(%arg7 : memref<104xi32, #tpu.memory_space<vmem>>) target_semaphore(%arg20 : memref<!tpu.dma_semaphore, #tpu.memory_space<semaphore_mem>>)
    %add3A_8 = arith.constant 0 : i32
    %add3A_9 = arith.addi %mul3A_2, %add3A_8 : i32
    %dma_start3A_10 = tpu.memref_slice %arg4[%add3A_9] : memref<320000xi32, #tpu.memory_space<hbm>> -> memref<104xi32, #tpu.memory_space<hbm>>
    %dma_start3A_11 = tpu.memref_slice %arg4[%add3A_9] : memref<320000xi32, #tpu.memory_space<hbm>> -> memref<104xi32, #tpu.memory_space<hbm>>
    tpu.enqueue_dma source(%dma_start3A_11 : memref<104xi32, #tpu.memory_space<hbm>>) target(%arg10 : memref<104xi32, #tpu.memory_space<vmem>>) target_semaphore(%arg23 : memref<!tpu.dma_semaphore, #tpu.memory_space<semaphore_mem>>)
    %dma_wait3A = tpu.memref_slice %arg3[%mul3A_2] : memref<320000xi32, #tpu.memory_space<hbm>> -> memref<104xi32, #tpu.memory_space<hbm>>
    %dma_wait3A_12 = tpu.memref_slice %arg3[%mul3A_2] : memref<320000xi32, #tpu.memory_space<hbm>> -> memref<104xi32, #tpu.memory_space<hbm>>
    tpu.wait_dma2 semaphore(%arg20 : memref<!tpu.dma_semaphore, #tpu.memory_space<semaphore_mem>>) src(%dma_wait3A_12 : memref<104xi32, #tpu.memory_space<hbm>>) dst(%arg7 : memref<104xi32, #tpu.memory_space<vmem>>)
    %dma_start3A_13 = arith.constant 0 : i32
    %dma_start3A_14 = arith.constant 0 : i32
    %dma_start3A_15 = tpu.memref_slice %arg2[%dma_start3A_13, %dma_start3A_14] : memref<10000x128xf32, #tpu.memory_space<hbm>> -> memref<10000x128xf32, #tpu.memory_space<hbm>>
    tpu.enqueue_indirect_dma source(%dma_start3A_15 : memref<10000x128xf32, #tpu.memory_space<hbm>>) target(%arg13 : memref<104x128xf32, #tpu.memory_space<vmem>>) offsets(%arg7 : memref<104xi32, #tpu.memory_space<vmem>>) semaphore(%arg26 : memref<!tpu.dma_semaphore, #tpu.memory_space<semaphore_mem>>)
    %add3A_16 = arith.constant 104 : i32
    %add3A_17 = arith.addi %mul3A_2, %add3A_16 : i32
    %dma_start3A_18 = tpu.memref_slice %arg3[%add3A_17] : memref<320000xi32, #tpu.memory_space<hbm>> -> memref<104xi32, #tpu.memory_space<hbm>>
    %dma_start3A_19 = tpu.memref_slice %arg3[%add3A_17] : memref<320000xi32, #tpu.memory_space<hbm>> -> memref<104xi32, #tpu.memory_space<hbm>>
    tpu.enqueue_dma source(%dma_start3A_19 : memref<104xi32, #tpu.memory_space<hbm>>) target(%arg8 : memref<104xi32, #tpu.memory_space<vmem>>) target_semaphore(%arg21 : memref<!tpu.dma_semaphore, #tpu.memory_space<semaphore_mem>>)
    %add3A_20 = arith.constant 104 : i32
    %add3A_21 = arith.addi %mul3A_2, %add3A_20 : i32
    %dma_start3A_22 = tpu.memref_slice %arg4[%add3A_21] : memref<320000xi32, #tpu.memory_space<hbm>> -> memref<104xi32, #tpu.memory_space<hbm>>
    %dma_start3A_23 = tpu.memref_slice %arg4[%add3A_21] : memref<320000xi32, #tpu.memory_space<hbm>> -> memref<104xi32, #tpu.memory_space<hbm>>
    tpu.enqueue_dma source(%dma_start3A_23 : memref<104xi32, #tpu.memory_space<hbm>>) target(%arg11 : memref<104xi32, #tpu.memory_space<vmem>>) target_semaphore(%arg24 : memref<!tpu.dma_semaphore, #tpu.memory_space<semaphore_mem>>)
    %dma_wait3A_24 = arith.constant 0 : i32
    %dma_wait3A_25 = arith.constant 0 : i32
    %dma_wait3A_26 = tpu.memref_slice %arg2[%dma_wait3A_24, %dma_wait3A_25] : memref<10000x128xf32, #tpu.memory_space<hbm>> -> memref<10000x128xf32, #tpu.memory_space<hbm>>
    tpu.wait_indirect_dma semaphore(%arg26 : memref<!tpu.dma_semaphore, #tpu.memory_space<semaphore_mem>>) src(%dma_wait3A_26 : memref<10000x128xf32, #tpu.memory_space<hbm>>) dst(%arg13 : memref<104x128xf32, #tpu.memory_space<vmem>>)
    %dma_wait3A_27 = tpu.memref_slice %arg4[%mul3A_2] : memref<320000xi32, #tpu.memory_space<hbm>> -> memref<104xi32, #tpu.memory_space<hbm>>
    %dma_wait3A_28 = tpu.memref_slice %arg4[%mul3A_2] : memref<320000xi32, #tpu.memory_space<hbm>> -> memref<104xi32, #tpu.memory_space<hbm>>
    tpu.wait_dma2 semaphore(%arg23 : memref<!tpu.dma_semaphore, #tpu.memory_space<semaphore_mem>>) src(%dma_wait3A_28 : memref<104xi32, #tpu.memory_space<hbm>>) dst(%arg10 : memref<104xi32, #tpu.memory_space<vmem>>)
    %dma_start3A_29 = arith.constant 0 : i32
    %dma_start3A_30 = arith.constant 0 : i32
    %dma_start3A_31 = tpu.memref_slice %arg19[%dma_start3A_29, %dma_start3A_30] : memref<10240x128xf32, #tpu.memory_space<vmem_shared>> -> memref<10240x128xf32, #tpu.memory_space<vmem_shared>>
    tpu.enqueue_indirect_dma source(%arg13 : memref<104x128xf32, #tpu.memory_space<vmem>>) target(%dma_start3A_31 : memref<10240x128xf32, #tpu.memory_space<vmem_shared>>) offsets(%arg10 : memref<104xi32, #tpu.memory_space<vmem>>) semaphore(%arg29 : memref<!tpu.dma_semaphore, #tpu.memory_space<semaphore_mem>>) {add = true}
    %dma_wait3A_32 = tpu.memref_slice %arg3[%mul3A_2] : memref<320000xi32, #tpu.memory_space<hbm>> -> memref<104xi32, #tpu.memory_space<hbm>>
    %dma_wait3A_33 = tpu.memref_slice %arg3[%mul3A_2] : memref<320000xi32, #tpu.memory_space<hbm>> -> memref<104xi32, #tpu.memory_space<hbm>>
    tpu.wait_dma2 semaphore(%arg21 : memref<!tpu.dma_semaphore, #tpu.memory_space<semaphore_mem>>) src(%dma_wait3A_33 : memref<104xi32, #tpu.memory_space<hbm>>) dst(%arg8 : memref<104xi32, #tpu.memory_space<vmem>>)
    %dma_start3A_34 = arith.constant 0 : i32
    %dma_start3A_35 = arith.constant 0 : i32
    %dma_start3A_36 = tpu.memref_slice %arg2[%dma_start3A_34, %dma_start3A_35] : memref<10000x128xf32, #tpu.memory_space<hbm>> -> memref<10000x128xf32, #tpu.memory_space<hbm>>
    tpu.enqueue_indirect_dma source(%dma_start3A_36 : memref<10000x128xf32, #tpu.memory_space<hbm>>) target(%arg14 : memref<104x128xf32, #tpu.memory_space<vmem>>) offsets(%arg8 : memref<104xi32, #tpu.memory_space<vmem>>) semaphore(%arg27 : memref<!tpu.dma_semaphore, #tpu.memory_space<semaphore_mem>>)
    %add3A_37 = arith.constant 208 : i32
    %add3A_38 = arith.addi %mul3A_2, %add3A_37 : i32
    %dma_start3A_39 = tpu.memref_slice %arg3[%add3A_38] : memref<320000xi32, #tpu.memory_space<hbm>> -> memref<104xi32, #tpu.memory_space<hbm>>
    %dma_start3A_40 = tpu.memref_slice %arg3[%add3A_38] : memref<320000xi32, #tpu.memory_space<hbm>> -> memref<104xi32, #tpu.memory_space<hbm>>
    tpu.enqueue_dma source(%dma_start3A_40 : memref<104xi32, #tpu.memory_space<hbm>>) target(%arg9 : memref<104xi32, #tpu.memory_space<vmem>>) target_semaphore(%arg22 : memref<!tpu.dma_semaphore, #tpu.memory_space<semaphore_mem>>)
    %add3A_41 = arith.constant 208 : i32
    %add3A_42 = arith.addi %mul3A_2, %add3A_41 : i32
    %dma_start3A_43 = tpu.memref_slice %arg4[%add3A_42] : memref<320000xi32, #tpu.memory_space<hbm>> -> memref<104xi32, #tpu.memory_space<hbm>>
    %dma_start3A_44 = tpu.memref_slice %arg4[%add3A_42] : memref<320000xi32, #tpu.memory_space<hbm>> -> memref<104xi32, #tpu.memory_space<hbm>>
    tpu.enqueue_dma source(%dma_start3A_44 : memref<104xi32, #tpu.memory_space<hbm>>) target(%arg12 : memref<104xi32, #tpu.memory_space<vmem>>) target_semaphore(%arg25 : memref<!tpu.dma_semaphore, #tpu.memory_space<semaphore_mem>>)
    %dma_wait3A_45 = arith.constant 0 : i32
    %dma_wait3A_46 = arith.constant 0 : i32
    %dma_wait3A_47 = tpu.memref_slice %arg2[%dma_wait3A_45, %dma_wait3A_46] : memref<10000x128xf32, #tpu.memory_space<hbm>> -> memref<10000x128xf32, #tpu.memory_space<hbm>>
    tpu.wait_indirect_dma semaphore(%arg27 : memref<!tpu.dma_semaphore, #tpu.memory_space<semaphore_mem>>) src(%dma_wait3A_47 : memref<10000x128xf32, #tpu.memory_space<hbm>>) dst(%arg14 : memref<104x128xf32, #tpu.memory_space<vmem>>)
    %dma_wait3A_48 = tpu.memref_slice %arg4[%mul3A_2] : memref<320000xi32, #tpu.memory_space<hbm>> -> memref<104xi32, #tpu.memory_space<hbm>>
    %dma_wait3A_49 = tpu.memref_slice %arg4[%mul3A_2] : memref<320000xi32, #tpu.memory_space<hbm>> -> memref<104xi32, #tpu.memory_space<hbm>>
    tpu.wait_dma2 semaphore(%arg24 : memref<!tpu.dma_semaphore, #tpu.memory_space<semaphore_mem>>) src(%dma_wait3A_49 : memref<104xi32, #tpu.memory_space<hbm>>) dst(%arg11 : memref<104xi32, #tpu.memory_space<vmem>>)
    %dma_start3A_50 = arith.constant 0 : i32
    %dma_start3A_51 = arith.constant 0 : i32
    %dma_start3A_52 = tpu.memref_slice %arg19[%dma_start3A_50, %dma_start3A_51] : memref<10240x128xf32, #tpu.memory_space<vmem_shared>> -> memref<10240x128xf32, #tpu.memory_space<vmem_shared>>
    tpu.enqueue_indirect_dma source(%arg14 : memref<104x128xf32, #tpu.memory_space<vmem>>) target(%dma_start3A_52 : memref<10240x128xf32, #tpu.memory_space<vmem_shared>>) offsets(%arg11 : memref<104xi32, #tpu.memory_space<vmem>>) semaphore(%arg30 : memref<!tpu.dma_semaphore, #tpu.memory_space<semaphore_mem>>) {add = true}
    %dma_wait3A_53 = tpu.memref_slice %arg3[%mul3A_2] : memref<320000xi32, #tpu.memory_space<hbm>> -> memref<104xi32, #tpu.memory_space<hbm>>
    %dma_wait3A_54 = tpu.memref_slice %arg3[%mul3A_2] : memref<320000xi32, #tpu.memory_space<hbm>> -> memref<104xi32, #tpu.memory_space<hbm>>
    tpu.wait_dma2 semaphore(%arg22 : memref<!tpu.dma_semaphore, #tpu.memory_space<semaphore_mem>>) src(%dma_wait3A_54 : memref<104xi32, #tpu.memory_space<hbm>>) dst(%arg9 : memref<104xi32, #tpu.memory_space<vmem>>)
    %dma_start3A_55 = arith.constant 0 : i32
    %dma_start3A_56 = arith.constant 0 : i32
    %dma_start3A_57 = tpu.memref_slice %arg2[%dma_start3A_55, %dma_start3A_56] : memref<10000x128xf32, #tpu.memory_space<hbm>> -> memref<10000x128xf32, #tpu.memory_space<hbm>>
    tpu.enqueue_indirect_dma source(%dma_start3A_57 : memref<10000x128xf32, #tpu.memory_space<hbm>>) target(%arg15 : memref<104x128xf32, #tpu.memory_space<vmem>>) offsets(%arg9 : memref<104xi32, #tpu.memory_space<vmem>>) semaphore(%arg28 : memref<!tpu.dma_semaphore, #tpu.memory_space<semaphore_mem>>)
    %add3A_58 = arith.constant 312 : i32
    %add3A_59 = arith.addi %mul3A_2, %add3A_58 : i32
    %dma_start3A_60 = tpu.memref_slice %arg3[%add3A_59] : memref<320000xi32, #tpu.memory_space<hbm>> -> memref<104xi32, #tpu.memory_space<hbm>>
    %dma_start3A_61 = tpu.memref_slice %arg3[%add3A_59] : memref<320000xi32, #tpu.memory_space<hbm>> -> memref<104xi32, #tpu.memory_space<hbm>>
    tpu.enqueue_dma source(%dma_start3A_61 : memref<104xi32, #tpu.memory_space<hbm>>) target(%arg7 : memref<104xi32, #tpu.memory_space<vmem>>) target_semaphore(%arg20 : memref<!tpu.dma_semaphore, #tpu.memory_space<semaphore_mem>>)
    %scan3A = arith.constant 0 : i32
    %scan3A_62 = arith.constant 31 : i32
    %scan3A_63 = arith.addi %scan3A, %scan3A_62 : i32
    %scan3A_64 = arith.constant 1 : i32
    scf.for %scan3A_103 = %scan3A to %scan3A_63 step %scan3A_64  : i32 {
      %mul3A_104 = arith.constant 1 : i32
      %mul3A_105 = arith.muli %scan3A_103, %mul3A_104 : i32
      %add3A_106 = arith.constant 1 : i32
      %add3A_107 = arith.addi %add3A_106, %mul3A_105 : i32
      %mul3A_108 = arith.constant 3 : i32
      %mul3A_109 = arith.muli %add3A_107, %mul3A_108 : i32
      %add3A_110 = arith.constant 0 : i32
      %add3A_111 = arith.addi %mul3A_109, %add3A_110 : i32
      %dma_wait3A_112 = arith.constant 0 : i32
      %dma_wait3A_113 = arith.constant 0 : i32
      %dma_wait3A_114 = tpu.memref_slice %arg19[%dma_wait3A_112, %dma_wait3A_113] : memref<10240x128xf32, #tpu.memory_space<vmem_shared>> -> memref<10240x128xf32, #tpu.memory_space<vmem_shared>>
      tpu.wait_indirect_dma semaphore(%arg29 : memref<!tpu.dma_semaphore, #tpu.memory_space<semaphore_mem>>) src(%arg13 : memref<104x128xf32, #tpu.memory_space<vmem>>) dst(%dma_wait3A_114 : memref<10240x128xf32, #tpu.memory_space<vmem_shared>>)
      %mul3A_115 = arith.constant 104 : i32
      %mul3A_116 = arith.muli %add3A_111, %mul3A_115 : i32
      %add3A_117 = arith.addi %mul3A_2, %mul3A_116 : i32
      %dma_start3A_118 = tpu.memref_slice %arg4[%add3A_117] : memref<320000xi32, #tpu.memory_space<hbm>> -> memref<104xi32, #tpu.memory_space<hbm>>
      %dma_start3A_119 = tpu.memref_slice %arg4[%add3A_117] : memref<320000xi32, #tpu.memory_space<hbm>> -> memref<104xi32, #tpu.memory_space<hbm>>
      tpu.enqueue_dma source(%dma_start3A_119 : memref<104xi32, #tpu.memory_space<hbm>>) target(%arg10 : memref<104xi32, #tpu.memory_space<vmem>>) target_semaphore(%arg23 : memref<!tpu.dma_semaphore, #tpu.memory_space<semaphore_mem>>)
      %add3A_120 = arith.constant 1 : i32
      %add3A_121 = arith.addi %add3A_111, %add3A_120 : i32
      %min3A = arith.constant 95 : i32
      %min3A_122 = arith.minsi %add3A_121, %min3A : i32
      %mul3A_123 = arith.constant 104 : i32
      %mul3A_124 = arith.muli %min3A_122, %mul3A_123 : i32
      %add3A_125 = arith.addi %mul3A_2, %mul3A_124 : i32
      %dma_start3A_126 = tpu.memref_slice %arg3[%add3A_125] : memref<320000xi32, #tpu.memory_space<hbm>> -> memref<104xi32, #tpu.memory_space<hbm>>
      %dma_start3A_127 = tpu.memref_slice %arg3[%add3A_125] : memref<320000xi32, #tpu.memory_space<hbm>> -> memref<104xi32, #tpu.memory_space<hbm>>
      tpu.enqueue_dma source(%dma_start3A_127 : memref<104xi32, #tpu.memory_space<hbm>>) target(%arg8 : memref<104xi32, #tpu.memory_space<vmem>>) target_semaphore(%arg21 : memref<!tpu.dma_semaphore, #tpu.memory_space<semaphore_mem>>)
      %dma_wait3A_128 = tpu.memref_slice %arg3[%mul3A_2] : memref<320000xi32, #tpu.memory_space<hbm>> -> memref<104xi32, #tpu.memory_space<hbm>>
      %dma_wait3A_129 = tpu.memref_slice %arg3[%mul3A_2] : memref<320000xi32, #tpu.memory_space<hbm>> -> memref<104xi32, #tpu.memory_space<hbm>>
      tpu.wait_dma2 semaphore(%arg20 : memref<!tpu.dma_semaphore, #tpu.memory_space<semaphore_mem>>) src(%dma_wait3A_129 : memref<104xi32, #tpu.memory_space<hbm>>) dst(%arg7 : memref<104xi32, #tpu.memory_space<vmem>>)
      %dma_start3A_130 = arith.constant 0 : i32
      %dma_start3A_131 = arith.constant 0 : i32
      %dma_start3A_132 = tpu.memref_slice %arg2[%dma_start3A_130, %dma_start3A_131] : memref<10000x128xf32, #tpu.memory_space<hbm>> -> memref<10000x128xf32, #tpu.memory_space<hbm>>
      tpu.enqueue_indirect_dma source(%dma_start3A_132 : memref<10000x128xf32, #tpu.memory_space<hbm>>) target(%arg13 : memref<104x128xf32, #tpu.memory_space<vmem>>) offsets(%arg7 : memref<104xi32, #tpu.memory_space<vmem>>) semaphore(%arg26 : memref<!tpu.dma_semaphore, #tpu.memory_space<semaphore_mem>>)
      %dma_wait3A_133 = arith.constant 0 : i32
      %dma_wait3A_134 = arith.constant 0 : i32
      %dma_wait3A_135 = tpu.memref_slice %arg2[%dma_wait3A_133, %dma_wait3A_134] : memref<10000x128xf32, #tpu.memory_space<hbm>> -> memref<10000x128xf32, #tpu.memory_space<hbm>>
      tpu.wait_indirect_dma semaphore(%arg28 : memref<!tpu.dma_semaphore, #tpu.memory_space<semaphore_mem>>) src(%dma_wait3A_135 : memref<10000x128xf32, #tpu.memory_space<hbm>>) dst(%arg15 : memref<104x128xf32, #tpu.memory_space<vmem>>)
      %dma_wait3A_136 = tpu.memref_slice %arg4[%mul3A_2] : memref<320000xi32, #tpu.memory_space<hbm>> -> memref<104xi32, #tpu.memory_space<hbm>>
      %dma_wait3A_137 = tpu.memref_slice %arg4[%mul3A_2] : memref<320000xi32, #tpu.memory_space<hbm>> -> memref<104xi32, #tpu.memory_space<hbm>>
      tpu.wait_dma2 semaphore(%arg25 : memref<!tpu.dma_semaphore, #tpu.memory_space<semaphore_mem>>) src(%dma_wait3A_137 : memref<104xi32, #tpu.memory_space<hbm>>) dst(%arg12 : memref<104xi32, #tpu.memory_space<vmem>>)
      %dma_start3A_138 = arith.constant 0 : i32
      %dma_start3A_139 = arith.constant 0 : i32
      %dma_start3A_140 = tpu.memref_slice %arg19[%dma_start3A_138, %dma_start3A_139] : memref<10240x128xf32, #tpu.memory_space<vmem_shared>> -> memref<10240x128xf32, #tpu.memory_space<vmem_shared>>
      tpu.enqueue_indirect_dma source(%arg15 : memref<104x128xf32, #tpu.memory_space<vmem>>) target(%dma_start3A_140 : memref<10240x128xf32, #tpu.memory_space<vmem_shared>>) offsets(%arg12 : memref<104xi32, #tpu.memory_space<vmem>>) semaphore(%arg31 : memref<!tpu.dma_semaphore, #tpu.memory_space<semaphore_mem>>) {add = true}
      %mul3A_141 = arith.constant 3 : i32
      %mul3A_142 = arith.muli %add3A_107, %mul3A_141 : i32
      %add3A_143 = arith.constant 1 : i32
      %add3A_144 = arith.addi %mul3A_142, %add3A_143 : i32
      %dma_wait3A_145 = arith.constant 0 : i32
      %dma_wait3A_146 = arith.constant 0 : i32
      %dma_wait3A_147 = tpu.memref_slice %arg19[%dma_wait3A_145, %dma_wait3A_146] : memref<10240x128xf32, #tpu.memory_space<vmem_shared>> -> memref<10240x128xf32, #tpu.memory_space<vmem_shared>>
      tpu.wait_indirect_dma semaphore(%arg30 : memref<!tpu.dma_semaphore, #tpu.memory_space<semaphore_mem>>) src(%arg14 : memref<104x128xf32, #tpu.memory_space<vmem>>) dst(%dma_wait3A_147 : memref<10240x128xf32, #tpu.memory_space<vmem_shared>>)
      %mul3A_148 = arith.constant 104 : i32
      %mul3A_149 = arith.muli %add3A_144, %mul3A_148 : i32
      %add3A_150 = arith.addi %mul3A_2, %mul3A_149 : i32
      %dma_start3A_151 = tpu.memref_slice %arg4[%add3A_150] : memref<320000xi32, #tpu.memory_space<hbm>> -> memref<104xi32, #tpu.memory_space<hbm>>
      %dma_start3A_152 = tpu.memref_slice %arg4[%add3A_150] : memref<320000xi32, #tpu.memory_space<hbm>> -> memref<104xi32, #tpu.memory_space<hbm>>
      tpu.enqueue_dma source(%dma_start3A_152 : memref<104xi32, #tpu.memory_space<hbm>>) target(%arg11 : memref<104xi32, #tpu.memory_space<vmem>>) target_semaphore(%arg24 : memref<!tpu.dma_semaphore, #tpu.memory_space<semaphore_mem>>)
      %add3A_153 = arith.constant 1 : i32
      %add3A_154 = arith.addi %add3A_144, %add3A_153 : i32
      %min3A_155 = arith.constant 95 : i32
      %min3A_156 = arith.minsi %add3A_154, %min3A_155 : i32
      %mul3A_157 = arith.constant 104 : i32
      %mul3A_158 = arith.muli %min3A_156, %mul3A_157 : i32
      %add3A_159 = arith.addi %mul3A_2, %mul3A_158 : i32
      %dma_start3A_160 = tpu.memref_slice %arg3[%add3A_159] : memref<320000xi32, #tpu.memory_space<hbm>> -> memref<104xi32, #tpu.memory_space<hbm>>
      %dma_start3A_161 = tpu.memref_slice %arg3[%add3A_159] : memref<320000xi32, #tpu.memory_space<hbm>> -> memref<104xi32, #tpu.memory_space<hbm>>
      tpu.enqueue_dma source(%dma_start3A_161 : memref<104xi32, #tpu.memory_space<hbm>>) target(%arg9 : memref<104xi32, #tpu.memory_space<vmem>>) target_semaphore(%arg22 : memref<!tpu.dma_semaphore, #tpu.memory_space<semaphore_mem>>)
      %dma_wait3A_162 = tpu.memref_slice %arg3[%mul3A_2] : memref<320000xi32, #tpu.memory_space<hbm>> -> memref<104xi32, #tpu.memory_space<hbm>>
      %dma_wait3A_163 = tpu.memref_slice %arg3[%mul3A_2] : memref<320000xi32, #tpu.memory_space<hbm>> -> memref<104xi32, #tpu.memory_space<hbm>>
      tpu.wait_dma2 semaphore(%arg21 : memref<!tpu.dma_semaphore, #tpu.memory_space<semaphore_mem>>) src(%dma_wait3A_163 : memref<104xi32, #tpu.memory_space<hbm>>) dst(%arg8 : memref<104xi32, #tpu.memory_space<vmem>>)
      %dma_start3A_164 = arith.constant 0 : i32
      %dma_start3A_165 = arith.constant 0 : i32
      %dma_start3A_166 = tpu.memref_slice %arg2[%dma_start3A_164, %dma_start3A_165] : memref<10000x128xf32, #tpu.memory_space<hbm>> -> memref<10000x128xf32, #tpu.memory_space<hbm>>
      tpu.enqueue_indirect_dma source(%dma_start3A_166 : memref<10000x128xf32, #tpu.memory_space<hbm>>) target(%arg14 : memref<104x128xf32, #tpu.memory_space<vmem>>) offsets(%arg8 : memref<104xi32, #tpu.memory_space<vmem>>) semaphore(%arg27 : memref<!tpu.dma_semaphore, #tpu.memory_space<semaphore_mem>>)
      %dma_wait3A_167 = arith.constant 0 : i32
      %dma_wait3A_168 = arith.constant 0 : i32
      %dma_wait3A_169 = tpu.memref_slice %arg2[%dma_wait3A_167, %dma_wait3A_168] : memref<10000x128xf32, #tpu.memory_space<hbm>> -> memref<10000x128xf32, #tpu.memory_space<hbm>>
      tpu.wait_indirect_dma semaphore(%arg26 : memref<!tpu.dma_semaphore, #tpu.memory_space<semaphore_mem>>) src(%dma_wait3A_169 : memref<10000x128xf32, #tpu.memory_space<hbm>>) dst(%arg13 : memref<104x128xf32, #tpu.memory_space<vmem>>)
      %dma_wait3A_170 = tpu.memref_slice %arg4[%mul3A_2] : memref<320000xi32, #tpu.memory_space<hbm>> -> memref<104xi32, #tpu.memory_space<hbm>>
      %dma_wait3A_171 = tpu.memref_slice %arg4[%mul3A_2] : memref<320000xi32, #tpu.memory_space<hbm>> -> memref<104xi32, #tpu.memory_space<hbm>>
      tpu.wait_dma2 semaphore(%arg23 : memref<!tpu.dma_semaphore, #tpu.memory_space<semaphore_mem>>) src(%dma_wait3A_171 : memref<104xi32, #tpu.memory_space<hbm>>) dst(%arg10 : memref<104xi32, #tpu.memory_space<vmem>>)
      %dma_start3A_172 = arith.constant 0 : i32
      %dma_start3A_173 = arith.constant 0 : i32
      %dma_start3A_174 = tpu.memref_slice %arg19[%dma_start3A_172, %dma_start3A_173] : memref<10240x128xf32, #tpu.memory_space<vmem_shared>> -> memref<10240x128xf32, #tpu.memory_space<vmem_shared>>
      tpu.enqueue_indirect_dma source(%arg13 : memref<104x128xf32, #tpu.memory_space<vmem>>) target(%dma_start3A_174 : memref<10240x128xf32, #tpu.memory_space<vmem_shared>>) offsets(%arg10 : memref<104xi32, #tpu.memory_space<vmem>>) semaphore(%arg29 : memref<!tpu.dma_semaphore, #tpu.memory_space<semaphore_mem>>) {add = true}
      %mul3A_175 = arith.constant 3 : i32
      %mul3A_176 = arith.muli %add3A_107, %mul3A_175 : i32
      %add3A_177 = arith.constant 2 : i32
      %add3A_178 = arith.addi %mul3A_176, %add3A_177 : i32
      %dma_wait3A_179 = arith.constant 0 : i32
      %dma_wait3A_180 = arith.constant 0 : i32
      %dma_wait3A_181 = tpu.memref_slice %arg19[%dma_wait3A_179, %dma_wait3A_180] : memref<10240x128xf32, #tpu.memory_space<vmem_shared>> -> memref<10240x128xf32, #tpu.memory_space<vmem_shared>>
      tpu.wait_indirect_dma semaphore(%arg31 : memref<!tpu.dma_semaphore, #tpu.memory_space<semaphore_mem>>) src(%arg15 : memref<104x128xf32, #tpu.memory_space<vmem>>) dst(%dma_wait3A_181 : memref<10240x128xf32, #tpu.memory_space<vmem_shared>>)
      %mul3A_182 = arith.constant 104 : i32
      %mul3A_183 = arith.muli %add3A_178, %mul3A_182 : i32
      %add3A_184 = arith.addi %mul3A_2, %mul3A_183 : i32
      %dma_start3A_185 = tpu.memref_slice %arg4[%add3A_184] : memref<320000xi32, #tpu.memory_space<hbm>> -> memref<104xi32, #tpu.memory_space<hbm>>
      %dma_start3A_186 = tpu.memref_slice %arg4[%add3A_184] : memref<320000xi32, #tpu.memory_space<hbm>> -> memref<104xi32, #tpu.memory_space<hbm>>
      tpu.enqueue_dma source(%dma_start3A_186 : memref<104xi32, #tpu.memory_space<hbm>>) target(%arg12 : memref<104xi32, #tpu.memory_space<vmem>>) target_semaphore(%arg25 : memref<!tpu.dma_semaphore, #tpu.memory_space<semaphore_mem>>)
      %add3A_187 = arith.constant 1 : i32
      %add3A_188 = arith.addi %add3A_178, %add3A_187 : i32
      %min3A_189 = arith.constant 95 : i32
      %min3A_190 = arith.minsi %add3A_188, %min3A_189 : i32
      %mul3A_191 = arith.constant 104 : i32
      %mul3A_192 = arith.muli %min3A_190, %mul3A_191 : i32
      %add3A_193 = arith.addi %mul3A_2, %mul3A_192 : i32
      %dma_start3A_194 = tpu.memref_slice %arg3[%add3A_193] : memref<320000xi32, #tpu.memory_space<hbm>> -> memref<104xi32, #tpu.memory_space<hbm>>
      %dma_start3A_195 = tpu.memref_slice %arg3[%add3A_193] : memref<320000xi32, #tpu.memory_space<hbm>> -> memref<104xi32, #tpu.memory_space<hbm>>
      tpu.enqueue_dma source(%dma_start3A_195 : memref<104xi32, #tpu.memory_space<hbm>>) target(%arg7 : memref<104xi32, #tpu.memory_space<vmem>>) target_semaphore(%arg20 : memref<!tpu.dma_semaphore, #tpu.memory_space<semaphore_mem>>)
      %dma_wait3A_196 = tpu.memref_slice %arg3[%mul3A_2] : memref<320000xi32, #tpu.memory_space<hbm>> -> memref<104xi32, #tpu.memory_space<hbm>>
      %dma_wait3A_197 = tpu.memref_slice %arg3[%mul3A_2] : memref<320000xi32, #tpu.memory_space<hbm>> -> memref<104xi32, #tpu.memory_space<hbm>>
      tpu.wait_dma2 semaphore(%arg22 : memref<!tpu.dma_semaphore, #tpu.memory_space<semaphore_mem>>) src(%dma_wait3A_197 : memref<104xi32, #tpu.memory_space<hbm>>) dst(%arg9 : memref<104xi32, #tpu.memory_space<vmem>>)
      %dma_start3A_198 = arith.constant 0 : i32
      %dma_start3A_199 = arith.constant 0 : i32
      %dma_start3A_200 = tpu.memref_slice %arg2[%dma_start3A_198, %dma_start3A_199] : memref<10000x128xf32, #tpu.memory_space<hbm>> -> memref<10000x128xf32, #tpu.memory_space<hbm>>
      tpu.enqueue_indirect_dma source(%dma_start3A_200 : memref<10000x128xf32, #tpu.memory_space<hbm>>) target(%arg15 : memref<104x128xf32, #tpu.memory_space<vmem>>) offsets(%arg9 : memref<104xi32, #tpu.memory_space<vmem>>) semaphore(%arg28 : memref<!tpu.dma_semaphore, #tpu.memory_space<semaphore_mem>>)
      %dma_wait3A_201 = arith.constant 0 : i32
      %dma_wait3A_202 = arith.constant 0 : i32
      %dma_wait3A_203 = tpu.memref_slice %arg2[%dma_wait3A_201, %dma_wait3A_202] : memref<10000x128xf32, #tpu.memory_space<hbm>> -> memref<10000x128xf32, #tpu.memory_space<hbm>>
      tpu.wait_indirect_dma semaphore(%arg27 : memref<!tpu.dma_semaphore, #tpu.memory_space<semaphore_mem>>) src(%dma_wait3A_203 : memref<10000x128xf32, #tpu.memory_space<hbm>>) dst(%arg14 : memref<104x128xf32, #tpu.memory_space<vmem>>)
      %dma_wait3A_204 = tpu.memref_slice %arg4[%mul3A_2] : memref<320000xi32, #tpu.memory_space<hbm>> -> memref<104xi32, #tpu.memory_space<hbm>>
      %dma_wait3A_205 = tpu.memref_slice %arg4[%mul3A_2] : memref<320000xi32, #tpu.memory_space<hbm>> -> memref<104xi32, #tpu.memory_space<hbm>>
      tpu.wait_dma2 semaphore(%arg24 : memref<!tpu.dma_semaphore, #tpu.memory_space<semaphore_mem>>) src(%dma_wait3A_205 : memref<104xi32, #tpu.memory_space<hbm>>) dst(%arg11 : memref<104xi32, #tpu.memory_space<vmem>>)
      %dma_start3A_206 = arith.constant 0 : i32
      %dma_start3A_207 = arith.constant 0 : i32
      %dma_start3A_208 = tpu.memref_slice %arg19[%dma_start3A_206, %dma_start3A_207] : memref<10240x128xf32, #tpu.memory_space<vmem_shared>> -> memref<10240x128xf32, #tpu.memory_space<vmem_shared>>
      tpu.enqueue_indirect_dma source(%arg14 : memref<104x128xf32, #tpu.memory_space<vmem>>) target(%dma_start3A_208 : memref<10240x128xf32, #tpu.memory_space<vmem_shared>>) offsets(%arg11 : memref<104xi32, #tpu.memory_space<vmem>>) semaphore(%arg30 : memref<!tpu.dma_semaphore, #tpu.memory_space<semaphore_mem>>) {add = true}
    }
    %scan3A_65 = arith.constant 31 : i32
    %dma_wait3A_66 = tpu.memref_slice %arg3[%mul3A_2] : memref<320000xi32, #tpu.memory_space<hbm>> -> memref<104xi32, #tpu.memory_space<hbm>>
    %dma_wait3A_67 = tpu.memref_slice %arg3[%mul3A_2] : memref<320000xi32, #tpu.memory_space<hbm>> -> memref<104xi32, #tpu.memory_space<hbm>>
    tpu.wait_dma2 semaphore(%arg20 : memref<!tpu.dma_semaphore, #tpu.memory_space<semaphore_mem>>) src(%dma_wait3A_67 : memref<104xi32, #tpu.memory_space<hbm>>) dst(%arg7 : memref<104xi32, #tpu.memory_space<vmem>>)
    %dma_wait3A_68 = arith.constant 0 : i32
    %dma_wait3A_69 = arith.constant 0 : i32
    %dma_wait3A_70 = tpu.memref_slice %arg2[%dma_wait3A_68, %dma_wait3A_69] : memref<10000x128xf32, #tpu.memory_space<hbm>> -> memref<10000x128xf32, #tpu.memory_space<hbm>>
    tpu.wait_indirect_dma semaphore(%arg28 : memref<!tpu.dma_semaphore, #tpu.memory_space<semaphore_mem>>) src(%dma_wait3A_70 : memref<10000x128xf32, #tpu.memory_space<hbm>>) dst(%arg15 : memref<104x128xf32, #tpu.memory_space<vmem>>)
    %dma_wait3A_71 = tpu.memref_slice %arg4[%mul3A_2] : memref<320000xi32, #tpu.memory_space<hbm>> -> memref<104xi32, #tpu.memory_space<hbm>>
    %dma_wait3A_72 = tpu.memref_slice %arg4[%mul3A_2] : memref<320000xi32, #tpu.memory_space<hbm>> -> memref<104xi32, #tpu.memory_space<hbm>>
    tpu.wait_dma2 semaphore(%arg25 : memref<!tpu.dma_semaphore, #tpu.memory_space<semaphore_mem>>) src(%dma_wait3A_72 : memref<104xi32, #tpu.memory_space<hbm>>) dst(%arg12 : memref<104xi32, #tpu.memory_space<vmem>>)
    %dma_start3A_73 = arith.constant 0 : i32
    %dma_start3A_74 = arith.constant 0 : i32
    %dma_start3A_75 = tpu.memref_slice %arg19[%dma_start3A_73, %dma_start3A_74] : memref<10240x128xf32, #tpu.memory_space<vmem_shared>> -> memref<10240x128xf32, #tpu.memory_space<vmem_shared>>
    tpu.enqueue_indirect_dma source(%arg15 : memref<104x128xf32, #tpu.memory_space<vmem>>) target(%dma_start3A_75 : memref<10240x128xf32, #tpu.memory_space<vmem_shared>>) offsets(%arg12 : memref<104xi32, #tpu.memory_space<vmem>>) semaphore(%arg31 : memref<!tpu.dma_semaphore, #tpu.memory_space<semaphore_mem>>) {add = true}
    %add3A_76 = arith.constant 9984 : i32
    %add3A_77 = arith.addi %mul3A_2, %add3A_76 : i32
    "tpu.region"() ({
      %run_scoped3A = tpu.sem_alloc : memref<!tpu.dma_semaphore, #tpu.memory_space<semaphore_mem>>
      %dma_start3A_103 = tpu.memref_slice %arg3[%add3A_77] : memref<320000xi32, #tpu.memory_space<hbm>> -> memref<16xi32, #tpu.memory_space<hbm>>
      %dma_start3A_104 = tpu.memref_slice %arg3[%add3A_77] : memref<320000xi32, #tpu.memory_space<hbm>> -> memref<16xi32, #tpu.memory_space<hbm>>
      tpu.enqueue_dma source(%dma_start3A_104 : memref<16xi32, #tpu.memory_space<hbm>>) target(%arg16 : memref<16xi32, #tpu.memory_space<vmem>>) target_semaphore(%run_scoped3A : memref<!tpu.dma_semaphore, #tpu.memory_space<semaphore_mem>>)
      %dma_wait3A_105 = tpu.memref_slice %arg3[%add3A_77] : memref<320000xi32, #tpu.memory_space<hbm>> -> memref<16xi32, #tpu.memory_space<hbm>>
      %dma_wait3A_106 = tpu.memref_slice %arg3[%add3A_77] : memref<320000xi32, #tpu.memory_space<hbm>> -> memref<16xi32, #tpu.memory_space<hbm>>
      tpu.wait_dma2 semaphore(%run_scoped3A : memref<!tpu.dma_semaphore, #tpu.memory_space<semaphore_mem>>) src(%dma_wait3A_106 : memref<16xi32, #tpu.memory_space<hbm>>) dst(%arg16 : memref<16xi32, #tpu.memory_space<vmem>>)
      tpu.yield
    }) : () -> ()
    %add3A_78 = arith.constant 9984 : i32
    %add3A_79 = arith.addi %mul3A_2, %add3A_78 : i32
    "tpu.region"() ({
      %run_scoped3A = tpu.sem_alloc : memref<!tpu.dma_semaphore, #tpu.memory_space<semaphore_mem>>
      %dma_start3A_103 = tpu.memref_slice %arg4[%add3A_79] : memref<320000xi32, #tpu.memory_space<hbm>> -> memref<16xi32, #tpu.memory_space<hbm>>
      %dma_start3A_104 = tpu.memref_slice %arg4[%add3A_79] : memref<320000xi32, #tpu.memory_space<hbm>> -> memref<16xi32, #tpu.memory_space<hbm>>
      tpu.enqueue_dma source(%dma_start3A_104 : memref<16xi32, #tpu.memory_space<hbm>>) target(%arg17 : memref<16xi32, #tpu.memory_space<vmem>>) target_semaphore(%run_scoped3A : memref<!tpu.dma_semaphore, #tpu.memory_space<semaphore_mem>>)
      %dma_wait3A_105 = tpu.memref_slice %arg4[%add3A_79] : memref<320000xi32, #tpu.memory_space<hbm>> -> memref<16xi32, #tpu.memory_space<hbm>>
      %dma_wait3A_106 = tpu.memref_slice %arg4[%add3A_79] : memref<320000xi32, #tpu.memory_space<hbm>> -> memref<16xi32, #tpu.memory_space<hbm>>
      tpu.wait_dma2 semaphore(%run_scoped3A : memref<!tpu.dma_semaphore, #tpu.memory_space<semaphore_mem>>) src(%dma_wait3A_106 : memref<16xi32, #tpu.memory_space<hbm>>) dst(%arg17 : memref<16xi32, #tpu.memory_space<vmem>>)
      tpu.yield
    }) : () -> ()
    %dma_start3A_80 = arith.constant 0 : i32
    %dma_start3A_81 = arith.constant 0 : i32
    %dma_start3A_82 = tpu.memref_slice %arg2[%dma_start3A_80, %dma_start3A_81] : memref<10000x128xf32, #tpu.memory_space<hbm>> -> memref<10000x128xf32, #tpu.memory_space<hbm>>
    tpu.enqueue_indirect_dma source(%dma_start3A_82 : memref<10000x128xf32, #tpu.memory_space<hbm>>) target(%arg18 : memref<16x128xf32, #tpu.memory_space<vmem>>) offsets(%arg16 : memref<16xi32, #tpu.memory_space<vmem>>) semaphore(%arg32 : memref<!tpu.dma_semaphore, #tpu.memory_space<semaphore_mem>>)
    %dma_wait3A_83 = arith.constant 0 : i32
    %dma_wait3A_84 = arith.constant 0 : i32
    %dma_wait3A_85 = tpu.memref_slice %arg2[%dma_wait3A_83, %dma_wait3A_84] : memref<10000x128xf32, #tpu.memory_space<hbm>> -> memref<10000x128xf32, #tpu.memory_space<hbm>>
    tpu.wait_indirect_dma semaphore(%arg32 : memref<!tpu.dma_semaphore, #tpu.memory_space<semaphore_mem>>) src(%dma_wait3A_85 : memref<10000x128xf32, #tpu.memory_space<hbm>>) dst(%arg18 : memref<16x128xf32, #tpu.memory_space<vmem>>)
    "tpu.region"() ({
      %run_scoped3A = tpu.sem_alloc : memref<!tpu.dma_semaphore, #tpu.memory_space<semaphore_mem>>
      %dma_start3A_103 = arith.constant 0 : i32
      %dma_start3A_104 = arith.constant 0 : i32
      %dma_start3A_105 = tpu.memref_slice %arg19[%dma_start3A_103, %dma_start3A_104] : memref<10240x128xf32, #tpu.memory_space<vmem_shared>> -> memref<10240x128xf32, #tpu.memory_space<vmem_shared>>
      tpu.enqueue_indirect_dma source(%arg18 : memref<16x128xf32, #tpu.memory_space<vmem>>) target(%dma_start3A_105 : memref<10240x128xf32, #tpu.memory_space<vmem_shared>>) offsets(%arg17 : memref<16xi32, #tpu.memory_space<vmem>>) semaphore(%run_scoped3A : memref<!tpu.dma_semaphore, #tpu.memory_space<semaphore_mem>>) {add = true}
      %dma_wait3A_106 = arith.constant 0 : i32
      %dma_wait3A_107 = arith.constant 0 : i32
      %dma_wait3A_108 = tpu.memref_slice %arg19[%dma_wait3A_106, %dma_wait3A_107] : memref<10240x128xf32, #tpu.memory_space<vmem_shared>> -> memref<10240x128xf32, #tpu.memory_space<vmem_shared>>
      tpu.wait_indirect_dma semaphore(%run_scoped3A : memref<!tpu.dma_semaphore, #tpu.memory_space<semaphore_mem>>) src(%arg18 : memref<16x128xf32, #tpu.memory_space<vmem>>) dst(%dma_wait3A_108 : memref<10240x128xf32, #tpu.memory_space<vmem_shared>>)
      tpu.yield
    }) : () -> ()
    %dma_wait3A_86 = arith.constant 0 : i32
    %dma_wait3A_87 = arith.constant 0 : i32
    %dma_wait3A_88 = tpu.memref_slice %arg19[%dma_wait3A_86, %dma_wait3A_87] : memref<10240x128xf32, #tpu.memory_space<vmem_shared>> -> memref<10240x128xf32, #tpu.memory_space<vmem_shared>>
    tpu.wait_indirect_dma semaphore(%arg29 : memref<!tpu.dma_semaphore, #tpu.memory_space<semaphore_mem>>) src(%arg13 : memref<104x128xf32, #tpu.memory_space<vmem>>) dst(%dma_wait3A_88 : memref<10240x128xf32, #tpu.memory_space<vmem_shared>>)
    %dma_wait3A_89 = arith.constant 0 : i32
    %dma_wait3A_90 = arith.constant 0 : i32
    %dma_wait3A_91 = tpu.memref_slice %arg19[%dma_wait3A_89, %dma_wait3A_90] : memref<10240x128xf32, #tpu.memory_space<vmem_shared>> -> memref<10240x128xf32, #tpu.memory_space<vmem_shared>>
    tpu.wait_indirect_dma semaphore(%arg30 : memref<!tpu.dma_semaphore, #tpu.memory_space<semaphore_mem>>) src(%arg14 : memref<104x128xf32, #tpu.memory_space<vmem>>) dst(%dma_wait3A_91 : memref<10240x128xf32, #tpu.memory_space<vmem_shared>>)
    %dma_wait3A_92 = arith.constant 0 : i32
    %dma_wait3A_93 = arith.constant 0 : i32
    %dma_wait3A_94 = tpu.memref_slice %arg19[%dma_wait3A_92, %dma_wait3A_93] : memref<10240x128xf32, #tpu.memory_space<vmem_shared>> -> memref<10240x128xf32, #tpu.memory_space<vmem_shared>>
    tpu.wait_indirect_dma semaphore(%arg31 : memref<!tpu.dma_semaphore, #tpu.memory_space<semaphore_mem>>) src(%arg15 : memref<104x128xf32, #tpu.memory_space<vmem>>) dst(%dma_wait3A_94 : memref<10240x128xf32, #tpu.memory_space<vmem_shared>>)
    %barrier3A_95 = arith.constant 0 : index
    tpu.barrier barrier_id(%barrier3A_95)
    %mul3A_96 = arith.constant 640 : i32
    %mul3A_97 = arith.muli %arg1, %mul3A_96 : i32
    %mul3A_98 = arith.constant 10240 : i32
    %mul3A_99 = arith.muli %arg0, %mul3A_98 : i32
    %mul3A_100 = arith.constant 640 : i32
    %mul3A_101 = arith.muli %arg1, %mul3A_100 : i32
    %add3A_102 = arith.addi %mul3A_99, %mul3A_101 : i32
    "tpu.region"() ({
      %run_scoped3A = tpu.sem_alloc : memref<!tpu.dma_semaphore, #tpu.memory_space<semaphore_mem>>
      %dma_start3A_103 = arith.constant 0 : i32
      %dma_start3A_104 = tpu.memref_slice %arg6[%add3A_102, %dma_start3A_103] : memref<20480x128xf32, #tpu.memory_space<hbm>> -> memref<640x128xf32, #tpu.memory_space<hbm>>
      %dma_start3A_105 = arith.constant 0 : i32
      %dma_start3A_106 = tpu.memref_slice %arg19[%mul3A_97, %dma_start3A_105] : memref<10240x128xf32, #tpu.memory_space<vmem_shared>> -> memref<640x128xf32, #tpu.memory_space<vmem_shared>>
      tpu.enqueue_dma source(%dma_start3A_106 : memref<640x128xf32, #tpu.memory_space<vmem_shared>>) target(%dma_start3A_104 : memref<640x128xf32, #tpu.memory_space<hbm>>) target_semaphore(%run_scoped3A : memref<!tpu.dma_semaphore, #tpu.memory_space<semaphore_mem>>)
      %dma_wait3A_107 = arith.constant 0 : i32
      %dma_wait3A_108 = tpu.memref_slice %arg6[%add3A_102, %dma_wait3A_107] : memref<20480x128xf32, #tpu.memory_space<hbm>> -> memref<640x128xf32, #tpu.memory_space<hbm>>
      %dma_wait3A_109 = arith.constant 0 : i32
      %dma_wait3A_110 = tpu.memref_slice %arg19[%mul3A_97, %dma_wait3A_109] : memref<10240x128xf32, #tpu.memory_space<vmem_shared>> -> memref<640x128xf32, #tpu.memory_space<vmem_shared>>
      tpu.wait_dma2 semaphore(%run_scoped3A : memref<!tpu.dma_semaphore, #tpu.memory_space<semaphore_mem>>) src(%dma_wait3A_110 : memref<640x128xf32, #tpu.memory_space<vmem_shared>>) dst(%dma_wait3A_108 : memref<640x128xf32, #tpu.memory_space<hbm>>)
      tpu.yield
    }) : () -> ()
    return
  }
}

#map = affine_map<(d0, d1) -> (0, 0)>
#map1 = affine_map<(d0, d1) -> (0)>
module attributes {stable_mosaic.version = 14 : i64} {
  func.func @k(%arg0: i32, %arg1: i32, %arg2: memref<10000x128xf32, #tpu.memory_space<hbm>>, %arg3: memref<320000xi32, #tpu.memory_space<hbm>>, %arg4: memref<320000xi32, #tpu.memory_space<hbm>>, %arg5: memref<640x128xf32, #tpu.memory_space<hbm>>, %arg6: memref<20480x128xf32, #tpu.memory_space<hbm>>, %arg7: memref<104xi32, #tpu.memory_space<vmem>>, %arg8: memref<104xi32, #tpu.memory_space<vmem>>, %arg9: memref<104xi32, #tpu.memory_space<vmem>>, %arg10: memref<104xi32, #tpu.memory_space<vmem>>, %arg11: memref<104xi32, #tpu.memory_space<vmem>>, %arg12: memref<104xi32, #tpu.memory_space<vmem>>, %arg13: memref<104x128xf32, #tpu.memory_space<vmem>>, %arg14: memref<104x128xf32, #tpu.memory_space<vmem>>, %arg15: memref<104x128xf32, #tpu.memory_space<vmem>>, %arg16: memref<16xi32, #tpu.memory_space<vmem>>, %arg17: memref<16xi32, #tpu.memory_space<vmem>>, %arg18: memref<16x128xf32, #tpu.memory_space<vmem>>, %arg19: memref<10240x128xf32, #tpu.memory_space<vmem_shared>>, %arg20: memref<!tpu.dma_semaphore, #tpu.memory_space<semaphore_mem>>, %arg21: memref<!tpu.dma_semaphore, #tpu.memory_space<semaphore_mem>>, %arg22: memref<!tpu.dma_semaphore, #tpu.memory_space<semaphore_mem>>, %arg23: memref<!tpu.dma_semaphore, #tpu.memory_space<semaphore_mem>>, %arg24: memref<!tpu.dma_semaphore, #tpu.memory_space<semaphore_mem>>, %arg25: memref<!tpu.dma_semaphore, #tpu.memory_space<semaphore_mem>>, %arg26: memref<!tpu.dma_semaphore, #tpu.memory_space<semaphore_mem>>, %arg27: memref<!tpu.dma_semaphore, #tpu.memory_space<semaphore_mem>>, %arg28: memref<!tpu.dma_semaphore, #tpu.memory_space<semaphore_mem>>, %arg29: memref<!tpu.dma_semaphore, #tpu.memory_space<semaphore_mem>>, %arg30: memref<!tpu.dma_semaphore, #tpu.memory_space<semaphore_mem>>, %arg31: memref<!tpu.dma_semaphore, #tpu.memory_space<semaphore_mem>>, %arg32: memref<!tpu.dma_semaphore, #tpu.memory_space<semaphore_mem>>) attributes {dimension_semantics = [#tpu.dimension_semantics<core_parallel>, #tpu.dimension_semantics<subcore_parallel>], iteration_bounds = array<i64: 2, 16>, scalar_prefetch = 0 : i64, scratch_operands = 26 : i64, tpu.core_type = #tpu.core_type<sc_vector_subcore>, window_params = [{transform_indices = #map}, {transform_indices = #map1}, {transform_indices = #map1}, {transform_indices = #map}, {transform_indices = #map}]} {
    %mul3A = arith.constant 2 : i32
    %mul3A_0 = arith.muli %arg1, %mul3A : i32
    %add3A = arith.addi %mul3A_0, %arg0 : i32
    %mul3A_1 = arith.constant 10000 : i32
    %mul3A_2 = arith.muli %add3A, %mul3A_1 : i32
    %mul3A_3 = arith.constant 640 : i32
    %mul3A_4 = arith.muli %arg1, %mul3A_3 : i32
    "tpu.region"() ({
      %run_scoped3A = tpu.sem_alloc : memref<!tpu.dma_semaphore, #tpu.memory_space<semaphore_mem>>
      %dma_start3A_103 = arith.constant 0 : i32
      %dma_start3A_104 = tpu.memref_slice %arg19[%mul3A_4, %dma_start3A_103] : memref<10240x128xf32, #tpu.memory_space<vmem_shared>> -> memref<640x128xf32, #tpu.memory_space<vmem_shared>>
      tpu.enqueue_dma source(%arg5 : memref<640x128xf32, #tpu.memory_space<hbm>>) target(%dma_start3A_104 : memref<640x128xf32, #tpu.memory_space<vmem_shared>>) target_semaphore(%run_scoped3A : memref<!tpu.dma_semaphore, #tpu.memory_space<semaphore_mem>>)
      %dma_wait3A_105 = arith.constant 0 : i32
      %dma_wait3A_106 = tpu.memref_slice %arg19[%mul3A_4, %dma_wait3A_105] : memref<10240x128xf32, #tpu.memory_space<vmem_shared>> -> memref<640x128xf32, #tpu.memory_space<vmem_shared>>
      tpu.wait_dma2 semaphore(%run_scoped3A : memref<!tpu.dma_semaphore, #tpu.memory_space<semaphore_mem>>) src(%arg5 : memref<640x128xf32, #tpu.memory_space<hbm>>) dst(%dma_wait3A_106 : memref<640x128xf32, #tpu.memory_space<vmem_shared>>)
      tpu.yield
    }) : () -> ()
    %barrier3A = arith.constant 0 : index
    tpu.barrier barrier_id(%barrier3A)
    %add3A_5 = arith.constant 0 : i32
    %add3A_6 = arith.addi %mul3A_2, %add3A_5 : i32
    %dma_start3A = tpu.memref_slice %arg3[%add3A_6] : memref<320000xi32, #tpu.memory_space<hbm>> -> memref<104xi32, #tpu.memory_space<hbm>>
    %dma_start3A_7 = tpu.memref_slice %arg3[%add3A_6] : memref<320000xi32, #tpu.memory_space<hbm>> -> memref<104xi32, #tpu.memory_space<hbm>>
    tpu.enqueue_dma source(%dma_start3A_7 : memref<104xi32, #tpu.memory_space<hbm>>) target(%arg7 : memref<104xi32, #tpu.memory_space<vmem>>) target_semaphore(%arg20 : memref<!tpu.dma_semaphore, #tpu.memory_space<semaphore_mem>>)
    %add3A_8 = arith.constant 0 : i32
    %add3A_9 = arith.addi %mul3A_2, %add3A_8 : i32
    %dma_start3A_10 = tpu.memref_slice %arg4[%add3A_9] : memref<320000xi32, #tpu.memory_space<hbm>> -> memref<104xi32, #tpu.memory_space<hbm>>
    %dma_start3A_11 = tpu.memref_slice %arg4[%add3A_9] : memref<320000xi32, #tpu.memory_space<hbm>> -> memref<104xi32, #tpu.memory_space<hbm>>
    tpu.enqueue_dma source(%dma_start3A_11 : memref<104xi32, #tpu.memory_space<hbm>>) target(%arg10 : memref<104xi32, #tpu.memory_space<vmem>>) target_semaphore(%arg23 : memref<!tpu.dma_semaphore, #tpu.memory_space<semaphore_mem>>)
    %dma_wait3A = tpu.memref_slice %arg3[%mul3A_2] : memref<320000xi32, #tpu.memory_space<hbm>> -> memref<104xi32, #tpu.memory_space<hbm>>
    %dma_wait3A_12 = tpu.memref_slice %arg3[%mul3A_2] : memref<320000xi32, #tpu.memory_space<hbm>> -> memref<104xi32, #tpu.memory_space<hbm>>
    tpu.wait_dma2 semaphore(%arg20 : memref<!tpu.dma_semaphore, #tpu.memory_space<semaphore_mem>>) src(%dma_wait3A_12 : memref<104xi32, #tpu.memory_space<hbm>>) dst(%arg7 : memref<104xi32, #tpu.memory_space<vmem>>)
    %dma_start3A_13 = arith.constant 0 : i32
    %dma_start3A_14 = arith.constant 0 : i32
    %dma_start3A_15 = tpu.memref_slice %arg2[%dma_start3A_13, %dma_start3A_14] : memref<10000x128xf32, #tpu.memory_space<hbm>> -> memref<10000x128xf32, #tpu.memory_space<hbm>>
    tpu.enqueue_indirect_dma source(%dma_start3A_15 : memref<10000x128xf32, #tpu.memory_space<hbm>>) target(%arg13 : memref<104x128xf32, #tpu.memory_space<vmem>>) offsets(%arg7 : memref<104xi32, #tpu.memory_space<vmem>>) semaphore(%arg26 : memref<!tpu.dma_semaphore, #tpu.memory_space<semaphore_mem>>)
    %add3A_16 = arith.constant 104 : i32
    %add3A_17 = arith.addi %mul3A_2, %add3A_16 : i32
    %dma_start3A_18 = tpu.memref_slice %arg3[%add3A_17] : memref<320000xi32, #tpu.memory_space<hbm>> -> memref<104xi32, #tpu.memory_space<hbm>>
    %dma_start3A_19 = tpu.memref_slice %arg3[%add3A_17] : memref<320000xi32, #tpu.memory_space<hbm>> -> memref<104xi32, #tpu.memory_space<hbm>>
    tpu.enqueue_dma source(%dma_start3A_19 : memref<104xi32, #tpu.memory_space<hbm>>) target(%arg8 : memref<104xi32, #tpu.memory_space<vmem>>) target_semaphore(%arg21 : memref<!tpu.dma_semaphore, #tpu.memory_space<semaphore_mem>>)
    %add3A_20 = arith.constant 104 : i32
    %add3A_21 = arith.addi %mul3A_2, %add3A_20 : i32
    %dma_start3A_22 = tpu.memref_slice %arg4[%add3A_21] : memref<320000xi32, #tpu.memory_space<hbm>> -> memref<104xi32, #tpu.memory_space<hbm>>
    %dma_start3A_23 = tpu.memref_slice %arg4[%add3A_21] : memref<320000xi32, #tpu.memory_space<hbm>> -> memref<104xi32, #tpu.memory_space<hbm>>
    tpu.enqueue_dma source(%dma_start3A_23 : memref<104xi32, #tpu.memory_space<hbm>>) target(%arg11 : memref<104xi32, #tpu.memory_space<vmem>>) target_semaphore(%arg24 : memref<!tpu.dma_semaphore, #tpu.memory_space<semaphore_mem>>)
    %dma_wait3A_24 = arith.constant 0 : i32
    %dma_wait3A_25 = arith.constant 0 : i32
    %dma_wait3A_26 = tpu.memref_slice %arg2[%dma_wait3A_24, %dma_wait3A_25] : memref<10000x128xf32, #tpu.memory_space<hbm>> -> memref<10000x128xf32, #tpu.memory_space<hbm>>
    tpu.wait_indirect_dma semaphore(%arg26 : memref<!tpu.dma_semaphore, #tpu.memory_space<semaphore_mem>>) src(%dma_wait3A_26 : memref<10000x128xf32, #tpu.memory_space<hbm>>) dst(%arg13 : memref<104x128xf32, #tpu.memory_space<vmem>>)
    %dma_wait3A_27 = tpu.memref_slice %arg4[%mul3A_2] : memref<320000xi32, #tpu.memory_space<hbm>> -> memref<104xi32, #tpu.memory_space<hbm>>
    %dma_wait3A_28 = tpu.memref_slice %arg4[%mul3A_2] : memref<320000xi32, #tpu.memory_space<hbm>> -> memref<104xi32, #tpu.memory_space<hbm>>
    tpu.wait_dma2 semaphore(%arg23 : memref<!tpu.dma_semaphore, #tpu.memory_space<semaphore_mem>>) src(%dma_wait3A_28 : memref<104xi32, #tpu.memory_space<hbm>>) dst(%arg10 : memref<104xi32, #tpu.memory_space<vmem>>)
    %dma_start3A_29 = arith.constant 0 : i32
    %dma_start3A_30 = arith.constant 0 : i32
    %dma_start3A_31 = tpu.memref_slice %arg19[%dma_start3A_29, %dma_start3A_30] : memref<10240x128xf32, #tpu.memory_space<vmem_shared>> -> memref<10240x128xf32, #tpu.memory_space<vmem_shared>>
    tpu.enqueue_indirect_dma source(%arg13 : memref<104x128xf32, #tpu.memory_space<vmem>>) target(%dma_start3A_31 : memref<10240x128xf32, #tpu.memory_space<vmem_shared>>) offsets(%arg10 : memref<104xi32, #tpu.memory_space<vmem>>) semaphore(%arg29 : memref<!tpu.dma_semaphore, #tpu.memory_space<semaphore_mem>>) {add = true}
    %dma_wait3A_32 = tpu.memref_slice %arg3[%mul3A_2] : memref<320000xi32, #tpu.memory_space<hbm>> -> memref<104xi32, #tpu.memory_space<hbm>>
    %dma_wait3A_33 = tpu.memref_slice %arg3[%mul3A_2] : memref<320000xi32, #tpu.memory_space<hbm>> -> memref<104xi32, #tpu.memory_space<hbm>>
    tpu.wait_dma2 semaphore(%arg21 : memref<!tpu.dma_semaphore, #tpu.memory_space<semaphore_mem>>) src(%dma_wait3A_33 : memref<104xi32, #tpu.memory_space<hbm>>) dst(%arg8 : memref<104xi32, #tpu.memory_space<vmem>>)
    %dma_start3A_34 = arith.constant 0 : i32
    %dma_start3A_35 = arith.constant 0 : i32
    %dma_start3A_36 = tpu.memref_slice %arg2[%dma_start3A_34, %dma_start3A_35] : memref<10000x128xf32, #tpu.memory_space<hbm>> -> memref<10000x128xf32, #tpu.memory_space<hbm>>
    tpu.enqueue_indirect_dma source(%dma_start3A_36 : memref<10000x128xf32, #tpu.memory_space<hbm>>) target(%arg14 : memref<104x128xf32, #tpu.memory_space<vmem>>) offsets(%arg8 : memref<104xi32, #tpu.memory_space<vmem>>) semaphore(%arg27 : memref<!tpu.dma_semaphore, #tpu.memory_space<semaphore_mem>>)
    %add3A_37 = arith.constant 208 : i32
    %add3A_38 = arith.addi %mul3A_2, %add3A_37 : i32
    %dma_start3A_39 = tpu.memref_slice %arg3[%add3A_38] : memref<320000xi32, #tpu.memory_space<hbm>> -> memref<104xi32, #tpu.memory_space<hbm>>
    %dma_start3A_40 = tpu.memref_slice %arg3[%add3A_38] : memref<320000xi32, #tpu.memory_space<hbm>> -> memref<104xi32, #tpu.memory_space<hbm>>
    tpu.enqueue_dma source(%dma_start3A_40 : memref<104xi32, #tpu.memory_space<hbm>>) target(%arg9 : memref<104xi32, #tpu.memory_space<vmem>>) target_semaphore(%arg22 : memref<!tpu.dma_semaphore, #tpu.memory_space<semaphore_mem>>)
    %add3A_41 = arith.constant 208 : i32
    %add3A_42 = arith.addi %mul3A_2, %add3A_41 : i32
    %dma_start3A_43 = tpu.memref_slice %arg4[%add3A_42] : memref<320000xi32, #tpu.memory_space<hbm>> -> memref<104xi32, #tpu.memory_space<hbm>>
    %dma_start3A_44 = tpu.memref_slice %arg4[%add3A_42] : memref<320000xi32, #tpu.memory_space<hbm>> -> memref<104xi32, #tpu.memory_space<hbm>>
    tpu.enqueue_dma source(%dma_start3A_44 : memref<104xi32, #tpu.memory_space<hbm>>) target(%arg12 : memref<104xi32, #tpu.memory_space<vmem>>) target_semaphore(%arg25 : memref<!tpu.dma_semaphore, #tpu.memory_space<semaphore_mem>>)
    %dma_wait3A_45 = arith.constant 0 : i32
    %dma_wait3A_46 = arith.constant 0 : i32
    %dma_wait3A_47 = tpu.memref_slice %arg2[%dma_wait3A_45, %dma_wait3A_46] : memref<10000x128xf32, #tpu.memory_space<hbm>> -> memref<10000x128xf32, #tpu.memory_space<hbm>>
    tpu.wait_indirect_dma semaphore(%arg27 : memref<!tpu.dma_semaphore, #tpu.memory_space<semaphore_mem>>) src(%dma_wait3A_47 : memref<10000x128xf32, #tpu.memory_space<hbm>>) dst(%arg14 : memref<104x128xf32, #tpu.memory_space<vmem>>)
    %dma_wait3A_48 = tpu.memref_slice %arg4[%mul3A_2] : memref<320000xi32, #tpu.memory_space<hbm>> -> memref<104xi32, #tpu.memory_space<hbm>>
    %dma_wait3A_49 = tpu.memref_slice %arg4[%mul3A_2] : memref<320000xi32, #tpu.memory_space<hbm>> -> memref<104xi32, #tpu.memory_space<hbm>>
    tpu.wait_dma2 semaphore(%arg24 : memref<!tpu.dma_semaphore, #tpu.memory_space<semaphore_mem>>) src(%dma_wait3A_49 : memref<104xi32, #tpu.memory_space<hbm>>) dst(%arg11 : memref<104xi32, #tpu.memory_space<vmem>>)
    %dma_start3A_50 = arith.constant 0 : i32
    %dma_start3A_51 = arith.constant 0 : i32
    %dma_start3A_52 = tpu.memref_slice %arg19[%dma_start3A_50, %dma_start3A_51] : memref<10240x128xf32, #tpu.memory_space<vmem_shared>> -> memref<10240x128xf32, #tpu.memory_space<vmem_shared>>
    tpu.enqueue_indirect_dma source(%arg14 : memref<104x128xf32, #tpu.memory_space<vmem>>) target(%dma_start3A_52 : memref<10240x128xf32, #tpu.memory_space<vmem_shared>>) offsets(%arg11 : memref<104xi32, #tpu.memory_space<vmem>>) semaphore(%arg30 : memref<!tpu.dma_semaphore, #tpu.memory_space<semaphore_mem>>) {add = true}
    %dma_wait3A_53 = tpu.memref_slice %arg3[%mul3A_2] : memref<320000xi32, #tpu.memory_space<hbm>> -> memref<104xi32, #tpu.memory_space<hbm>>
    %dma_wait3A_54 = tpu.memref_slice %arg3[%mul3A_2] : memref<320000xi32, #tpu.memory_space<hbm>> -> memref<104xi32, #tpu.memory_space<hbm>>
    tpu.wait_dma2 semaphore(%arg22 : memref<!tpu.dma_semaphore, #tpu.memory_space<semaphore_mem>>) src(%dma_wait3A_54 : memref<104xi32, #tpu.memory_space<hbm>>) dst(%arg9 : memref<104xi32, #tpu.memory_space<vmem>>)
    %dma_start3A_55 = arith.constant 0 : i32
    %dma_start3A_56 = arith.constant 0 : i32
    %dma_start3A_57 = tpu.memref_slice %arg2[%dma_start3A_55, %dma_start3A_56] : memref<10000x128xf32, #tpu.memory_space<hbm>> -> memref<10000x128xf32, #tpu.memory_space<hbm>>
    tpu.enqueue_indirect_dma source(%dma_start3A_57 : memref<10000x128xf32, #tpu.memory_space<hbm>>) target(%arg15 : memref<104x128xf32, #tpu.memory_space<vmem>>) offsets(%arg9 : memref<104xi32, #tpu.memory_space<vmem>>) semaphore(%arg28 : memref<!tpu.dma_semaphore, #tpu.memory_space<semaphore_mem>>)
    %add3A_58 = arith.constant 312 : i32
    %add3A_59 = arith.addi %mul3A_2, %add3A_58 : i32
    %dma_start3A_60 = tpu.memref_slice %arg3[%add3A_59] : memref<320000xi32, #tpu.memory_space<hbm>> -> memref<104xi32, #tpu.memory_space<hbm>>
    %dma_start3A_61 = tpu.memref_slice %arg3[%add3A_59] : memref<320000xi32, #tpu.memory_space<hbm>> -> memref<104xi32, #tpu.memory_space<hbm>>
    tpu.enqueue_dma source(%dma_start3A_61 : memref<104xi32, #tpu.memory_space<hbm>>) target(%arg7 : memref<104xi32, #tpu.memory_space<vmem>>) target_semaphore(%arg20 : memref<!tpu.dma_semaphore, #tpu.memory_space<semaphore_mem>>)
    %scan3A = arith.constant 0 : i32
    %scan3A_62 = arith.constant 31 : i32
    %scan3A_63 = arith.addi %scan3A, %scan3A_62 : i32
    %scan3A_64 = arith.constant 1 : i32
    scf.for %scan3A_103 = %scan3A to %scan3A_63 step %scan3A_64  : i32 {
      %mul3A_104 = arith.constant 1 : i32
      %mul3A_105 = arith.muli %scan3A_103, %mul3A_104 : i32
      %add3A_106 = arith.constant 1 : i32
      %add3A_107 = arith.addi %add3A_106, %mul3A_105 : i32
      %mul3A_108 = arith.constant 3 : i32
      %mul3A_109 = arith.muli %add3A_107, %mul3A_108 : i32
      %add3A_110 = arith.constant 0 : i32
      %add3A_111 = arith.addi %mul3A_109, %add3A_110 : i32
      %dma_wait3A_112 = arith.constant 0 : i32
      %dma_wait3A_113 = arith.constant 0 : i32
      %dma_wait3A_114 = tpu.memref_slice %arg19[%dma_wait3A_112, %dma_wait3A_113] : memref<10240x128xf32, #tpu.memory_space<vmem_shared>> -> memref<10240x128xf32, #tpu.memory_space<vmem_shared>>
      tpu.wait_indirect_dma semaphore(%arg29 : memref<!tpu.dma_semaphore, #tpu.memory_space<semaphore_mem>>) src(%arg13 : memref<104x128xf32, #tpu.memory_space<vmem>>) dst(%dma_wait3A_114 : memref<10240x128xf32, #tpu.memory_space<vmem_shared>>)
      %mul3A_115 = arith.constant 104 : i32
      %mul3A_116 = arith.muli %add3A_111, %mul3A_115 : i32
      %add3A_117 = arith.addi %mul3A_2, %mul3A_116 : i32
      %dma_start3A_118 = tpu.memref_slice %arg4[%add3A_117] : memref<320000xi32, #tpu.memory_space<hbm>> -> memref<104xi32, #tpu.memory_space<hbm>>
      %dma_start3A_119 = tpu.memref_slice %arg4[%add3A_117] : memref<320000xi32, #tpu.memory_space<hbm>> -> memref<104xi32, #tpu.memory_space<hbm>>
      tpu.enqueue_dma source(%dma_start3A_119 : memref<104xi32, #tpu.memory_space<hbm>>) target(%arg10 : memref<104xi32, #tpu.memory_space<vmem>>) target_semaphore(%arg23 : memref<!tpu.dma_semaphore, #tpu.memory_space<semaphore_mem>>)
      %add3A_120 = arith.constant 1 : i32
      %add3A_121 = arith.addi %add3A_111, %add3A_120 : i32
      %min3A = arith.constant 95 : i32
      %min3A_122 = arith.minsi %add3A_121, %min3A : i32
      %mul3A_123 = arith.constant 104 : i32
      %mul3A_124 = arith.muli %min3A_122, %mul3A_123 : i32
      %add3A_125 = arith.addi %mul3A_2, %mul3A_124 : i32
      %dma_start3A_126 = tpu.memref_slice %arg3[%add3A_125] : memref<320000xi32, #tpu.memory_space<hbm>> -> memref<104xi32, #tpu.memory_space<hbm>>
      %dma_start3A_127 = tpu.memref_slice %arg3[%add3A_125] : memref<320000xi32, #tpu.memory_space<hbm>> -> memref<104xi32, #tpu.memory_space<hbm>>
      tpu.enqueue_dma source(%dma_start3A_127 : memref<104xi32, #tpu.memory_space<hbm>>) target(%arg8 : memref<104xi32, #tpu.memory_space<vmem>>) target_semaphore(%arg21 : memref<!tpu.dma_semaphore, #tpu.memory_space<semaphore_mem>>)
      %dma_wait3A_128 = tpu.memref_slice %arg3[%mul3A_2] : memref<320000xi32, #tpu.memory_space<hbm>> -> memref<104xi32, #tpu.memory_space<hbm>>
      %dma_wait3A_129 = tpu.memref_slice %arg3[%mul3A_2] : memref<320000xi32, #tpu.memory_space<hbm>> -> memref<104xi32, #tpu.memory_space<hbm>>
      tpu.wait_dma2 semaphore(%arg20 : memref<!tpu.dma_semaphore, #tpu.memory_space<semaphore_mem>>) src(%dma_wait3A_129 : memref<104xi32, #tpu.memory_space<hbm>>) dst(%arg7 : memref<104xi32, #tpu.memory_space<vmem>>)
      %dma_start3A_130 = arith.constant 0 : i32
      %dma_start3A_131 = arith.constant 0 : i32
      %dma_start3A_132 = tpu.memref_slice %arg2[%dma_start3A_130, %dma_start3A_131] : memref<10000x128xf32, #tpu.memory_space<hbm>> -> memref<10000x128xf32, #tpu.memory_space<hbm>>
      tpu.enqueue_indirect_dma source(%dma_start3A_132 : memref<10000x128xf32, #tpu.memory_space<hbm>>) target(%arg13 : memref<104x128xf32, #tpu.memory_space<vmem>>) offsets(%arg7 : memref<104xi32, #tpu.memory_space<vmem>>) semaphore(%arg26 : memref<!tpu.dma_semaphore, #tpu.memory_space<semaphore_mem>>)
      %dma_wait3A_133 = arith.constant 0 : i32
      %dma_wait3A_134 = arith.constant 0 : i32
      %dma_wait3A_135 = tpu.memref_slice %arg2[%dma_wait3A_133, %dma_wait3A_134] : memref<10000x128xf32, #tpu.memory_space<hbm>> -> memref<10000x128xf32, #tpu.memory_space<hbm>>
      tpu.wait_indirect_dma semaphore(%arg28 : memref<!tpu.dma_semaphore, #tpu.memory_space<semaphore_mem>>) src(%dma_wait3A_135 : memref<10000x128xf32, #tpu.memory_space<hbm>>) dst(%arg15 : memref<104x128xf32, #tpu.memory_space<vmem>>)
      %dma_wait3A_136 = tpu.memref_slice %arg4[%mul3A_2] : memref<320000xi32, #tpu.memory_space<hbm>> -> memref<104xi32, #tpu.memory_space<hbm>>
      %dma_wait3A_137 = tpu.memref_slice %arg4[%mul3A_2] : memref<320000xi32, #tpu.memory_space<hbm>> -> memref<104xi32, #tpu.memory_space<hbm>>
      tpu.wait_dma2 semaphore(%arg25 : memref<!tpu.dma_semaphore, #tpu.memory_space<semaphore_mem>>) src(%dma_wait3A_137 : memref<104xi32, #tpu.memory_space<hbm>>) dst(%arg12 : memref<104xi32, #tpu.memory_space<vmem>>)
      %dma_start3A_138 = arith.constant 0 : i32
      %dma_start3A_139 = arith.constant 0 : i32
      %dma_start3A_140 = tpu.memref_slice %arg19[%dma_start3A_138, %dma_start3A_139] : memref<10240x128xf32, #tpu.memory_space<vmem_shared>> -> memref<10240x128xf32, #tpu.memory_space<vmem_shared>>
      tpu.enqueue_indirect_dma source(%arg15 : memref<104x128xf32, #tpu.memory_space<vmem>>) target(%dma_start3A_140 : memref<10240x128xf32, #tpu.memory_space<vmem_shared>>) offsets(%arg12 : memref<104xi32, #tpu.memory_space<vmem>>) semaphore(%arg31 : memref<!tpu.dma_semaphore, #tpu.memory_space<semaphore_mem>>) {add = true}
      %mul3A_141 = arith.constant 3 : i32
      %mul3A_142 = arith.muli %add3A_107, %mul3A_141 : i32
      %add3A_143 = arith.constant 1 : i32
      %add3A_144 = arith.addi %mul3A_142, %add3A_143 : i32
      %dma_wait3A_145 = arith.constant 0 : i32
      %dma_wait3A_146 = arith.constant 0 : i32
      %dma_wait3A_147 = tpu.memref_slice %arg19[%dma_wait3A_145, %dma_wait3A_146] : memref<10240x128xf32, #tpu.memory_space<vmem_shared>> -> memref<10240x128xf32, #tpu.memory_space<vmem_shared>>
      tpu.wait_indirect_dma semaphore(%arg30 : memref<!tpu.dma_semaphore, #tpu.memory_space<semaphore_mem>>) src(%arg14 : memref<104x128xf32, #tpu.memory_space<vmem>>) dst(%dma_wait3A_147 : memref<10240x128xf32, #tpu.memory_space<vmem_shared>>)
      %mul3A_148 = arith.constant 104 : i32
      %mul3A_149 = arith.muli %add3A_144, %mul3A_148 : i32
      %add3A_150 = arith.addi %mul3A_2, %mul3A_149 : i32
      %dma_start3A_151 = tpu.memref_slice %arg4[%add3A_150] : memref<320000xi32, #tpu.memory_space<hbm>> -> memref<104xi32, #tpu.memory_space<hbm>>
      %dma_start3A_152 = tpu.memref_slice %arg4[%add3A_150] : memref<320000xi32, #tpu.memory_space<hbm>> -> memref<104xi32, #tpu.memory_space<hbm>>
      tpu.enqueue_dma source(%dma_start3A_152 : memref<104xi32, #tpu.memory_space<hbm>>) target(%arg11 : memref<104xi32, #tpu.memory_space<vmem>>) target_semaphore(%arg24 : memref<!tpu.dma_semaphore, #tpu.memory_space<semaphore_mem>>)
      %add3A_153 = arith.constant 1 : i32
      %add3A_154 = arith.addi %add3A_144, %add3A_153 : i32
      %min3A_155 = arith.constant 95 : i32
      %min3A_156 = arith.minsi %add3A_154, %min3A_155 : i32
      %mul3A_157 = arith.constant 104 : i32
      %mul3A_158 = arith.muli %min3A_156, %mul3A_157 : i32
      %add3A_159 = arith.addi %mul3A_2, %mul3A_158 : i32
      %dma_start3A_160 = tpu.memref_slice %arg3[%add3A_159] : memref<320000xi32, #tpu.memory_space<hbm>> -> memref<104xi32, #tpu.memory_space<hbm>>
      %dma_start3A_161 = tpu.memref_slice %arg3[%add3A_159] : memref<320000xi32, #tpu.memory_space<hbm>> -> memref<104xi32, #tpu.memory_space<hbm>>
      tpu.enqueue_dma source(%dma_start3A_161 : memref<104xi32, #tpu.memory_space<hbm>>) target(%arg9 : memref<104xi32, #tpu.memory_space<vmem>>) target_semaphore(%arg22 : memref<!tpu.dma_semaphore, #tpu.memory_space<semaphore_mem>>)
      %dma_wait3A_162 = tpu.memref_slice %arg3[%mul3A_2] : memref<320000xi32, #tpu.memory_space<hbm>> -> memref<104xi32, #tpu.memory_space<hbm>>
      %dma_wait3A_163 = tpu.memref_slice %arg3[%mul3A_2] : memref<320000xi32, #tpu.memory_space<hbm>> -> memref<104xi32, #tpu.memory_space<hbm>>
      tpu.wait_dma2 semaphore(%arg21 : memref<!tpu.dma_semaphore, #tpu.memory_space<semaphore_mem>>) src(%dma_wait3A_163 : memref<104xi32, #tpu.memory_space<hbm>>) dst(%arg8 : memref<104xi32, #tpu.memory_space<vmem>>)
      %dma_start3A_164 = arith.constant 0 : i32
      %dma_start3A_165 = arith.constant 0 : i32
      %dma_start3A_166 = tpu.memref_slice %arg2[%dma_start3A_164, %dma_start3A_165] : memref<10000x128xf32, #tpu.memory_space<hbm>> -> memref<10000x128xf32, #tpu.memory_space<hbm>>
      tpu.enqueue_indirect_dma source(%dma_start3A_166 : memref<10000x128xf32, #tpu.memory_space<hbm>>) target(%arg14 : memref<104x128xf32, #tpu.memory_space<vmem>>) offsets(%arg8 : memref<104xi32, #tpu.memory_space<vmem>>) semaphore(%arg27 : memref<!tpu.dma_semaphore, #tpu.memory_space<semaphore_mem>>)
      %dma_wait3A_167 = arith.constant 0 : i32
      %dma_wait3A_168 = arith.constant 0 : i32
      %dma_wait3A_169 = tpu.memref_slice %arg2[%dma_wait3A_167, %dma_wait3A_168] : memref<10000x128xf32, #tpu.memory_space<hbm>> -> memref<10000x128xf32, #tpu.memory_space<hbm>>
      tpu.wait_indirect_dma semaphore(%arg26 : memref<!tpu.dma_semaphore, #tpu.memory_space<semaphore_mem>>) src(%dma_wait3A_169 : memref<10000x128xf32, #tpu.memory_space<hbm>>) dst(%arg13 : memref<104x128xf32, #tpu.memory_space<vmem>>)
      %dma_wait3A_170 = tpu.memref_slice %arg4[%mul3A_2] : memref<320000xi32, #tpu.memory_space<hbm>> -> memref<104xi32, #tpu.memory_space<hbm>>
      %dma_wait3A_171 = tpu.memref_slice %arg4[%mul3A_2] : memref<320000xi32, #tpu.memory_space<hbm>> -> memref<104xi32, #tpu.memory_space<hbm>>
      tpu.wait_dma2 semaphore(%arg23 : memref<!tpu.dma_semaphore, #tpu.memory_space<semaphore_mem>>) src(%dma_wait3A_171 : memref<104xi32, #tpu.memory_space<hbm>>) dst(%arg10 : memref<104xi32, #tpu.memory_space<vmem>>)
      %dma_start3A_172 = arith.constant 0 : i32
      %dma_start3A_173 = arith.constant 0 : i32
      %dma_start3A_174 = tpu.memref_slice %arg19[%dma_start3A_172, %dma_start3A_173] : memref<10240x128xf32, #tpu.memory_space<vmem_shared>> -> memref<10240x128xf32, #tpu.memory_space<vmem_shared>>
      tpu.enqueue_indirect_dma source(%arg13 : memref<104x128xf32, #tpu.memory_space<vmem>>) target(%dma_start3A_174 : memref<10240x128xf32, #tpu.memory_space<vmem_shared>>) offsets(%arg10 : memref<104xi32, #tpu.memory_space<vmem>>) semaphore(%arg29 : memref<!tpu.dma_semaphore, #tpu.memory_space<semaphore_mem>>) {add = true}
      %mul3A_175 = arith.constant 3 : i32
      %mul3A_176 = arith.muli %add3A_107, %mul3A_175 : i32
      %add3A_177 = arith.constant 2 : i32
      %add3A_178 = arith.addi %mul3A_176, %add3A_177 : i32
      %dma_wait3A_179 = arith.constant 0 : i32
      %dma_wait3A_180 = arith.constant 0 : i32
      %dma_wait3A_181 = tpu.memref_slice %arg19[%dma_wait3A_179, %dma_wait3A_180] : memref<10240x128xf32, #tpu.memory_space<vmem_shared>> -> memref<10240x128xf32, #tpu.memory_space<vmem_shared>>
      tpu.wait_indirect_dma semaphore(%arg31 : memref<!tpu.dma_semaphore, #tpu.memory_space<semaphore_mem>>) src(%arg15 : memref<104x128xf32, #tpu.memory_space<vmem>>) dst(%dma_wait3A_181 : memref<10240x128xf32, #tpu.memory_space<vmem_shared>>)
      %mul3A_182 = arith.constant 104 : i32
      %mul3A_183 = arith.muli %add3A_178, %mul3A_182 : i32
      %add3A_184 = arith.addi %mul3A_2, %mul3A_183 : i32
      %dma_start3A_185 = tpu.memref_slice %arg4[%add3A_184] : memref<320000xi32, #tpu.memory_space<hbm>> -> memref<104xi32, #tpu.memory_space<hbm>>
      %dma_start3A_186 = tpu.memref_slice %arg4[%add3A_184] : memref<320000xi32, #tpu.memory_space<hbm>> -> memref<104xi32, #tpu.memory_space<hbm>>
      tpu.enqueue_dma source(%dma_start3A_186 : memref<104xi32, #tpu.memory_space<hbm>>) target(%arg12 : memref<104xi32, #tpu.memory_space<vmem>>) target_semaphore(%arg25 : memref<!tpu.dma_semaphore, #tpu.memory_space<semaphore_mem>>)
      %add3A_187 = arith.constant 1 : i32
      %add3A_188 = arith.addi %add3A_178, %add3A_187 : i32
      %min3A_189 = arith.constant 95 : i32
      %min3A_190 = arith.minsi %add3A_188, %min3A_189 : i32
      %mul3A_191 = arith.constant 104 : i32
      %mul3A_192 = arith.muli %min3A_190, %mul3A_191 : i32
      %add3A_193 = arith.addi %mul3A_2, %mul3A_192 : i32
      %dma_start3A_194 = tpu.memref_slice %arg3[%add3A_193] : memref<320000xi32, #tpu.memory_space<hbm>> -> memref<104xi32, #tpu.memory_space<hbm>>
      %dma_start3A_195 = tpu.memref_slice %arg3[%add3A_193] : memref<320000xi32, #tpu.memory_space<hbm>> -> memref<104xi32, #tpu.memory_space<hbm>>
      tpu.enqueue_dma source(%dma_start3A_195 : memref<104xi32, #tpu.memory_space<hbm>>) target(%arg7 : memref<104xi32, #tpu.memory_space<vmem>>) target_semaphore(%arg20 : memref<!tpu.dma_semaphore, #tpu.memory_space<semaphore_mem>>)
      %dma_wait3A_196 = tpu.memref_slice %arg3[%mul3A_2] : memref<320000xi32, #tpu.memory_space<hbm>> -> memref<104xi32, #tpu.memory_space<hbm>>
      %dma_wait3A_197 = tpu.memref_slice %arg3[%mul3A_2] : memref<320000xi32, #tpu.memory_space<hbm>> -> memref<104xi32, #tpu.memory_space<hbm>>
      tpu.wait_dma2 semaphore(%arg22 : memref<!tpu.dma_semaphore, #tpu.memory_space<semaphore_mem>>) src(%dma_wait3A_197 : memref<104xi32, #tpu.memory_space<hbm>>) dst(%arg9 : memref<104xi32, #tpu.memory_space<vmem>>)
      %dma_start3A_198 = arith.constant 0 : i32
      %dma_start3A_199 = arith.constant 0 : i32
      %dma_start3A_200 = tpu.memref_slice %arg2[%dma_start3A_198, %dma_start3A_199] : memref<10000x128xf32, #tpu.memory_space<hbm>> -> memref<10000x128xf32, #tpu.memory_space<hbm>>
      tpu.enqueue_indirect_dma source(%dma_start3A_200 : memref<10000x128xf32, #tpu.memory_space<hbm>>) target(%arg15 : memref<104x128xf32, #tpu.memory_space<vmem>>) offsets(%arg9 : memref<104xi32, #tpu.memory_space<vmem>>) semaphore(%arg28 : memref<!tpu.dma_semaphore, #tpu.memory_space<semaphore_mem>>)
      %dma_wait3A_201 = arith.constant 0 : i32
      %dma_wait3A_202 = arith.constant 0 : i32
      %dma_wait3A_203 = tpu.memref_slice %arg2[%dma_wait3A_201, %dma_wait3A_202] : memref<10000x128xf32, #tpu.memory_space<hbm>> -> memref<10000x128xf32, #tpu.memory_space<hbm>>
      tpu.wait_indirect_dma semaphore(%arg27 : memref<!tpu.dma_semaphore, #tpu.memory_space<semaphore_mem>>) src(%dma_wait3A_203 : memref<10000x128xf32, #tpu.memory_space<hbm>>) dst(%arg14 : memref<104x128xf32, #tpu.memory_space<vmem>>)
      %dma_wait3A_204 = tpu.memref_slice %arg4[%mul3A_2] : memref<320000xi32, #tpu.memory_space<hbm>> -> memref<104xi32, #tpu.memory_space<hbm>>
      %dma_wait3A_205 = tpu.memref_slice %arg4[%mul3A_2] : memref<320000xi32, #tpu.memory_space<hbm>> -> memref<104xi32, #tpu.memory_space<hbm>>
      tpu.wait_dma2 semaphore(%arg24 : memref<!tpu.dma_semaphore, #tpu.memory_space<semaphore_mem>>) src(%dma_wait3A_205 : memref<104xi32, #tpu.memory_space<hbm>>) dst(%arg11 : memref<104xi32, #tpu.memory_space<vmem>>)
      %dma_start3A_206 = arith.constant 0 : i32
      %dma_start3A_207 = arith.constant 0 : i32
      %dma_start3A_208 = tpu.memref_slice %arg19[%dma_start3A_206, %dma_start3A_207] : memref<10240x128xf32, #tpu.memory_space<vmem_shared>> -> memref<10240x128xf32, #tpu.memory_space<vmem_shared>>
      tpu.enqueue_indirect_dma source(%arg14 : memref<104x128xf32, #tpu.memory_space<vmem>>) target(%dma_start3A_208 : memref<10240x128xf32, #tpu.memory_space<vmem_shared>>) offsets(%arg11 : memref<104xi32, #tpu.memory_space<vmem>>) semaphore(%arg30 : memref<!tpu.dma_semaphore, #tpu.memory_space<semaphore_mem>>) {add = true}
    }
    %scan3A_65 = arith.constant 31 : i32
    %dma_wait3A_66 = tpu.memref_slice %arg3[%mul3A_2] : memref<320000xi32, #tpu.memory_space<hbm>> -> memref<104xi32, #tpu.memory_space<hbm>>
    %dma_wait3A_67 = tpu.memref_slice %arg3[%mul3A_2] : memref<320000xi32, #tpu.memory_space<hbm>> -> memref<104xi32, #tpu.memory_space<hbm>>
    tpu.wait_dma2 semaphore(%arg20 : memref<!tpu.dma_semaphore, #tpu.memory_space<semaphore_mem>>) src(%dma_wait3A_67 : memref<104xi32, #tpu.memory_space<hbm>>) dst(%arg7 : memref<104xi32, #tpu.memory_space<vmem>>)
    %dma_wait3A_68 = arith.constant 0 : i32
    %dma_wait3A_69 = arith.constant 0 : i32
    %dma_wait3A_70 = tpu.memref_slice %arg2[%dma_wait3A_68, %dma_wait3A_69] : memref<10000x128xf32, #tpu.memory_space<hbm>> -> memref<10000x128xf32, #tpu.memory_space<hbm>>
    tpu.wait_indirect_dma semaphore(%arg28 : memref<!tpu.dma_semaphore, #tpu.memory_space<semaphore_mem>>) src(%dma_wait3A_70 : memref<10000x128xf32, #tpu.memory_space<hbm>>) dst(%arg15 : memref<104x128xf32, #tpu.memory_space<vmem>>)
    %dma_wait3A_71 = tpu.memref_slice %arg4[%mul3A_2] : memref<320000xi32, #tpu.memory_space<hbm>> -> memref<104xi32, #tpu.memory_space<hbm>>
    %dma_wait3A_72 = tpu.memref_slice %arg4[%mul3A_2] : memref<320000xi32, #tpu.memory_space<hbm>> -> memref<104xi32, #tpu.memory_space<hbm>>
    tpu.wait_dma2 semaphore(%arg25 : memref<!tpu.dma_semaphore, #tpu.memory_space<semaphore_mem>>) src(%dma_wait3A_72 : memref<104xi32, #tpu.memory_space<hbm>>) dst(%arg12 : memref<104xi32, #tpu.memory_space<vmem>>)
    %dma_start3A_73 = arith.constant 0 : i32
    %dma_start3A_74 = arith.constant 0 : i32
    %dma_start3A_75 = tpu.memref_slice %arg19[%dma_start3A_73, %dma_start3A_74] : memref<10240x128xf32, #tpu.memory_space<vmem_shared>> -> memref<10240x128xf32, #tpu.memory_space<vmem_shared>>
    tpu.enqueue_indirect_dma source(%arg15 : memref<104x128xf32, #tpu.memory_space<vmem>>) target(%dma_start3A_75 : memref<10240x128xf32, #tpu.memory_space<vmem_shared>>) offsets(%arg12 : memref<104xi32, #tpu.memory_space<vmem>>) semaphore(%arg31 : memref<!tpu.dma_semaphore, #tpu.memory_space<semaphore_mem>>) {add = true}
    %add3A_76 = arith.constant 9984 : i32
    %add3A_77 = arith.addi %mul3A_2, %add3A_76 : i32
    "tpu.region"() ({
      %run_scoped3A = tpu.sem_alloc : memref<!tpu.dma_semaphore, #tpu.memory_space<semaphore_mem>>
      %dma_start3A_103 = tpu.memref_slice %arg3[%add3A_77] : memref<320000xi32, #tpu.memory_space<hbm>> -> memref<16xi32, #tpu.memory_space<hbm>>
      %dma_start3A_104 = tpu.memref_slice %arg3[%add3A_77] : memref<320000xi32, #tpu.memory_space<hbm>> -> memref<16xi32, #tpu.memory_space<hbm>>
      tpu.enqueue_dma source(%dma_start3A_104 : memref<16xi32, #tpu.memory_space<hbm>>) target(%arg16 : memref<16xi32, #tpu.memory_space<vmem>>) target_semaphore(%run_scoped3A : memref<!tpu.dma_semaphore, #tpu.memory_space<semaphore_mem>>)
      %dma_wait3A_105 = tpu.memref_slice %arg3[%add3A_77] : memref<320000xi32, #tpu.memory_space<hbm>> -> memref<16xi32, #tpu.memory_space<hbm>>
      %dma_wait3A_106 = tpu.memref_slice %arg3[%add3A_77] : memref<320000xi32, #tpu.memory_space<hbm>> -> memref<16xi32, #tpu.memory_space<hbm>>
      tpu.wait_dma2 semaphore(%run_scoped3A : memref<!tpu.dma_semaphore, #tpu.memory_space<semaphore_mem>>) src(%dma_wait3A_106 : memref<16xi32, #tpu.memory_space<hbm>>) dst(%arg16 : memref<16xi32, #tpu.memory_space<vmem>>)
      tpu.yield
    }) : () -> ()
    %add3A_78 = arith.constant 9984 : i32
    %add3A_79 = arith.addi %mul3A_2, %add3A_78 : i32
    "tpu.region"() ({
      %run_scoped3A = tpu.sem_alloc : memref<!tpu.dma_semaphore, #tpu.memory_space<semaphore_mem>>
      %dma_start3A_103 = tpu.memref_slice %arg4[%add3A_79] : memref<320000xi32, #tpu.memory_space<hbm>> -> memref<16xi32, #tpu.memory_space<hbm>>
      %dma_start3A_104 = tpu.memref_slice %arg4[%add3A_79] : memref<320000xi32, #tpu.memory_space<hbm>> -> memref<16xi32, #tpu.memory_space<hbm>>
      tpu.enqueue_dma source(%dma_start3A_104 : memref<16xi32, #tpu.memory_space<hbm>>) target(%arg17 : memref<16xi32, #tpu.memory_space<vmem>>) target_semaphore(%run_scoped3A : memref<!tpu.dma_semaphore, #tpu.memory_space<semaphore_mem>>)
      %dma_wait3A_105 = tpu.memref_slice %arg4[%add3A_79] : memref<320000xi32, #tpu.memory_space<hbm>> -> memref<16xi32, #tpu.memory_space<hbm>>
      %dma_wait3A_106 = tpu.memref_slice %arg4[%add3A_79] : memref<320000xi32, #tpu.memory_space<hbm>> -> memref<16xi32, #tpu.memory_space<hbm>>
      tpu.wait_dma2 semaphore(%run_scoped3A : memref<!tpu.dma_semaphore, #tpu.memory_space<semaphore_mem>>) src(%dma_wait3A_106 : memref<16xi32, #tpu.memory_space<hbm>>) dst(%arg17 : memref<16xi32, #tpu.memory_space<vmem>>)
      tpu.yield
    }) : () -> ()
    %dma_start3A_80 = arith.constant 0 : i32
    %dma_start3A_81 = arith.constant 0 : i32
    %dma_start3A_82 = tpu.memref_slice %arg2[%dma_start3A_80, %dma_start3A_81] : memref<10000x128xf32, #tpu.memory_space<hbm>> -> memref<10000x128xf32, #tpu.memory_space<hbm>>
    tpu.enqueue_indirect_dma source(%dma_start3A_82 : memref<10000x128xf32, #tpu.memory_space<hbm>>) target(%arg18 : memref<16x128xf32, #tpu.memory_space<vmem>>) offsets(%arg16 : memref<16xi32, #tpu.memory_space<vmem>>) semaphore(%arg32 : memref<!tpu.dma_semaphore, #tpu.memory_space<semaphore_mem>>)
    %dma_wait3A_83 = arith.constant 0 : i32
    %dma_wait3A_84 = arith.constant 0 : i32
    %dma_wait3A_85 = tpu.memref_slice %arg2[%dma_wait3A_83, %dma_wait3A_84] : memref<10000x128xf32, #tpu.memory_space<hbm>> -> memref<10000x128xf32, #tpu.memory_space<hbm>>
    tpu.wait_indirect_dma semaphore(%arg32 : memref<!tpu.dma_semaphore, #tpu.memory_space<semaphore_mem>>) src(%dma_wait3A_85 : memref<10000x128xf32, #tpu.memory_space<hbm>>) dst(%arg18 : memref<16x128xf32, #tpu.memory_space<vmem>>)
    "tpu.region"() ({
      %run_scoped3A = tpu.sem_alloc : memref<!tpu.dma_semaphore, #tpu.memory_space<semaphore_mem>>
      %dma_start3A_103 = arith.constant 0 : i32
      %dma_start3A_104 = arith.constant 0 : i32
      %dma_start3A_105 = tpu.memref_slice %arg19[%dma_start3A_103, %dma_start3A_104] : memref<10240x128xf32, #tpu.memory_space<vmem_shared>> -> memref<10240x128xf32, #tpu.memory_space<vmem_shared>>
      tpu.enqueue_indirect_dma source(%arg18 : memref<16x128xf32, #tpu.memory_space<vmem>>) target(%dma_start3A_105 : memref<10240x128xf32, #tpu.memory_space<vmem_shared>>) offsets(%arg17 : memref<16xi32, #tpu.memory_space<vmem>>) semaphore(%run_scoped3A : memref<!tpu.dma_semaphore, #tpu.memory_space<semaphore_mem>>) {add = true}
      %dma_wait3A_106 = arith.constant 0 : i32
      %dma_wait3A_107 = arith.constant 0 : i32
      %dma_wait3A_108 = tpu.memref_slice %arg19[%dma_wait3A_106, %dma_wait3A_107] : memref<10240x128xf32, #tpu.memory_space<vmem_shared>> -> memref<10240x128xf32, #tpu.memory_space<vmem_shared>>
      tpu.wait_indirect_dma semaphore(%run_scoped3A : memref<!tpu.dma_semaphore, #tpu.memory_space<semaphore_mem>>) src(%arg18 : memref<16x128xf32, #tpu.memory_space<vmem>>) dst(%dma_wait3A_108 : memref<10240x128xf32, #tpu.memory_space<vmem_shared>>)
      tpu.yield
    }) : () -> ()
    %dma_wait3A_86 = arith.constant 0 : i32
    %dma_wait3A_87 = arith.constant 0 : i32
    %dma_wait3A_88 = tpu.memref_slice %arg19[%dma_wait3A_86, %dma_wait3A_87] : memref<10240x128xf32, #tpu.memory_space<vmem_shared>> -> memref<10240x128xf32, #tpu.memory_space<vmem_shared>>
    tpu.wait_indirect_dma semaphore(%arg29 : memref<!tpu.dma_semaphore, #tpu.memory_space<semaphore_mem>>) src(%arg13 : memref<104x128xf32, #tpu.memory_space<vmem>>) dst(%dma_wait3A_88 : memref<10240x128xf32, #tpu.memory_space<vmem_shared>>)
    %dma_wait3A_89 = arith.constant 0 : i32
    %dma_wait3A_90 = arith.constant 0 : i32
    %dma_wait3A_91 = tpu.memref_slice %arg19[%dma_wait3A_89, %dma_wait3A_90] : memref<10240x128xf32, #tpu.memory_space<vmem_shared>> -> memref<10240x128xf32, #tpu.memory_space<vmem_shared>>
    tpu.wait_indirect_dma semaphore(%arg30 : memref<!tpu.dma_semaphore, #tpu.memory_space<semaphore_mem>>) src(%arg14 : memref<104x128xf32, #tpu.memory_space<vmem>>) dst(%dma_wait3A_91 : memref<10240x128xf32, #tpu.memory_space<vmem_shared>>)
    %dma_wait3A_92 = arith.constant 0 : i32
    %dma_wait3A_93 = arith.constant 0 : i32
    %dma_wait3A_94 = tpu.memref_slice %arg19[%dma_wait3A_92, %dma_wait3A_93] : memref<10240x128xf32, #tpu.memory_space<vmem_shared>> -> memref<10240x128xf32, #tpu.memory_space<vmem_shared>>
    tpu.wait_indirect_dma semaphore(%arg31 : memref<!tpu.dma_semaphore, #tpu.memory_space<semaphore_mem>>) src(%arg15 : memref<104x128xf32, #tpu.memory_space<vmem>>) dst(%dma_wait3A_94 : memref<10240x128xf32, #tpu.memory_space<vmem_shared>>)
    %barrier3A_95 = arith.constant 0 : index
    tpu.barrier barrier_id(%barrier3A_95)
    %mul3A_96 = arith.constant 640 : i32
    %mul3A_97 = arith.muli %arg1, %mul3A_96 : i32
    %mul3A_98 = arith.constant 10240 : i32
    %mul3A_99 = arith.muli %arg0, %mul3A_98 : i32
    %mul3A_100 = arith.constant 640 : i32
    %mul3A_101 = arith.muli %arg1, %mul3A_100 : i32
    %add3A_102 = arith.addi %mul3A_99, %mul3A_101 : i32
    "tpu.region"() ({
      %run_scoped3A = tpu.sem_alloc : memref<!tpu.dma_semaphore, #tpu.memory_space<semaphore_mem>>
      %dma_start3A_103 = arith.constant 0 : i32
      %dma_start3A_104 = tpu.memref_slice %arg6[%add3A_102, %dma_start3A_103] : memref<20480x128xf32, #tpu.memory_space<hbm>> -> memref<640x128xf32, #tpu.memory_space<hbm>>
      %dma_start3A_105 = arith.constant 0 : i32
      %dma_start3A_106 = tpu.memref_slice %arg19[%mul3A_97, %dma_start3A_105] : memref<10240x128xf32, #tpu.memory_space<vmem_shared>> -> memref<640x128xf32, #tpu.memory_space<vmem_shared>>
      tpu.enqueue_dma source(%dma_start3A_106 : memref<640x128xf32, #tpu.memory_space<vmem_shared>>) target(%dma_start3A_104 : memref<640x128xf32, #tpu.memory_space<hbm>>) target_semaphore(%run_scoped3A : memref<!tpu.dma_semaphore, #tpu.memory_space<semaphore_mem>>)
      %dma_wait3A_107 = arith.constant 0 : i32
      %dma_wait3A_108 = tpu.memref_slice %arg6[%add3A_102, %dma_wait3A_107] : memref<20480x128xf32, #tpu.memory_space<hbm>> -> memref<640x128xf32, #tpu.memory_space<hbm>>
      %dma_wait3A_109 = arith.constant 0 : i32
      %dma_wait3A_110 = tpu.memref_slice %arg19[%mul3A_97, %dma_wait3A_109] : memref<10240x128xf32, #tpu.memory_space<vmem_shared>> -> memref<640x128xf32, #tpu.memory_space<vmem_shared>>
      tpu.wait_dma2 semaphore(%run_scoped3A : memref<!tpu.dma_semaphore, #tpu.memory_space<semaphore_mem>>) src(%dma_wait3A_110 : memref<640x128xf32, #tpu.memory_space<vmem_shared>>) dst(%dma_wait3A_108 : memref<640x128xf32, #tpu.memory_space<hbm>>)
      tpu.yield
    }) : () -> ()
    return
  }
}

#map = affine_map<(d0, d1) -> (0, 0)>
#map1 = affine_map<(d0, d1) -> (0)>
module attributes {stable_mosaic.version = 14 : i64} {
  func.func @k(%arg0: i32, %arg1: i32, %arg2: memref<10000x128xf32, #tpu.memory_space<hbm>>, %arg3: memref<320000xi32, #tpu.memory_space<hbm>>, %arg4: memref<320000xi32, #tpu.memory_space<hbm>>, %arg5: memref<640x128xf32, #tpu.memory_space<hbm>>, %arg6: memref<20480x128xf32, #tpu.memory_space<hbm>>, %arg7: memref<104xi32, #tpu.memory_space<vmem>>, %arg8: memref<104xi32, #tpu.memory_space<vmem>>, %arg9: memref<104xi32, #tpu.memory_space<vmem>>, %arg10: memref<104xi32, #tpu.memory_space<vmem>>, %arg11: memref<104xi32, #tpu.memory_space<vmem>>, %arg12: memref<104xi32, #tpu.memory_space<vmem>>, %arg13: memref<104x128xf32, #tpu.memory_space<vmem>>, %arg14: memref<104x128xf32, #tpu.memory_space<vmem>>, %arg15: memref<104x128xf32, #tpu.memory_space<vmem>>, %arg16: memref<16xi32, #tpu.memory_space<vmem>>, %arg17: memref<16xi32, #tpu.memory_space<vmem>>, %arg18: memref<16x128xf32, #tpu.memory_space<vmem>>, %arg19: memref<10240x128xf32, #tpu.memory_space<vmem_shared>>, %arg20: memref<!tpu.dma_semaphore, #tpu.memory_space<semaphore_mem>>, %arg21: memref<!tpu.dma_semaphore, #tpu.memory_space<semaphore_mem>>, %arg22: memref<!tpu.dma_semaphore, #tpu.memory_space<semaphore_mem>>, %arg23: memref<!tpu.dma_semaphore, #tpu.memory_space<semaphore_mem>>, %arg24: memref<!tpu.dma_semaphore, #tpu.memory_space<semaphore_mem>>, %arg25: memref<!tpu.dma_semaphore, #tpu.memory_space<semaphore_mem>>, %arg26: memref<!tpu.dma_semaphore, #tpu.memory_space<semaphore_mem>>, %arg27: memref<!tpu.dma_semaphore, #tpu.memory_space<semaphore_mem>>, %arg28: memref<!tpu.dma_semaphore, #tpu.memory_space<semaphore_mem>>, %arg29: memref<!tpu.dma_semaphore, #tpu.memory_space<semaphore_mem>>, %arg30: memref<!tpu.dma_semaphore, #tpu.memory_space<semaphore_mem>>, %arg31: memref<!tpu.dma_semaphore, #tpu.memory_space<semaphore_mem>>, %arg32: memref<!tpu.dma_semaphore, #tpu.memory_space<semaphore_mem>>) attributes {dimension_semantics = [#tpu.dimension_semantics<core_parallel>, #tpu.dimension_semantics<subcore_parallel>], iteration_bounds = array<i64: 2, 16>, scalar_prefetch = 0 : i64, scratch_operands = 26 : i64, tpu.core_type = #tpu.core_type<sc_vector_subcore>, window_params = [{transform_indices = #map}, {transform_indices = #map1}, {transform_indices = #map1}, {transform_indices = #map}, {transform_indices = #map}]} {
    %mul3A = arith.constant 2 : i32
    %mul3A_0 = arith.muli %arg1, %mul3A : i32
    %add3A = arith.addi %mul3A_0, %arg0 : i32
    %mul3A_1 = arith.constant 10000 : i32
    %mul3A_2 = arith.muli %add3A, %mul3A_1 : i32
    %mul3A_3 = arith.constant 640 : i32
    %mul3A_4 = arith.muli %arg1, %mul3A_3 : i32
    "tpu.region"() ({
      %run_scoped3A = tpu.sem_alloc : memref<!tpu.dma_semaphore, #tpu.memory_space<semaphore_mem>>
      %dma_start3A_103 = arith.constant 0 : i32
      %dma_start3A_104 = tpu.memref_slice %arg19[%mul3A_4, %dma_start3A_103] : memref<10240x128xf32, #tpu.memory_space<vmem_shared>> -> memref<640x128xf32, #tpu.memory_space<vmem_shared>>
      tpu.enqueue_dma source(%arg5 : memref<640x128xf32, #tpu.memory_space<hbm>>) target(%dma_start3A_104 : memref<640x128xf32, #tpu.memory_space<vmem_shared>>) target_semaphore(%run_scoped3A : memref<!tpu.dma_semaphore, #tpu.memory_space<semaphore_mem>>)
      %dma_wait3A_105 = arith.constant 0 : i32
      %dma_wait3A_106 = tpu.memref_slice %arg19[%mul3A_4, %dma_wait3A_105] : memref<10240x128xf32, #tpu.memory_space<vmem_shared>> -> memref<640x128xf32, #tpu.memory_space<vmem_shared>>
      tpu.wait_dma2 semaphore(%run_scoped3A : memref<!tpu.dma_semaphore, #tpu.memory_space<semaphore_mem>>) src(%arg5 : memref<640x128xf32, #tpu.memory_space<hbm>>) dst(%dma_wait3A_106 : memref<640x128xf32, #tpu.memory_space<vmem_shared>>)
      tpu.yield
    }) : () -> ()
    %barrier3A = arith.constant 0 : index
    tpu.barrier barrier_id(%barrier3A)
    %add3A_5 = arith.constant 0 : i32
    %add3A_6 = arith.addi %mul3A_2, %add3A_5 : i32
    %dma_start3A = tpu.memref_slice %arg3[%add3A_6] : memref<320000xi32, #tpu.memory_space<hbm>> -> memref<104xi32, #tpu.memory_space<hbm>>
    %dma_start3A_7 = tpu.memref_slice %arg3[%add3A_6] : memref<320000xi32, #tpu.memory_space<hbm>> -> memref<104xi32, #tpu.memory_space<hbm>>
    tpu.enqueue_dma source(%dma_start3A_7 : memref<104xi32, #tpu.memory_space<hbm>>) target(%arg7 : memref<104xi32, #tpu.memory_space<vmem>>) target_semaphore(%arg20 : memref<!tpu.dma_semaphore, #tpu.memory_space<semaphore_mem>>)
    %add3A_8 = arith.constant 0 : i32
    %add3A_9 = arith.addi %mul3A_2, %add3A_8 : i32
    %dma_start3A_10 = tpu.memref_slice %arg4[%add3A_9] : memref<320000xi32, #tpu.memory_space<hbm>> -> memref<104xi32, #tpu.memory_space<hbm>>
    %dma_start3A_11 = tpu.memref_slice %arg4[%add3A_9] : memref<320000xi32, #tpu.memory_space<hbm>> -> memref<104xi32, #tpu.memory_space<hbm>>
    tpu.enqueue_dma source(%dma_start3A_11 : memref<104xi32, #tpu.memory_space<hbm>>) target(%arg10 : memref<104xi32, #tpu.memory_space<vmem>>) target_semaphore(%arg23 : memref<!tpu.dma_semaphore, #tpu.memory_space<semaphore_mem>>)
    %dma_wait3A = tpu.memref_slice %arg3[%mul3A_2] : memref<320000xi32, #tpu.memory_space<hbm>> -> memref<104xi32, #tpu.memory_space<hbm>>
    %dma_wait3A_12 = tpu.memref_slice %arg3[%mul3A_2] : memref<320000xi32, #tpu.memory_space<hbm>> -> memref<104xi32, #tpu.memory_space<hbm>>
    tpu.wait_dma2 semaphore(%arg20 : memref<!tpu.dma_semaphore, #tpu.memory_space<semaphore_mem>>) src(%dma_wait3A_12 : memref<104xi32, #tpu.memory_space<hbm>>) dst(%arg7 : memref<104xi32, #tpu.memory_space<vmem>>)
    %dma_start3A_13 = arith.constant 0 : i32
    %dma_start3A_14 = arith.constant 0 : i32
    %dma_start3A_15 = tpu.memref_slice %arg2[%dma_start3A_13, %dma_start3A_14] : memref<10000x128xf32, #tpu.memory_space<hbm>> -> memref<10000x128xf32, #tpu.memory_space<hbm>>
    tpu.enqueue_indirect_dma source(%dma_start3A_15 : memref<10000x128xf32, #tpu.memory_space<hbm>>) target(%arg13 : memref<104x128xf32, #tpu.memory_space<vmem>>) offsets(%arg7 : memref<104xi32, #tpu.memory_space<vmem>>) semaphore(%arg26 : memref<!tpu.dma_semaphore, #tpu.memory_space<semaphore_mem>>)
    %add3A_16 = arith.constant 104 : i32
    %add3A_17 = arith.addi %mul3A_2, %add3A_16 : i32
    %dma_start3A_18 = tpu.memref_slice %arg3[%add3A_17] : memref<320000xi32, #tpu.memory_space<hbm>> -> memref<104xi32, #tpu.memory_space<hbm>>
    %dma_start3A_19 = tpu.memref_slice %arg3[%add3A_17] : memref<320000xi32, #tpu.memory_space<hbm>> -> memref<104xi32, #tpu.memory_space<hbm>>
    tpu.enqueue_dma source(%dma_start3A_19 : memref<104xi32, #tpu.memory_space<hbm>>) target(%arg8 : memref<104xi32, #tpu.memory_space<vmem>>) target_semaphore(%arg21 : memref<!tpu.dma_semaphore, #tpu.memory_space<semaphore_mem>>)
    %add3A_20 = arith.constant 104 : i32
    %add3A_21 = arith.addi %mul3A_2, %add3A_20 : i32
    %dma_start3A_22 = tpu.memref_slice %arg4[%add3A_21] : memref<320000xi32, #tpu.memory_space<hbm>> -> memref<104xi32, #tpu.memory_space<hbm>>
    %dma_start3A_23 = tpu.memref_slice %arg4[%add3A_21] : memref<320000xi32, #tpu.memory_space<hbm>> -> memref<104xi32, #tpu.memory_space<hbm>>
    tpu.enqueue_dma source(%dma_start3A_23 : memref<104xi32, #tpu.memory_space<hbm>>) target(%arg11 : memref<104xi32, #tpu.memory_space<vmem>>) target_semaphore(%arg24 : memref<!tpu.dma_semaphore, #tpu.memory_space<semaphore_mem>>)
    %dma_wait3A_24 = arith.constant 0 : i32
    %dma_wait3A_25 = arith.constant 0 : i32
    %dma_wait3A_26 = tpu.memref_slice %arg2[%dma_wait3A_24, %dma_wait3A_25] : memref<10000x128xf32, #tpu.memory_space<hbm>> -> memref<10000x128xf32, #tpu.memory_space<hbm>>
    tpu.wait_indirect_dma semaphore(%arg26 : memref<!tpu.dma_semaphore, #tpu.memory_space<semaphore_mem>>) src(%dma_wait3A_26 : memref<10000x128xf32, #tpu.memory_space<hbm>>) dst(%arg13 : memref<104x128xf32, #tpu.memory_space<vmem>>)
    %dma_wait3A_27 = tpu.memref_slice %arg4[%mul3A_2] : memref<320000xi32, #tpu.memory_space<hbm>> -> memref<104xi32, #tpu.memory_space<hbm>>
    %dma_wait3A_28 = tpu.memref_slice %arg4[%mul3A_2] : memref<320000xi32, #tpu.memory_space<hbm>> -> memref<104xi32, #tpu.memory_space<hbm>>
    tpu.wait_dma2 semaphore(%arg23 : memref<!tpu.dma_semaphore, #tpu.memory_space<semaphore_mem>>) src(%dma_wait3A_28 : memref<104xi32, #tpu.memory_space<hbm>>) dst(%arg10 : memref<104xi32, #tpu.memory_space<vmem>>)
    %dma_start3A_29 = arith.constant 0 : i32
    %dma_start3A_30 = arith.constant 0 : i32
    %dma_start3A_31 = tpu.memref_slice %arg19[%dma_start3A_29, %dma_start3A_30] : memref<10240x128xf32, #tpu.memory_space<vmem_shared>> -> memref<10240x128xf32, #tpu.memory_space<vmem_shared>>
    tpu.enqueue_indirect_dma source(%arg13 : memref<104x128xf32, #tpu.memory_space<vmem>>) target(%dma_start3A_31 : memref<10240x128xf32, #tpu.memory_space<vmem_shared>>) offsets(%arg10 : memref<104xi32, #tpu.memory_space<vmem>>) semaphore(%arg29 : memref<!tpu.dma_semaphore, #tpu.memory_space<semaphore_mem>>) {add = true}
    %dma_wait3A_32 = tpu.memref_slice %arg3[%mul3A_2] : memref<320000xi32, #tpu.memory_space<hbm>> -> memref<104xi32, #tpu.memory_space<hbm>>
    %dma_wait3A_33 = tpu.memref_slice %arg3[%mul3A_2] : memref<320000xi32, #tpu.memory_space<hbm>> -> memref<104xi32, #tpu.memory_space<hbm>>
    tpu.wait_dma2 semaphore(%arg21 : memref<!tpu.dma_semaphore, #tpu.memory_space<semaphore_mem>>) src(%dma_wait3A_33 : memref<104xi32, #tpu.memory_space<hbm>>) dst(%arg8 : memref<104xi32, #tpu.memory_space<vmem>>)
    %dma_start3A_34 = arith.constant 0 : i32
    %dma_start3A_35 = arith.constant 0 : i32
    %dma_start3A_36 = tpu.memref_slice %arg2[%dma_start3A_34, %dma_start3A_35] : memref<10000x128xf32, #tpu.memory_space<hbm>> -> memref<10000x128xf32, #tpu.memory_space<hbm>>
    tpu.enqueue_indirect_dma source(%dma_start3A_36 : memref<10000x128xf32, #tpu.memory_space<hbm>>) target(%arg14 : memref<104x128xf32, #tpu.memory_space<vmem>>) offsets(%arg8 : memref<104xi32, #tpu.memory_space<vmem>>) semaphore(%arg27 : memref<!tpu.dma_semaphore, #tpu.memory_space<semaphore_mem>>)
    %add3A_37 = arith.constant 208 : i32
    %add3A_38 = arith.addi %mul3A_2, %add3A_37 : i32
    %dma_start3A_39 = tpu.memref_slice %arg3[%add3A_38] : memref<320000xi32, #tpu.memory_space<hbm>> -> memref<104xi32, #tpu.memory_space<hbm>>
    %dma_start3A_40 = tpu.memref_slice %arg3[%add3A_38] : memref<320000xi32, #tpu.memory_space<hbm>> -> memref<104xi32, #tpu.memory_space<hbm>>
    tpu.enqueue_dma source(%dma_start3A_40 : memref<104xi32, #tpu.memory_space<hbm>>) target(%arg9 : memref<104xi32, #tpu.memory_space<vmem>>) target_semaphore(%arg22 : memref<!tpu.dma_semaphore, #tpu.memory_space<semaphore_mem>>)
    %add3A_41 = arith.constant 208 : i32
    %add3A_42 = arith.addi %mul3A_2, %add3A_41 : i32
    %dma_start3A_43 = tpu.memref_slice %arg4[%add3A_42] : memref<320000xi32, #tpu.memory_space<hbm>> -> memref<104xi32, #tpu.memory_space<hbm>>
    %dma_start3A_44 = tpu.memref_slice %arg4[%add3A_42] : memref<320000xi32, #tpu.memory_space<hbm>> -> memref<104xi32, #tpu.memory_space<hbm>>
    tpu.enqueue_dma source(%dma_start3A_44 : memref<104xi32, #tpu.memory_space<hbm>>) target(%arg12 : memref<104xi32, #tpu.memory_space<vmem>>) target_semaphore(%arg25 : memref<!tpu.dma_semaphore, #tpu.memory_space<semaphore_mem>>)
    %dma_wait3A_45 = arith.constant 0 : i32
    %dma_wait3A_46 = arith.constant 0 : i32
    %dma_wait3A_47 = tpu.memref_slice %arg2[%dma_wait3A_45, %dma_wait3A_46] : memref<10000x128xf32, #tpu.memory_space<hbm>> -> memref<10000x128xf32, #tpu.memory_space<hbm>>
    tpu.wait_indirect_dma semaphore(%arg27 : memref<!tpu.dma_semaphore, #tpu.memory_space<semaphore_mem>>) src(%dma_wait3A_47 : memref<10000x128xf32, #tpu.memory_space<hbm>>) dst(%arg14 : memref<104x128xf32, #tpu.memory_space<vmem>>)
    %dma_wait3A_48 = tpu.memref_slice %arg4[%mul3A_2] : memref<320000xi32, #tpu.memory_space<hbm>> -> memref<104xi32, #tpu.memory_space<hbm>>
    %dma_wait3A_49 = tpu.memref_slice %arg4[%mul3A_2] : memref<320000xi32, #tpu.memory_space<hbm>> -> memref<104xi32, #tpu.memory_space<hbm>>
    tpu.wait_dma2 semaphore(%arg24 : memref<!tpu.dma_semaphore, #tpu.memory_space<semaphore_mem>>) src(%dma_wait3A_49 : memref<104xi32, #tpu.memory_space<hbm>>) dst(%arg11 : memref<104xi32, #tpu.memory_space<vmem>>)
    %dma_start3A_50 = arith.constant 0 : i32
    %dma_start3A_51 = arith.constant 0 : i32
    %dma_start3A_52 = tpu.memref_slice %arg19[%dma_start3A_50, %dma_start3A_51] : memref<10240x128xf32, #tpu.memory_space<vmem_shared>> -> memref<10240x128xf32, #tpu.memory_space<vmem_shared>>
    tpu.enqueue_indirect_dma source(%arg14 : memref<104x128xf32, #tpu.memory_space<vmem>>) target(%dma_start3A_52 : memref<10240x128xf32, #tpu.memory_space<vmem_shared>>) offsets(%arg11 : memref<104xi32, #tpu.memory_space<vmem>>) semaphore(%arg30 : memref<!tpu.dma_semaphore, #tpu.memory_space<semaphore_mem>>) {add = true}
    %dma_wait3A_53 = tpu.memref_slice %arg3[%mul3A_2] : memref<320000xi32, #tpu.memory_space<hbm>> -> memref<104xi32, #tpu.memory_space<hbm>>
    %dma_wait3A_54 = tpu.memref_slice %arg3[%mul3A_2] : memref<320000xi32, #tpu.memory_space<hbm>> -> memref<104xi32, #tpu.memory_space<hbm>>
    tpu.wait_dma2 semaphore(%arg22 : memref<!tpu.dma_semaphore, #tpu.memory_space<semaphore_mem>>) src(%dma_wait3A_54 : memref<104xi32, #tpu.memory_space<hbm>>) dst(%arg9 : memref<104xi32, #tpu.memory_space<vmem>>)
    %dma_start3A_55 = arith.constant 0 : i32
    %dma_start3A_56 = arith.constant 0 : i32
    %dma_start3A_57 = tpu.memref_slice %arg2[%dma_start3A_55, %dma_start3A_56] : memref<10000x128xf32, #tpu.memory_space<hbm>> -> memref<10000x128xf32, #tpu.memory_space<hbm>>
    tpu.enqueue_indirect_dma source(%dma_start3A_57 : memref<10000x128xf32, #tpu.memory_space<hbm>>) target(%arg15 : memref<104x128xf32, #tpu.memory_space<vmem>>) offsets(%arg9 : memref<104xi32, #tpu.memory_space<vmem>>) semaphore(%arg28 : memref<!tpu.dma_semaphore, #tpu.memory_space<semaphore_mem>>)
    %add3A_58 = arith.constant 312 : i32
    %add3A_59 = arith.addi %mul3A_2, %add3A_58 : i32
    %dma_start3A_60 = tpu.memref_slice %arg3[%add3A_59] : memref<320000xi32, #tpu.memory_space<hbm>> -> memref<104xi32, #tpu.memory_space<hbm>>
    %dma_start3A_61 = tpu.memref_slice %arg3[%add3A_59] : memref<320000xi32, #tpu.memory_space<hbm>> -> memref<104xi32, #tpu.memory_space<hbm>>
    tpu.enqueue_dma source(%dma_start3A_61 : memref<104xi32, #tpu.memory_space<hbm>>) target(%arg7 : memref<104xi32, #tpu.memory_space<vmem>>) target_semaphore(%arg20 : memref<!tpu.dma_semaphore, #tpu.memory_space<semaphore_mem>>)
    %scan3A = arith.constant 0 : i32
    %scan3A_62 = arith.constant 31 : i32
    %scan3A_63 = arith.addi %scan3A, %scan3A_62 : i32
    %scan3A_64 = arith.constant 1 : i32
    scf.for %scan3A_103 = %scan3A to %scan3A_63 step %scan3A_64  : i32 {
      %mul3A_104 = arith.constant 1 : i32
      %mul3A_105 = arith.muli %scan3A_103, %mul3A_104 : i32
      %add3A_106 = arith.constant 1 : i32
      %add3A_107 = arith.addi %add3A_106, %mul3A_105 : i32
      %mul3A_108 = arith.constant 3 : i32
      %mul3A_109 = arith.muli %add3A_107, %mul3A_108 : i32
      %add3A_110 = arith.constant 0 : i32
      %add3A_111 = arith.addi %mul3A_109, %add3A_110 : i32
      %dma_wait3A_112 = arith.constant 0 : i32
      %dma_wait3A_113 = arith.constant 0 : i32
      %dma_wait3A_114 = tpu.memref_slice %arg19[%dma_wait3A_112, %dma_wait3A_113] : memref<10240x128xf32, #tpu.memory_space<vmem_shared>> -> memref<10240x128xf32, #tpu.memory_space<vmem_shared>>
      tpu.wait_indirect_dma semaphore(%arg29 : memref<!tpu.dma_semaphore, #tpu.memory_space<semaphore_mem>>) src(%arg13 : memref<104x128xf32, #tpu.memory_space<vmem>>) dst(%dma_wait3A_114 : memref<10240x128xf32, #tpu.memory_space<vmem_shared>>)
      %mul3A_115 = arith.constant 104 : i32
      %mul3A_116 = arith.muli %add3A_111, %mul3A_115 : i32
      %add3A_117 = arith.addi %mul3A_2, %mul3A_116 : i32
      %dma_start3A_118 = tpu.memref_slice %arg4[%add3A_117] : memref<320000xi32, #tpu.memory_space<hbm>> -> memref<104xi32, #tpu.memory_space<hbm>>
      %dma_start3A_119 = tpu.memref_slice %arg4[%add3A_117] : memref<320000xi32, #tpu.memory_space<hbm>> -> memref<104xi32, #tpu.memory_space<hbm>>
      tpu.enqueue_dma source(%dma_start3A_119 : memref<104xi32, #tpu.memory_space<hbm>>) target(%arg10 : memref<104xi32, #tpu.memory_space<vmem>>) target_semaphore(%arg23 : memref<!tpu.dma_semaphore, #tpu.memory_space<semaphore_mem>>)
      %add3A_120 = arith.constant 1 : i32
      %add3A_121 = arith.addi %add3A_111, %add3A_120 : i32
      %min3A = arith.constant 95 : i32
      %min3A_122 = arith.minsi %add3A_121, %min3A : i32
      %mul3A_123 = arith.constant 104 : i32
      %mul3A_124 = arith.muli %min3A_122, %mul3A_123 : i32
      %add3A_125 = arith.addi %mul3A_2, %mul3A_124 : i32
      %dma_start3A_126 = tpu.memref_slice %arg3[%add3A_125] : memref<320000xi32, #tpu.memory_space<hbm>> -> memref<104xi32, #tpu.memory_space<hbm>>
      %dma_start3A_127 = tpu.memref_slice %arg3[%add3A_125] : memref<320000xi32, #tpu.memory_space<hbm>> -> memref<104xi32, #tpu.memory_space<hbm>>
      tpu.enqueue_dma source(%dma_start3A_127 : memref<104xi32, #tpu.memory_space<hbm>>) target(%arg8 : memref<104xi32, #tpu.memory_space<vmem>>) target_semaphore(%arg21 : memref<!tpu.dma_semaphore, #tpu.memory_space<semaphore_mem>>)
      %dma_wait3A_128 = tpu.memref_slice %arg3[%mul3A_2] : memref<320000xi32, #tpu.memory_space<hbm>> -> memref<104xi32, #tpu.memory_space<hbm>>
      %dma_wait3A_129 = tpu.memref_slice %arg3[%mul3A_2] : memref<320000xi32, #tpu.memory_space<hbm>> -> memref<104xi32, #tpu.memory_space<hbm>>
      tpu.wait_dma2 semaphore(%arg20 : memref<!tpu.dma_semaphore, #tpu.memory_space<semaphore_mem>>) src(%dma_wait3A_129 : memref<104xi32, #tpu.memory_space<hbm>>) dst(%arg7 : memref<104xi32, #tpu.memory_space<vmem>>)
      %dma_start3A_130 = arith.constant 0 : i32
      %dma_start3A_131 = arith.constant 0 : i32
      %dma_start3A_132 = tpu.memref_slice %arg2[%dma_start3A_130, %dma_start3A_131] : memref<10000x128xf32, #tpu.memory_space<hbm>> -> memref<10000x128xf32, #tpu.memory_space<hbm>>
      tpu.enqueue_indirect_dma source(%dma_start3A_132 : memref<10000x128xf32, #tpu.memory_space<hbm>>) target(%arg13 : memref<104x128xf32, #tpu.memory_space<vmem>>) offsets(%arg7 : memref<104xi32, #tpu.memory_space<vmem>>) semaphore(%arg26 : memref<!tpu.dma_semaphore, #tpu.memory_space<semaphore_mem>>)
      %dma_wait3A_133 = arith.constant 0 : i32
      %dma_wait3A_134 = arith.constant 0 : i32
      %dma_wait3A_135 = tpu.memref_slice %arg2[%dma_wait3A_133, %dma_wait3A_134] : memref<10000x128xf32, #tpu.memory_space<hbm>> -> memref<10000x128xf32, #tpu.memory_space<hbm>>
      tpu.wait_indirect_dma semaphore(%arg28 : memref<!tpu.dma_semaphore, #tpu.memory_space<semaphore_mem>>) src(%dma_wait3A_135 : memref<10000x128xf32, #tpu.memory_space<hbm>>) dst(%arg15 : memref<104x128xf32, #tpu.memory_space<vmem>>)
      %dma_wait3A_136 = tpu.memref_slice %arg4[%mul3A_2] : memref<320000xi32, #tpu.memory_space<hbm>> -> memref<104xi32, #tpu.memory_space<hbm>>
      %dma_wait3A_137 = tpu.memref_slice %arg4[%mul3A_2] : memref<320000xi32, #tpu.memory_space<hbm>> -> memref<104xi32, #tpu.memory_space<hbm>>
      tpu.wait_dma2 semaphore(%arg25 : memref<!tpu.dma_semaphore, #tpu.memory_space<semaphore_mem>>) src(%dma_wait3A_137 : memref<104xi32, #tpu.memory_space<hbm>>) dst(%arg12 : memref<104xi32, #tpu.memory_space<vmem>>)
      %dma_start3A_138 = arith.constant 0 : i32
      %dma_start3A_139 = arith.constant 0 : i32
      %dma_start3A_140 = tpu.memref_slice %arg19[%dma_start3A_138, %dma_start3A_139] : memref<10240x128xf32, #tpu.memory_space<vmem_shared>> -> memref<10240x128xf32, #tpu.memory_space<vmem_shared>>
      tpu.enqueue_indirect_dma source(%arg15 : memref<104x128xf32, #tpu.memory_space<vmem>>) target(%dma_start3A_140 : memref<10240x128xf32, #tpu.memory_space<vmem_shared>>) offsets(%arg12 : memref<104xi32, #tpu.memory_space<vmem>>) semaphore(%arg31 : memref<!tpu.dma_semaphore, #tpu.memory_space<semaphore_mem>>) {add = true}
      %mul3A_141 = arith.constant 3 : i32
      %mul3A_142 = arith.muli %add3A_107, %mul3A_141 : i32
      %add3A_143 = arith.constant 1 : i32
      %add3A_144 = arith.addi %mul3A_142, %add3A_143 : i32
      %dma_wait3A_145 = arith.constant 0 : i32
      %dma_wait3A_146 = arith.constant 0 : i32
      %dma_wait3A_147 = tpu.memref_slice %arg19[%dma_wait3A_145, %dma_wait3A_146] : memref<10240x128xf32, #tpu.memory_space<vmem_shared>> -> memref<10240x128xf32, #tpu.memory_space<vmem_shared>>
      tpu.wait_indirect_dma semaphore(%arg30 : memref<!tpu.dma_semaphore, #tpu.memory_space<semaphore_mem>>) src(%arg14 : memref<104x128xf32, #tpu.memory_space<vmem>>) dst(%dma_wait3A_147 : memref<10240x128xf32, #tpu.memory_space<vmem_shared>>)
      %mul3A_148 = arith.constant 104 : i32
      %mul3A_149 = arith.muli %add3A_144, %mul3A_148 : i32
      %add3A_150 = arith.addi %mul3A_2, %mul3A_149 : i32
      %dma_start3A_151 = tpu.memref_slice %arg4[%add3A_150] : memref<320000xi32, #tpu.memory_space<hbm>> -> memref<104xi32, #tpu.memory_space<hbm>>
      %dma_start3A_152 = tpu.memref_slice %arg4[%add3A_150] : memref<320000xi32, #tpu.memory_space<hbm>> -> memref<104xi32, #tpu.memory_space<hbm>>
      tpu.enqueue_dma source(%dma_start3A_152 : memref<104xi32, #tpu.memory_space<hbm>>) target(%arg11 : memref<104xi32, #tpu.memory_space<vmem>>) target_semaphore(%arg24 : memref<!tpu.dma_semaphore, #tpu.memory_space<semaphore_mem>>)
      %add3A_153 = arith.constant 1 : i32
      %add3A_154 = arith.addi %add3A_144, %add3A_153 : i32
      %min3A_155 = arith.constant 95 : i32
      %min3A_156 = arith.minsi %add3A_154, %min3A_155 : i32
      %mul3A_157 = arith.constant 104 : i32
      %mul3A_158 = arith.muli %min3A_156, %mul3A_157 : i32
      %add3A_159 = arith.addi %mul3A_2, %mul3A_158 : i32
      %dma_start3A_160 = tpu.memref_slice %arg3[%add3A_159] : memref<320000xi32, #tpu.memory_space<hbm>> -> memref<104xi32, #tpu.memory_space<hbm>>
      %dma_start3A_161 = tpu.memref_slice %arg3[%add3A_159] : memref<320000xi32, #tpu.memory_space<hbm>> -> memref<104xi32, #tpu.memory_space<hbm>>
      tpu.enqueue_dma source(%dma_start3A_161 : memref<104xi32, #tpu.memory_space<hbm>>) target(%arg9 : memref<104xi32, #tpu.memory_space<vmem>>) target_semaphore(%arg22 : memref<!tpu.dma_semaphore, #tpu.memory_space<semaphore_mem>>)
      %dma_wait3A_162 = tpu.memref_slice %arg3[%mul3A_2] : memref<320000xi32, #tpu.memory_space<hbm>> -> memref<104xi32, #tpu.memory_space<hbm>>
      %dma_wait3A_163 = tpu.memref_slice %arg3[%mul3A_2] : memref<320000xi32, #tpu.memory_space<hbm>> -> memref<104xi32, #tpu.memory_space<hbm>>
      tpu.wait_dma2 semaphore(%arg21 : memref<!tpu.dma_semaphore, #tpu.memory_space<semaphore_mem>>) src(%dma_wait3A_163 : memref<104xi32, #tpu.memory_space<hbm>>) dst(%arg8 : memref<104xi32, #tpu.memory_space<vmem>>)
      %dma_start3A_164 = arith.constant 0 : i32
      %dma_start3A_165 = arith.constant 0 : i32
      %dma_start3A_166 = tpu.memref_slice %arg2[%dma_start3A_164, %dma_start3A_165] : memref<10000x128xf32, #tpu.memory_space<hbm>> -> memref<10000x128xf32, #tpu.memory_space<hbm>>
      tpu.enqueue_indirect_dma source(%dma_start3A_166 : memref<10000x128xf32, #tpu.memory_space<hbm>>) target(%arg14 : memref<104x128xf32, #tpu.memory_space<vmem>>) offsets(%arg8 : memref<104xi32, #tpu.memory_space<vmem>>) semaphore(%arg27 : memref<!tpu.dma_semaphore, #tpu.memory_space<semaphore_mem>>)
      %dma_wait3A_167 = arith.constant 0 : i32
      %dma_wait3A_168 = arith.constant 0 : i32
      %dma_wait3A_169 = tpu.memref_slice %arg2[%dma_wait3A_167, %dma_wait3A_168] : memref<10000x128xf32, #tpu.memory_space<hbm>> -> memref<10000x128xf32, #tpu.memory_space<hbm>>
      tpu.wait_indirect_dma semaphore(%arg26 : memref<!tpu.dma_semaphore, #tpu.memory_space<semaphore_mem>>) src(%dma_wait3A_169 : memref<10000x128xf32, #tpu.memory_space<hbm>>) dst(%arg13 : memref<104x128xf32, #tpu.memory_space<vmem>>)
      %dma_wait3A_170 = tpu.memref_slice %arg4[%mul3A_2] : memref<320000xi32, #tpu.memory_space<hbm>> -> memref<104xi32, #tpu.memory_space<hbm>>
      %dma_wait3A_171 = tpu.memref_slice %arg4[%mul3A_2] : memref<320000xi32, #tpu.memory_space<hbm>> -> memref<104xi32, #tpu.memory_space<hbm>>
      tpu.wait_dma2 semaphore(%arg23 : memref<!tpu.dma_semaphore, #tpu.memory_space<semaphore_mem>>) src(%dma_wait3A_171 : memref<104xi32, #tpu.memory_space<hbm>>) dst(%arg10 : memref<104xi32, #tpu.memory_space<vmem>>)
      %dma_start3A_172 = arith.constant 0 : i32
      %dma_start3A_173 = arith.constant 0 : i32
      %dma_start3A_174 = tpu.memref_slice %arg19[%dma_start3A_172, %dma_start3A_173] : memref<10240x128xf32, #tpu.memory_space<vmem_shared>> -> memref<10240x128xf32, #tpu.memory_space<vmem_shared>>
      tpu.enqueue_indirect_dma source(%arg13 : memref<104x128xf32, #tpu.memory_space<vmem>>) target(%dma_start3A_174 : memref<10240x128xf32, #tpu.memory_space<vmem_shared>>) offsets(%arg10 : memref<104xi32, #tpu.memory_space<vmem>>) semaphore(%arg29 : memref<!tpu.dma_semaphore, #tpu.memory_space<semaphore_mem>>) {add = true}
      %mul3A_175 = arith.constant 3 : i32
      %mul3A_176 = arith.muli %add3A_107, %mul3A_175 : i32
      %add3A_177 = arith.constant 2 : i32
      %add3A_178 = arith.addi %mul3A_176, %add3A_177 : i32
      %dma_wait3A_179 = arith.constant 0 : i32
      %dma_wait3A_180 = arith.constant 0 : i32
      %dma_wait3A_181 = tpu.memref_slice %arg19[%dma_wait3A_179, %dma_wait3A_180] : memref<10240x128xf32, #tpu.memory_space<vmem_shared>> -> memref<10240x128xf32, #tpu.memory_space<vmem_shared>>
      tpu.wait_indirect_dma semaphore(%arg31 : memref<!tpu.dma_semaphore, #tpu.memory_space<semaphore_mem>>) src(%arg15 : memref<104x128xf32, #tpu.memory_space<vmem>>) dst(%dma_wait3A_181 : memref<10240x128xf32, #tpu.memory_space<vmem_shared>>)
      %mul3A_182 = arith.constant 104 : i32
      %mul3A_183 = arith.muli %add3A_178, %mul3A_182 : i32
      %add3A_184 = arith.addi %mul3A_2, %mul3A_183 : i32
      %dma_start3A_185 = tpu.memref_slice %arg4[%add3A_184] : memref<320000xi32, #tpu.memory_space<hbm>> -> memref<104xi32, #tpu.memory_space<hbm>>
      %dma_start3A_186 = tpu.memref_slice %arg4[%add3A_184] : memref<320000xi32, #tpu.memory_space<hbm>> -> memref<104xi32, #tpu.memory_space<hbm>>
      tpu.enqueue_dma source(%dma_start3A_186 : memref<104xi32, #tpu.memory_space<hbm>>) target(%arg12 : memref<104xi32, #tpu.memory_space<vmem>>) target_semaphore(%arg25 : memref<!tpu.dma_semaphore, #tpu.memory_space<semaphore_mem>>)
      %add3A_187 = arith.constant 1 : i32
      %add3A_188 = arith.addi %add3A_178, %add3A_187 : i32
      %min3A_189 = arith.constant 95 : i32
      %min3A_190 = arith.minsi %add3A_188, %min3A_189 : i32
      %mul3A_191 = arith.constant 104 : i32
      %mul3A_192 = arith.muli %min3A_190, %mul3A_191 : i32
      %add3A_193 = arith.addi %mul3A_2, %mul3A_192 : i32
      %dma_start3A_194 = tpu.memref_slice %arg3[%add3A_193] : memref<320000xi32, #tpu.memory_space<hbm>> -> memref<104xi32, #tpu.memory_space<hbm>>
      %dma_start3A_195 = tpu.memref_slice %arg3[%add3A_193] : memref<320000xi32, #tpu.memory_space<hbm>> -> memref<104xi32, #tpu.memory_space<hbm>>
      tpu.enqueue_dma source(%dma_start3A_195 : memref<104xi32, #tpu.memory_space<hbm>>) target(%arg7 : memref<104xi32, #tpu.memory_space<vmem>>) target_semaphore(%arg20 : memref<!tpu.dma_semaphore, #tpu.memory_space<semaphore_mem>>)
      %dma_wait3A_196 = tpu.memref_slice %arg3[%mul3A_2] : memref<320000xi32, #tpu.memory_space<hbm>> -> memref<104xi32, #tpu.memory_space<hbm>>
      %dma_wait3A_197 = tpu.memref_slice %arg3[%mul3A_2] : memref<320000xi32, #tpu.memory_space<hbm>> -> memref<104xi32, #tpu.memory_space<hbm>>
      tpu.wait_dma2 semaphore(%arg22 : memref<!tpu.dma_semaphore, #tpu.memory_space<semaphore_mem>>) src(%dma_wait3A_197 : memref<104xi32, #tpu.memory_space<hbm>>) dst(%arg9 : memref<104xi32, #tpu.memory_space<vmem>>)
      %dma_start3A_198 = arith.constant 0 : i32
      %dma_start3A_199 = arith.constant 0 : i32
      %dma_start3A_200 = tpu.memref_slice %arg2[%dma_start3A_198, %dma_start3A_199] : memref<10000x128xf32, #tpu.memory_space<hbm>> -> memref<10000x128xf32, #tpu.memory_space<hbm>>
      tpu.enqueue_indirect_dma source(%dma_start3A_200 : memref<10000x128xf32, #tpu.memory_space<hbm>>) target(%arg15 : memref<104x128xf32, #tpu.memory_space<vmem>>) offsets(%arg9 : memref<104xi32, #tpu.memory_space<vmem>>) semaphore(%arg28 : memref<!tpu.dma_semaphore, #tpu.memory_space<semaphore_mem>>)
      %dma_wait3A_201 = arith.constant 0 : i32
      %dma_wait3A_202 = arith.constant 0 : i32
      %dma_wait3A_203 = tpu.memref_slice %arg2[%dma_wait3A_201, %dma_wait3A_202] : memref<10000x128xf32, #tpu.memory_space<hbm>> -> memref<10000x128xf32, #tpu.memory_space<hbm>>
      tpu.wait_indirect_dma semaphore(%arg27 : memref<!tpu.dma_semaphore, #tpu.memory_space<semaphore_mem>>) src(%dma_wait3A_203 : memref<10000x128xf32, #tpu.memory_space<hbm>>) dst(%arg14 : memref<104x128xf32, #tpu.memory_space<vmem>>)
      %dma_wait3A_204 = tpu.memref_slice %arg4[%mul3A_2] : memref<320000xi32, #tpu.memory_space<hbm>> -> memref<104xi32, #tpu.memory_space<hbm>>
      %dma_wait3A_205 = tpu.memref_slice %arg4[%mul3A_2] : memref<320000xi32, #tpu.memory_space<hbm>> -> memref<104xi32, #tpu.memory_space<hbm>>
      tpu.wait_dma2 semaphore(%arg24 : memref<!tpu.dma_semaphore, #tpu.memory_space<semaphore_mem>>) src(%dma_wait3A_205 : memref<104xi32, #tpu.memory_space<hbm>>) dst(%arg11 : memref<104xi32, #tpu.memory_space<vmem>>)
      %dma_start3A_206 = arith.constant 0 : i32
      %dma_start3A_207 = arith.constant 0 : i32
      %dma_start3A_208 = tpu.memref_slice %arg19[%dma_start3A_206, %dma_start3A_207] : memref<10240x128xf32, #tpu.memory_space<vmem_shared>> -> memref<10240x128xf32, #tpu.memory_space<vmem_shared>>
      tpu.enqueue_indirect_dma source(%arg14 : memref<104x128xf32, #tpu.memory_space<vmem>>) target(%dma_start3A_208 : memref<10240x128xf32, #tpu.memory_space<vmem_shared>>) offsets(%arg11 : memref<104xi32, #tpu.memory_space<vmem>>) semaphore(%arg30 : memref<!tpu.dma_semaphore, #tpu.memory_space<semaphore_mem>>) {add = true}
    }
    %scan3A_65 = arith.constant 31 : i32
    %dma_wait3A_66 = tpu.memref_slice %arg3[%mul3A_2] : memref<320000xi32, #tpu.memory_space<hbm>> -> memref<104xi32, #tpu.memory_space<hbm>>
    %dma_wait3A_67 = tpu.memref_slice %arg3[%mul3A_2] : memref<320000xi32, #tpu.memory_space<hbm>> -> memref<104xi32, #tpu.memory_space<hbm>>
    tpu.wait_dma2 semaphore(%arg20 : memref<!tpu.dma_semaphore, #tpu.memory_space<semaphore_mem>>) src(%dma_wait3A_67 : memref<104xi32, #tpu.memory_space<hbm>>) dst(%arg7 : memref<104xi32, #tpu.memory_space<vmem>>)
    %dma_wait3A_68 = arith.constant 0 : i32
    %dma_wait3A_69 = arith.constant 0 : i32
    %dma_wait3A_70 = tpu.memref_slice %arg2[%dma_wait3A_68, %dma_wait3A_69] : memref<10000x128xf32, #tpu.memory_space<hbm>> -> memref<10000x128xf32, #tpu.memory_space<hbm>>
    tpu.wait_indirect_dma semaphore(%arg28 : memref<!tpu.dma_semaphore, #tpu.memory_space<semaphore_mem>>) src(%dma_wait3A_70 : memref<10000x128xf32, #tpu.memory_space<hbm>>) dst(%arg15 : memref<104x128xf32, #tpu.memory_space<vmem>>)
    %dma_wait3A_71 = tpu.memref_slice %arg4[%mul3A_2] : memref<320000xi32, #tpu.memory_space<hbm>> -> memref<104xi32, #tpu.memory_space<hbm>>
    %dma_wait3A_72 = tpu.memref_slice %arg4[%mul3A_2] : memref<320000xi32, #tpu.memory_space<hbm>> -> memref<104xi32, #tpu.memory_space<hbm>>
    tpu.wait_dma2 semaphore(%arg25 : memref<!tpu.dma_semaphore, #tpu.memory_space<semaphore_mem>>) src(%dma_wait3A_72 : memref<104xi32, #tpu.memory_space<hbm>>) dst(%arg12 : memref<104xi32, #tpu.memory_space<vmem>>)
    %dma_start3A_73 = arith.constant 0 : i32
    %dma_start3A_74 = arith.constant 0 : i32
    %dma_start3A_75 = tpu.memref_slice %arg19[%dma_start3A_73, %dma_start3A_74] : memref<10240x128xf32, #tpu.memory_space<vmem_shared>> -> memref<10240x128xf32, #tpu.memory_space<vmem_shared>>
    tpu.enqueue_indirect_dma source(%arg15 : memref<104x128xf32, #tpu.memory_space<vmem>>) target(%dma_start3A_75 : memref<10240x128xf32, #tpu.memory_space<vmem_shared>>) offsets(%arg12 : memref<104xi32, #tpu.memory_space<vmem>>) semaphore(%arg31 : memref<!tpu.dma_semaphore, #tpu.memory_space<semaphore_mem>>) {add = true}
    %add3A_76 = arith.constant 9984 : i32
    %add3A_77 = arith.addi %mul3A_2, %add3A_76 : i32
    "tpu.region"() ({
      %run_scoped3A = tpu.sem_alloc : memref<!tpu.dma_semaphore, #tpu.memory_space<semaphore_mem>>
      %dma_start3A_103 = tpu.memref_slice %arg3[%add3A_77] : memref<320000xi32, #tpu.memory_space<hbm>> -> memref<16xi32, #tpu.memory_space<hbm>>
      %dma_start3A_104 = tpu.memref_slice %arg3[%add3A_77] : memref<320000xi32, #tpu.memory_space<hbm>> -> memref<16xi32, #tpu.memory_space<hbm>>
      tpu.enqueue_dma source(%dma_start3A_104 : memref<16xi32, #tpu.memory_space<hbm>>) target(%arg16 : memref<16xi32, #tpu.memory_space<vmem>>) target_semaphore(%run_scoped3A : memref<!tpu.dma_semaphore, #tpu.memory_space<semaphore_mem>>)
      %dma_wait3A_105 = tpu.memref_slice %arg3[%add3A_77] : memref<320000xi32, #tpu.memory_space<hbm>> -> memref<16xi32, #tpu.memory_space<hbm>>
      %dma_wait3A_106 = tpu.memref_slice %arg3[%add3A_77] : memref<320000xi32, #tpu.memory_space<hbm>> -> memref<16xi32, #tpu.memory_space<hbm>>
      tpu.wait_dma2 semaphore(%run_scoped3A : memref<!tpu.dma_semaphore, #tpu.memory_space<semaphore_mem>>) src(%dma_wait3A_106 : memref<16xi32, #tpu.memory_space<hbm>>) dst(%arg16 : memref<16xi32, #tpu.memory_space<vmem>>)
      tpu.yield
    }) : () -> ()
    %add3A_78 = arith.constant 9984 : i32
    %add3A_79 = arith.addi %mul3A_2, %add3A_78 : i32
    "tpu.region"() ({
      %run_scoped3A = tpu.sem_alloc : memref<!tpu.dma_semaphore, #tpu.memory_space<semaphore_mem>>
      %dma_start3A_103 = tpu.memref_slice %arg4[%add3A_79] : memref<320000xi32, #tpu.memory_space<hbm>> -> memref<16xi32, #tpu.memory_space<hbm>>
      %dma_start3A_104 = tpu.memref_slice %arg4[%add3A_79] : memref<320000xi32, #tpu.memory_space<hbm>> -> memref<16xi32, #tpu.memory_space<hbm>>
      tpu.enqueue_dma source(%dma_start3A_104 : memref<16xi32, #tpu.memory_space<hbm>>) target(%arg17 : memref<16xi32, #tpu.memory_space<vmem>>) target_semaphore(%run_scoped3A : memref<!tpu.dma_semaphore, #tpu.memory_space<semaphore_mem>>)
      %dma_wait3A_105 = tpu.memref_slice %arg4[%add3A_79] : memref<320000xi32, #tpu.memory_space<hbm>> -> memref<16xi32, #tpu.memory_space<hbm>>
      %dma_wait3A_106 = tpu.memref_slice %arg4[%add3A_79] : memref<320000xi32, #tpu.memory_space<hbm>> -> memref<16xi32, #tpu.memory_space<hbm>>
      tpu.wait_dma2 semaphore(%run_scoped3A : memref<!tpu.dma_semaphore, #tpu.memory_space<semaphore_mem>>) src(%dma_wait3A_106 : memref<16xi32, #tpu.memory_space<hbm>>) dst(%arg17 : memref<16xi32, #tpu.memory_space<vmem>>)
      tpu.yield
    }) : () -> ()
    %dma_start3A_80 = arith.constant 0 : i32
    %dma_start3A_81 = arith.constant 0 : i32
    %dma_start3A_82 = tpu.memref_slice %arg2[%dma_start3A_80, %dma_start3A_81] : memref<10000x128xf32, #tpu.memory_space<hbm>> -> memref<10000x128xf32, #tpu.memory_space<hbm>>
    tpu.enqueue_indirect_dma source(%dma_start3A_82 : memref<10000x128xf32, #tpu.memory_space<hbm>>) target(%arg18 : memref<16x128xf32, #tpu.memory_space<vmem>>) offsets(%arg16 : memref<16xi32, #tpu.memory_space<vmem>>) semaphore(%arg32 : memref<!tpu.dma_semaphore, #tpu.memory_space<semaphore_mem>>)
    %dma_wait3A_83 = arith.constant 0 : i32
    %dma_wait3A_84 = arith.constant 0 : i32
    %dma_wait3A_85 = tpu.memref_slice %arg2[%dma_wait3A_83, %dma_wait3A_84] : memref<10000x128xf32, #tpu.memory_space<hbm>> -> memref<10000x128xf32, #tpu.memory_space<hbm>>
    tpu.wait_indirect_dma semaphore(%arg32 : memref<!tpu.dma_semaphore, #tpu.memory_space<semaphore_mem>>) src(%dma_wait3A_85 : memref<10000x128xf32, #tpu.memory_space<hbm>>) dst(%arg18 : memref<16x128xf32, #tpu.memory_space<vmem>>)
    "tpu.region"() ({
      %run_scoped3A = tpu.sem_alloc : memref<!tpu.dma_semaphore, #tpu.memory_space<semaphore_mem>>
      %dma_start3A_103 = arith.constant 0 : i32
      %dma_start3A_104 = arith.constant 0 : i32
      %dma_start3A_105 = tpu.memref_slice %arg19[%dma_start3A_103, %dma_start3A_104] : memref<10240x128xf32, #tpu.memory_space<vmem_shared>> -> memref<10240x128xf32, #tpu.memory_space<vmem_shared>>
      tpu.enqueue_indirect_dma source(%arg18 : memref<16x128xf32, #tpu.memory_space<vmem>>) target(%dma_start3A_105 : memref<10240x128xf32, #tpu.memory_space<vmem_shared>>) offsets(%arg17 : memref<16xi32, #tpu.memory_space<vmem>>) semaphore(%run_scoped3A : memref<!tpu.dma_semaphore, #tpu.memory_space<semaphore_mem>>) {add = true}
      %dma_wait3A_106 = arith.constant 0 : i32
      %dma_wait3A_107 = arith.constant 0 : i32
      %dma_wait3A_108 = tpu.memref_slice %arg19[%dma_wait3A_106, %dma_wait3A_107] : memref<10240x128xf32, #tpu.memory_space<vmem_shared>> -> memref<10240x128xf32, #tpu.memory_space<vmem_shared>>
      tpu.wait_indirect_dma semaphore(%run_scoped3A : memref<!tpu.dma_semaphore, #tpu.memory_space<semaphore_mem>>) src(%arg18 : memref<16x128xf32, #tpu.memory_space<vmem>>) dst(%dma_wait3A_108 : memref<10240x128xf32, #tpu.memory_space<vmem_shared>>)
      tpu.yield
    }) : () -> ()
    %dma_wait3A_86 = arith.constant 0 : i32
    %dma_wait3A_87 = arith.constant 0 : i32
    %dma_wait3A_88 = tpu.memref_slice %arg19[%dma_wait3A_86, %dma_wait3A_87] : memref<10240x128xf32, #tpu.memory_space<vmem_shared>> -> memref<10240x128xf32, #tpu.memory_space<vmem_shared>>
    tpu.wait_indirect_dma semaphore(%arg29 : memref<!tpu.dma_semaphore, #tpu.memory_space<semaphore_mem>>) src(%arg13 : memref<104x128xf32, #tpu.memory_space<vmem>>) dst(%dma_wait3A_88 : memref<10240x128xf32, #tpu.memory_space<vmem_shared>>)
    %dma_wait3A_89 = arith.constant 0 : i32
    %dma_wait3A_90 = arith.constant 0 : i32
    %dma_wait3A_91 = tpu.memref_slice %arg19[%dma_wait3A_89, %dma_wait3A_90] : memref<10240x128xf32, #tpu.memory_space<vmem_shared>> -> memref<10240x128xf32, #tpu.memory_space<vmem_shared>>
    tpu.wait_indirect_dma semaphore(%arg30 : memref<!tpu.dma_semaphore, #tpu.memory_space<semaphore_mem>>) src(%arg14 : memref<104x128xf32, #tpu.memory_space<vmem>>) dst(%dma_wait3A_91 : memref<10240x128xf32, #tpu.memory_space<vmem_shared>>)
    %dma_wait3A_92 = arith.constant 0 : i32
    %dma_wait3A_93 = arith.constant 0 : i32
    %dma_wait3A_94 = tpu.memref_slice %arg19[%dma_wait3A_92, %dma_wait3A_93] : memref<10240x128xf32, #tpu.memory_space<vmem_shared>> -> memref<10240x128xf32, #tpu.memory_space<vmem_shared>>
    tpu.wait_indirect_dma semaphore(%arg31 : memref<!tpu.dma_semaphore, #tpu.memory_space<semaphore_mem>>) src(%arg15 : memref<104x128xf32, #tpu.memory_space<vmem>>) dst(%dma_wait3A_94 : memref<10240x128xf32, #tpu.memory_space<vmem_shared>>)
    %barrier3A_95 = arith.constant 0 : index
    tpu.barrier barrier_id(%barrier3A_95)
    %mul3A_96 = arith.constant 640 : i32
    %mul3A_97 = arith.muli %arg1, %mul3A_96 : i32
    %mul3A_98 = arith.constant 10240 : i32
    %mul3A_99 = arith.muli %arg0, %mul3A_98 : i32
    %mul3A_100 = arith.constant 640 : i32
    %mul3A_101 = arith.muli %arg1, %mul3A_100 : i32
    %add3A_102 = arith.addi %mul3A_99, %mul3A_101 : i32
    "tpu.region"() ({
      %run_scoped3A = tpu.sem_alloc : memref<!tpu.dma_semaphore, #tpu.memory_space<semaphore_mem>>
      %dma_start3A_103 = arith.constant 0 : i32
      %dma_start3A_104 = tpu.memref_slice %arg6[%add3A_102, %dma_start3A_103] : memref<20480x128xf32, #tpu.memory_space<hbm>> -> memref<640x128xf32, #tpu.memory_space<hbm>>
      %dma_start3A_105 = arith.constant 0 : i32
      %dma_start3A_106 = tpu.memref_slice %arg19[%mul3A_97, %dma_start3A_105] : memref<10240x128xf32, #tpu.memory_space<vmem_shared>> -> memref<640x128xf32, #tpu.memory_space<vmem_shared>>
      tpu.enqueue_dma source(%dma_start3A_106 : memref<640x128xf32, #tpu.memory_space<vmem_shared>>) target(%dma_start3A_104 : memref<640x128xf32, #tpu.memory_space<hbm>>) target_semaphore(%run_scoped3A : memref<!tpu.dma_semaphore, #tpu.memory_space<semaphore_mem>>)
      %dma_wait3A_107 = arith.constant 0 : i32
      %dma_wait3A_108 = tpu.memref_slice %arg6[%add3A_102, %dma_wait3A_107] : memref<20480x128xf32, #tpu.memory_space<hbm>> -> memref<640x128xf32, #tpu.memory_space<hbm>>
      %dma_wait3A_109 = arith.constant 0 : i32
      %dma_wait3A_110 = tpu.memref_slice %arg19[%mul3A_97, %dma_wait3A_109] : memref<10240x128xf32, #tpu.memory_space<vmem_shared>> -> memref<640x128xf32, #tpu.memory_space<vmem_shared>>
      tpu.wait_dma2 semaphore(%run_scoped3A : memref<!tpu.dma_semaphore, #tpu.memory_space<semaphore_mem>>) src(%dma_wait3A_110 : memref<640x128xf32, #tpu.memory_space<vmem_shared>>) dst(%dma_wait3A_108 : memref<640x128xf32, #tpu.memory_space<hbm>>)
      tpu.yield
    }) : () -> ()
    return
  }
}

module attributes {stable_mosaic.version = 14 : i64} {
  func.func @body(%arg0: i32, %arg1: memref<2000x128xf32, #tpu.memory_space<vmem>>, %arg2: memref<128x128xf32, #tpu.memory_space<vmem>>, %arg3: memref<2000x128xf32, #tpu.memory_space<vmem>>) attributes {dimension_semantics = [#tpu.dimension_semantics<arbitrary>], iteration_bounds = array<i64: 5>, scalar_prefetch = 0 : i64, scratch_operands = 0 : i64, tpu.core_type = #tpu.core_type<tc>, window_params = [{transform_indices = @transform_0, window_bounds = array<i64: 2000, 128>}, {pipeline_mode = #tpu.pipeline_mode<synchronous>, transform_indices = @transform_1, window_bounds = array<i64: 128, 128>}, {transform_indices = @transform_2, window_bounds = array<i64: 2000, 128>}]} {
    %get3A = arith.constant 0 : index
    %get3A_0 = arith.constant 0 : index
    %get3A_1 = vector.load %arg1[%get3A, %get3A_0] : memref<2000x128xf32, #tpu.memory_space<vmem>>, vector<2000x128xf32>
    %get3A_2 = arith.constant 0 : index
    %get3A_3 = arith.constant 0 : index
    %get3A_4 = vector.load %arg2[%get3A_2, %get3A_3] : memref<128x128xf32, #tpu.memory_space<vmem>>, vector<128x128xf32>
    %dot_general3A = arith.constant dense<0.000000e+00> : vector<2000x128xf32>
    %dot_general3A_5 = tpu.matmul %get3A_1, %get3A_4, %dot_general3A {dimension_numbers = #tpu.dot_dimension_numbers<[1], [0], [0], [1], [0, 0, 1, 1], [], []>, transpose_lhs_hint = false} : vector<2000x128xf32>, vector<128x128xf32>, vector<2000x128xf32> -> vector<2000x128xf32>
    %swap3A = arith.constant 0 : index
    %swap3A_6 = arith.constant 0 : index
    %swap3A_7 = vector.load %arg3[%swap3A, %swap3A_6] : memref<2000x128xf32, #tpu.memory_space<vmem>>, vector<2000x128xf32>
    tpu.vector_store %arg3[%swap3A, %swap3A_6], %dot_general3A_5 {strides = array<i32>} : memref<2000x128xf32, #tpu.memory_space<vmem>>, vector<2000x128xf32>,
    return
  }
  func.func @transform_0(%arg0: i32) -> (i32, i32) {
    %c0_i32 = arith.constant 0 : i32
    %c0_i32_0 = arith.constant 0 : i32
    return %arg0, %c0_i32 : i32, i32
  }
  func.func @transform_1(%arg0: i32) -> (i32, i32) {
    %c0_i32 = arith.constant 0 : i32
    %c0_i32_0 = arith.constant 0 : i32
    %c0_i32_1 = arith.constant 0 : i32
    return %c0_i32, %c0_i32_0 : i32, i32
  }
  func.func @transform_2(%arg0: i32) -> (i32, i32) {
    %c0_i32 = arith.constant 0 : i32
    %c0_i32_0 = arith.constant 0 : i32
    return %arg0, %c0_i32 : i32, i32
  }
}

module attributes {stable_mosaic.version = 14 : i64} {
  func.func @body(%arg0: i32, %arg1: memref<2x2000x128xf32, #tpu.memory_space<vmem>>, %arg2: memref<2x2000x128xf32, #tpu.memory_space<vmem>>, %arg3: memref<2000x128xf32, #tpu.memory_space<vmem>>) attributes {dimension_semantics = [#tpu.dimension_semantics<arbitrary>], iteration_bounds = array<i64: 5>, scalar_prefetch = 0 : i64, scratch_operands = 0 : i64, tpu.core_type = #tpu.core_type<tc>, window_params = [{transform_indices = @transform_0, window_bounds = array<i64: 2, 2000, 128>}, {transform_indices = @transform_1, window_bounds = array<i64: 2, 2000, 128>}, {transform_indices = @transform_2, window_bounds = array<i64: 2000, 128>}]} {
    %get3A = arith.constant 0 : index
    %get3A_0 = arith.constant 0 : index
    %get3A_1 = arith.constant 0 : index
    %get3A_2 = vector.load %arg1[%get3A, %get3A_0, %get3A_1] : memref<2x2000x128xf32, #tpu.memory_space<vmem>>, vector<1x2000x128xf32>
    %get3A_3 = vector.shape_cast %get3A_2 : vector<1x2000x128xf32> to vector<2000x128xf32>
    %get3A_4 = arith.constant 1 : index
    %get3A_5 = arith.constant 0 : index
    %get3A_6 = arith.constant 0 : index
    %get3A_7 = vector.load %arg1[%get3A_4, %get3A_5, %get3A_6] : memref<2x2000x128xf32, #tpu.memory_space<vmem>>, vector<1x2000x128xf32>
    %get3A_8 = vector.shape_cast %get3A_7 : vector<1x2000x128xf32> to vector<2000x128xf32>
    %add3A = arith.addf %get3A_3, %get3A_8 : vector<2000x128xf32>
    %get3A_9 = arith.constant 0 : index
    %get3A_10 = arith.constant 0 : index
    %get3A_11 = arith.constant 0 : index
    %get3A_12 = vector.load %arg2[%get3A_9, %get3A_10, %get3A_11] : memref<2x2000x128xf32, #tpu.memory_space<vmem>>, vector<1x2000x128xf32>
    %get3A_13 = vector.shape_cast %get3A_12 : vector<1x2000x128xf32> to vector<2000x128xf32>
    %slice3A = vector.extract_strided_slice %get3A_13 {offsets = [0, 0], sizes = [2000, 1], strides = [1, 1]} : vector<2000x128xf32> to vector<2000x1xf32>
    %get3A_14 = arith.constant 1 : index
    %get3A_15 = arith.constant 0 : index
    %get3A_16 = arith.constant 0 : index
    %get3A_17 = vector.load %arg2[%get3A_14, %get3A_15, %get3A_16] : memref<2x2000x128xf32, #tpu.memory_space<vmem>>, vector<1x2000x128xf32>
    %get3A_18 = vector.shape_cast %get3A_17 : vector<1x2000x128xf32> to vector<2000x128xf32>
    %slice3A_19 = vector.extract_strided_slice %get3A_18 {offsets = [0, 0], sizes = [2000, 1], strides = [1, 1]} : vector<2000x128xf32> to vector<2000x1xf32>
    %add3A_20 = arith.addf %slice3A, %slice3A_19 : vector<2000x1xf32>
    %gt3A = arith.constant 0.000000e+00 : f32
    %gt3A_21 = vector.broadcast %gt3A : f32 to vector<2000x1xf32>
    %gt3A_22 = arith.cmpf ogt, %add3A_20, %gt3A_21 : vector<2000x1xf32>
    %gt3A_23 = arith.constant 0.000000e+00 : f32
    %gt3A_24 = vector.broadcast %gt3A_23 : f32 to vector<2000x1xf32>
    %gt3A_25 = arith.cmpf ogt, %add3A_20, %gt3A_24 : vector<2000x1xf32>
    %jit3A = arith.constant 1.000000e+00 : f32
    %broadcast_in_dim3A = vector.broadcast %jit3A : f32 to vector<2000x1xf32>
    %select_n3A = arith.select %gt3A_25, %add3A_20, %broadcast_in_dim3A : vector<2000x1xi1>, vector<2000x1xf32>
    %div3A = arith.constant 1.000000e+00 : f32
    %div3A_26 = vector.broadcast %div3A : f32 to vector<2000x1xf32>
    %div3A_27 = arith.divf %div3A_26, %select_n3A : vector<2000x1xf32>
    %jit3A_28 = arith.constant 0.000000e+00 : f32
    %broadcast_in_dim3A_29 = vector.broadcast %jit3A_28 : f32 to vector<2000x1xf32>
    %select_n3A_30 = arith.select %gt3A_22, %div3A_27, %broadcast_in_dim3A_29 : vector<2000x1xi1>, vector<2000x1xf32>
    %mul3A = vector.broadcast %select_n3A_30 : vector<2000x1xf32> to vector<2000x128xf32>
    %mul3A_31 = arith.mulf %add3A, %mul3A : vector<2000x128xf32>
    %swap3A = arith.constant 0 : index
    %swap3A_32 = arith.constant 0 : index
    %swap3A_33 = vector.load %arg3[%swap3A, %swap3A_32] : memref<2000x128xf32, #tpu.memory_space<vmem>>, vector<2000x128xf32>
    tpu.vector_store %arg3[%swap3A, %swap3A_32], %mul3A_31 {strides = array<i32>} : memref<2000x128xf32, #tpu.memory_space<vmem>>, vector<2000x128xf32>,
    return
  }
  func.func @transform_0(%arg0: i32) -> (i32, i32, i32) {
    %c0_i32 = arith.constant 0 : i32
    %c0_i32_0 = arith.constant 0 : i32
    %c0_i32_1 = arith.constant 0 : i32
    return %c0_i32, %arg0, %c0_i32_0 : i32, i32, i32
  }
  func.func @transform_1(%arg0: i32) -> (i32, i32, i32) {
    %c0_i32 = arith.constant 0 : i32
    %c0_i32_0 = arith.constant 0 : i32
    %c0_i32_1 = arith.constant 0 : i32
    return %c0_i32, %arg0, %c0_i32_0 : i32, i32, i32
  }
  func.func @transform_2(%arg0: i32) -> (i32, i32) {
    %c0_i32 = arith.constant 0 : i32
    %c0_i32_0 = arith.constant 0 : i32
    return %arg0, %c0_i32 : i32, i32
  }
}

module attributes {stable_mosaic.version = 14 : i64} {
  func.func @body(%arg0: i32, %arg1: memref<2x2000x128xf32, #tpu.memory_space<vmem>>, %arg2: memref<2x2000x128xf32, #tpu.memory_space<vmem>>, %arg3: memref<1x128xf32, #tpu.memory_space<vmem>>, %arg4: memref<128x128xf32, #tpu.memory_space<vmem>>, %arg5: memref<2000x128xf32, #tpu.memory_space<vmem>>) attributes {dimension_semantics = [#tpu.dimension_semantics<arbitrary>], iteration_bounds = array<i64: 5>, scalar_prefetch = 0 : i64, scratch_operands = 0 : i64, tpu.core_type = #tpu.core_type<tc>, window_params = [{transform_indices = @transform_0, window_bounds = array<i64: 2, 2000, 128>}, {transform_indices = @transform_1, window_bounds = array<i64: 2, 2000, 128>}, {pipeline_mode = #tpu.pipeline_mode<synchronous>, transform_indices = @transform_2, window_bounds = array<i64: 1, 128>}, {pipeline_mode = #tpu.pipeline_mode<synchronous>, transform_indices = @transform_3, window_bounds = array<i64: 128, 128>}, {transform_indices = @transform_4, window_bounds = array<i64: 2000, 128>}]} {
    %get3A = arith.constant 0 : index
    %get3A_0 = arith.constant 0 : index
    %get3A_1 = arith.constant 0 : index
    %get3A_2 = vector.load %arg1[%get3A, %get3A_0, %get3A_1] : memref<2x2000x128xf32, #tpu.memory_space<vmem>>, vector<1x2000x128xf32>
    %get3A_3 = vector.shape_cast %get3A_2 : vector<1x2000x128xf32> to vector<2000x128xf32>
    %get3A_4 = arith.constant 1 : index
    %get3A_5 = arith.constant 0 : index
    %get3A_6 = arith.constant 0 : index
    %get3A_7 = vector.load %arg1[%get3A_4, %get3A_5, %get3A_6] : memref<2x2000x128xf32, #tpu.memory_space<vmem>>, vector<1x2000x128xf32>
    %get3A_8 = vector.shape_cast %get3A_7 : vector<1x2000x128xf32> to vector<2000x128xf32>
    %add3A = arith.addf %get3A_3, %get3A_8 : vector<2000x128xf32>
    %get3A_9 = arith.constant 0 : index
    %get3A_10 = arith.constant 0 : index
    %get3A_11 = arith.constant 0 : index
    %get3A_12 = vector.load %arg2[%get3A_9, %get3A_10, %get3A_11] : memref<2x2000x128xf32, #tpu.memory_space<vmem>>, vector<1x2000x128xf32>
    %get3A_13 = vector.shape_cast %get3A_12 : vector<1x2000x128xf32> to vector<2000x128xf32>
    %slice3A = vector.extract_strided_slice %get3A_13 {offsets = [0, 0], sizes = [2000, 1], strides = [1, 1]} : vector<2000x128xf32> to vector<2000x1xf32>
    %get3A_14 = arith.constant 1 : index
    %get3A_15 = arith.constant 0 : index
    %get3A_16 = arith.constant 0 : index
    %get3A_17 = vector.load %arg2[%get3A_14, %get3A_15, %get3A_16] : memref<2x2000x128xf32, #tpu.memory_space<vmem>>, vector<1x2000x128xf32>
    %get3A_18 = vector.shape_cast %get3A_17 : vector<1x2000x128xf32> to vector<2000x128xf32>
    %slice3A_19 = vector.extract_strided_slice %get3A_18 {offsets = [0, 0], sizes = [2000, 1], strides = [1, 1]} : vector<2000x128xf32> to vector<2000x1xf32>
    %add3A_20 = arith.addf %slice3A, %slice3A_19 : vector<2000x1xf32>
    %gt3A = arith.constant 0.000000e+00 : f32
    %gt3A_21 = vector.broadcast %gt3A : f32 to vector<2000x1xf32>
    %gt3A_22 = arith.cmpf ogt, %add3A_20, %gt3A_21 : vector<2000x1xf32>
    %gt3A_23 = arith.constant 0.000000e+00 : f32
    %gt3A_24 = vector.broadcast %gt3A_23 : f32 to vector<2000x1xf32>
    %gt3A_25 = arith.cmpf ogt, %add3A_20, %gt3A_24 : vector<2000x1xf32>
    %jit3A = arith.constant 1.000000e+00 : f32
    %broadcast_in_dim3A = vector.broadcast %jit3A : f32 to vector<2000x1xf32>
    %select_n3A = arith.select %gt3A_25, %add3A_20, %broadcast_in_dim3A : vector<2000x1xi1>, vector<2000x1xf32>
    %div3A = arith.constant 1.000000e+00 : f32
    %div3A_26 = vector.broadcast %div3A : f32 to vector<2000x1xf32>
    %div3A_27 = arith.divf %div3A_26, %select_n3A : vector<2000x1xf32>
    %jit3A_28 = arith.constant 0.000000e+00 : f32
    %broadcast_in_dim3A_29 = vector.broadcast %jit3A_28 : f32 to vector<2000x1xf32>
    %select_n3A_30 = arith.select %gt3A_22, %div3A_27, %broadcast_in_dim3A_29 : vector<2000x1xi1>, vector<2000x1xf32>
    %mul3A = vector.broadcast %select_n3A_30 : vector<2000x1xf32> to vector<2000x128xf32>
    %mul3A_31 = arith.mulf %add3A, %mul3A : vector<2000x128xf32>
    %get3A_32 = arith.constant 0 : index
    %get3A_33 = arith.constant 0 : index
    %get3A_34 = vector.load %arg3[%get3A_32, %get3A_33] : memref<1x128xf32, #tpu.memory_space<vmem>>, vector<1x128xf32>
    %add3A_35 = vector.broadcast %get3A_34 : vector<1x128xf32> to vector<2000x128xf32>
    %add3A_36 = arith.addf %mul3A_31, %add3A_35 : vector<2000x128xf32>
    %get3A_37 = arith.constant 0 : index
    %get3A_38 = arith.constant 0 : index
    %get3A_39 = vector.load %arg4[%get3A_37, %get3A_38] : memref<128x128xf32, #tpu.memory_space<vmem>>, vector<128x128xf32>
    %dot_general3A = arith.constant dense<0.000000e+00> : vector<2000x128xf32>
    %dot_general3A_40 = tpu.matmul %add3A_36, %get3A_39, %dot_general3A {dimension_numbers = #tpu.dot_dimension_numbers<[1], [0], [0], [1], [0, 0, 1, 1], [], []>, transpose_lhs_hint = false} : vector<2000x128xf32>, vector<128x128xf32>, vector<2000x128xf32> -> vector<2000x128xf32>
    %swap3A = arith.constant 0 : index
    %swap3A_41 = arith.constant 0 : index
    %swap3A_42 = vector.load %arg5[%swap3A, %swap3A_41] : memref<2000x128xf32, #tpu.memory_space<vmem>>, vector<2000x128xf32>
    tpu.vector_store %arg5[%swap3A, %swap3A_41], %dot_general3A_40 {strides = array<i32>} : memref<2000x128xf32, #tpu.memory_space<vmem>>, vector<2000x128xf32>,
    return
  }
  func.func @transform_0(%arg0: i32) -> (i32, i32, i32) {
    %c0_i32 = arith.constant 0 : i32
    %c0_i32_0 = arith.constant 0 : i32
    %c0_i32_1 = arith.constant 0 : i32
    return %c0_i32, %arg0, %c0_i32_0 : i32, i32, i32
  }
  func.func @transform_1(%arg0: i32) -> (i32, i32, i32) {
    %c0_i32 = arith.constant 0 : i32
    %c0_i32_0 = arith.constant 0 : i32
    %c0_i32_1 = arith.constant 0 : i32
    return %c0_i32, %arg0, %c0_i32_0 : i32, i32, i32
  }
  func.func @transform_2(%arg0: i32) -> (i32, i32) {
    %c0_i32 = arith.constant 0 : i32
    %c0_i32_0 = arith.constant 0 : i32
    %c0_i32_1 = arith.constant 0 : i32
    return %c0_i32, %c0_i32_0 : i32, i32
  }
  func.func @transform_3(%arg0: i32) -> (i32, i32) {
    %c0_i32 = arith.constant 0 : i32
    %c0_i32_0 = arith.constant 0 : i32
    %c0_i32_1 = arith.constant 0 : i32
    return %c0_i32, %c0_i32_0 : i32, i32
  }
  func.func @transform_4(%arg0: i32) -> (i32, i32) {
    %c0_i32 = arith.constant 0 : i32
    %c0_i32_0 = arith.constant 0 : i32
    return %arg0, %c0_i32 : i32, i32
  }
}

module attributes {stable_mosaic.version = 14 : i64} {
  func.func @body(%arg0: i32, %arg1: memref<2x2000x128xf32, #tpu.memory_space<vmem>>, %arg2: memref<2x2000x128xf32, #tpu.memory_space<vmem>>, %arg3: memref<1x128xf32, #tpu.memory_space<vmem>>, %arg4: memref<128x64xf32, #tpu.memory_space<vmem>>, %arg5: memref<1x64xf32, #tpu.memory_space<vmem>>, %arg6: memref<64x8xf32, #tpu.memory_space<vmem>>, %arg7: memref<1x8xf32, #tpu.memory_space<vmem>>, %arg8: memref<2000x8xf32, #tpu.memory_space<vmem>>) attributes {dimension_semantics = [#tpu.dimension_semantics<arbitrary>], iteration_bounds = array<i64: 5>, scalar_prefetch = 0 : i64, scratch_operands = 0 : i64, tpu.core_type = #tpu.core_type<tc>, window_params = [{transform_indices = @transform_0, window_bounds = array<i64: 2, 2000, 128>}, {transform_indices = @transform_1, window_bounds = array<i64: 2, 2000, 128>}, {pipeline_mode = #tpu.pipeline_mode<synchronous>, transform_indices = @transform_2, window_bounds = array<i64: 1, 128>}, {pipeline_mode = #tpu.pipeline_mode<synchronous>, transform_indices = @transform_3, window_bounds = array<i64: 128, 64>}, {pipeline_mode = #tpu.pipeline_mode<synchronous>, transform_indices = @transform_4, window_bounds = array<i64: 1, 64>}, {pipeline_mode = #tpu.pipeline_mode<synchronous>, transform_indices = @transform_5, window_bounds = array<i64: 64, 8>}, {pipeline_mode = #tpu.pipeline_mode<synchronous>, transform_indices = @transform_6, window_bounds = array<i64: 1, 8>}, {transform_indices = @transform_7, window_bounds = array<i64: 2000, 8>}]} {
    %get3A = arith.constant 0 : index
    %get3A_0 = arith.constant 0 : index
    %get3A_1 = arith.constant 0 : index
    %get3A_2 = vector.load %arg1[%get3A, %get3A_0, %get3A_1] : memref<2x2000x128xf32, #tpu.memory_space<vmem>>, vector<1x2000x128xf32>
    %get3A_3 = vector.shape_cast %get3A_2 : vector<1x2000x128xf32> to vector<2000x128xf32>
    %get3A_4 = arith.constant 1 : index
    %get3A_5 = arith.constant 0 : index
    %get3A_6 = arith.constant 0 : index
    %get3A_7 = vector.load %arg1[%get3A_4, %get3A_5, %get3A_6] : memref<2x2000x128xf32, #tpu.memory_space<vmem>>, vector<1x2000x128xf32>
    %get3A_8 = vector.shape_cast %get3A_7 : vector<1x2000x128xf32> to vector<2000x128xf32>
    %add3A = arith.addf %get3A_3, %get3A_8 : vector<2000x128xf32>
    %get3A_9 = arith.constant 0 : index
    %get3A_10 = arith.constant 0 : index
    %get3A_11 = arith.constant 0 : index
    %get3A_12 = vector.load %arg2[%get3A_9, %get3A_10, %get3A_11] : memref<2x2000x128xf32, #tpu.memory_space<vmem>>, vector<1x2000x128xf32>
    %get3A_13 = vector.shape_cast %get3A_12 : vector<1x2000x128xf32> to vector<2000x128xf32>
    %slice3A = vector.extract_strided_slice %get3A_13 {offsets = [0, 0], sizes = [2000, 1], strides = [1, 1]} : vector<2000x128xf32> to vector<2000x1xf32>
    %get3A_14 = arith.constant 1 : index
    %get3A_15 = arith.constant 0 : index
    %get3A_16 = arith.constant 0 : index
    %get3A_17 = vector.load %arg2[%get3A_14, %get3A_15, %get3A_16] : memref<2x2000x128xf32, #tpu.memory_space<vmem>>, vector<1x2000x128xf32>
    %get3A_18 = vector.shape_cast %get3A_17 : vector<1x2000x128xf32> to vector<2000x128xf32>
    %slice3A_19 = vector.extract_strided_slice %get3A_18 {offsets = [0, 0], sizes = [2000, 1], strides = [1, 1]} : vector<2000x128xf32> to vector<2000x1xf32>
    %add3A_20 = arith.addf %slice3A, %slice3A_19 : vector<2000x1xf32>
    %gt3A = arith.constant 0.000000e+00 : f32
    %gt3A_21 = vector.broadcast %gt3A : f32 to vector<2000x1xf32>
    %gt3A_22 = arith.cmpf ogt, %add3A_20, %gt3A_21 : vector<2000x1xf32>
    %gt3A_23 = arith.constant 0.000000e+00 : f32
    %gt3A_24 = vector.broadcast %gt3A_23 : f32 to vector<2000x1xf32>
    %gt3A_25 = arith.cmpf ogt, %add3A_20, %gt3A_24 : vector<2000x1xf32>
    %jit3A = arith.constant 1.000000e+00 : f32
    %broadcast_in_dim3A = vector.broadcast %jit3A : f32 to vector<2000x1xf32>
    %select_n3A = arith.select %gt3A_25, %add3A_20, %broadcast_in_dim3A : vector<2000x1xi1>, vector<2000x1xf32>
    %div3A = arith.constant 1.000000e+00 : f32
    %div3A_26 = vector.broadcast %div3A : f32 to vector<2000x1xf32>
    %div3A_27 = arith.divf %div3A_26, %select_n3A : vector<2000x1xf32>
    %jit3A_28 = arith.constant 0.000000e+00 : f32
    %broadcast_in_dim3A_29 = vector.broadcast %jit3A_28 : f32 to vector<2000x1xf32>
    %select_n3A_30 = arith.select %gt3A_22, %div3A_27, %broadcast_in_dim3A_29 : vector<2000x1xi1>, vector<2000x1xf32>
    %mul3A = vector.broadcast %select_n3A_30 : vector<2000x1xf32> to vector<2000x128xf32>
    %mul3A_31 = arith.mulf %add3A, %mul3A : vector<2000x128xf32>
    %get3A_32 = arith.constant 0 : index
    %get3A_33 = arith.constant 0 : index
    %get3A_34 = vector.load %arg3[%get3A_32, %get3A_33] : memref<1x128xf32, #tpu.memory_space<vmem>>, vector<1x128xf32>
    %add3A_35 = vector.broadcast %get3A_34 : vector<1x128xf32> to vector<2000x128xf32>
    %add3A_36 = arith.addf %mul3A_31, %add3A_35 : vector<2000x128xf32>
    %get3A_37 = arith.constant 0 : index
    %get3A_38 = arith.constant 0 : index
    %get3A_39 = vector.load %arg4[%get3A_37, %get3A_38] : memref<128x64xf32, #tpu.memory_space<vmem>>, vector<128x64xf32>
    %dot_general3A = arith.constant dense<0.000000e+00> : vector<2000x64xf32>
    %dot_general3A_40 = tpu.matmul %add3A_36, %get3A_39, %dot_general3A {dimension_numbers = #tpu.dot_dimension_numbers<[1], [0], [0], [1], [0, 0, 1, 1], [], []>, transpose_lhs_hint = false} : vector<2000x128xf32>, vector<128x64xf32>, vector<2000x64xf32> -> vector<2000x64xf32>
    %get3A_41 = arith.constant 0 : index
    %get3A_42 = arith.constant 0 : index
    %get3A_43 = vector.load %arg5[%get3A_41, %get3A_42] : memref<1x64xf32, #tpu.memory_space<vmem>>, vector<1x64xf32>
    %add3A_44 = vector.broadcast %get3A_43 : vector<1x64xf32> to vector<2000x64xf32>
    %add3A_45 = arith.addf %dot_general3A_40, %add3A_44 : vector<2000x64xf32>
    %max3A = arith.constant 0.000000e+00 : f32
    %max3A_46 = vector.broadcast %max3A : f32 to vector<2000x64xf32>
    %max3A_47 = arith.maximumf %add3A_45, %max3A_46 : vector<2000x64xf32>
    %get3A_48 = arith.constant 0 : index
    %get3A_49 = arith.constant 0 : index
    %get3A_50 = vector.load %arg6[%get3A_48, %get3A_49] : memref<64x8xf32, #tpu.memory_space<vmem>>, vector<64x8xf32>
    %dot_general3A_51 = arith.constant dense<0.000000e+00> : vector<2000x8xf32>
    %dot_general3A_52 = tpu.matmul %max3A_47, %get3A_50, %dot_general3A_51 {dimension_numbers = #tpu.dot_dimension_numbers<[1], [0], [0], [1], [0, 0, 1, 1], [], []>, transpose_lhs_hint = false} : vector<2000x64xf32>, vector<64x8xf32>, vector<2000x8xf32> -> vector<2000x8xf32>
    %get3A_53 = arith.constant 0 : index
    %get3A_54 = arith.constant 0 : index
    %get3A_55 = vector.load %arg7[%get3A_53, %get3A_54] : memref<1x8xf32, #tpu.memory_space<vmem>>, vector<1x8xf32>
    %add3A_56 = vector.broadcast %get3A_55 : vector<1x8xf32> to vector<2000x8xf32>
    %add3A_57 = arith.addf %dot_general3A_52, %add3A_56 : vector<2000x8xf32>
    %reduce_max3A = arith.constant dense<0xFF800000> : vector<2000xf32>
    %reduce_max3A_58 = vector.multi_reduction <maximumf>, %add3A_57, %reduce_max3A [1] : vector<2000x8xf32> to vector<2000xf32>
    %broadcast_in_dim3A_59 = vector.shape_cast %reduce_max3A_58 : vector<2000xf32> to vector<2000x1xf32>
    %sub3A = vector.broadcast %broadcast_in_dim3A_59 : vector<2000x1xf32> to vector<2000x8xf32>
    %sub3A_60 = arith.subf %add3A_57, %sub3A : vector<2000x8xf32>
    %exp3A = math.exp %sub3A_60 : vector<2000x8xf32>
    %reduce_sum3A = arith.constant dense<0.000000e+00> : vector<2000xf32>
    %reduce_sum3A_61 = vector.multi_reduction <add>, %exp3A, %reduce_sum3A [1] : vector<2000x8xf32> to vector<2000xf32>
    %broadcast_in_dim3A_62 = vector.shape_cast %reduce_sum3A_61 : vector<2000xf32> to vector<2000x1xf32>
    %div3A_63 = vector.broadcast %broadcast_in_dim3A_62 : vector<2000x1xf32> to vector<2000x8xf32>
    %div3A_64 = arith.divf %exp3A, %div3A_63 : vector<2000x8xf32>
    %swap3A = arith.constant 0 : index
    %swap3A_65 = arith.constant 0 : index
    %swap3A_66 = vector.load %arg8[%swap3A, %swap3A_65] : memref<2000x8xf32, #tpu.memory_space<vmem>>, vector<2000x8xf32>
    tpu.vector_store %arg8[%swap3A, %swap3A_65], %div3A_64 {strides = array<i32>} : memref<2000x8xf32, #tpu.memory_space<vmem>>, vector<2000x8xf32>,
    return
  }
  func.func @transform_0(%arg0: i32) -> (i32, i32, i32) {
    %c0_i32 = arith.constant 0 : i32
    %c0_i32_0 = arith.constant 0 : i32
    %c0_i32_1 = arith.constant 0 : i32
    return %c0_i32, %arg0, %c0_i32_0 : i32, i32, i32
  }
  func.func @transform_1(%arg0: i32) -> (i32, i32, i32) {
    %c0_i32 = arith.constant 0 : i32
    %c0_i32_0 = arith.constant 0 : i32
    %c0_i32_1 = arith.constant 0 : i32
    return %c0_i32, %arg0, %c0_i32_0 : i32, i32, i32
  }
  func.func @transform_2(%arg0: i32) -> (i32, i32) {
    %c0_i32 = arith.constant 0 : i32
    %c0_i32_0 = arith.constant 0 : i32
    %c0_i32_1 = arith.constant 0 : i32
    return %c0_i32, %c0_i32_0 : i32, i32
  }
  func.func @transform_3(%arg0: i32) -> (i32, i32) {
    %c0_i32 = arith.constant 0 : i32
    %c0_i32_0 = arith.constant 0 : i32
    %c0_i32_1 = arith.constant 0 : i32
    return %c0_i32, %c0_i32_0 : i32, i32
  }
  func.func @transform_4(%arg0: i32) -> (i32, i32) {
    %c0_i32 = arith.constant 0 : i32
    %c0_i32_0 = arith.constant 0 : i32
    %c0_i32_1 = arith.constant 0 : i32
    return %c0_i32, %c0_i32_0 : i32, i32
  }
  func.func @transform_5(%arg0: i32) -> (i32, i32) {
    %c0_i32 = arith.constant 0 : i32
    %c0_i32_0 = arith.constant 0 : i32
    %c0_i32_1 = arith.constant 0 : i32
    return %c0_i32, %c0_i32_0 : i32, i32
  }
  func.func @transform_6(%arg0: i32) -> (i32, i32) {
    %c0_i32 = arith.constant 0 : i32
    %c0_i32_0 = arith.constant 0 : i32
    %c0_i32_1 = arith.constant 0 : i32
    return %c0_i32, %c0_i32_0 : i32, i32
  }
  func.func @transform_7(%arg0: i32) -> (i32, i32) {
    %c0_i32 = arith.constant 0 : i32
    %c0_i32_0 = arith.constant 0 : i32
    return %arg0, %c0_i32 : i32, i32
  }
}

</mosaic_0001>

<sc_bundles>
// kernel: kernel.12.cloned.1.call-start
scs
__scs_entry_jumppad:
0x0: {  	(pc) =	sbr.rel $0x88, $3  }
0x1: {  	(tag) =	ssettag $0x0;
	lr =	simm.s32 $0x1  }
0x2: {  	[smem:$0x3F97] =	sst lr;
	_ =	strace $0xD0000000  }
0x3: {  	_ = 	snop  }
0x4: {  	_ = 	snop  }
0x5: {  	_ = 	snop  }
0x6: {  	_ = 	snop  }
0x7: {  	_ = 	snop  }
__scs_overlays_trampoline_lowered:
0x8: {  	[smem:$0x3FA6] =	sst s0  }
0x9: {  	[smem:$0x3FA7] =	sst s1  }
0xa: {  	[smem:$0x3FA8] =	sst s2  }
0xb: {  	[smem:$0x3FA9] =	sst s3  }
0xc: {  	[smem:$0x3FAA] =	sst s4  }
0xd: {  	[smem:$0x3FAB] =	sst s5  }
0xe: {  	[smem:$0x3FAC] =	sst s6  }
0xf: {  	[smem:$0x3FAD] =	sst s7  }
0x10: {  	[smem:$0x3FAE] =	sst s8  }
0x11: {  	[smem:$0x3FAF] =	sst s9;
	s0 =	simm.s32 @!p0 $0x0  }
0x12: {  	s1 =	sld [smem:$0x3F95];
	s0 =	simm.s32 @p0 $0x1  }
0x13: {  	[smem:$0x3FB0] =	sst s0;
	s0 =	simm.s32 @!p1 $0x0  }
0x14: {  	s2 =	sld [smem:$0x3F94];
	s0 =	simm.s32 @p1 $0x1  }
0x15: {  	[smem:$0x3FB1] =	sst s0;
	s0 =	simm.s32 @!p2 $0x0  }
0x16: {  	s3 =	sld [smem:$0x3FDB];
	s0 =	simm.s32 @p2 $0x1  }
0x17: {  	s4 =	simm.s32 $0x1BF5;
	[smem:$0x3FB3] =	sst s0  }
0x18: {  	s0 =	sld [smem:$0x3F96];
	_ =	swait.ge [sflag:s4], $0x0  }
0x19: {  	s7 =	sld [smem:$0x3F97]  }
0x1a: {  	s8 =	sadd.s32 $0xFFFFE003, lr  }
0x1b: {  	s9 =	sadd.s32 $0xFFFFFEF7, lr;
	s5 =	simm.s32 $0xFFFFFFFF;
	p2 =	slt.u32 s8, $0xFFFFF086  }
0x1c: {  	p1 =	slt.u32 s9, $0xF7A;
	s5 =	simm.s32 @!p2 $0x0  }
0x1d: {  	s5 =	simm.s32 @p1 $0x1;
	p0 =	seq.s32 s7, s2  }
0x1e: {  	s7 =	smul.u32 @!p0 $0xF7A, s2;
	p2 =	seq.s32 @!p0 s5, $0x0  }
0x1f: {  	s9 =	smul.u32 $0xF7A, s1;
	s8 =	simm.s32 @!p0 $0x1BF5;
	p2 =	por !p2, p0  }
0x20: {  	[sflag:s8] =	ssyncset.s32 @!p0 $0xFFFFF086;
	s6 =	sadd.s32 @!p0 s3, s7;
	s7 =	simm.s32 @!p0 $0x108  }
0x21: {  	s3 =	sadd.s32 s3, s9;
	s6 =	sadd.s32 @!p0 $0x88, s6;
	s7 =	simm.s32 @p2 $0x1082  }
0x22: {  	[simem:s7], [sflag:s8] =	dma.local @!p0 [hbm:s6], $0xF7A  }
0x23: {  	s9 =	sor.u32 $0xD0000000, s2;
	s6 =	simm.s32 $0x108;
	_ =	swait.ge @!p0 [sflag:s8], $0x0  }
0x24: {  	s3 =	sadd.s32 $0x88, s3;
	s6 =	simm.s32 @!p1 $0x1082;
	[sflag:s4] =	ssyncset.s32 $0xFFFFF086  }
0x25: {  	[simem:s6], [sflag:s4] =	dma.local [hbm:s3], $0xF7A  }
0x26: {  	[smem:$0x3F97] =	sst s1;
	(tag) =	ssettag s2;
	_ =	strace s9  }
0x27: {  	s1 =	sld [smem:$0x3FA7]  }
0x28: {  	s2 =	sld [smem:$0x3FA8]  }
0x29: {  	s4 =	sld [smem:$0x3FAA]  }
0x2a: {  	p0 =	seq.s32 s5, $0x0;
	s5 =	sld [smem:$0x3FAB]  }
0x2b: {  	s6 =	sld [smem:$0x3FAC]  }
0x2c: {  	s7 =	sld [smem:$0x3FAD]  }
0x2d: {  	s3 =	simm.s32 $0x108;
	s8 =	sld [smem:$0x3FAE]  }
0x2e: {  	s3 =	simm.s32 @!p0 $0x1082;
	s9 =	sld [smem:$0x3FAF]  }
0x2f: {  	lr =	sadd.s32 s0, s3;
	s0 =	sld [smem:$0x3FA6]  }
0x30: {  	s3 =	sld [smem:$0x3FA9]  }
0x31: {  	[smem:$0x3FB2] =	sst s10  }
0x32: {  	s10 =	sld [smem:$0x3FB0];
	_ =	sdelay $0x3  }
0x33: {  	p0 =	seq.s32 s10, $0x1;
	s10 =	sld [smem:$0x3FB2];
	_ =	sdelay $0x3  }
0x34: {  	[smem:$0x3FB2] =	sst s10  }
0x35: {  	s10 =	sld [smem:$0x3FB1];
	_ =	sdelay $0x3  }
0x36: {  	p1 =	seq.s32 s10, $0x1;
	s10 =	sld [smem:$0x3FB2];
	_ =	sdelay $0x3  }
0x37: {  	[smem:$0x3FB2] =	sst s10  }
0x38: {  	s10 =	sld [smem:$0x3FB3]  }
0x39: {  	_ = 	snop;
	(pc) =	sbr.ind lr, $3  }
0x3a: {  	_ = 	snop  }
0x3b: {  	_ = 	snop  }
0x3c: {  	p2 =	seq.s32 s10, $0x1;
	s10 =	sld [smem:$0x3FB2]  }
0x3d: {  	_ =	shalt  }
0x3e: {  	_ =	shalt  }
0x3f: {  	_ =	shalt  }
0x40: {  	_ =	shalt  }
0x41: {  	_ =	shalt  }
0x42: {  	_ =	shalt  }
0x43: {  	_ =	shalt  }
0x44: {  	_ =	shalt  }
0x45: {  	_ =	shalt  }
0x46: {  	_ =	shalt  }
0x47: {  	_ =	shalt  }
0x48: {  	_ =	shalt  }
0x49: {  	_ =	shalt  }
0x4a: {  	_ =	shalt  }
0x4b: {  	_ =	shalt  }
0x4c: {  	_ =	shalt  }
0x4d: {  	_ =	shalt  }
0x4e: {  	_ =	shalt  }
0x4f: {  	_ =	shalt  }
0x50: {  	_ =	shalt  }
0x51: {  	_ =	shalt  }
0x52: {  	_ =	shalt  }
0x53: {  	_ =	shalt  }
0x54: {  	_ =	shalt  }
0x55: {  	_ =	shalt  }
0x56: {  	_ =	shalt  }
0x57: {  	_ =	shalt  }
0x58: {  	_ =	shalt  }
0x59: {  	_ =	shalt  }
0x5a: {  	_ =	shalt  }
0x5b: {  	_ =	shalt  }
0x5c: {  	_ =	shalt  }
0x5d: {  	_ =	shalt  }
0x5e: {  	_ =	shalt  }
0x5f: {  	_ =	shalt  }
0x60: {  	_ =	shalt  }
0x61: {  	_ =	shalt  }
0x62: {  	_ =	shalt  }
0x63: {  	_ =	shalt  }
0x64: {  	_ =	shalt  }
0x65: {  	_ =	shalt  }
0x66: {  	_ =	shalt  }
0x67: {  	_ =	shalt  }
0x68: {  	_ =	shalt  }
0x69: {  	_ =	shalt  }
0x6a: {  	_ =	shalt  }
0x6b: {  	_ =	shalt  }
0x6c: {  	_ =	shalt  }
0x6d: {  	_ =	shalt  }
0x6e: {  	_ =	shalt  }
0x6f: {  	_ =	shalt  }
0x70: {  	_ =	shalt  }
0x71: {  	_ =	shalt  }
0x72: {  	_ =	shalt  }
0x73: {  	_ =	shalt  }
0x74: {  	_ =	shalt  }
0x75: {  	_ =	shalt  }
0x76: {  	_ =	shalt  }
0x77: {  	_ =	shalt  }
0x78: {  	_ =	shalt  }
0x79: {  	_ =	shalt  }
0x7a: {  	_ =	shalt  }
0x7b: {  	_ =	shalt  }
0x7c: {  	_ =	shalt  }
0x7d: {  	_ =	shalt  }
0x7e: {  	_ =	shalt  }
0x7f: {  	_ =	shalt  }
0x80: {  	_ =	shalt  }
0x81: {  	_ =	shalt  }
0x82: {  	_ =	shalt  }
0x83: {  	_ =	shalt  }
0x84: {  	_ =	shalt  }
0x85: {  	_ =	shalt  }
0x86: {  	_ =	shalt  }
0x87: {  	_ =	shalt  }
.Lfunc_end0:
.L_simem_size_0:
called_computation_lowered:
.L_overlay_start_0:
0x88: {  	s2 =	sld [smem:$0x3FD9]  }
0x89: {  	s3 =	sld [smem:$0x3FFE];
	_ =	sdelay $0x1  }
0x8a: {  	s1 =	srdreg.scid  }
0x8b: {  	s0 =	sand.u32 $0x1, s1  }
0x8c: {  	s17 =	sshll.u32 s0, $0xA;
	s2 =	sadd.s32 s3, s2  }
0x8d: {  	s2 =	sadd.s32 s2, s17  }
0x8e: {  	[smem:$0x3FBE] =	sst s2  }
0x8f: {  	_ = 	snop  }
0x90: {  	s2 =	sld [smem:$0x3FD0];
	(tm) =	ssettm $0x1  }
0x91: {  	s18 =	sld [smem:$0x3FFB];
	_ =	sdelay $0x3  }
0x92: {  	_ =	strace s18  }
0x93: {  	s3 =	sld [smem:$0x3FFC];
	_ =	sdelay $0x3  }
0x94: {  	_ =	strace s3  }
0x95: {  	s3 =	sld [smem:$0x3FFD];
	_ =	sdelay $0x3  }
0x96: {  	_ =	strace s3  }
0x97: {  	_ =	strace $0x8FFFFFFF  }
0x98: {  	s19 =	sld [smem:$0x3FDB];
	_ =	sdelay $0x1  }
0x99: {  	s4 =	simm.s32 $_scs_section_size  }
0x9a: {  	s5 =	simm.s32 $_size__tile_overlayer_lowered;
	s6 =	simm.s32 $_tile_overlayer_lowered  }
0x9b: {  	s22 =	simm.s32 $0x1BFF;
	s21 =	sshll.u32 s6, $0x1;
	s3 =	sadd.s32 s4, s19  }
0x9c: {  	s7 =	simm.s32 $0x0;
	s20 =	sshll.u32 s5, $0x1;
	s5 =	sadd.s32 s21, s3  }
0x9d: {  	[timem:s7], [sflag:s22] =	dma.local [hbm:s5], s20  }
0x9e: {  	_ =	swait.ge [sflag:s22], s20  }
0x9f: {  	s4 =	ssub.s32 $0x0, s20;
	[sflag:s22] =	ssyncset.done $0x0  }
0xa0: {  	[sflag:s22] =	ssyncadd.s32 s4;
	_ =	sdelay $0x1  }
0xa1: {  	s23 =	simm.s32 $0x1B8B  }
0xa2: {  	_ =	swait.ge [sflag:s23], $0x1  }
0xa3: {  	[sflag:s23] =	ssyncset.done $0x0  }
0xa4: {  	s25 =	simm.s32 $0x1B8E;
	s24 =	sld [smem:$0x3FFE];
	[sflag:s23] =	ssyncadd.s32 $0xFFFFFFFF  }
0xa5: {  	s26 =	simm.s32 $execute0_lowered;
	[smem:$0x3FD2] =	sst s25  }
0xa6: {  	s5 =	sshll.u32 s26, $0x1;
	_ =	strace $0x80000046;
	[dreg:$0x1] =	wrdreg $0xFFFFFFFF  }
0xa7: {  	s28 =	simm.s32 $_size_execute0_lowered;
	s3 =	sadd.s32 s3, s5;
	[dreg:$0x0] =	wrdreg $0x0  }
0xa8: {  	s5 =	sshll.u32 s28, $0x1;
	[dreg:$0x2] =	wrdreg s3  }
0xa9: {  	[dreg:$0x3] =	wrdreg s5  }
0xaa: {  	[dreg:$0x4] =	wrdreg $0xC0  }
0xab: {  	_ =	task [dreg:s7], $0x5FFFF  }
0xac: {  	[dreg:$0x1] =	wrdreg $0xFFFFFFFF  }
0xad: {  	[dreg:$0x0] =	wrdreg $0x60  }
0xae: {  	[dreg:$0x2] =	wrdreg s24  }
0xaf: {  	[dreg:$0x3] =	wrdreg s2  }
0xb0: {  	[dreg:$0x4] =	wrdreg $0x36000  }
0xb1: {  	[dreg:$0x5] =	wrdreg $0x9  }
0xb2: {  	_ =	task.clear_ibuf [dreg:s7], $0x6FFFF;
	_ =	strace $0x90000046  }
0xb3: {  	s29 =	simm.s32 $0x9;
	_ =	strace $0x80000048  }
0xb4: {  	_ =	swait.ge [sflag:s29], $0x1  }
0xb5: {  	[sflag:s29] =	ssyncadd.s32 $0xFFFFFFFF  }
0xb6: {  	_ =	strace $0x90000048  }
0xb7: {  	_ =	sfence  }
0xb8: {  	s30 =	sld [smem:$0x0];
	_ =	sdelay $0x2  }
0xb9: {  	s31 =	sshll.u32 s1, $0xD;
	s1 =	sshrl.u32 s1, $0x2  }
0xba: {  	s3 =	sand.u32 $0x4000, s31;
	s1 =	sadd.s32 s1, s30  }
0xbb: {  	s0 =	sor.u32 s3, s0;
	s1 =	sshll.u32 s1, $0x11  }
0xbc: {  	s0 =	sor.u32 s1, s0  }
0xbd: {  	s0 =	sadd.s32 $0x8F2B, s0  }
0xbe: {  	[sflag:s0] =	ssyncadd.remote.s32 $0x1  }
0xbf: {  	_ =	sfence.sel $0xFFFF  }
0xc0: {  	[dreg:$0x0] =	wrdreg $0xFFFFFFFF;
	(pc) =	sbr.abs _section_cstart, $3  }
0xc1: {  	[dreg:$0x1] =	wrdreg $0xFFFFFFFF  }
0xc2: {  	_ =	task.clear_ibuf [dreg:s7], $0x2FFFF;
	_ =	strace $0x9FFFFFFF  }
0xc3: {  	(tm) =	ssettm $0x7FFFFFFF  }
tec
execute0_lowered:
.L_overlay_start_1:
0x0: {  	(tag) =	ssettag $0x1  }
0x1: {  	s0 =	rddreg [dreg:$0x0]  }
0x2: {  	s3 =	rddreg [dreg:$0x2]  }
0x3: {  	s1 =	srdreg.scid;
	s11 =	stileid.u32  }
0x4: {  	s4 =	simm.s32 $0x0;
	s28 =	simm.s32 $0x80;
	s29 =	simm.s32 $0x1  }
0x5: {  	s30 =	simm.s32 $0x68;
	s31 =	simm.s32 $0x100;
	s2 =	smul.u32 $0x280, s11  }
0x6: {  	s1 =	sand.u32 $0x1, s1;
	[smem:$0x7FF] =	sst s4;
	s10 =	smul.u32 $0x50000, s11  }
0x7: {  	s6 =	sshll.u32 s11, $0x1;
	s5 =	sadd.s32 $0xD600, s0;
	s16 =	smul.u32 $0x4E20, s11  }
0x8: {  	s11 =	simm.s32 $0x10;
	s7 =	smul.u32 $0x2800, s1;
	_ =	strace $0x80000047  }
0x9: {  	s8 =	sor.u32 s1, s6;
	s6 =	sadd.s32 $0x3800, s0;
	s9 =	ssub.s32 $0x2, s1  }
0xa: {  	s8 =	smul.u32 $0x2710, s8;
	s23 =	sshrl.u32 s9, $0x1;
	s2 =	sadd.s32 s2, s7  }
0xb: {  	s24 =	sshrl.u32 s10, $0x2;
	s7 =	sadd.s32 $0x17400, s0;
	s2 =	sshll.u32 s2, $0x4  }
0xc: {  	s25 =	sadd.s32 $0x68, s8;
	s8 =	sshrl.u32 s8, $0x3;
	s0 =	sadd.s32 s2, s0  }
0xd: {  	s2 =	ssub.s32 s9, s23;
	s9 =	sadd.s32 s24, s3;
	s26 =	sshrl.u32 s25, $0x3  }
0xe: {  	s14 =	sadd.s32 s5, s8;
	s17 =	sadd.s32 $0x1A, s8;
	[dreg:$0x4] =	wrdreg s9  }
0xf: {  	s12 =	sadd.s32 $0x4E0, s8;
	s8 =	sadd.s32 s6, s8;
	[dreg:$0x5] =	wrdreg s14  }
0x10: {  	s1 =	smul.u32 $0x2710, s1;
	s15 =	sadd.s32 s5, s26;
	[dreg:$0xa] =	wrdreg s8  }
0x11: {  	s10 =	simm.s32 $0x180;
	s13 =	sadd.s32 s5, s17;
	[dreg:$0x6] =	wrdreg s15  }
0x12: {  	s1 =	sadd.s32 s1, s16;
	s18 =	sadd.s32 s5, s12;
	[dreg:$0x7] =	wrdreg s13  }
0x13: {  	s23 =	sadd.s32 $0x208, s1;
	s19 =	sadd.s32 $0x69C00, s0;
	[dreg:$0x8] =	wrdreg s18  }
0x14: {  	s25 =	sadd.s32 $0x1A0, s1;
	s20 =	sadd.s32 s6, s26;
	[dreg:$0x9] =	wrdreg s19  }
0x15: {  	s21 =	sadd.s32 s6, s17;
	s22 =	sadd.s32 s6, s12;
	[dreg:$0xb] =	wrdreg s20  }
0x16: {  	s0 =	sadd.s32 $0x19C00, s0;
	s24 =	sshrl.u32 s23, $0x3;
	[dreg:$0xc] =	wrdreg s21  }
0x17: {  	s2 =	smax.u32 s2, $0x1;
	s26 =	sshrl.u32 s25, $0x3;
	[dreg:$0xd] =	wrdreg s22  }
0x18: {  	s25 =	simm.s32 $0x200;
	s8 =	simm.s32 $0x5;
	[dreg:$0xe] =	wrdreg s0  }
0x19: {  	s9 =	simm.s32 $0x6;
	s12 =	simm.s32 $0x0;
	[dreg:$0xf] =	wrdreg s2  }
0x1a: {  	s20 =	sadd.s32 s24, s5;
	s21 =	sadd.s32 s26, s5;
	s22 =	sadd.s32 $0x138, s1  }
0x1b: {  	s23 =	sadd.s32 s24, s6;
	s24 =	sadd.s32 s26, s6;
	s26 =	simm.s32 $0x7  }
0x1c: {  	s0 =	simm.s32 $0x2;
	s2 =	simm.s32 $0x4;
	s1 =	simm.s32 $0x3  }
.LBB2_1:
0x1d: {  	s13 =	rddreg [dreg:$0x1]  }
0x1e: {  	[tilespmem:s25], [sflag:$0x7] =	stream.linear.gather [hbm4b:s13+s4], $0x3400, $0x38;
	[tilespmem:$0x17600] =	vst v63  }
0x1f: {  	s15 =	stileid.u32;
	_ =	swait.ge [sflag:s26], $0x3400  }
0x20: {  	s13 =	sshll.u32 s15, $0x6;
	[sflag:s26] =	ssyncset.done $0x0;
	s14 =	rddreg [dreg:$0x4]  }
0x21: {  	s13 =	sor.u32 $0x1C07, s13;
	[sflag:s26] =	ssyncadd.s32 $0xFFFFCC00;
	s14 =	sshrl.u32 s14, $0x3  }
0x22: {  	[spmem:s14], [sflag:s13] =	dma.local [hbm:s7], $0x2800  }
0x23: {  	_ =	swait.ge [sflag:s26], $0x2800  }
0x24: {  	[sflag:s26] =	ssyncset.done $0x0  }
0x25: {  	[sflag:s26] =	ssyncadd.s32 $0xFFFFD800  }
0x26: {  	[bflag:$0x0] =	sbarrier.arrive $0xFFFF  }
0x27: {  	s15 =	rddreg [dreg:$0x5]  }
0x28: {  	[tilespmem:s4], [sflag:$0x1] =	stream.linear.gather [hbm4b:s15+s4], $0x68, $0x38;
	[tilespmem:$0x17600] =	vst v63  }
0x29: {  	s16 =	rddreg [dreg:$0x6]  }
0x2a: {  	[tilespmem:s28], [sflag:$0x2] =	stream.linear.gather [hbm4b:s16+s4], $0x68, $0x38;
	[tilespmem:$0x17600] =	vst v63  }
0x2b: {  	_ =	swait.ge [sflag:s29], $0x68  }
0x2c: {  	[sflag:s29] =	ssyncset.done $0x0  }
0x2d: {  	[sflag:s29] =	ssyncadd.s32 $0xFFFFFF98  }
0x2e: {  	[spmem:s3] =	stream.indirect.scatter.add.f32 [tilespmem:s25], [sflag:$0x4], $0x80, s4, s30, $0xb8;
	[tilespmem:$0x17600] =	vst v63  }
0x2f: {  	s17 =	rddreg [dreg:$0x7]  }
0x30: {  	[tilespmem:s31], [sflag:$0x3] =	stream.linear.gather [hbm4b:s17+s4], $0x68, $0x38;
	[tilespmem:$0x17600] =	vst v63  }
0x31: {  	_ =	swait.ge [sflag:s0], $0x68  }
0x32: {  	[sflag:s0] =	ssyncset.done $0x0  }
0x33: {  	[sflag:s0] =	ssyncadd.s32 $0xFFFFFF98  }
0x34: {  	[spmem:s3] =	stream.indirect.scatter.add.f32 [tilespmem:s25], [sflag:$0x5], $0x80, s28, s30, $0xb8;
	[tilespmem:$0x17600] =	vst v63  }
0x35: {  	_ =	swait.ge [sflag:s2], $0x3400  }
0x36: {  	s15 =	sshrl.u32 s22, $0x3;
	[sflag:s2] =	ssyncset.done $0x0  }
0x37: {  	s16 =	sadd.s32 s5, s15;
	[sflag:s2] =	ssyncadd.s32 $0xFFFFCC00  }
0x38: {  	[tilespmem:s4], [sflag:$0x1] =	stream.linear.gather [hbm4b:s16+s4], $0x68, $0x38;
	[tilespmem:$0x17600] =	vst v63  }
0x39: {  	_ =	swait.ge [sflag:s1], $0x68  }
0x3a: {  	[sflag:s1] =	ssyncset.done $0x0  }
0x3b: {  	[sflag:s1] =	ssyncadd.s32 $0xFFFFFF98  }
0x3c: {  	[spmem:s3] =	stream.indirect.scatter.add.f32 [tilespmem:s25], [sflag:$0x6], $0x80, s31, s30, $0xb8;
	[tilespmem:$0x17600] =	vst v63  }
0x3d: {  	_ =	swait.ge [sflag:s8], $0x3400  }
0x3e: {  	[sflag:s8] =	ssyncset.done $0x0  }
0x3f: {  	s18 =	sadd.s32 $0x0, s21;
	[sflag:s8] =	ssyncadd.s32 $0xFFFFCC00  }
0x40: {  	[tilespmem:s28], [sflag:$0x2] =	stream.linear.gather [hbm4b:s18+s4], $0x68, $0x38;
	[tilespmem:$0x17600] =	vst v63  }
0x41: {  	_ =	swait.ge [sflag:s29], $0x68  }
0x42: {  	[sflag:s29] =	ssyncset.done $0x0  }
0x43: {  	[sflag:s29] =	ssyncadd.s32 $0xFFFFFF98  }
0x44: {  	[spmem:s3] =	stream.indirect.scatter.add.f32 [tilespmem:s25], [sflag:$0x4], $0x80, s4, s30, $0xb8;
	[tilespmem:$0x17600] =	vst v63  }
0x45: {  	_ =	swait.ge [sflag:s9], $0x3400  }
0x46: {  	[sflag:s9] =	ssyncset.done $0x0  }
0x47: {  	s19 =	sadd.s32 $0x0, s20;
	[sflag:s9] =	ssyncadd.s32 $0xFFFFCC00  }
0x48: {  	[tilespmem:s31], [sflag:$0x3] =	stream.linear.gather [hbm4b:s19+s4], $0x68, $0x38;
	[tilespmem:$0x17600] =	vst v63  }
0x49: {  	_ =	swait.ge [sflag:s0], $0x68  }
0x4a: {  	[sflag:s0] =	ssyncset.done $0x0  }
0x4b: {  	s17 =	sadd.s32 $0x138, s22;
	s16 =	simm.s32 $0x27;
	[sflag:s0] =	ssyncadd.s32 $0xFFFFFF98  }
.LBB2_2:
0x4c: {  	[spmem:s3] =	stream.indirect.scatter.add.f32 [tilespmem:s25], [sflag:$0x5], $0x80, s28, s30, $0xb8;
	[tilespmem:$0x17600] =	vst v63  }
0x4d: {  	s18 =	smov.u32 s16  }
0x4e: {  	p0 =	sne.s32 s16, $0x492;
	s16 =	sadd.s32 $0x27, s16;
	_ =	swait.ge [sflag:s2], $0x3400  }
0x4f: {  	s19 =	sshrl.u32 s17, $0x3;
	[sflag:s2] =	ssyncset.done $0x0  }
0x50: {  	s19 =	sadd.s32 s5, s19;
	[sflag:s2] =	ssyncadd.s32 $0xFFFFCC00  }
0x51: {  	[tilespmem:s4], [sflag:$0x1] =	stream.linear.gather [hbm4b:s19+s4], $0x68, $0x38;
	[tilespmem:$0x17600] =	vst v63  }
0x52: {  	_ =	swait.ge [sflag:s1], $0x68  }
0x53: {  	[sflag:s1] =	ssyncset.done $0x0  }
0x54: {  	[sflag:s1] =	ssyncadd.s32 $0xFFFFFF98  }
0x55: {  	[spmem:s3] =	stream.indirect.scatter.add.f32 [tilespmem:s25], [sflag:$0x6], $0x80, s31, s30, $0xb8;
	[tilespmem:$0x17600] =	vst v63  }
0x56: {  	_ =	swait.ge [sflag:s8], $0x3400  }
0x57: {  	[sflag:s8] =	ssyncset.done $0x0  }
0x58: {  	s19 =	sadd.s32 s18, s21;
	[sflag:s8] =	ssyncadd.s32 $0xFFFFCC00  }
0x59: {  	[tilespmem:s28], [sflag:$0x2] =	stream.linear.gather [hbm4b:s19+s4], $0x68, $0x38;
	[tilespmem:$0x17600] =	vst v63  }
0x5a: {  	_ =	swait.ge [sflag:s29], $0x68  }
0x5b: {  	[sflag:s29] =	ssyncset.done $0x0  }
0x5c: {  	[sflag:s29] =	ssyncadd.s32 $0xFFFFFF98  }
0x5d: {  	[spmem:s3] =	stream.indirect.scatter.add.f32 [tilespmem:s25], [sflag:$0x4], $0x80, s4, s30, $0xb8;
	[tilespmem:$0x17600] =	vst v63  }
0x5e: {  	_ =	swait.ge [sflag:s9], $0x3400  }
0x5f: {  	[sflag:s9] =	ssyncset.done $0x0  }
.Ltmp0:
0x60: {  	s18 =	sadd.s32 s18, s20;
	[sflag:s9] =	ssyncadd.s32 $0xFFFFCC00;
	(pc) =	sbr.rel @p0 .LBB2_2-.Ltmp0, $4  }
0x61: {  	[tilespmem:s31], [sflag:$0x3] =	stream.linear.gather [hbm4b:s18+s4], $0x68, $0x38;
	[tilespmem:$0x17600] =	vst v63  }
0x62: {  	_ =	swait.ge [sflag:s0], $0x68  }
0x63: {  	[sflag:s0] =	ssyncset.done $0x0  }
0x64: {  	s17 =	sadd.s32 $0x138, s17;
	[sflag:s0] =	ssyncadd.s32 $0xFFFFFF98  }
0x65: {  	[spmem:s3] =	stream.indirect.scatter.add.f32 [tilespmem:s25], [sflag:$0x5], $0x80, s28, s30, $0xb8;
	[tilespmem:$0x17600] =	vst v63  }
0x66: {  	_ =	swait.ge [sflag:s1], $0x68  }
0x67: {  	[sflag:s1] =	ssyncset.done $0x0  }
0x68: {  	[sflag:s1] =	ssyncadd.s32 $0xFFFFFF98  }
0x69: {  	[spmem:s3] =	stream.indirect.scatter.add.f32 [tilespmem:s25], [sflag:$0x6], $0x80, s31, s30, $0xb8;
	[tilespmem:$0x17600] =	vst v63  }
0x6a: {  	s16 =	simm.s32 $0x0;
	s17 =	rddreg [dreg:$0x8]  }
0x6b: {  	[tilespmem:s10], [sflag:$0x7] =	stream.linear.gather [hbm4b:s17+s16], $0x10, $0x38;
	[tilespmem:$0x17600] =	vst v63  }
0x6c: {  	_ =	swait.ge [sflag:s26], $0x10  }
0x6d: {  	[sflag:s26] =	ssyncset.done $0x0  }
0x6e: {  	[sflag:s26] =	ssyncadd.s32 $0xFFFFFFF0  }
0x6f: {  	[spmem:s3] =	stream.indirect.scatter.add.f32 [tilespmem:s25], [sflag:$0x7], $0x80, s10, s11, $0xb8;
	[tilespmem:$0x17600] =	vst v63  }
0x70: {  	_ =	swait.ge [sflag:s26], $0x800  }
0x71: {  	[sflag:s26] =	ssyncset.done $0x0  }
0x72: {  	[sflag:s26] =	ssyncadd.s32 $0xFFFFF800  }
0x73: {  	_ =	swait.ge [sflag:s2], $0x3400  }
0x74: {  	[sflag:s2] =	ssyncset.done $0x0  }
0x75: {  	[sflag:s2] =	ssyncadd.s32 $0xFFFFCC00  }
0x76: {  	_ =	swait.ge [sflag:s8], $0x3400  }
0x77: {  	[sflag:s8] =	ssyncset.done $0x0  }
0x78: {  	[sflag:s8] =	ssyncadd.s32 $0xFFFFCC00  }
0x79: {  	_ =	swait.ge [sflag:s9], $0x3400  }
0x7a: {  	[sflag:s9] =	ssyncset.done $0x0  }
0x7b: {  	[sflag:s9] =	ssyncadd.s32 $0xFFFFCC00  }
0x7c: {  	[bflag:$0x0] =	sbarrier.arrive $0xFFFF  }
0x7d: {  	s18 =	rddreg [dreg:$0x9]  }
0x7e: {  	[hbm:s18], [sflag:s13] =	dma.local [spmem:s14], $0x2800  }
0x7f: {  	_ =	swait.ge [sflag:s26], $0x2800  }
0x80: {  	[sflag:s26] =	ssyncset.done $0x0  }
0x81: {  	[sflag:s26] =	ssyncadd.s32 $0xFFFFD800  }
0x82: {  	[bflag:$0x0] =	sbarrier.arrive $0xFFFF  }
0x83: {  	[spmem:s14], [sflag:s13] =	dma.local [hbm:s7], $0x2800  }
0x84: {  	_ =	swait.ge [sflag:s26], $0x2800  }
0x85: {  	[sflag:s26] =	ssyncset.done $0x0  }
0x86: {  	[sflag:s26] =	ssyncadd.s32 $0xFFFFD800  }
0x87: {  	[bflag:$0x0] =	sbarrier.arrive $0xFFFF  }
0x88: {  	s19 =	rddreg [dreg:$0xa]  }
0x89: {  	[tilespmem:s16], [sflag:$0x1] =	stream.linear.gather [hbm4b:s19+s16], $0x68, $0x38;
	[tilespmem:$0x17600] =	vst v63  }
0x8a: {  	s18 =	rddreg [dreg:$0xb]  }
0x8b: {  	[tilespmem:s28], [sflag:$0x2] =	stream.linear.gather [hbm4b:s18+s16], $0x68, $0x38;
	[tilespmem:$0x17600] =	vst v63  }
0x8c: {  	_ =	swait.ge [sflag:s29], $0x68  }
0x8d: {  	[sflag:s29] =	ssyncset.done $0x0  }
0x8e: {  	[sflag:s29] =	ssyncadd.s32 $0xFFFFFF98  }
0x8f: {  	[spmem:s3] =	stream.indirect.scatter.add.f32 [tilespmem:s25], [sflag:$0x4], $0x80, s16, s30, $0xb8;
	[tilespmem:$0x17600] =	vst v63  }
0x90: {  	s19 =	rddreg [dreg:$0xc]  }
0x91: {  	[tilespmem:s31], [sflag:$0x3] =	stream.linear.gather [hbm4b:s19+s16], $0x68, $0x38;
	[tilespmem:$0x17600] =	vst v63  }
0x92: {  	_ =	swait.ge [sflag:s0], $0x68  }
0x93: {  	[sflag:s0] =	ssyncset.done $0x0  }
0x94: {  	[sflag:s0] =	ssyncadd.s32 $0xFFFFFF98  }
0x95: {  	[spmem:s3] =	stream.indirect.scatter.add.f32 [tilespmem:s25], [sflag:$0x5], $0x80, s28, s30, $0xb8;
	[tilespmem:$0x17600] =	vst v63  }
0x96: {  	_ =	swait.ge [sflag:s2], $0x3400  }
0x97: {  	[sflag:s2] =	ssyncset.done $0x0  }
0x98: {  	s15 =	sadd.s32 s6, s15;
	[sflag:s2] =	ssyncadd.s32 $0xFFFFCC00  }
0x99: {  	[tilespmem:s4], [sflag:$0x1] =	stream.linear.gather [hbm4b:s15+s4], $0x68, $0x38;
	[tilespmem:$0x17600] =	vst v63  }
0x9a: {  	_ =	swait.ge [sflag:s1], $0x68  }
0x9b: {  	[sflag:s1] =	ssyncset.done $0x0  }
0x9c: {  	[sflag:s1] =	ssyncadd.s32 $0xFFFFFF98  }
0x9d: {  	[spmem:s3] =	stream.indirect.scatter.add.f32 [tilespmem:s25], [sflag:$0x6], $0x80, s31, s30, $0xb8;
	[tilespmem:$0x17600] =	vst v63  }
0x9e: {  	_ =	swait.ge [sflag:s8], $0x3400  }
0x9f: {  	[sflag:s8] =	ssyncset.done $0x0  }
0xa0: {  	s18 =	sadd.s32 $0x0, s24;
	[sflag:s8] =	ssyncadd.s32 $0xFFFFCC00  }
0xa1: {  	[tilespmem:s28], [sflag:$0x2] =	stream.linear.gather [hbm4b:s18+s4], $0x68, $0x38;
	[tilespmem:$0x17600] =	vst v63  }
0xa2: {  	_ =	swait.ge [sflag:s29], $0x68  }
0xa3: {  	[sflag:s29] =	ssyncset.done $0x0  }
0xa4: {  	[sflag:s29] =	ssyncadd.s32 $0xFFFFFF98  }
0xa5: {  	[spmem:s3] =	stream.indirect.scatter.add.f32 [tilespmem:s25], [sflag:$0x4], $0x80, s4, s30, $0xb8;
	[tilespmem:$0x17600] =	vst v63  }
0xa6: {  	_ =	swait.ge [sflag:s9], $0x3400  }
0xa7: {  	[sflag:s9] =	ssyncset.done $0x0  }
0xa8: {  	s19 =	sadd.s32 $0x0, s23;
	[sflag:s9] =	ssyncadd.s32 $0xFFFFCC00  }
0xa9: {  	[tilespmem:s31], [sflag:$0x3] =	stream.linear.gather [hbm4b:s19+s4], $0x68, $0x38;
	[tilespmem:$0x17600] =	vst v63  }
0xaa: {  	_ =	swait.ge [sflag:s0], $0x68  }
0xab: {  	[sflag:s0] =	ssyncset.done $0x0  }
0xac: {  	s16 =	sadd.s32 $0x138, s22;
	s15 =	simm.s32 $0x27;
	[sflag:s0] =	ssyncadd.s32 $0xFFFFFF98  }
.LBB2_4:
0xad: {  	[spmem:s3] =	stream.indirect.scatter.add.f32 [tilespmem:s25], [sflag:$0x5], $0x80, s28, s30, $0xb8;
	[tilespmem:$0x17600] =	vst v63  }
0xae: {  	s17 =	smov.u32 s15  }
0xaf: {  	p0 =	sne.s32 s15, $0x492;
	s15 =	sadd.s32 $0x27, s15;
	_ =	swait.ge [sflag:s2], $0x3400  }
0xb0: {  	s18 =	sshrl.u32 s16, $0x3;
	[sflag:s2] =	ssyncset.done $0x0  }
0xb1: {  	s18 =	sadd.s32 s6, s18;
	[sflag:s2] =	ssyncadd.s32 $0xFFFFCC00  }
0xb2: {  	[tilespmem:s4], [sflag:$0x1] =	stream.linear.gather [hbm4b:s18+s4], $0x68, $0x38;
	[tilespmem:$0x17600] =	vst v63  }
0xb3: {  	_ =	swait.ge [sflag:s1], $0x68  }
0xb4: {  	[sflag:s1] =	ssyncset.done $0x0  }
0xb5: {  	[sflag:s1] =	ssyncadd.s32 $0xFFFFFF98  }
0xb6: {  	[spmem:s3] =	stream.indirect.scatter.add.f32 [tilespmem:s25], [sflag:$0x6], $0x80, s31, s30, $0xb8;
	[tilespmem:$0x17600] =	vst v63  }
0xb7: {  	_ =	swait.ge [sflag:s8], $0x3400  }
0xb8: {  	[sflag:s8] =	ssyncset.done $0x0  }
0xb9: {  	s18 =	sadd.s32 s17, s24;
	[sflag:s8] =	ssyncadd.s32 $0xFFFFCC00  }
0xba: {  	[tilespmem:s28], [sflag:$0x2] =	stream.linear.gather [hbm4b:s18+s4], $0x68, $0x38;
	[tilespmem:$0x17600] =	vst v63  }
0xbb: {  	_ =	swait.ge [sflag:s29], $0x68  }
0xbc: {  	[sflag:s29] =	ssyncset.done $0x0  }
0xbd: {  	[sflag:s29] =	ssyncadd.s32 $0xFFFFFF98  }
0xbe: {  	[spmem:s3] =	stream.indirect.scatter.add.f32 [tilespmem:s25], [sflag:$0x4], $0x80, s4, s30, $0xb8;
	[tilespmem:$0x17600] =	vst v63  }
0xbf: {  	_ =	swait.ge [sflag:s9], $0x3400  }
0xc0: {  	[sflag:s9] =	ssyncset.done $0x0  }
.Ltmp1:
0xc1: {  	s17 =	sadd.s32 s17, s23;
	[sflag:s9] =	ssyncadd.s32 $0xFFFFCC00;
	(pc) =	sbr.rel @p0 .LBB2_4-.Ltmp1, $4  }
0xc2: {  	[tilespmem:s31], [sflag:$0x3] =	stream.linear.gather [hbm4b:s17+s4], $0x68, $0x38;
	[tilespmem:$0x17600] =	vst v63  }
0xc3: {  	_ =	swait.ge [sflag:s0], $0x68  }
0xc4: {  	[sflag:s0] =	ssyncset.done $0x0  }
0xc5: {  	s16 =	sadd.s32 $0x138, s16;
	[sflag:s0] =	ssyncadd.s32 $0xFFFFFF98  }
0xc6: {  	[spmem:s3] =	stream.indirect.scatter.add.f32 [tilespmem:s25], [sflag:$0x5], $0x80, s28, s30, $0xb8;
	[tilespmem:$0x17600] =	vst v63  }
0xc7: {  	_ =	swait.ge [sflag:s1], $0x68  }
0xc8: {  	[sflag:s1] =	ssyncset.done $0x0  }
0xc9: {  	[sflag:s1] =	ssyncadd.s32 $0xFFFFFF98  }
0xca: {  	[spmem:s3] =	stream.indirect.scatter.add.f32 [tilespmem:s25], [sflag:$0x6], $0x80, s31, s30, $0xb8;
	[tilespmem:$0x17600] =	vst v63  }
0xcb: {  	s15 =	rddreg [dreg:$0xd]  }
0xcc: {  	[tilespmem:s10], [sflag:$0x7] =	stream.linear.gather [hbm4b:s15+s4], $0x10, $0x38;
	[tilespmem:$0x17600] =	vst v63  }
0xcd: {  	_ =	swait.ge [sflag:s26], $0x10  }
0xce: {  	[sflag:s26] =	ssyncset.done $0x0  }
0xcf: {  	[sflag:s26] =	ssyncadd.s32 $0xFFFFFFF0  }
0xd0: {  	[spmem:s3] =	stream.indirect.scatter.add.f32 [tilespmem:s25], [sflag:$0x7], $0x80, s10, s11, $0xb8;
	[tilespmem:$0x17600] =	vst v63  }
0xd1: {  	_ =	swait.ge [sflag:s26], $0x800  }
0xd2: {  	[sflag:s26] =	ssyncset.done $0x0  }
0xd3: {  	[sflag:s26] =	ssyncadd.s32 $0xFFFFF800  }
0xd4: {  	_ =	swait.ge [sflag:s2], $0x3400  }
0xd5: {  	[sflag:s2] =	ssyncset.done $0x0  }
0xd6: {  	[sflag:s2] =	ssyncadd.s32 $0xFFFFCC00  }
0xd7: {  	_ =	swait.ge [sflag:s8], $0x3400  }
0xd8: {  	[sflag:s8] =	ssyncset.done $0x0  }
0xd9: {  	[sflag:s8] =	ssyncadd.s32 $0xFFFFCC00  }
0xda: {  	_ =	swait.ge [sflag:s9], $0x3400  }
0xdb: {  	[sflag:s9] =	ssyncset.done $0x0  }
0xdc: {  	[sflag:s9] =	ssyncadd.s32 $0xFFFFCC00  }
0xdd: {  	[bflag:$0x0] =	sbarrier.arrive $0xFFFF  }
0xde: {  	s18 =	rddreg [dreg:$0xe]  }
0xdf: {  	[hbm:s18], [sflag:s13] =	dma.local [spmem:s14], $0x2800  }
0xe0: {  	_ =	swait.ge [sflag:s26], $0x2800  }
0xe1: {  	s12 =	sadd.s32 $0x1, s12;
	s19 =	rddreg [dreg:$0xf]  }
0xe2: {  	p0 =	sne.s32 s12, s19  }
.Ltmp2:
0xe3: {  	_ = 	snop;
	(pc) =	sbr.rel @p0 .LBB2_1-.Ltmp2, $3  }
0xe4: {  	_ =	sdelay $0x1  }
0xe5: {  	[sflag:s26] =	ssyncset.done $0x0  }
0xe6: {  	[sflag:s26] =	ssyncadd.s32 $0xFFFFD800  }
0xe7: {  	_ =	sfence.sel $0x180000  }
0xe8: {  	[bflag:$0x0] =	sbarrier.arrive $0xFFFF  }
0xe9: {  	_ =	strace $0x90000047  }
0xea: {  	s0 =	stileid.u32;
	[bflag:$0x2] =	sbarrier.arrive $0xFFFF  }
0xeb: {  	p0 =	sne.s32 s0, $0x0;
	s0 =	rddreg [dreg:$0x3]  }
0xec: {  	s0 =	sadd.s32 @!p0 $0x100000, s0  }
0xed: {  	[sflag:s0] =	ssyncadd.tile.s32 @!p0 $0x1;
	_ =	shalt  }
.Lfunc_end2:
_tile_overlayer_lowered:
.L_overlay_start_2:
0xee: {  	(tag) =	ssettag $0x2  }
0xef: {  	s0 =	rddreg [dreg:$0x0];
	s2 =	stileid.u32  }
0xf0: {  	s1 =	rddreg [dreg:$0x1];
	p0 =	sne.s32 s2, $0x0  }
0xf1: {  	s3 =	rddreg [dreg:$0x2];
	[bflag:$0x3] =	sbarrier.arrive $0xFFFF;
	s2 =	simm.s32 @!p0 $0x1C07  }
0xf2: {  	[timem:s3], [sflag:s2] =	dma.local @!p0 [hbm:s0], s1  }
0xf3: {  	s0 =	simm.s32 @!p0 $0x7  }
0xf4: {  	_ =	swait.ge @!p0 [sflag:s0], s1  }
0xf5: {  	s1 =	ssub.s32 @!p0 $0x0, s1;
	[sflag:s0] =	ssyncset.done @!p0 $0x0  }
0xf6: {  	[sflag:s0] =	ssyncadd.s32 @!p0 s1  }
0xf7: {  	[bflag:$0x3] =	sbarrier.arrive $0xFFFF  }
0xf8: {  	_ =	shalt  }

// kernel: kernel.15.cloned.1.call-start
scs
__scs_entry_jumppad:
0x0: {  	(pc) =	sbr.rel $0x88, $3  }
0x1: {  	(tag) =	ssettag $0x0;
	lr =	simm.s32 $0x1  }
0x2: {  	[smem:$0x3F97] =	sst lr;
	_ =	strace $0xD0000000  }
0x3: {  	_ = 	snop  }
0x4: {  	_ = 	snop  }
0x5: {  	_ = 	snop  }
0x6: {  	_ = 	snop  }
0x7: {  	_ = 	snop  }
__scs_overlays_trampoline_lowered:
0x8: {  	[smem:$0x3FA6] =	sst s0  }
0x9: {  	[smem:$0x3FA7] =	sst s1  }
0xa: {  	[smem:$0x3FA8] =	sst s2  }
0xb: {  	[smem:$0x3FA9] =	sst s3  }
0xc: {  	[smem:$0x3FAA] =	sst s4  }
0xd: {  	[smem:$0x3FAB] =	sst s5  }
0xe: {  	[smem:$0x3FAC] =	sst s6  }
0xf: {  	[smem:$0x3FAD] =	sst s7  }
0x10: {  	[smem:$0x3FAE] =	sst s8  }
0x11: {  	[smem:$0x3FAF] =	sst s9;
	s0 =	simm.s32 @!p0 $0x0  }
0x12: {  	s1 =	sld [smem:$0x3F95];
	s0 =	simm.s32 @p0 $0x1  }
0x13: {  	[smem:$0x3FB0] =	sst s0;
	s0 =	simm.s32 @!p1 $0x0  }
0x14: {  	s2 =	sld [smem:$0x3F94];
	s0 =	simm.s32 @p1 $0x1  }
0x15: {  	[smem:$0x3FB1] =	sst s0;
	s0 =	simm.s32 @!p2 $0x0  }
0x16: {  	s3 =	sld [smem:$0x3FDB];
	s0 =	simm.s32 @p2 $0x1  }
0x17: {  	s4 =	simm.s32 $0x1BF5;
	[smem:$0x3FB3] =	sst s0  }
0x18: {  	s0 =	sld [smem:$0x3F96];
	_ =	swait.ge [sflag:s4], $0x0  }
0x19: {  	s7 =	sld [smem:$0x3F97]  }
0x1a: {  	s8 =	sadd.s32 $0xFFFFE003, lr  }
0x1b: {  	s9 =	sadd.s32 $0xFFFFFEF7, lr;
	s5 =	simm.s32 $0xFFFFFFFF;
	p2 =	slt.u32 s8, $0xFFFFF086  }
0x1c: {  	p1 =	slt.u32 s9, $0xF7A;
	s5 =	simm.s32 @!p2 $0x0  }
0x1d: {  	s5 =	simm.s32 @p1 $0x1;
	p0 =	seq.s32 s7, s2  }
0x1e: {  	s7 =	smul.u32 @!p0 $0xF7A, s2;
	p2 =	seq.s32 @!p0 s5, $0x0  }
0x1f: {  	s9 =	smul.u32 $0xF7A, s1;
	s8 =	simm.s32 @!p0 $0x1BF5;
	p2 =	por !p2, p0  }
0x20: {  	[sflag:s8] =	ssyncset.s32 @!p0 $0xFFFFF086;
	s6 =	sadd.s32 @!p0 s3, s7;
	s7 =	simm.s32 @!p0 $0x108  }
0x21: {  	s3 =	sadd.s32 s3, s9;
	s6 =	sadd.s32 @!p0 $0x88, s6;
	s7 =	simm.s32 @p2 $0x1082  }
0x22: {  	[simem:s7], [sflag:s8] =	dma.local @!p0 [hbm:s6], $0xF7A  }
0x23: {  	s9 =	sor.u32 $0xD0000000, s2;
	s6 =	simm.s32 $0x108;
	_ =	swait.ge @!p0 [sflag:s8], $0x0  }
0x24: {  	s3 =	sadd.s32 $0x88, s3;
	s6 =	simm.s32 @!p1 $0x1082;
	[sflag:s4] =	ssyncset.s32 $0xFFFFF086  }
0x25: {  	[simem:s6], [sflag:s4] =	dma.local [hbm:s3], $0xF7A  }
0x26: {  	[smem:$0x3F97] =	sst s1;
	(tag) =	ssettag s2;
	_ =	strace s9  }
0x27: {  	s1 =	sld [smem:$0x3FA7]  }
0x28: {  	s2 =	sld [smem:$0x3FA8]  }
0x29: {  	s4 =	sld [smem:$0x3FAA]  }
0x2a: {  	p0 =	seq.s32 s5, $0x0;
	s5 =	sld [smem:$0x3FAB]  }
0x2b: {  	s6 =	sld [smem:$0x3FAC]  }
0x2c: {  	s7 =	sld [smem:$0x3FAD]  }
0x2d: {  	s3 =	simm.s32 $0x108;
	s8 =	sld [smem:$0x3FAE]  }
0x2e: {  	s3 =	simm.s32 @!p0 $0x1082;
	s9 =	sld [smem:$0x3FAF]  }
0x2f: {  	lr =	sadd.s32 s0, s3;
	s0 =	sld [smem:$0x3FA6]  }
0x30: {  	s3 =	sld [smem:$0x3FA9]  }
0x31: {  	[smem:$0x3FB2] =	sst s10  }
0x32: {  	s10 =	sld [smem:$0x3FB0];
	_ =	sdelay $0x3  }
0x33: {  	p0 =	seq.s32 s10, $0x1;
	s10 =	sld [smem:$0x3FB2];
	_ =	sdelay $0x3  }
0x34: {  	[smem:$0x3FB2] =	sst s10  }
0x35: {  	s10 =	sld [smem:$0x3FB1];
	_ =	sdelay $0x3  }
0x36: {  	p1 =	seq.s32 s10, $0x1;
	s10 =	sld [smem:$0x3FB2];
	_ =	sdelay $0x3  }
0x37: {  	[smem:$0x3FB2] =	sst s10  }
0x38: {  	s10 =	sld [smem:$0x3FB3]  }
0x39: {  	_ = 	snop;
	(pc) =	sbr.ind lr, $3  }
0x3a: {  	_ = 	snop  }
0x3b: {  	_ = 	snop  }
0x3c: {  	p2 =	seq.s32 s10, $0x1;
	s10 =	sld [smem:$0x3FB2]  }
0x3d: {  	_ =	shalt  }
0x3e: {  	_ =	shalt  }
0x3f: {  	_ =	shalt  }
0x40: {  	_ =	shalt  }
0x41: {  	_ =	shalt  }
0x42: {  	_ =	shalt  }
0x43: {  	_ =	shalt  }
0x44: {  	_ =	shalt  }
0x45: {  	_ =	shalt  }
0x46: {  	_ =	shalt  }
0x47: {  	_ =	shalt  }
0x48: {  	_ =	shalt  }
0x49: {  	_ =	shalt  }
0x4a: {  	_ =	shalt  }
0x4b: {  	_ =	shalt  }
0x4c: {  	_ =	shalt  }
0x4d: {  	_ =	shalt  }
0x4e: {  	_ =	shalt  }
0x4f: {  	_ =	shalt  }
0x50: {  	_ =	shalt  }
0x51: {  	_ =	shalt  }
0x52: {  	_ =	shalt  }
0x53: {  	_ =	shalt  }
0x54: {  	_ =	shalt  }
0x55: {  	_ =	shalt  }
0x56: {  	_ =	shalt  }
0x57: {  	_ =	shalt  }
0x58: {  	_ =	shalt  }
0x59: {  	_ =	shalt  }
0x5a: {  	_ =	shalt  }
0x5b: {  	_ =	shalt  }
0x5c: {  	_ =	shalt  }
0x5d: {  	_ =	shalt  }
0x5e: {  	_ =	shalt  }
0x5f: {  	_ =	shalt  }
0x60: {  	_ =	shalt  }
0x61: {  	_ =	shalt  }
0x62: {  	_ =	shalt  }
0x63: {  	_ =	shalt  }
0x64: {  	_ =	shalt  }
0x65: {  	_ =	shalt  }
0x66: {  	_ =	shalt  }
0x67: {  	_ =	shalt  }
0x68: {  	_ =	shalt  }
0x69: {  	_ =	shalt  }
0x6a: {  	_ =	shalt  }
0x6b: {  	_ =	shalt  }
0x6c: {  	_ =	shalt  }
0x6d: {  	_ =	shalt  }
0x6e: {  	_ =	shalt  }
0x6f: {  	_ =	shalt  }
0x70: {  	_ =	shalt  }
0x71: {  	_ =	shalt  }
0x72: {  	_ =	shalt  }
0x73: {  	_ =	shalt  }
0x74: {  	_ =	shalt  }
0x75: {  	_ =	shalt  }
0x76: {  	_ =	shalt  }
0x77: {  	_ =	shalt  }
0x78: {  	_ =	shalt  }
0x79: {  	_ =	shalt  }
0x7a: {  	_ =	shalt  }
0x7b: {  	_ =	shalt  }
0x7c: {  	_ =	shalt  }
0x7d: {  	_ =	shalt  }
0x7e: {  	_ =	shalt  }
0x7f: {  	_ =	shalt  }
0x80: {  	_ =	shalt  }
0x81: {  	_ =	shalt  }
0x82: {  	_ =	shalt  }
0x83: {  	_ =	shalt  }
0x84: {  	_ =	shalt  }
0x85: {  	_ =	shalt  }
0x86: {  	_ =	shalt  }
0x87: {  	_ =	shalt  }
.Lfunc_end0:
.L_simem_size_0:
called_computation.1_lowered:
.L_overlay_start_0:
0x88: {  	s2 =	sld [smem:$0x3FD9]  }
0x89: {  	s3 =	sld [smem:$0x3FFE];
	_ =	sdelay $0x1  }
0x8a: {  	s1 =	srdreg.scid  }
0x8b: {  	s0 =	sand.u32 $0x1, s1  }
0x8c: {  	s17 =	sshll.u32 s0, $0xA;
	s2 =	sadd.s32 s3, s2  }
0x8d: {  	s2 =	sadd.s32 s2, s17  }
0x8e: {  	[smem:$0x3FBE] =	sst s2  }
0x8f: {  	_ = 	snop  }
0x90: {  	(tm) =	ssettm $0x1  }
0x91: {  	s18 =	sld [smem:$0x3FFB];
	_ =	sdelay $0x3  }
0x92: {  	_ =	strace s18  }
0x93: {  	s2 =	sld [smem:$0x3FFC];
	_ =	sdelay $0x3  }
0x94: {  	_ =	strace s2  }
0x95: {  	s2 =	sld [smem:$0x3FFD];
	_ =	sdelay $0x3  }
0x96: {  	_ =	strace s2  }
0x97: {  	_ =	strace $0x8FFFFFFF  }
0x98: {  	s19 =	sld [smem:$0x3FDB];
	_ =	sdelay $0x1  }
0x99: {  	s20 =	simm.s32 $_scs_section_size  }
0x9a: {  	s4 =	simm.s32 $_size__tile_overlayer_lowered;
	s5 =	simm.s32 $_tile_overlayer_lowered  }
0x9b: {  	s6 =	simm.s32 $0x1BFF;
	s21 =	sshll.u32 s5, $0x1;
	s3 =	sadd.s32 s20, s19  }
0x9c: {  	s22 =	simm.s32 $0x0;
	s4 =	sshll.u32 s4, $0x1;
	s5 =	sadd.s32 s21, s3  }
0x9d: {  	[timem:s22], [sflag:s6] =	dma.local [hbm:s5], s4  }
0x9e: {  	_ =	swait.ge [sflag:s6], s4  }
0x9f: {  	s4 =	ssub.s32 $0x0, s4;
	[sflag:s6] =	ssyncset.done $0x0  }
0xa0: {  	[sflag:s6] =	ssyncadd.s32 s4;
	_ =	sdelay $0x1  }
0xa1: {  	s23 =	simm.s32 $0x1B8B  }
0xa2: {  	_ =	swait.ge [sflag:s23], $0x1  }
0xa3: {  	[sflag:s23] =	ssyncset.done $0x0  }
0xa4: {  	[sflag:s23] =	ssyncadd.s32 $0xFFFFFFFF  }
0xa5: {  	s4 =	sld [smem:$0x0]  }
0xa6: {  	s5 =	sand.u32 $0xFFFFFFFE, s1  }
0xa7: {  	p0 =	sne.s32 s1, s5  }
0xa8: {  	s5 =	sshll.u32 @p0 s5, $0xE  }
0xa9: {  	s5 =	sadd.s32 @p0 $0x11B8D, s5;
	s6 =	sshll.u32 @p0 s4, $0x11  }
0xaa: {  	s5 =	sor.u32 @p0 s6, s5  }
0xab: {  	[sflag:s5] =	ssyncadd.remote.s32 @p0 $0x1;
	_ =	sdelay $0x1  }
0xac: {  	s5 =	simm.s32 @p0 $0x1B8D  }
0xad: {  	_ =	swait.eq @p0 [sflag:s5], $0x1  }
0xae: {  	[sflag:s5] =	ssyncadd.s32 @p0 $0xFFFFFFFF  }
0xaf: {  	s6 =	sshll.u32 @!p0 s1, $0xE  }
0xb0: {  	s6 =	sor.u32 @!p0 $0x4000, s6;
	s5 =	simm.s32 @!p0 $0x1B8D  }
0xb1: {  	s4 =	sshll.u32 @!p0 s4, $0x11;
	s6 =	sadd.s32 @!p0 $0x11B8D, s6;
	_ =	swait.eq @!p0 [sflag:s5], $0x1  }
0xb2: {  	s4 =	sor.u32 @!p0 s4, s6;
	[sflag:s5] =	ssyncadd.s32 @!p0 $0xFFFFFFFF  }
0xb3: {  	s25 =	simm.s32 $0x1B8E;
	s24 =	sld [smem:$0x3FFE];
	[sflag:s4] =	ssyncadd.remote.s32 @!p0 $0x1  }
0xb4: {  	s26 =	simm.s32 $execute0_lowered;
	[smem:$0x3FD2] =	sst s25  }
0xb5: {  	s5 =	sshll.u32 s26, $0x1;
	_ =	strace $0x80000049;
	[dreg:$0x1] =	wrdreg $0xFFFFFFFF  }
0xb6: {  	s28 =	simm.s32 $_size_execute0_lowered;
	s3 =	sadd.s32 s3, s5;
	[dreg:$0x0] =	wrdreg $0x0  }
0xb7: {  	s5 =	sshll.u32 s28, $0x1;
	[dreg:$0x2] =	wrdreg s3  }
0xb8: {  	[dreg:$0x3] =	wrdreg s5  }
0xb9: {  	[dreg:$0x4] =	wrdreg $0xC0  }
0xba: {  	_ =	task [dreg:s22], $0x5FFFF  }
0xbb: {  	[dreg:$0x1] =	wrdreg $0xFFFFFFFF  }
0xbc: {  	[dreg:$0x0] =	wrdreg $0x60  }
0xbd: {  	[dreg:$0x2] =	wrdreg s24  }
0xbe: {  	[dreg:$0x3] =	wrdreg $0xA8000  }
0xbf: {  	[dreg:$0x4] =	wrdreg $0xA  }
0xc0: {  	_ =	task.clear_ibuf [dreg:s22], $0x5FFFF;
	_ =	strace $0x90000049  }
0xc1: {  	s29 =	simm.s32 $0xA;
	_ =	strace $0x8000004B  }
0xc2: {  	_ =	swait.ge [sflag:s29], $0x1  }
0xc3: {  	[sflag:s29] =	ssyncadd.s32 $0xFFFFFFFF  }
0xc4: {  	_ =	strace $0x9000004B  }
0xc5: {  	_ =	sfence  }
0xc6: {  	s30 =	sld [smem:$0x0];
	_ =	sdelay $0x2  }
0xc7: {  	s31 =	sshll.u32 s1, $0xD;
	s1 =	sshrl.u32 s1, $0x2  }
0xc8: {  	s4 =	sand.u32 $0x4000, s31;
	s1 =	sadd.s32 s1, s30  }
0xc9: {  	s0 =	sor.u32 s4, s0;
	s1 =	sshll.u32 s1, $0x11  }
0xca: {  	s0 =	sor.u32 s1, s0  }
0xcb: {  	s0 =	sadd.s32 $0x8F2B, s0  }
0xcc: {  	[sflag:s0] =	ssyncadd.remote.s32 $0x1  }
0xcd: {  	_ =	sfence.sel $0xFFFF  }
0xce: {  	[dreg:$0x0] =	wrdreg $0xFFFFFFFF;
	(pc) =	sbr.abs _section_cstart, $3  }
0xcf: {  	[dreg:$0x1] =	wrdreg $0xFFFFFFFF  }
0xd0: {  	_ =	task.clear_ibuf [dreg:s22], $0x2FFFF;
	_ =	strace $0x9FFFFFFF  }
0xd1: {  	(tm) =	ssettm $0x7FFFFFFF  }
tec
execute0_lowered:
.L_overlay_start_1:
0x0: {  	(tag) =	ssettag $0x1  }
0x1: {  	s0 =	rddreg [dreg:$0x0]  }
0x2: {  	s1 =	rddreg [dreg:$0x1];
	s2 =	simm.s32 $0x0;
	s3 =	srdreg.scid  }
0x3: {  	s5 =	stileid.u32;
	s31 =	simm.s32 $0x8;
	s30 =	simm.s32 $0x300  }
0x4: {  	[smem:$0x7FF] =	sst s2;
	s4 =	sadd.s32 $0xB9C00, s0;
	s3 =	sand.u32 $0x1, s3  }
0x5: {  	s7 =	smul.u32 $0x2800, s5;
	s6 =	sshll.u32 s5, $0x1;
	s10 =	sadd.s32 $0xD600, s0  }
0x6: {  	s16 =	sadd.s32 $0x3800, s0;
	s11 =	smul.u32 $0x50000, s5;
	s12 =	sadd.s32 $0x17400, s0  }
0x7: {  	s19 =	sshll.u32 s5, $0x6;
	s25 =	smul.u32 $0x4E20, s5;
	_ =	strace $0x8000004A  }
0x8: {  	s8 =	smul.u32 $0x28000, s3;
	s9 =	sor.u32 s3, s6;
	s6 =	smov.u32 s10  }
0x9: {  	s15 =	ssub.s32 $0x2, s3;
	[dreg:$0x7] =	wrdreg s12;
	s3 =	smul.u32 $0x2710, s3  }
0xa: {  	s21 =	sor.u32 $0x1C0E, s19;
	s9 =	smul.u32 $0x2710, s9;
	s17 =	sshrl.u32 s15, $0x1  }
0xb: {  	s18 =	sshrl.u32 s11, $0x2;
	s11 =	simm.s32 $0x2;
	[dreg:$0x9] =	wrdreg s21  }
0xc: {  	s7 =	sadd.s32 s7, s8;
	s8 =	sadd.s32 s18, s1;
	s3 =	sadd.s32 s3, s25  }
0xd: {  	s0 =	sadd.s32 s7, s0;
	s7 =	ssub.s32 s15, s17;
	s20 =	sshrl.u32 s9, $0x3  }
0xe: {  	[dreg:$0x8] =	wrdreg s8;
	s24 =	sadd.s32 $0x68, s9;
	s22 =	sadd.s32 s6, s20  }
0xf: {  	s28 =	sadd.s32 $0x138, s9;
	s23 =	sadd.s32 s16, s20;
	[dreg:$0xa] =	wrdreg s22  }
0x10: {  	s10 =	sadd.s32 $0x208, s3;
	s0 =	sadd.s32 $0xE0E00, s0;
	[dreg:$0xb] =	wrdreg s23  }
0x11: {  	s8 =	sshrl.u32 s24, $0x3;
	s25 =	smax.u32 s7, $0x1;
	[dreg:$0x13] =	wrdreg s0  }
0x12: {  	s9 =	simm.s32 $0xE;
	s29 =	sadd.s32 s6, s8;
	[dreg:$0x14] =	wrdreg s25  }
0x13: {  	s26 =	sadd.s32 $0x1A, s20;
	s1 =	sadd.s32 s16, s8;
	[dreg:$0xc] =	wrdreg s29  }
0x14: {  	s13 =	sshrl.u32 s28, $0x3;
	s8 =	sadd.s32 s6, s26;
	[dreg:$0xd] =	wrdreg s1  }
0x15: {  	s14 =	sadd.s32 $0x4E0, s20;
	s12 =	sadd.s32 s16, s26;
	[dreg:$0xe] =	wrdreg s8  }
0x16: {  	s18 =	sshrl.u32 s10, $0x3;
	s15 =	sadd.s32 s6, s13;
	[dreg:$0xf] =	wrdreg s12  }
0x17: {  	s7 =	simm.s32 $0x80;
	s17 =	sadd.s32 s6, s14;
	[dreg:$0x10] =	wrdreg s15  }
0x18: {  	s19 =	sadd.s32 s16, s14;
	s20 =	sadd.s32 s18, s16;
	[dreg:$0x11] =	wrdreg s17  }
0x19: {  	s22 =	sadd.s32 $0x1A0, s3;
	s0 =	simm.s32 $0x7;
	[dreg:$0x12] =	wrdreg s19  }
0x1a: {  	[dreg:$0x3] =	wrdreg s20;
	s8 =	sadd.s32 s18, s6;
	s23 =	sshrl.u32 s22, $0x3  }
0x1b: {  	s29 =	sadd.s32 $0x138, s3;
	s22 =	simm.s32 $0x180;
	s3 =	simm.s32 $0x4  }
0x1c: {  	s1 =	simm.s32 $0x100;
	s15 =	simm.s32 $0x9;
	s17 =	simm.s32 $0x6  }
0x1d: {  	s18 =	simm.s32 $0xB;
	s19 =	simm.s32 $0xC;
	[dreg:$0x4] =	wrdreg s8  }
0x1e: {  	s20 =	simm.s32 $0x3;
	s24 =	sadd.s32 s23, s16;
	[dreg:$0x15] =	wrdreg s29  }
0x1f: {  	s26 =	sadd.s32 s23, s6;
	s23 =	simm.s32 $0x300;
	[dreg:$0x5] =	wrdreg s24  }
0x20: {  	s8 =	simm.s32 $0x0;
	[dreg:$0x6] =	wrdreg s26;
	s26 =	simm.s32 $0x68  }
.LBB2_1:
0x21: {  	[dreg:$0x16] =	wrdreg s8  }
0x22: {  	s5 =	rddreg [dreg:$0x8]  }
0x23: {  	s25 =	rddreg [dreg:$0x7];
	s24 =	sshrl.u32 s5, $0x3  }
0x24: {  	[dreg:$0x17] =	wrdreg s24  }
0x25: {  	[spmem:s24], [sflag:s21] =	dma.local [hbm:s25], $0x2800  }
0x26: {  	_ =	swait.ge [sflag:s9], $0x2800  }
0x27: {  	[sflag:s9] =	ssyncset.done $0x0  }
0x28: {  	[sflag:s9] =	ssyncadd.s32 $0xFFFFD800  }
0x29: {  	[bflag:$0x0] =	sbarrier.arrive $0xFFFF  }
0x2a: {  	s9 =	rddreg [dreg:$0xa]  }
0x2b: {  	[tilespmem:s2], [sflag:$0x1] =	stream.linear.gather [hbm4b:s9+s2], $0x68, $0x38;
	[tilespmem:$0x1E800] =	vst v63  }
0x2c: {  	s24 =	simm.s32 $0x1;
	s10 =	rddreg [dreg:$0xb]  }
0x2d: {  	[tilespmem:s22], [sflag:$0x4] =	stream.linear.gather [hbm4b:s10+s2], $0x68, $0x38;
	[tilespmem:$0x1E800] =	vst v63  }
0x2e: {  	_ =	swait.ge [sflag:s24], $0x68  }
0x2f: {  	[sflag:s24] =	ssyncset.done $0x0  }
0x30: {  	[sflag:s24] =	ssyncadd.s32 $0xFFFFFF98  }
0x31: {  	[tilespmem:s23], [sflag:$0x7] =	stream.indirect.gather [hbm4b:s4+s26], $0x80, s2, s26, $0xb8;
	[tilespmem:$0x1E800] =	vst v63  }
0x32: {  	s12 =	rddreg [dreg:$0xc]  }
0x33: {  	[tilespmem:s7], [sflag:$0x2] =	stream.linear.gather [hbm4b:s12+s2], $0x68, $0x38;
	[tilespmem:$0x1E800] =	vst v63  }
0x34: {  	s8 =	simm.s32 $0x200;
	s13 =	rddreg [dreg:$0xd]  }
0x35: {  	[tilespmem:s8], [sflag:$0x5] =	stream.linear.gather [hbm4b:s13+s2], $0x68, $0x38;
	[tilespmem:$0x1E800] =	vst v63  }
0x36: {  	_ =	swait.ge [sflag:s0], $0x3400  }
0x37: {  	[sflag:s0] =	ssyncset.done $0x0  }
0x38: {  	[sflag:s0] =	ssyncadd.s32 $0xFFFFCC00  }
0x39: {  	_ =	swait.ge [sflag:s3], $0x68  }
0x3a: {  	[sflag:s3] =	ssyncset.done $0x0  }
0x3b: {  	[sflag:s3] =	ssyncadd.s32 $0xFFFFFF98  }
0x3c: {  	s13 =	rddreg [dreg:$0x1]  }
0x3d: {  	[spmem:s13] =	stream.indirect.scatter.add.f32 [tilespmem:s23], [sflag:$0xA], $0x80, s22, s26, $0xb8;
	[tilespmem:$0x1E800] =	vst v63  }
0x3e: {  	_ =	swait.ge [sflag:s11], $0x68  }
0x3f: {  	[sflag:s11] =	ssyncset.done $0x0  }
0x40: {  	s10 =	simm.s32 $0x3700;
	[sflag:s11] =	ssyncadd.s32 $0xFFFFFF98  }
0x41: {  	[tilespmem:s10], [sflag:$0x8] =	stream.indirect.gather [hbm4b:s4+s26], $0x80, s7, s26, $0xb8;
	[tilespmem:$0x1E800] =	vst v63  }
0x42: {  	s14 =	rddreg [dreg:$0xe]  }
0x43: {  	[tilespmem:s1], [sflag:$0x3] =	stream.linear.gather [hbm4b:s14+s2], $0x68, $0x38;
	[tilespmem:$0x1E800] =	vst v63  }
0x44: {  	s25 =	simm.s32 $0x280;
	s21 =	rddreg [dreg:$0xf]  }
0x45: {  	[tilespmem:s25], [sflag:$0x6] =	stream.linear.gather [hbm4b:s21+s2], $0x68, $0x38;
	[tilespmem:$0x1E800] =	vst v63  }
0x46: {  	_ =	swait.ge [sflag:s31], $0x3400  }
0x47: {  	[sflag:s31] =	ssyncset.done $0x0  }
0x48: {  	s14 =	simm.s32 $0x5;
	[sflag:s31] =	ssyncadd.s32 $0xFFFFCC00  }
0x49: {  	_ =	swait.ge [sflag:s14], $0x68  }
0x4a: {  	[sflag:s14] =	ssyncset.done $0x0  }
0x4b: {  	[sflag:s14] =	ssyncadd.s32 $0xFFFFFF98  }
0x4c: {  	[spmem:s13] =	stream.indirect.scatter.add.f32 [tilespmem:s10], [sflag:$0xB], $0x80, s8, s26, $0xb8;
	[tilespmem:$0x1E800] =	vst v63  }
0x4d: {  	_ =	swait.ge [sflag:s20], $0x68  }
0x4e: {  	[sflag:s20] =	ssyncset.done $0x0  }
0x4f: {  	s12 =	simm.s32 $0x6B00;
	[sflag:s20] =	ssyncadd.s32 $0xFFFFFF98  }
0x50: {  	[tilespmem:s12], [sflag:$0x9] =	stream.indirect.gather [hbm4b:s4+s26], $0x80, s1, s26, $0xb8;
	[tilespmem:$0x1E800] =	vst v63  }
0x51: {  	s29 =	simm.s32 $0xA;
	s9 =	rddreg [dreg:$0x10]  }
0x52: {  	[tilespmem:s2], [sflag:$0x1] =	stream.linear.gather [hbm4b:s9+s2], $0x68, $0x38;
	[tilespmem:$0x1E800] =	vst v63  }
0x53: {  	_ =	swait.ge [sflag:s29], $0x3400  }
0x54: {  	s5 =	rddreg [dreg:$0x15]  }
0x55: {  	[sflag:s29] =	ssyncset.done $0x0;
	s9 =	sshrl.u32 s5, $0x3  }
0x56: {  	s21 =	rddreg [dreg:$0x6];
	[sflag:s29] =	ssyncadd.s32 $0xFFFFCC00;
	s9 =	sadd.s32 s16, s9  }
0x57: {  	[tilespmem:s22], [sflag:$0x4] =	stream.linear.gather [hbm4b:s9+s2], $0x68, $0x38;
	[tilespmem:$0x1E800] =	vst v63  }
0x58: {  	s21 =	sadd.s32 $0x0, s21  }
0x59: {  	[tilespmem:s7], [sflag:$0x2] =	stream.linear.gather [hbm4b:s21+s2], $0x68, $0x38;
	[tilespmem:$0x1E800] =	vst v63  }
0x5a: {  	_ =	swait.ge [sflag:s24], $0x68  }
0x5b: {  	[sflag:s24] =	ssyncset.done $0x0  }
0x5c: {  	[sflag:s24] =	ssyncadd.s32 $0xFFFFFF98  }
0x5d: {  	[tilespmem:s23], [sflag:$0x7] =	stream.indirect.gather [hbm4b:s4+s26], $0x80, s2, s26, $0xb8;
	[tilespmem:$0x1E800] =	vst v63  }
0x5e: {  	_ =	swait.ge [sflag:s15], $0x3400  }
0x5f: {  	[sflag:s15] =	ssyncset.done $0x0  }
0x60: {  	[sflag:s15] =	ssyncadd.s32 $0xFFFFCC00  }
0x61: {  	_ =	swait.ge [sflag:s17], $0x68  }
0x62: {  	[sflag:s17] =	ssyncset.done $0x0  }
0x63: {  	[sflag:s17] =	ssyncadd.s32 $0xFFFFFF98  }
0x64: {  	[spmem:s13] =	stream.indirect.scatter.add.f32 [tilespmem:s12], [sflag:$0xC], $0x80, s25, s26, $0xb8;
	[tilespmem:$0x1E800] =	vst v63  }
0x65: {  	_ =	swait.ge [sflag:s18], $0x3400  }
0x66: {  	s21 =	rddreg [dreg:$0x5];
	[sflag:s18] =	ssyncset.done $0x0  }
0x67: {  	s24 =	rddreg [dreg:$0x4];
	[sflag:s18] =	ssyncadd.s32 $0xFFFFCC00;
	s9 =	sadd.s32 $0x0, s21  }
0x68: {  	[tilespmem:s8], [sflag:$0x5] =	stream.linear.gather [hbm4b:s9+s2], $0x68, $0x38;
	[tilespmem:$0x1E800] =	vst v63  }
0x69: {  	s21 =	sadd.s32 $0x0, s24  }
0x6a: {  	[tilespmem:s1], [sflag:$0x3] =	stream.linear.gather [hbm4b:s21+s2], $0x68, $0x38;
	[tilespmem:$0x1E800] =	vst v63  }
0x6b: {  	_ =	swait.ge [sflag:s11], $0x68  }
0x6c: {  	[sflag:s11] =	ssyncset.done $0x0  }
0x6d: {  	[sflag:s11] =	ssyncadd.s32 $0xFFFFFF98  }
0x6e: {  	[tilespmem:s10], [sflag:$0x8] =	stream.indirect.gather [hbm4b:s4+s26], $0x80, s7, s26, $0xb8;
	[tilespmem:$0x1E800] =	vst v63  }
0x6f: {  	_ =	swait.ge [sflag:s0], $0x3400  }
0x70: {  	[sflag:s0] =	ssyncset.done $0x0  }
0x71: {  	[sflag:s0] =	ssyncadd.s32 $0xFFFFCC00  }
0x72: {  	_ =	swait.ge [sflag:s3], $0x68  }
0x73: {  	[sflag:s3] =	ssyncset.done $0x0  }
0x74: {  	[sflag:s3] =	ssyncadd.s32 $0xFFFFFF98  }
0x75: {  	[spmem:s13] =	stream.indirect.scatter.add.f32 [tilespmem:s23], [sflag:$0xA], $0x80, s22, s26, $0xb8;
	[tilespmem:$0x1E800] =	vst v63  }
0x76: {  	s23 =	smin.u32 s20, $0x5C  }
0x77: {  	s9 =	smul.u32 $0x68, s23  }
0x78: {  	_ =	swait.ge [sflag:s19], $0x3400  }
0x79: {  	s24 =	rddreg [dreg:$0x3];
	[sflag:s19] =	ssyncset.done $0x0;
	s9 =	sadd.s32 s9, s28  }
0x7a: {  	[sflag:s19] =	ssyncadd.s32 $0xFFFFCC00;
	s21 =	sadd.s32 $0x0, s24;
	s9 =	sshrl.u32 s9, $0x3  }
0x7b: {  	[tilespmem:s25], [sflag:$0x6] =	stream.linear.gather [hbm4b:s21+s2], $0x68, $0x38;
	[tilespmem:$0x1E800] =	vst v63  }
0x7c: {  	s9 =	sadd.s32 s6, s9  }
0x7d: {  	[tilespmem:s2], [sflag:$0x1] =	stream.linear.gather [hbm4b:s9+s2], $0x68, $0x38;
	[tilespmem:$0x1E800] =	vst v63  }
0x7e: {  	_ =	swait.ge [sflag:s20], $0x68  }
0x7f: {  	[sflag:s20] =	ssyncset.done $0x0  }
0x80: {  	[sflag:s20] =	ssyncadd.s32 $0xFFFFFF98  }
0x81: {  	[tilespmem:s12], [sflag:$0x9] =	stream.indirect.gather [hbm4b:s4+s26], $0x80, s1, s26, $0xb8;
	[tilespmem:$0x1E800] =	vst v63  }
0x82: {  	s29 =	simm.s32 $0x180;
	_ =	swait.ge [sflag:s31], $0x3400  }
0x83: {  	s11 =	simm.s32 $0x2;
	s7 =	simm.s32 $0x80;
	[sflag:s31] =	ssyncset.done $0x0  }
0x84: {  	s0 =	simm.s32 $0x7;
	s3 =	simm.s32 $0x4;
	[sflag:s31] =	ssyncadd.s32 $0xFFFFCC00  }
0x85: {  	s22 =	simm.s32 $0x27;
	s23 =	simm.s32 $0x3;
	_ =	swait.ge [sflag:s14], $0x68  }
0x86: {  	s9 =	smov.u32 s5;
	s1 =	simm.s32 $0x100;
	[sflag:s14] =	ssyncset.done $0x0  }
.LBB2_2:
0x87: {  	s14 =	simm.s32 $0x5  }
0x88: {  	s9 =	sadd.s32 $0x138, s9;
	s10 =	simm.s32 $0x200;
	[sflag:s14] =	ssyncadd.s32 $0xFFFFFF98  }
0x89: {  	s13 =	simm.s32 $0x3700;
	s8 =	simm.s32 $0xA;
	s25 =	rddreg [dreg:$0x1]  }
0x8a: {  	[spmem:s25] =	stream.indirect.scatter.add.f32 [tilespmem:s13], [sflag:$0xB], $0x80, s10, s26, $0xb8;
	[tilespmem:$0x1E800] =	vst v63  }
0x8b: {  	s21 =	sshrl.u32 s9, $0x3;
	_ =	swait.ge [sflag:s8], $0x3400  }
0x8c: {  	s24 =	smov.u32 s16;
	s5 =	sadd.s32 s16, s21;
	[sflag:s8] =	ssyncset.done $0x0  }
0x8d: {  	s21 =	smov.u32 s22;
	s12 =	rddreg [dreg:$0x6];
	[sflag:s8] =	ssyncadd.s32 $0xFFFFCC00  }
0x8e: {  	[tilespmem:s29], [sflag:$0x4] =	stream.linear.gather [hbm4b:s5+s2], $0x68, $0x38;
	[tilespmem:$0x1E800] =	vst v63  }
0x8f: {  	s16 =	smov.u32 s6;
	s6 =	simm.s32 $0x1;
	s12 =	sadd.s32 s21, s12  }
0x90: {  	[tilespmem:s7], [sflag:$0x2] =	stream.linear.gather [hbm4b:s12+s2], $0x68, $0x38;
	[tilespmem:$0x1E800] =	vst v63  }
0x91: {  	_ =	swait.ge [sflag:s6], $0x68  }
0x92: {  	[sflag:s6] =	ssyncset.done $0x0  }
0x93: {  	[sflag:s6] =	ssyncadd.s32 $0xFFFFFF98  }
0x94: {  	[tilespmem:s30], [sflag:$0x7] =	stream.indirect.gather [hbm4b:s4+s26], $0x80, s2, s26, $0xb8;
	[tilespmem:$0x1E800] =	vst v63  }
0x95: {  	_ =	swait.ge [sflag:s15], $0x3400  }
0x96: {  	[sflag:s15] =	ssyncset.done $0x0  }
0x97: {  	[sflag:s15] =	ssyncadd.s32 $0xFFFFCC00  }
0x98: {  	_ =	swait.ge [sflag:s17], $0x68  }
0x99: {  	[sflag:s17] =	ssyncset.done $0x0  }
0x9a: {  	s31 =	simm.s32 $0x280;
	s12 =	simm.s32 $0x6B00;
	[sflag:s17] =	ssyncadd.s32 $0xFFFFFF98  }
0x9b: {  	[spmem:s25] =	stream.indirect.scatter.add.f32 [tilespmem:s12], [sflag:$0xC], $0x80, s31, s26, $0xb8;
	[tilespmem:$0x1E800] =	vst v63  }
0x9c: {  	_ =	swait.ge [sflag:s18], $0x3400  }
0x9d: {  	s8 =	rddreg [dreg:$0x5];
	[sflag:s18] =	ssyncset.done $0x0  }
0x9e: {  	s6 =	rddreg [dreg:$0x4];
	[sflag:s18] =	ssyncadd.s32 $0xFFFFCC00;
	s5 =	sadd.s32 s21, s8  }
0x9f: {  	[tilespmem:s10], [sflag:$0x5] =	stream.linear.gather [hbm4b:s5+s2], $0x68, $0x38;
	[tilespmem:$0x1E800] =	vst v63  }
0xa0: {  	s10 =	sadd.s32 s21, s6  }
0xa1: {  	[tilespmem:s1], [sflag:$0x3] =	stream.linear.gather [hbm4b:s10+s2], $0x68, $0x38;
	[tilespmem:$0x1E800] =	vst v63  }
0xa2: {  	_ =	swait.ge [sflag:s11], $0x68  }
0xa3: {  	[sflag:s11] =	ssyncset.done $0x0  }
0xa4: {  	[sflag:s11] =	ssyncadd.s32 $0xFFFFFF98  }
0xa5: {  	[tilespmem:s13], [sflag:$0x8] =	stream.indirect.gather [hbm4b:s4+s26], $0x80, s7, s26, $0xb8;
	[tilespmem:$0x1E800] =	vst v63  }
0xa6: {  	_ =	swait.ge [sflag:s0], $0x3400  }
0xa7: {  	[sflag:s0] =	ssyncset.done $0x0  }
0xa8: {  	[sflag:s0] =	ssyncadd.s32 $0xFFFFCC00  }
0xa9: {  	_ =	swait.ge [sflag:s3], $0x68  }
0xaa: {  	s23 =	sadd.s32 $0x3, s23;
	[sflag:s3] =	ssyncset.done $0x0  }
0xab: {  	s13 =	smin.u32 s23, $0x5C;
	[sflag:s3] =	ssyncadd.s32 $0xFFFFFF98  }
0xac: {  	[spmem:s25] =	stream.indirect.scatter.add.f32 [tilespmem:s30], [sflag:$0xA], $0x80, s29, s26, $0xb8;
	[tilespmem:$0x1E800] =	vst v63  }
0xad: {  	s5 =	smul.u32 $0x68, s13;
	_ =	swait.ge [sflag:s19], $0x3400  }
0xae: {  	s25 =	rddreg [dreg:$0x3];
	[sflag:s19] =	ssyncset.done $0x0  }
0xaf: {  	s5 =	sadd.s32 s5, s28;
	[sflag:s19] =	ssyncadd.s32 $0xFFFFCC00;
	s6 =	sadd.s32 s21, s25  }
0xb0: {  	[tilespmem:s31], [sflag:$0x6] =	stream.linear.gather [hbm4b:s6+s2], $0x68, $0x38;
	[tilespmem:$0x1E800] =	vst v63  }
0xb1: {  	s5 =	sshrl.u32 s5, $0x3;
	s6 =	smov.u32 s16  }
0xb2: {  	s5 =	sadd.s32 s6, s5  }
0xb3: {  	[tilespmem:s2], [sflag:$0x1] =	stream.linear.gather [hbm4b:s5+s2], $0x68, $0x38;
	[tilespmem:$0x1E800] =	vst v63  }
0xb4: {  	_ =	swait.ge [sflag:s20], $0x68  }
0xb5: {  	[sflag:s20] =	ssyncset.done $0x0  }
0xb6: {  	p0 =	sne.s32 s22, $0x492;
	s31 =	simm.s32 $0x8;
	[sflag:s20] =	ssyncadd.s32 $0xFFFFFF98  }
0xb7: {  	[tilespmem:s12], [sflag:$0x9] =	stream.indirect.gather [hbm4b:s4+s26], $0x80, s1, s26, $0xb8;
	[tilespmem:$0x1E800] =	vst v63  }
.Ltmp0:
0xb8: {  	_ =	swait.ge [sflag:s31], $0x3400;
	(pc) =	sbr.rel @p0 .LBB2_2-.Ltmp0, $4  }
0xb9: {  	s22 =	sadd.s32 $0x27, s22;
	[sflag:s31] =	ssyncset.done $0x0  }
0xba: {  	s8 =	simm.s32 $0x200;
	s10 =	simm.s32 $0x3700;
	[sflag:s31] =	ssyncadd.s32 $0xFFFFCC00  }
0xbb: {  	s13 =	simm.s32 $0x280;
	s21 =	simm.s32 $0x6B00;
	_ =	swait.ge [sflag:s14], $0x68  }
0xbc: {  	s16 =	smov.u32 s24;
	s5 =	simm.s32 $0x5;
	[sflag:s14] =	ssyncset.done $0x0  }
0xbd: {  	[sflag:s5] =	ssyncadd.s32 $0xFFFFFF98  }
0xbe: {  	s11 =	simm.s32 $0x1;
	s1 =	rddreg [dreg:$0x1]  }
0xbf: {  	[spmem:s1] =	stream.indirect.scatter.add.f32 [tilespmem:s10], [sflag:$0xB], $0x80, s8, s26, $0xb8;
	[tilespmem:$0x1E800] =	vst v63  }
0xc0: {  	_ =	swait.ge [sflag:s11], $0x68  }
0xc1: {  	[sflag:s11] =	ssyncset.done $0x0  }
0xc2: {  	[sflag:s11] =	ssyncadd.s32 $0xFFFFFF98  }
0xc3: {  	_ =	swait.ge [sflag:s15], $0x3400  }
0xc4: {  	[sflag:s15] =	ssyncset.done $0x0  }
0xc5: {  	[sflag:s15] =	ssyncadd.s32 $0xFFFFCC00  }
0xc6: {  	_ =	swait.ge [sflag:s17], $0x68  }
0xc7: {  	[sflag:s17] =	ssyncset.done $0x0  }
0xc8: {  	[sflag:s17] =	ssyncadd.s32 $0xFFFFFF98  }
0xc9: {  	[spmem:s1] =	stream.indirect.scatter.add.f32 [tilespmem:s21], [sflag:$0xC], $0x80, s13, s26, $0xb8;
	[tilespmem:$0x1E800] =	vst v63  }
0xca: {  	s0 =	simm.s32 $0x9F00;
	s9 =	simm.s32 $0xE;
	s12 =	rddreg [dreg:$0x11]  }
0xcb: {  	[tilespmem:s0], [sflag:$0xE] =	stream.linear.gather [hbm4b:s12+s2], $0x10, $0x38;
	[tilespmem:$0x1E800] =	vst v63  }
0xcc: {  	_ =	swait.ge [sflag:s9], $0x10  }
0xcd: {  	[sflag:s9] =	ssyncset.done $0x0  }
0xce: {  	s3 =	simm.s32 $0x9F80;
	s13 =	rddreg [dreg:$0x12];
	[sflag:s9] =	ssyncadd.s32 $0xFFFFFFF0  }
0xcf: {  	[tilespmem:s3], [sflag:$0xE] =	stream.linear.gather [hbm4b:s13+s2], $0x10, $0x38;
	[tilespmem:$0x1E800] =	vst v63  }
0xd0: {  	_ =	swait.ge [sflag:s9], $0x10  }
0xd1: {  	s14 =	simm.s32 $0x10;
	[sflag:s9] =	ssyncset.done $0x0  }
0xd2: {  	s7 =	simm.s32 $0xA000;
	s21 =	simm.s32 $0xD;
	[sflag:s9] =	ssyncadd.s32 $0xFFFFFFF0  }
0xd3: {  	[tilespmem:s7], [sflag:$0xD] =	stream.indirect.gather [hbm4b:s4+s14], $0x80, s0, s14, $0xb8;
	[tilespmem:$0x1E800] =	vst v63  }
0xd4: {  	_ =	swait.ge [sflag:s21], $0x800  }
0xd5: {  	[sflag:s21] =	ssyncset.done $0x0  }
0xd6: {  	[sflag:s21] =	ssyncadd.s32 $0xFFFFF800  }
0xd7: {  	[spmem:s1] =	stream.indirect.scatter.add.f32 [tilespmem:s7], [sflag:$0xE], $0x80, s3, s14, $0xb8;
	[tilespmem:$0x1E800] =	vst v63  }
0xd8: {  	_ =	swait.ge [sflag:s9], $0x800  }
0xd9: {  	[sflag:s9] =	ssyncset.done $0x0  }
0xda: {  	s22 =	simm.s32 $0xA;
	[sflag:s9] =	ssyncadd.s32 $0xFFFFF800  }
0xdb: {  	_ =	swait.ge [sflag:s22], $0x3400  }
0xdc: {  	[sflag:s22] =	ssyncset.done $0x0  }
0xdd: {  	[sflag:s22] =	ssyncadd.s32 $0xFFFFCC00  }
0xde: {  	_ =	swait.ge [sflag:s18], $0x3400  }
0xdf: {  	[sflag:s18] =	ssyncset.done $0x0  }
0xe0: {  	[sflag:s18] =	ssyncadd.s32 $0xFFFFCC00  }
0xe1: {  	_ =	swait.ge [sflag:s19], $0x3400  }
0xe2: {  	[sflag:s19] =	ssyncset.done $0x0  }
0xe3: {  	[sflag:s19] =	ssyncadd.s32 $0xFFFFCC00  }
0xe4: {  	[bflag:$0x0] =	sbarrier.arrive $0xFFFF  }
0xe5: {  	s21 =	rddreg [dreg:$0x9]  }
0xe6: {  	s23 =	rddreg [dreg:$0x13]  }
0xe7: {  	s24 =	rddreg [dreg:$0x17]  }
0xe8: {  	[hbm:s23], [sflag:s21] =	dma.local [spmem:s24], $0x2800  }
0xe9: {  	_ =	swait.ge [sflag:s9], $0x2800  }
0xea: {  	s25 =	rddreg [dreg:$0x16]  }
0xeb: {  	s29 =	rddreg [dreg:$0x14];
	s8 =	sadd.s32 $0x1, s25  }
0xec: {  	p0 =	sne.s32 s8, s29  }
.Ltmp1:
0xed: {  	_ = 	snop;
	(pc) =	sbr.rel @p0 .LBB2_1-.Ltmp1, $4  }
0xee: {  	_ = 	snop  }
0xef: {  	s11 =	simm.s32 $0x2;
	s0 =	simm.s32 $0x7;
	s7 =	simm.s32 $0x80  }
0xf0: {  	s1 =	simm.s32 $0x100;
	s3 =	simm.s32 $0x4;
	[sflag:s9] =	ssyncset.done $0x0  }
0xf1: {  	s22 =	simm.s32 $0x180;
	s23 =	simm.s32 $0x300;
	[sflag:s9] =	ssyncadd.s32 $0xFFFFD800  }
0xf2: {  	_ =	sfence.sel $0x180000  }
0xf3: {  	[bflag:$0x0] =	sbarrier.arrive $0xFFFF  }
0xf4: {  	_ =	strace $0x9000004A  }
0xf5: {  	s0 =	stileid.u32;
	[bflag:$0x2] =	sbarrier.arrive $0xFFFF  }
0xf6: {  	p0 =	sne.s32 s0, $0x0;
	s0 =	rddreg [dreg:$0x2]  }
0xf7: {  	s0 =	sadd.s32 @!p0 $0x100000, s0  }
0xf8: {  	[sflag:s0] =	ssyncadd.tile.s32 @!p0 $0x1;
	_ =	shalt  }
.Lfunc_end2:
_tile_overlayer_lowered:
.L_overlay_start_2:
0xf9: {  	(tag) =	ssettag $0x2  }
0xfa: {  	s0 =	rddreg [dreg:$0x0];
	s2 =	stileid.u32  }
0xfb: {  	s1 =	rddreg [dreg:$0x1];
	p0 =	sne.s32 s2, $0x0  }
0xfc: {  	s3 =	rddreg [dreg:$0x2];
	[bflag:$0x3] =	sbarrier.arrive $0xFFFF;
	s2 =	simm.s32 @!p0 $0x1C0E  }
0xfd: {  	[timem:s3], [sflag:s2] =	dma.local @!p0 [hbm:s0], s1  }
0xfe: {  	s0 =	simm.s32 @!p0 $0xE  }
0xff: {  	_ =	swait.ge @!p0 [sflag:s0], s1  }
0x100: {  	s1 =	ssub.s32 @!p0 $0x0, s1;
	[sflag:s0] =	ssyncset.done @!p0 $0x0  }
0x101: {  	[sflag:s0] =	ssyncadd.s32 @!p0 s1  }
0x102: {  	[bflag:$0x3] =	sbarrier.arrive $0xFFFF  }
0x103: {  	_ =	shalt  }

// kernel: kernel.18.cloned.1.call-start
scs
__scs_entry_jumppad:
0x0: {  	(pc) =	sbr.rel $0x88, $3  }
0x1: {  	(tag) =	ssettag $0x0;
	lr =	simm.s32 $0x1  }
0x2: {  	[smem:$0x3F97] =	sst lr;
	_ =	strace $0xD0000000  }
0x3: {  	_ = 	snop  }
0x4: {  	_ = 	snop  }
0x5: {  	_ = 	snop  }
0x6: {  	_ = 	snop  }
0x7: {  	_ = 	snop  }
__scs_overlays_trampoline_lowered:
0x8: {  	[smem:$0x3FA6] =	sst s0  }
0x9: {  	[smem:$0x3FA7] =	sst s1  }
0xa: {  	[smem:$0x3FA8] =	sst s2  }
0xb: {  	[smem:$0x3FA9] =	sst s3  }
0xc: {  	[smem:$0x3FAA] =	sst s4  }
0xd: {  	[smem:$0x3FAB] =	sst s5  }
0xe: {  	[smem:$0x3FAC] =	sst s6  }
0xf: {  	[smem:$0x3FAD] =	sst s7  }
0x10: {  	[smem:$0x3FAE] =	sst s8  }
0x11: {  	[smem:$0x3FAF] =	sst s9;
	s0 =	simm.s32 @!p0 $0x0  }
0x12: {  	s1 =	sld [smem:$0x3F95];
	s0 =	simm.s32 @p0 $0x1  }
0x13: {  	[smem:$0x3FB0] =	sst s0;
	s0 =	simm.s32 @!p1 $0x0  }
0x14: {  	s2 =	sld [smem:$0x3F94];
	s0 =	simm.s32 @p1 $0x1  }
0x15: {  	[smem:$0x3FB1] =	sst s0;
	s0 =	simm.s32 @!p2 $0x0  }
0x16: {  	s3 =	sld [smem:$0x3FDB];
	s0 =	simm.s32 @p2 $0x1  }
0x17: {  	s4 =	simm.s32 $0x1BF5;
	[smem:$0x3FB3] =	sst s0  }
0x18: {  	s0 =	sld [smem:$0x3F96];
	_ =	swait.ge [sflag:s4], $0x0  }
0x19: {  	s7 =	sld [smem:$0x3F97]  }
0x1a: {  	s8 =	sadd.s32 $0xFFFFE003, lr  }
0x1b: {  	s9 =	sadd.s32 $0xFFFFFEF7, lr;
	s5 =	simm.s32 $0xFFFFFFFF;
	p2 =	slt.u32 s8, $0xFFFFF086  }
0x1c: {  	p1 =	slt.u32 s9, $0xF7A;
	s5 =	simm.s32 @!p2 $0x0  }
0x1d: {  	s5 =	simm.s32 @p1 $0x1;
	p0 =	seq.s32 s7, s2  }
0x1e: {  	s7 =	smul.u32 @!p0 $0xF7A, s2;
	p2 =	seq.s32 @!p0 s5, $0x0  }
0x1f: {  	s9 =	smul.u32 $0xF7A, s1;
	s8 =	simm.s32 @!p0 $0x1BF5;
	p2 =	por !p2, p0  }
0x20: {  	[sflag:s8] =	ssyncset.s32 @!p0 $0xFFFFF086;
	s6 =	sadd.s32 @!p0 s3, s7;
	s7 =	simm.s32 @!p0 $0x108  }
0x21: {  	s3 =	sadd.s32 s3, s9;
	s6 =	sadd.s32 @!p0 $0x88, s6;
	s7 =	simm.s32 @p2 $0x1082  }
0x22: {  	[simem:s7], [sflag:s8] =	dma.local @!p0 [hbm:s6], $0xF7A  }
0x23: {  	s9 =	sor.u32 $0xD0000000, s2;
	s6 =	simm.s32 $0x108;
	_ =	swait.ge @!p0 [sflag:s8], $0x0  }
0x24: {  	s3 =	sadd.s32 $0x88, s3;
	s6 =	simm.s32 @!p1 $0x1082;
	[sflag:s4] =	ssyncset.s32 $0xFFFFF086  }
0x25: {  	[simem:s6], [sflag:s4] =	dma.local [hbm:s3], $0xF7A  }
0x26: {  	[smem:$0x3F97] =	sst s1;
	(tag) =	ssettag s2;
	_ =	strace s9  }
0x27: {  	s1 =	sld [smem:$0x3FA7]  }
0x28: {  	s2 =	sld [smem:$0x3FA8]  }
0x29: {  	s4 =	sld [smem:$0x3FAA]  }
0x2a: {  	p0 =	seq.s32 s5, $0x0;
	s5 =	sld [smem:$0x3FAB]  }
0x2b: {  	s6 =	sld [smem:$0x3FAC]  }
0x2c: {  	s7 =	sld [smem:$0x3FAD]  }
0x2d: {  	s3 =	simm.s32 $0x108;
	s8 =	sld [smem:$0x3FAE]  }
0x2e: {  	s3 =	simm.s32 @!p0 $0x1082;
	s9 =	sld [smem:$0x3FAF]  }
0x2f: {  	lr =	sadd.s32 s0, s3;
	s0 =	sld [smem:$0x3FA6]  }
0x30: {  	s3 =	sld [smem:$0x3FA9]  }
0x31: {  	[smem:$0x3FB2] =	sst s10  }
0x32: {  	s10 =	sld [smem:$0x3FB0];
	_ =	sdelay $0x3  }
0x33: {  	p0 =	seq.s32 s10, $0x1;
	s10 =	sld [smem:$0x3FB2];
	_ =	sdelay $0x3  }
0x34: {  	[smem:$0x3FB2] =	sst s10  }
0x35: {  	s10 =	sld [smem:$0x3FB1];
	_ =	sdelay $0x3  }
0x36: {  	p1 =	seq.s32 s10, $0x1;
	s10 =	sld [smem:$0x3FB2];
	_ =	sdelay $0x3  }
0x37: {  	[smem:$0x3FB2] =	sst s10  }
0x38: {  	s10 =	sld [smem:$0x3FB3]  }
0x39: {  	_ = 	snop;
	(pc) =	sbr.ind lr, $3  }
0x3a: {  	_ = 	snop  }
0x3b: {  	_ = 	snop  }
0x3c: {  	p2 =	seq.s32 s10, $0x1;
	s10 =	sld [smem:$0x3FB2]  }
0x3d: {  	_ =	shalt  }
0x3e: {  	_ =	shalt  }
0x3f: {  	_ =	shalt  }
0x40: {  	_ =	shalt  }
0x41: {  	_ =	shalt  }
0x42: {  	_ =	shalt  }
0x43: {  	_ =	shalt  }
0x44: {  	_ =	shalt  }
0x45: {  	_ =	shalt  }
0x46: {  	_ =	shalt  }
0x47: {  	_ =	shalt  }
0x48: {  	_ =	shalt  }
0x49: {  	_ =	shalt  }
0x4a: {  	_ =	shalt  }
0x4b: {  	_ =	shalt  }
0x4c: {  	_ =	shalt  }
0x4d: {  	_ =	shalt  }
0x4e: {  	_ =	shalt  }
0x4f: {  	_ =	shalt  }
0x50: {  	_ =	shalt  }
0x51: {  	_ =	shalt  }
0x52: {  	_ =	shalt  }
0x53: {  	_ =	shalt  }
0x54: {  	_ =	shalt  }
0x55: {  	_ =	shalt  }
0x56: {  	_ =	shalt  }
0x57: {  	_ =	shalt  }
0x58: {  	_ =	shalt  }
0x59: {  	_ =	shalt  }
0x5a: {  	_ =	shalt  }
0x5b: {  	_ =	shalt  }
0x5c: {  	_ =	shalt  }
0x5d: {  	_ =	shalt  }
0x5e: {  	_ =	shalt  }
0x5f: {  	_ =	shalt  }
0x60: {  	_ =	shalt  }
0x61: {  	_ =	shalt  }
0x62: {  	_ =	shalt  }
0x63: {  	_ =	shalt  }
0x64: {  	_ =	shalt  }
0x65: {  	_ =	shalt  }
0x66: {  	_ =	shalt  }
0x67: {  	_ =	shalt  }
0x68: {  	_ =	shalt  }
0x69: {  	_ =	shalt  }
0x6a: {  	_ =	shalt  }
0x6b: {  	_ =	shalt  }
0x6c: {  	_ =	shalt  }
0x6d: {  	_ =	shalt  }
0x6e: {  	_ =	shalt  }
0x6f: {  	_ =	shalt  }
0x70: {  	_ =	shalt  }
0x71: {  	_ =	shalt  }
0x72: {  	_ =	shalt  }
0x73: {  	_ =	shalt  }
0x74: {  	_ =	shalt  }
0x75: {  	_ =	shalt  }
0x76: {  	_ =	shalt  }
0x77: {  	_ =	shalt  }
0x78: {  	_ =	shalt  }
0x79: {  	_ =	shalt  }
0x7a: {  	_ =	shalt  }
0x7b: {  	_ =	shalt  }
0x7c: {  	_ =	shalt  }
0x7d: {  	_ =	shalt  }
0x7e: {  	_ =	shalt  }
0x7f: {  	_ =	shalt  }
0x80: {  	_ =	shalt  }
0x81: {  	_ =	shalt  }
0x82: {  	_ =	shalt  }
0x83: {  	_ =	shalt  }
0x84: {  	_ =	shalt  }
0x85: {  	_ =	shalt  }
0x86: {  	_ =	shalt  }
0x87: {  	_ =	shalt  }
.Lfunc_end0:
.L_simem_size_0:
called_computation.2_lowered:
.L_overlay_start_0:
0x88: {  	s2 =	sld [smem:$0x3FD9]  }
0x89: {  	s3 =	sld [smem:$0x3FFE];
	_ =	sdelay $0x1  }
0x8a: {  	s1 =	srdreg.scid  }
0x8b: {  	s0 =	sand.u32 $0x1, s1  }
0x8c: {  	s16 =	sshll.u32 s0, $0xA;
	s2 =	sadd.s32 s3, s2  }
0x8d: {  	s2 =	sadd.s32 s2, s16  }
0x8e: {  	[smem:$0x3FBE] =	sst s2  }
0x8f: {  	_ = 	snop  }
0x90: {  	(tm) =	ssettm $0x1  }
0x91: {  	s17 =	sld [smem:$0x3FFB];
	_ =	sdelay $0x3  }
0x92: {  	_ =	strace s17  }
0x93: {  	s2 =	sld [smem:$0x3FFC];
	_ =	sdelay $0x3  }
0x94: {  	_ =	strace s2  }
0x95: {  	s2 =	sld [smem:$0x3FFD];
	_ =	sdelay $0x3  }
0x96: {  	_ =	strace s2  }
0x97: {  	_ =	strace $0x8FFFFFFF  }
0x98: {  	s18 =	sld [smem:$0x3FDB];
	_ =	sdelay $0x1  }
0x99: {  	s19 =	simm.s32 $_scs_section_size  }
0x9a: {  	s4 =	simm.s32 $_size__tile_overlayer_lowered;
	s5 =	simm.s32 $_tile_overlayer_lowered  }
0x9b: {  	s22 =	simm.s32 $0x1BFF;
	s21 =	sshll.u32 s5, $0x1;
	s2 =	sadd.s32 s19, s18  }
0x9c: {  	s6 =	simm.s32 $0x0;
	s20 =	sshll.u32 s4, $0x1;
	s4 =	sadd.s32 s21, s2  }
0x9d: {  	[timem:s6], [sflag:s22] =	dma.local [hbm:s4], s20  }
0x9e: {  	_ =	swait.ge [sflag:s22], s20  }
0x9f: {  	s3 =	ssub.s32 $0x0, s20;
	[sflag:s22] =	ssyncset.done $0x0  }
0xa0: {  	[sflag:s22] =	ssyncadd.s32 s3;
	_ =	sdelay $0x1  }
0xa1: {  	s23 =	simm.s32 $0x1B8B  }
0xa2: {  	_ =	swait.ge [sflag:s23], $0x1  }
0xa3: {  	[sflag:s23] =	ssyncset.done $0x0  }
0xa4: {  	s25 =	simm.s32 $0x1B8E;
	s24 =	sld [smem:$0x3FFE];
	[sflag:s23] =	ssyncadd.s32 $0xFFFFFFFF  }
0xa5: {  	s26 =	simm.s32 $execute0_lowered;
	[smem:$0x3FD2] =	sst s25  }
0xa6: {  	s4 =	sshll.u32 s26, $0x1;
	_ =	strace $0x8000004C;
	[dreg:$0x1] =	wrdreg $0xFFFFFFFF  }
0xa7: {  	s28 =	simm.s32 $_size_execute0_lowered;
	s2 =	sadd.s32 s2, s4;
	[dreg:$0x0] =	wrdreg $0x0  }
0xa8: {  	s4 =	sshll.u32 s28, $0x1;
	[dreg:$0x2] =	wrdreg s2  }
0xa9: {  	[dreg:$0x3] =	wrdreg s4  }
0xaa: {  	[dreg:$0x4] =	wrdreg $0xC0  }
0xab: {  	_ =	task [dreg:s6], $0x5FFFF  }
0xac: {  	[dreg:$0x1] =	wrdreg $0xFFFFFFFF  }
0xad: {  	[dreg:$0x0] =	wrdreg $0x60  }
0xae: {  	[dreg:$0x2] =	wrdreg s24  }
0xaf: {  	[dreg:$0x3] =	wrdreg $0xA8000  }
0xb0: {  	[dreg:$0x4] =	wrdreg $0x9  }
0xb1: {  	_ =	task.clear_ibuf [dreg:s6], $0x5FFFF;
	_ =	strace $0x9000004C  }
0xb2: {  	s29 =	simm.s32 $0x9;
	_ =	strace $0x8000004E  }
0xb3: {  	_ =	swait.ge [sflag:s29], $0x1  }
0xb4: {  	[sflag:s29] =	ssyncadd.s32 $0xFFFFFFFF  }
0xb5: {  	_ =	strace $0x9000004E  }
0xb6: {  	_ =	sfence  }
0xb7: {  	s30 =	sld [smem:$0x0];
	_ =	sdelay $0x2  }
0xb8: {  	s31 =	sshll.u32 s1, $0xD;
	s1 =	sshrl.u32 s1, $0x2  }
0xb9: {  	s3 =	sand.u32 $0x4000, s31;
	s1 =	sadd.s32 s1, s30  }
0xba: {  	s0 =	sor.u32 s3, s0;
	s1 =	sshll.u32 s1, $0x11  }
0xbb: {  	s0 =	sor.u32 s1, s0  }
0xbc: {  	s0 =	sadd.s32 $0x8F2B, s0  }
0xbd: {  	[sflag:s0] =	ssyncadd.remote.s32 $0x1  }
0xbe: {  	_ =	sfence.sel $0xFFFF  }
0xbf: {  	[dreg:$0x0] =	wrdreg $0xFFFFFFFF;
	(pc) =	sbr.abs _section_cstart, $3  }
0xc0: {  	[dreg:$0x1] =	wrdreg $0xFFFFFFFF  }
0xc1: {  	_ =	task.clear_ibuf [dreg:s6], $0x2FFFF;
	_ =	strace $0x9FFFFFFF  }
0xc2: {  	(tm) =	ssettm $0x7FFFFFFF  }
0xc3: {  	_ =	shalt  }
tec
execute0_lowered:
.L_overlay_start_1:
0x0: {  	(tag) =	ssettag $0x1  }
0x1: {  	s0 =	rddreg [dreg:$0x0]  }
0x2: {  	s1 =	rddreg [dreg:$0x1];
	s2 =	simm.s32 $0x0;
	s3 =	srdreg.scid  }
0x3: {  	s5 =	stileid.u32;
	s31 =	simm.s32 $0x8;
	s30 =	simm.s32 $0x300  }
0x4: {  	[smem:$0x7FF] =	sst s2;
	s4 =	sadd.s32 $0xB9C00, s0;
	s3 =	sand.u32 $0x1, s3  }
0x5: {  	s7 =	smul.u32 $0x2800, s5;
	s6 =	sshll.u32 s5, $0x1;
	s10 =	sadd.s32 $0x3800, s0  }
0x6: {  	s16 =	sadd.s32 $0xD600, s0;
	s11 =	smul.u32 $0x50000, s5;
	s12 =	sadd.s32 $0x17400, s0  }
0x7: {  	s19 =	sshll.u32 s5, $0x6;
	s25 =	smul.u32 $0x4E20, s5;
	_ =	strace $0x8000004D  }
0x8: {  	s8 =	smul.u32 $0x28000, s3;
	s9 =	sor.u32 s3, s6;
	s6 =	smov.u32 s10  }
0x9: {  	s15 =	ssub.s32 $0x2, s3;
	[dreg:$0x7] =	wrdreg s12;
	s3 =	smul.u32 $0x2710, s3  }
0xa: {  	s21 =	sor.u32 $0x1C0E, s19;
	s9 =	smul.u32 $0x2710, s9;
	s17 =	sshrl.u32 s15, $0x1  }
0xb: {  	s18 =	sshrl.u32 s11, $0x2;
	s11 =	simm.s32 $0x2;
	[dreg:$0x9] =	wrdreg s21  }
0xc: {  	s7 =	sadd.s32 s7, s8;
	s8 =	sadd.s32 s18, s1;
	s3 =	sadd.s32 s3, s25  }
0xd: {  	s0 =	sadd.s32 s7, s0;
	s7 =	ssub.s32 s15, s17;
	s20 =	sshrl.u32 s9, $0x3  }
0xe: {  	[dreg:$0x8] =	wrdreg s8;
	s24 =	sadd.s32 $0x68, s9;
	s22 =	sadd.s32 s6, s20  }
0xf: {  	s28 =	sadd.s32 $0x138, s9;
	s23 =	sadd.s32 s16, s20;
	[dreg:$0xa] =	wrdreg s22  }
0x10: {  	s10 =	sadd.s32 $0x208, s3;
	s0 =	sadd.s32 $0xE0E00, s0;
	[dreg:$0xb] =	wrdreg s23  }
0x11: {  	s8 =	sshrl.u32 s24, $0x3;
	s25 =	smax.u32 s7, $0x1;
	[dreg:$0x13] =	wrdreg s0  }
0x12: {  	s9 =	simm.s32 $0xE;
	s29 =	sadd.s32 s6, s8;
	[dreg:$0x14] =	wrdreg s25  }
0x13: {  	s26 =	sadd.s32 $0x1A, s20;
	s1 =	sadd.s32 s16, s8;
	[dreg:$0xc] =	wrdreg s29  }
0x14: {  	s13 =	sshrl.u32 s28, $0x3;
	s8 =	sadd.s32 s6, s26;
	[dreg:$0xd] =	wrdreg s1  }
0x15: {  	s14 =	sadd.s32 $0x4E0, s20;
	s12 =	sadd.s32 s16, s26;
	[dreg:$0xe] =	wrdreg s8  }
0x16: {  	s18 =	sshrl.u32 s10, $0x3;
	s15 =	sadd.s32 s6, s13;
	[dreg:$0xf] =	wrdreg s12  }
0x17: {  	s7 =	simm.s32 $0x80;
	s17 =	sadd.s32 s6, s14;
	[dreg:$0x10] =	wrdreg s15  }
0x18: {  	s19 =	sadd.s32 s16, s14;
	s20 =	sadd.s32 s18, s16;
	[dreg:$0x11] =	wrdreg s17  }
0x19: {  	s22 =	sadd.s32 $0x1A0, s3;
	s0 =	simm.s32 $0x7;
	[dreg:$0x12] =	wrdreg s19  }
0x1a: {  	[dreg:$0x3] =	wrdreg s20;
	s8 =	sadd.s32 s18, s6;
	s23 =	sshrl.u32 s22, $0x3  }
0x1b: {  	s29 =	sadd.s32 $0x138, s3;
	s22 =	simm.s32 $0x180;
	s3 =	simm.s32 $0x4  }
0x1c: {  	s1 =	simm.s32 $0x100;
	s15 =	simm.s32 $0x9;
	s17 =	simm.s32 $0x6  }
0x1d: {  	s18 =	simm.s32 $0xB;
	s19 =	simm.s32 $0xC;
	[dreg:$0x4] =	wrdreg s8  }
0x1e: {  	s20 =	simm.s32 $0x3;
	s24 =	sadd.s32 s23, s16;
	[dreg:$0x15] =	wrdreg s29  }
0x1f: {  	s26 =	sadd.s32 s23, s6;
	s23 =	simm.s32 $0x300;
	[dreg:$0x5] =	wrdreg s24  }
0x20: {  	s8 =	simm.s32 $0x0;
	[dreg:$0x6] =	wrdreg s26;
	s26 =	simm.s32 $0x68  }
.LBB2_1:
0x21: {  	[dreg:$0x16] =	wrdreg s8  }
0x22: {  	s5 =	rddreg [dreg:$0x8]  }
0x23: {  	s25 =	rddreg [dreg:$0x7];
	s24 =	sshrl.u32 s5, $0x3  }
0x24: {  	[dreg:$0x17] =	wrdreg s24  }
0x25: {  	[spmem:s24], [sflag:s21] =	dma.local [hbm:s25], $0x2800  }
0x26: {  	_ =	swait.ge [sflag:s9], $0x2800  }
0x27: {  	[sflag:s9] =	ssyncset.done $0x0  }
0x28: {  	[sflag:s9] =	ssyncadd.s32 $0xFFFFD800  }
0x29: {  	[bflag:$0x0] =	sbarrier.arrive $0xFFFF  }
0x2a: {  	s9 =	rddreg [dreg:$0xa]  }
0x2b: {  	[tilespmem:s2], [sflag:$0x1] =	stream.linear.gather [hbm4b:s9+s2], $0x68, $0x38;
	[tilespmem:$0x1E800] =	vst v63  }
0x2c: {  	s24 =	simm.s32 $0x1;
	s10 =	rddreg [dreg:$0xb]  }
0x2d: {  	[tilespmem:s22], [sflag:$0x4] =	stream.linear.gather [hbm4b:s10+s2], $0x68, $0x38;
	[tilespmem:$0x1E800] =	vst v63  }
0x2e: {  	_ =	swait.ge [sflag:s24], $0x68  }
0x2f: {  	[sflag:s24] =	ssyncset.done $0x0  }
0x30: {  	[sflag:s24] =	ssyncadd.s32 $0xFFFFFF98  }
0x31: {  	[tilespmem:s23], [sflag:$0x7] =	stream.indirect.gather [hbm4b:s4+s26], $0x80, s2, s26, $0xb8;
	[tilespmem:$0x1E800] =	vst v63  }
0x32: {  	s12 =	rddreg [dreg:$0xc]  }
0x33: {  	[tilespmem:s7], [sflag:$0x2] =	stream.linear.gather [hbm4b:s12+s2], $0x68, $0x38;
	[tilespmem:$0x1E800] =	vst v63  }
0x34: {  	s8 =	simm.s32 $0x200;
	s13 =	rddreg [dreg:$0xd]  }
0x35: {  	[tilespmem:s8], [sflag:$0x5] =	stream.linear.gather [hbm4b:s13+s2], $0x68, $0x38;
	[tilespmem:$0x1E800] =	vst v63  }
0x36: {  	_ =	swait.ge [sflag:s0], $0x3400  }
0x37: {  	[sflag:s0] =	ssyncset.done $0x0  }
0x38: {  	[sflag:s0] =	ssyncadd.s32 $0xFFFFCC00  }
0x39: {  	_ =	swait.ge [sflag:s3], $0x68  }
0x3a: {  	[sflag:s3] =	ssyncset.done $0x0  }
0x3b: {  	[sflag:s3] =	ssyncadd.s32 $0xFFFFFF98  }
0x3c: {  	s13 =	rddreg [dreg:$0x1]  }
0x3d: {  	[spmem:s13] =	stream.indirect.scatter.add.f32 [tilespmem:s23], [sflag:$0xA], $0x80, s22, s26, $0xb8;
	[tilespmem:$0x1E800] =	vst v63  }
0x3e: {  	_ =	swait.ge [sflag:s11], $0x68  }
0x3f: {  	[sflag:s11] =	ssyncset.done $0x0  }
0x40: {  	s10 =	simm.s32 $0x3700;
	[sflag:s11] =	ssyncadd.s32 $0xFFFFFF98  }
0x41: {  	[tilespmem:s10], [sflag:$0x8] =	stream.indirect.gather [hbm4b:s4+s26], $0x80, s7, s26, $0xb8;
	[tilespmem:$0x1E800] =	vst v63  }
0x42: {  	s14 =	rddreg [dreg:$0xe]  }
0x43: {  	[tilespmem:s1], [sflag:$0x3] =	stream.linear.gather [hbm4b:s14+s2], $0x68, $0x38;
	[tilespmem:$0x1E800] =	vst v63  }
0x44: {  	s25 =	simm.s32 $0x280;
	s21 =	rddreg [dreg:$0xf]  }
0x45: {  	[tilespmem:s25], [sflag:$0x6] =	stream.linear.gather [hbm4b:s21+s2], $0x68, $0x38;
	[tilespmem:$0x1E800] =	vst v63  }
0x46: {  	_ =	swait.ge [sflag:s31], $0x3400  }
0x47: {  	[sflag:s31] =	ssyncset.done $0x0  }
0x48: {  	s14 =	simm.s32 $0x5;
	[sflag:s31] =	ssyncadd.s32 $0xFFFFCC00  }
0x49: {  	_ =	swait.ge [sflag:s14], $0x68  }
0x4a: {  	[sflag:s14] =	ssyncset.done $0x0  }
0x4b: {  	[sflag:s14] =	ssyncadd.s32 $0xFFFFFF98  }
0x4c: {  	[spmem:s13] =	stream.indirect.scatter.add.f32 [tilespmem:s10], [sflag:$0xB], $0x80, s8, s26, $0xb8;
	[tilespmem:$0x1E800] =	vst v63  }
0x4d: {  	_ =	swait.ge [sflag:s20], $0x68  }
0x4e: {  	[sflag:s20] =	ssyncset.done $0x0  }
0x4f: {  	s12 =	simm.s32 $0x6B00;
	[sflag:s20] =	ssyncadd.s32 $0xFFFFFF98  }
0x50: {  	[tilespmem:s12], [sflag:$0x9] =	stream.indirect.gather [hbm4b:s4+s26], $0x80, s1, s26, $0xb8;
	[tilespmem:$0x1E800] =	vst v63  }
0x51: {  	s29 =	simm.s32 $0xA;
	s9 =	rddreg [dreg:$0x10]  }
0x52: {  	[tilespmem:s2], [sflag:$0x1] =	stream.linear.gather [hbm4b:s9+s2], $0x68, $0x38;
	[tilespmem:$0x1E800] =	vst v63  }
0x53: {  	_ =	swait.ge [sflag:s29], $0x3400  }
0x54: {  	s5 =	rddreg [dreg:$0x15]  }
0x55: {  	[sflag:s29] =	ssyncset.done $0x0;
	s9 =	sshrl.u32 s5, $0x3  }
0x56: {  	s21 =	rddreg [dreg:$0x6];
	[sflag:s29] =	ssyncadd.s32 $0xFFFFCC00;
	s9 =	sadd.s32 s16, s9  }
0x57: {  	[tilespmem:s22], [sflag:$0x4] =	stream.linear.gather [hbm4b:s9+s2], $0x68, $0x38;
	[tilespmem:$0x1E800] =	vst v63  }
0x58: {  	s21 =	sadd.s32 $0x0, s21  }
0x59: {  	[tilespmem:s7], [sflag:$0x2] =	stream.linear.gather [hbm4b:s21+s2], $0x68, $0x38;
	[tilespmem:$0x1E800] =	vst v63  }
0x5a: {  	_ =	swait.ge [sflag:s24], $0x68  }
0x5b: {  	[sflag:s24] =	ssyncset.done $0x0  }
0x5c: {  	[sflag:s24] =	ssyncadd.s32 $0xFFFFFF98  }
0x5d: {  	[tilespmem:s23], [sflag:$0x7] =	stream.indirect.gather [hbm4b:s4+s26], $0x80, s2, s26, $0xb8;
	[tilespmem:$0x1E800] =	vst v63  }
0x5e: {  	_ =	swait.ge [sflag:s15], $0x3400  }
0x5f: {  	[sflag:s15] =	ssyncset.done $0x0  }
0x60: {  	[sflag:s15] =	ssyncadd.s32 $0xFFFFCC00  }
0x61: {  	_ =	swait.ge [sflag:s17], $0x68  }
0x62: {  	[sflag:s17] =	ssyncset.done $0x0  }
0x63: {  	[sflag:s17] =	ssyncadd.s32 $0xFFFFFF98  }
0x64: {  	[spmem:s13] =	stream.indirect.scatter.add.f32 [tilespmem:s12], [sflag:$0xC], $0x80, s25, s26, $0xb8;
	[tilespmem:$0x1E800] =	vst v63  }
0x65: {  	_ =	swait.ge [sflag:s18], $0x3400  }
0x66: {  	s21 =	rddreg [dreg:$0x5];
	[sflag:s18] =	ssyncset.done $0x0  }
0x67: {  	s24 =	rddreg [dreg:$0x4];
	[sflag:s18] =	ssyncadd.s32 $0xFFFFCC00;
	s9 =	sadd.s32 $0x0, s21  }
0x68: {  	[tilespmem:s8], [sflag:$0x5] =	stream.linear.gather [hbm4b:s9+s2], $0x68, $0x38;
	[tilespmem:$0x1E800] =	vst v63  }
0x69: {  	s21 =	sadd.s32 $0x0, s24  }
0x6a: {  	[tilespmem:s1], [sflag:$0x3] =	stream.linear.gather [hbm4b:s21+s2], $0x68, $0x38;
	[tilespmem:$0x1E800] =	vst v63  }
0x6b: {  	_ =	swait.ge [sflag:s11], $0x68  }
0x6c: {  	[sflag:s11] =	ssyncset.done $0x0  }
0x6d: {  	[sflag:s11] =	ssyncadd.s32 $0xFFFFFF98  }
0x6e: {  	[tilespmem:s10], [sflag:$0x8] =	stream.indirect.gather [hbm4b:s4+s26], $0x80, s7, s26, $0xb8;
	[tilespmem:$0x1E800] =	vst v63  }
0x6f: {  	_ =	swait.ge [sflag:s0], $0x3400  }
0x70: {  	[sflag:s0] =	ssyncset.done $0x0  }
0x71: {  	[sflag:s0] =	ssyncadd.s32 $0xFFFFCC00  }
0x72: {  	_ =	swait.ge [sflag:s3], $0x68  }
0x73: {  	[sflag:s3] =	ssyncset.done $0x0  }
0x74: {  	[sflag:s3] =	ssyncadd.s32 $0xFFFFFF98  }
0x75: {  	[spmem:s13] =	stream.indirect.scatter.add.f32 [tilespmem:s23], [sflag:$0xA], $0x80, s22, s26, $0xb8;
	[tilespmem:$0x1E800] =	vst v63  }
0x76: {  	s23 =	smin.u32 s20, $0x5C  }
0x77: {  	s9 =	smul.u32 $0x68, s23  }
0x78: {  	_ =	swait.ge [sflag:s19], $0x3400  }
0x79: {  	s24 =	rddreg [dreg:$0x3];
	[sflag:s19] =	ssyncset.done $0x0;
	s9 =	sadd.s32 s9, s28  }
0x7a: {  	[sflag:s19] =	ssyncadd.s32 $0xFFFFCC00;
	s21 =	sadd.s32 $0x0, s24;
	s9 =	sshrl.u32 s9, $0x3  }
0x7b: {  	[tilespmem:s25], [sflag:$0x6] =	stream.linear.gather [hbm4b:s21+s2], $0x68, $0x38;
	[tilespmem:$0x1E800] =	vst v63  }
0x7c: {  	s9 =	sadd.s32 s6, s9  }
0x7d: {  	[tilespmem:s2], [sflag:$0x1] =	stream.linear.gather [hbm4b:s9+s2], $0x68, $0x38;
	[tilespmem:$0x1E800] =	vst v63  }
0x7e: {  	_ =	swait.ge [sflag:s20], $0x68  }
0x7f: {  	[sflag:s20] =	ssyncset.done $0x0  }
0x80: {  	[sflag:s20] =	ssyncadd.s32 $0xFFFFFF98  }
0x81: {  	[tilespmem:s12], [sflag:$0x9] =	stream.indirect.gather [hbm4b:s4+s26], $0x80, s1, s26, $0xb8;
	[tilespmem:$0x1E800] =	vst v63  }
0x82: {  	s29 =	simm.s32 $0x180;
	_ =	swait.ge [sflag:s31], $0x3400  }
0x83: {  	s11 =	simm.s32 $0x2;
	s7 =	simm.s32 $0x80;
	[sflag:s31] =	ssyncset.done $0x0  }
0x84: {  	s0 =	simm.s32 $0x7;
	s3 =	simm.s32 $0x4;
	[sflag:s31] =	ssyncadd.s32 $0xFFFFCC00  }
0x85: {  	s22 =	simm.s32 $0x27;
	s23 =	simm.s32 $0x3;
	_ =	swait.ge [sflag:s14], $0x68  }
0x86: {  	s9 =	smov.u32 s5;
	s1 =	simm.s32 $0x100;
	[sflag:s14] =	ssyncset.done $0x0  }
.LBB2_2:
0x87: {  	s14 =	simm.s32 $0x5  }
0x88: {  	s9 =	sadd.s32 $0x138, s9;
	s10 =	simm.s32 $0x200;
	[sflag:s14] =	ssyncadd.s32 $0xFFFFFF98  }
0x89: {  	s13 =	simm.s32 $0x3700;
	s8 =	simm.s32 $0xA;
	s25 =	rddreg [dreg:$0x1]  }
0x8a: {  	[spmem:s25] =	stream.indirect.scatter.add.f32 [tilespmem:s13], [sflag:$0xB], $0x80, s10, s26, $0xb8;
	[tilespmem:$0x1E800] =	vst v63  }
0x8b: {  	s21 =	sshrl.u32 s9, $0x3;
	_ =	swait.ge [sflag:s8], $0x3400  }
0x8c: {  	s24 =	smov.u32 s16;
	s5 =	sadd.s32 s16, s21;
	[sflag:s8] =	ssyncset.done $0x0  }
0x8d: {  	s21 =	smov.u32 s22;
	s12 =	rddreg [dreg:$0x6];
	[sflag:s8] =	ssyncadd.s32 $0xFFFFCC00  }
0x8e: {  	[tilespmem:s29], [sflag:$0x4] =	stream.linear.gather [hbm4b:s5+s2], $0x68, $0x38;
	[tilespmem:$0x1E800] =	vst v63  }
0x8f: {  	s16 =	smov.u32 s6;
	s6 =	simm.s32 $0x1;
	s12 =	sadd.s32 s21, s12  }
0x90: {  	[tilespmem:s7], [sflag:$0x2] =	stream.linear.gather [hbm4b:s12+s2], $0x68, $0x38;
	[tilespmem:$0x1E800] =	vst v63  }
0x91: {  	_ =	swait.ge [sflag:s6], $0x68  }
0x92: {  	[sflag:s6] =	ssyncset.done $0x0  }
0x93: {  	[sflag:s6] =	ssyncadd.s32 $0xFFFFFF98  }
0x94: {  	[tilespmem:s30], [sflag:$0x7] =	stream.indirect.gather [hbm4b:s4+s26], $0x80, s2, s26, $0xb8;
	[tilespmem:$0x1E800] =	vst v63  }
0x95: {  	_ =	swait.ge [sflag:s15], $0x3400  }
0x96: {  	[sflag:s15] =	ssyncset.done $0x0  }
0x97: {  	[sflag:s15] =	ssyncadd.s32 $0xFFFFCC00  }
0x98: {  	_ =	swait.ge [sflag:s17], $0x68  }
0x99: {  	[sflag:s17] =	ssyncset.done $0x0  }
0x9a: {  	s31 =	simm.s32 $0x280;
	s12 =	simm.s32 $0x6B00;
	[sflag:s17] =	ssyncadd.s32 $0xFFFFFF98  }
0x9b: {  	[spmem:s25] =	stream.indirect.scatter.add.f32 [tilespmem:s12], [sflag:$0xC], $0x80, s31, s26, $0xb8;
	[tilespmem:$0x1E800] =	vst v63  }
0x9c: {  	_ =	swait.ge [sflag:s18], $0x3400  }
0x9d: {  	s8 =	rddreg [dreg:$0x5];
	[sflag:s18] =	ssyncset.done $0x0  }
0x9e: {  	s6 =	rddreg [dreg:$0x4];
	[sflag:s18] =	ssyncadd.s32 $0xFFFFCC00;
	s5 =	sadd.s32 s21, s8  }
0x9f: {  	[tilespmem:s10], [sflag:$0x5] =	stream.linear.gather [hbm4b:s5+s2], $0x68, $0x38;
	[tilespmem:$0x1E800] =	vst v63  }
0xa0: {  	s10 =	sadd.s32 s21, s6  }
0xa1: {  	[tilespmem:s1], [sflag:$0x3] =	stream.linear.gather [hbm4b:s10+s2], $0x68, $0x38;
	[tilespmem:$0x1E800] =	vst v63  }
0xa2: {  	_ =	swait.ge [sflag:s11], $0x68  }
0xa3: {  	[sflag:s11] =	ssyncset.done $0x0  }
0xa4: {  	[sflag:s11] =	ssyncadd.s32 $0xFFFFFF98  }
0xa5: {  	[tilespmem:s13], [sflag:$0x8] =	stream.indirect.gather [hbm4b:s4+s26], $0x80, s7, s26, $0xb8;
	[tilespmem:$0x1E800] =	vst v63  }
0xa6: {  	_ =	swait.ge [sflag:s0], $0x3400  }
0xa7: {  	[sflag:s0] =	ssyncset.done $0x0  }
0xa8: {  	[sflag:s0] =	ssyncadd.s32 $0xFFFFCC00  }
0xa9: {  	_ =	swait.ge [sflag:s3], $0x68  }
0xaa: {  	s23 =	sadd.s32 $0x3, s23;
	[sflag:s3] =	ssyncset.done $0x0  }
0xab: {  	s13 =	smin.u32 s23, $0x5C;
	[sflag:s3] =	ssyncadd.s32 $0xFFFFFF98  }
0xac: {  	[spmem:s25] =	stream.indirect.scatter.add.f32 [tilespmem:s30], [sflag:$0xA], $0x80, s29, s26, $0xb8;
	[tilespmem:$0x1E800] =	vst v63  }
0xad: {  	s5 =	smul.u32 $0x68, s13;
	_ =	swait.ge [sflag:s19], $0x3400  }
0xae: {  	s25 =	rddreg [dreg:$0x3];
	[sflag:s19] =	ssyncset.done $0x0  }
0xaf: {  	s5 =	sadd.s32 s5, s28;
	[sflag:s19] =	ssyncadd.s32 $0xFFFFCC00;
	s6 =	sadd.s32 s21, s25  }
0xb0: {  	[tilespmem:s31], [sflag:$0x6] =	stream.linear.gather [hbm4b:s6+s2], $0x68, $0x38;
	[tilespmem:$0x1E800] =	vst v63  }
0xb1: {  	s5 =	sshrl.u32 s5, $0x3;
	s6 =	smov.u32 s16  }
0xb2: {  	s5 =	sadd.s32 s6, s5  }
0xb3: {  	[tilespmem:s2], [sflag:$0x1] =	stream.linear.gather [hbm4b:s5+s2], $0x68, $0x38;
	[tilespmem:$0x1E800] =	vst v63  }
0xb4: {  	_ =	swait.ge [sflag:s20], $0x68  }
0xb5: {  	[sflag:s20] =	ssyncset.done $0x0  }
0xb6: {  	p0 =	sne.s32 s22, $0x492;
	s31 =	simm.s32 $0x8;
	[sflag:s20] =	ssyncadd.s32 $0xFFFFFF98  }
0xb7: {  	[tilespmem:s12], [sflag:$0x9] =	stream.indirect.gather [hbm4b:s4+s26], $0x80, s1, s26, $0xb8;
	[tilespmem:$0x1E800] =	vst v63  }
.Ltmp0:
0xb8: {  	_ =	swait.ge [sflag:s31], $0x3400;
	(pc) =	sbr.rel @p0 .LBB2_2-.Ltmp0, $4  }
0xb9: {  	s22 =	sadd.s32 $0x27, s22;
	[sflag:s31] =	ssyncset.done $0x0  }
0xba: {  	s8 =	simm.s32 $0x200;
	s10 =	simm.s32 $0x3700;
	[sflag:s31] =	ssyncadd.s32 $0xFFFFCC00  }
0xbb: {  	s13 =	simm.s32 $0x280;
	s21 =	simm.s32 $0x6B00;
	_ =	swait.ge [sflag:s14], $0x68  }
0xbc: {  	s16 =	smov.u32 s24;
	s5 =	simm.s32 $0x5;
	[sflag:s14] =	ssyncset.done $0x0  }
0xbd: {  	[sflag:s5] =	ssyncadd.s32 $0xFFFFFF98  }
0xbe: {  	s11 =	simm.s32 $0x1;
	s1 =	rddreg [dreg:$0x1]  }
0xbf: {  	[spmem:s1] =	stream.indirect.scatter.add.f32 [tilespmem:s10], [sflag:$0xB], $0x80, s8, s26, $0xb8;
	[tilespmem:$0x1E800] =	vst v63  }
0xc0: {  	_ =	swait.ge [sflag:s11], $0x68  }
0xc1: {  	[sflag:s11] =	ssyncset.done $0x0  }
0xc2: {  	[sflag:s11] =	ssyncadd.s32 $0xFFFFFF98  }
0xc3: {  	_ =	swait.ge [sflag:s15], $0x3400  }
0xc4: {  	[sflag:s15] =	ssyncset.done $0x0  }
0xc5: {  	[sflag:s15] =	ssyncadd.s32 $0xFFFFCC00  }
0xc6: {  	_ =	swait.ge [sflag:s17], $0x68  }
0xc7: {  	[sflag:s17] =	ssyncset.done $0x0  }
0xc8: {  	[sflag:s17] =	ssyncadd.s32 $0xFFFFFF98  }
0xc9: {  	[spmem:s1] =	stream.indirect.scatter.add.f32 [tilespmem:s21], [sflag:$0xC], $0x80, s13, s26, $0xb8;
	[tilespmem:$0x1E800] =	vst v63  }
0xca: {  	s0 =	simm.s32 $0x9F00;
	s9 =	simm.s32 $0xE;
	s12 =	rddreg [dreg:$0x11]  }
0xcb: {  	[tilespmem:s0], [sflag:$0xE] =	stream.linear.gather [hbm4b:s12+s2], $0x10, $0x38;
	[tilespmem:$0x1E800] =	vst v63  }
0xcc: {  	_ =	swait.ge [sflag:s9], $0x10  }
0xcd: {  	[sflag:s9] =	ssyncset.done $0x0  }
0xce: {  	s3 =	simm.s32 $0x9F80;
	s13 =	rddreg [dreg:$0x12];
	[sflag:s9] =	ssyncadd.s32 $0xFFFFFFF0  }
0xcf: {  	[tilespmem:s3], [sflag:$0xE] =	stream.linear.gather [hbm4b:s13+s2], $0x10, $0x38;
	[tilespmem:$0x1E800] =	vst v63  }
0xd0: {  	_ =	swait.ge [sflag:s9], $0x10  }
0xd1: {  	s14 =	simm.s32 $0x10;
	[sflag:s9] =	ssyncset.done $0x0  }
0xd2: {  	s7 =	simm.s32 $0xA000;
	s21 =	simm.s32 $0xD;
	[sflag:s9] =	ssyncadd.s32 $0xFFFFFFF0  }
0xd3: {  	[tilespmem:s7], [sflag:$0xD] =	stream.indirect.gather [hbm4b:s4+s14], $0x80, s0, s14, $0xb8;
	[tilespmem:$0x1E800] =	vst v63  }
0xd4: {  	_ =	swait.ge [sflag:s21], $0x800  }
0xd5: {  	[sflag:s21] =	ssyncset.done $0x0  }
0xd6: {  	[sflag:s21] =	ssyncadd.s32 $0xFFFFF800  }
0xd7: {  	[spmem:s1] =	stream.indirect.scatter.add.f32 [tilespmem:s7], [sflag:$0xE], $0x80, s3, s14, $0xb8;
	[tilespmem:$0x1E800] =	vst v63  }
0xd8: {  	_ =	swait.ge [sflag:s9], $0x800  }
0xd9: {  	[sflag:s9] =	ssyncset.done $0x0  }
0xda: {  	s22 =	simm.s32 $0xA;
	[sflag:s9] =	ssyncadd.s32 $0xFFFFF800  }
0xdb: {  	_ =	swait.ge [sflag:s22], $0x3400  }
0xdc: {  	[sflag:s22] =	ssyncset.done $0x0  }
0xdd: {  	[sflag:s22] =	ssyncadd.s32 $0xFFFFCC00  }
0xde: {  	_ =	swait.ge [sflag:s18], $0x3400  }
0xdf: {  	[sflag:s18] =	ssyncset.done $0x0  }
0xe0: {  	[sflag:s18] =	ssyncadd.s32 $0xFFFFCC00  }
0xe1: {  	_ =	swait.ge [sflag:s19], $0x3400  }
0xe2: {  	[sflag:s19] =	ssyncset.done $0x0  }
0xe3: {  	[sflag:s19] =	ssyncadd.s32 $0xFFFFCC00  }
0xe4: {  	[bflag:$0x0] =	sbarrier.arrive $0xFFFF  }
0xe5: {  	s21 =	rddreg [dreg:$0x9]  }
0xe6: {  	s23 =	rddreg [dreg:$0x13]  }
0xe7: {  	s24 =	rddreg [dreg:$0x17]  }
0xe8: {  	[hbm:s23], [sflag:s21] =	dma.local [spmem:s24], $0x2800  }
0xe9: {  	_ =	swait.ge [sflag:s9], $0x2800  }
0xea: {  	s25 =	rddreg [dreg:$0x16]  }
0xeb: {  	s29 =	rddreg [dreg:$0x14];
	s8 =	sadd.s32 $0x1, s25  }
0xec: {  	p0 =	sne.s32 s8, s29  }
.Ltmp1:
0xed: {  	_ = 	snop;
	(pc) =	sbr.rel @p0 .LBB2_1-.Ltmp1, $4  }
0xee: {  	_ = 	snop  }
0xef: {  	s11 =	simm.s32 $0x2;
	s0 =	simm.s32 $0x7;
	s7 =	simm.s32 $0x80  }
0xf0: {  	s1 =	simm.s32 $0x100;
	s3 =	simm.s32 $0x4;
	[sflag:s9] =	ssyncset.done $0x0  }
0xf1: {  	s22 =	simm.s32 $0x180;
	s23 =	simm.s32 $0x300;
	[sflag:s9] =	ssyncadd.s32 $0xFFFFD800  }
0xf2: {  	_ =	sfence.sel $0x180000  }
0xf3: {  	[bflag:$0x0] =	sbarrier.arrive $0xFFFF  }
0xf4: {  	_ =	strace $0x9000004D  }
0xf5: {  	s0 =	stileid.u32;
	[bflag:$0x2] =	sbarrier.arrive $0xFFFF  }
0xf6: {  	p0 =	sne.s32 s0, $0x0;
	s0 =	rddreg [dreg:$0x2]  }
0xf7: {  	s0 =	sadd.s32 @!p0 $0x100000, s0  }
0xf8: {  	[sflag:s0] =	ssyncadd.tile.s32 @!p0 $0x1;
	_ =	shalt  }
.Lfunc_end2:
_tile_overlayer_lowered:
.L_overlay_start_2:
0xf9: {  	(tag) =	ssettag $0x2  }
0xfa: {  	s0 =	rddreg [dreg:$0x0];
	s2 =	stileid.u32  }
0xfb: {  	s1 =	rddreg [dreg:$0x1];
	p0 =	sne.s32 s2, $0x0  }
0xfc: {  	s3 =	rddreg [dreg:$0x2];
	[bflag:$0x3] =	sbarrier.arrive $0xFFFF;
	s2 =	simm.s32 @!p0 $0x1C0E  }
0xfd: {  	[timem:s3], [sflag:s2] =	dma.local @!p0 [hbm:s0], s1  }
0xfe: {  	s0 =	simm.s32 @!p0 $0xE  }
0xff: {  	_ =	swait.ge @!p0 [sflag:s0], s1  }
0x100: {  	s1 =	ssub.s32 @!p0 $0x0, s1;
	[sflag:s0] =	ssyncset.done @!p0 $0x0  }
0x101: {  	[sflag:s0] =	ssyncadd.s32 @!p0 s1  }
0x102: {  	[bflag:$0x3] =	sbarrier.arrive $0xFFFF  }
0x103: {  	_ =	shalt  }

// kernel: kernel.21.cloned.1.call-start
scs
__scs_entry_jumppad:
0x0: {  	(pc) =	sbr.rel $0x88, $3  }
0x1: {  	(tag) =	ssettag $0x0;
	lr =	simm.s32 $0x1  }
0x2: {  	[smem:$0x3F97] =	sst lr;
	_ =	strace $0xD0000000  }
0x3: {  	_ = 	snop  }
0x4: {  	_ = 	snop  }
0x5: {  	_ = 	snop  }
0x6: {  	_ = 	snop  }
0x7: {  	_ = 	snop  }
__scs_overlays_trampoline_lowered:
0x8: {  	[smem:$0x3FA6] =	sst s0  }
0x9: {  	[smem:$0x3FA7] =	sst s1  }
0xa: {  	[smem:$0x3FA8] =	sst s2  }
0xb: {  	[smem:$0x3FA9] =	sst s3  }
0xc: {  	[smem:$0x3FAA] =	sst s4  }
0xd: {  	[smem:$0x3FAB] =	sst s5  }
0xe: {  	[smem:$0x3FAC] =	sst s6  }
0xf: {  	[smem:$0x3FAD] =	sst s7  }
0x10: {  	[smem:$0x3FAE] =	sst s8  }
0x11: {  	[smem:$0x3FAF] =	sst s9;
	s0 =	simm.s32 @!p0 $0x0  }
0x12: {  	s1 =	sld [smem:$0x3F95];
	s0 =	simm.s32 @p0 $0x1  }
0x13: {  	[smem:$0x3FB0] =	sst s0;
	s0 =	simm.s32 @!p1 $0x0  }
0x14: {  	s2 =	sld [smem:$0x3F94];
	s0 =	simm.s32 @p1 $0x1  }
0x15: {  	[smem:$0x3FB1] =	sst s0;
	s0 =	simm.s32 @!p2 $0x0  }
0x16: {  	s3 =	sld [smem:$0x3FDB];
	s0 =	simm.s32 @p2 $0x1  }
0x17: {  	s4 =	simm.s32 $0x1BF5;
	[smem:$0x3FB3] =	sst s0  }
0x18: {  	s0 =	sld [smem:$0x3F96];
	_ =	swait.ge [sflag:s4], $0x0  }
0x19: {  	s7 =	sld [smem:$0x3F97]  }
0x1a: {  	s8 =	sadd.s32 $0xFFFFE003, lr  }
0x1b: {  	s9 =	sadd.s32 $0xFFFFFEF7, lr;
	s5 =	simm.s32 $0xFFFFFFFF;
	p2 =	slt.u32 s8, $0xFFFFF086  }
0x1c: {  	p1 =	slt.u32 s9, $0xF7A;
	s5 =	simm.s32 @!p2 $0x0  }
0x1d: {  	s5 =	simm.s32 @p1 $0x1;
	p0 =	seq.s32 s7, s2  }
0x1e: {  	s7 =	smul.u32 @!p0 $0xF7A, s2;
	p2 =	seq.s32 @!p0 s5, $0x0  }
0x1f: {  	s9 =	smul.u32 $0xF7A, s1;
	s8 =	simm.s32 @!p0 $0x1BF5;
	p2 =	por !p2, p0  }
0x20: {  	[sflag:s8] =	ssyncset.s32 @!p0 $0xFFFFF086;
	s6 =	sadd.s32 @!p0 s3, s7;
	s7 =	simm.s32 @!p0 $0x108  }
0x21: {  	s3 =	sadd.s32 s3, s9;
	s6 =	sadd.s32 @!p0 $0x88, s6;
	s7 =	simm.s32 @p2 $0x1082  }
0x22: {  	[simem:s7], [sflag:s8] =	dma.local @!p0 [hbm:s6], $0xF7A  }
0x23: {  	s9 =	sor.u32 $0xD0000000, s2;
	s6 =	simm.s32 $0x108;
	_ =	swait.ge @!p0 [sflag:s8], $0x0  }
0x24: {  	s3 =	sadd.s32 $0x88, s3;
	s6 =	simm.s32 @!p1 $0x1082;
	[sflag:s4] =	ssyncset.s32 $0xFFFFF086  }
0x25: {  	[simem:s6], [sflag:s4] =	dma.local [hbm:s3], $0xF7A  }
0x26: {  	[smem:$0x3F97] =	sst s1;
	(tag) =	ssettag s2;
	_ =	strace s9  }
0x27: {  	s1 =	sld [smem:$0x3FA7]  }
0x28: {  	s2 =	sld [smem:$0x3FA8]  }
0x29: {  	s4 =	sld [smem:$0x3FAA]  }
0x2a: {  	p0 =	seq.s32 s5, $0x0;
	s5 =	sld [smem:$0x3FAB]  }
0x2b: {  	s6 =	sld [smem:$0x3FAC]  }
0x2c: {  	s7 =	sld [smem:$0x3FAD]  }
0x2d: {  	s3 =	simm.s32 $0x108;
	s8 =	sld [smem:$0x3FAE]  }
0x2e: {  	s3 =	simm.s32 @!p0 $0x1082;
	s9 =	sld [smem:$0x3FAF]  }
0x2f: {  	lr =	sadd.s32 s0, s3;
	s0 =	sld [smem:$0x3FA6]  }
0x30: {  	s3 =	sld [smem:$0x3FA9]  }
0x31: {  	[smem:$0x3FB2] =	sst s10  }
0x32: {  	s10 =	sld [smem:$0x3FB0];
	_ =	sdelay $0x3  }
0x33: {  	p0 =	seq.s32 s10, $0x1;
	s10 =	sld [smem:$0x3FB2];
	_ =	sdelay $0x3  }
0x34: {  	[smem:$0x3FB2] =	sst s10  }
0x35: {  	s10 =	sld [smem:$0x3FB1];
	_ =	sdelay $0x3  }
0x36: {  	p1 =	seq.s32 s10, $0x1;
	s10 =	sld [smem:$0x3FB2];
	_ =	sdelay $0x3  }
0x37: {  	[smem:$0x3FB2] =	sst s10  }
0x38: {  	s10 =	sld [smem:$0x3FB3]  }
0x39: {  	_ = 	snop;
	(pc) =	sbr.ind lr, $3  }
0x3a: {  	_ = 	snop  }
0x3b: {  	_ = 	snop  }
0x3c: {  	p2 =	seq.s32 s10, $0x1;
	s10 =	sld [smem:$0x3FB2]  }
0x3d: {  	_ =	shalt  }
0x3e: {  	_ =	shalt  }
0x3f: {  	_ =	shalt  }
0x40: {  	_ =	shalt  }
0x41: {  	_ =	shalt  }
0x42: {  	_ =	shalt  }
0x43: {  	_ =	shalt  }
0x44: {  	_ =	shalt  }
0x45: {  	_ =	shalt  }
0x46: {  	_ =	shalt  }
0x47: {  	_ =	shalt  }
0x48: {  	_ =	shalt  }
0x49: {  	_ =	shalt  }
0x4a: {  	_ =	shalt  }
0x4b: {  	_ =	shalt  }
0x4c: {  	_ =	shalt  }
0x4d: {  	_ =	shalt  }
0x4e: {  	_ =	shalt  }
0x4f: {  	_ =	shalt  }
0x50: {  	_ =	shalt  }
0x51: {  	_ =	shalt  }
0x52: {  	_ =	shalt  }
0x53: {  	_ =	shalt  }
0x54: {  	_ =	shalt  }
0x55: {  	_ =	shalt  }
0x56: {  	_ =	shalt  }
0x57: {  	_ =	shalt  }
0x58: {  	_ =	shalt  }
0x59: {  	_ =	shalt  }
0x5a: {  	_ =	shalt  }
0x5b: {  	_ =	shalt  }
0x5c: {  	_ =	shalt  }
0x5d: {  	_ =	shalt  }
0x5e: {  	_ =	shalt  }
0x5f: {  	_ =	shalt  }
0x60: {  	_ =	shalt  }
0x61: {  	_ =	shalt  }
0x62: {  	_ =	shalt  }
0x63: {  	_ =	shalt  }
0x64: {  	_ =	shalt  }
0x65: {  	_ =	shalt  }
0x66: {  	_ =	shalt  }
0x67: {  	_ =	shalt  }
0x68: {  	_ =	shalt  }
0x69: {  	_ =	shalt  }
0x6a: {  	_ =	shalt  }
0x6b: {  	_ =	shalt  }
0x6c: {  	_ =	shalt  }
0x6d: {  	_ =	shalt  }
0x6e: {  	_ =	shalt  }
0x6f: {  	_ =	shalt  }
0x70: {  	_ =	shalt  }
0x71: {  	_ =	shalt  }
0x72: {  	_ =	shalt  }
0x73: {  	_ =	shalt  }
0x74: {  	_ =	shalt  }
0x75: {  	_ =	shalt  }
0x76: {  	_ =	shalt  }
0x77: {  	_ =	shalt  }
0x78: {  	_ =	shalt  }
0x79: {  	_ =	shalt  }
0x7a: {  	_ =	shalt  }
0x7b: {  	_ =	shalt  }
0x7c: {  	_ =	shalt  }
0x7d: {  	_ =	shalt  }
0x7e: {  	_ =	shalt  }
0x7f: {  	_ =	shalt  }
0x80: {  	_ =	shalt  }
0x81: {  	_ =	shalt  }
0x82: {  	_ =	shalt  }
0x83: {  	_ =	shalt  }
0x84: {  	_ =	shalt  }
0x85: {  	_ =	shalt  }
0x86: {  	_ =	shalt  }
0x87: {  	_ =	shalt  }
.Lfunc_end0:
.L_simem_size_0:
called_computation.3_lowered:
.L_overlay_start_0:
0x88: {  	s2 =	sld [smem:$0x3FD9]  }
0x89: {  	s3 =	sld [smem:$0x3FFE];
	_ =	sdelay $0x1  }
0x8a: {  	s1 =	srdreg.scid  }
0x8b: {  	s0 =	sand.u32 $0x1, s1  }
0x8c: {  	s16 =	sshll.u32 s0, $0xA;
	s2 =	sadd.s32 s3, s2  }
0x8d: {  	s2 =	sadd.s32 s2, s16  }
0x8e: {  	[smem:$0x3FBE] =	sst s2  }
0x8f: {  	_ = 	snop  }
0x90: {  	(tm) =	ssettm $0x1  }
0x91: {  	s17 =	sld [smem:$0x3FFB];
	_ =	sdelay $0x3  }
0x92: {  	_ =	strace s17  }
0x93: {  	s2 =	sld [smem:$0x3FFC];
	_ =	sdelay $0x3  }
0x94: {  	_ =	strace s2  }
0x95: {  	s2 =	sld [smem:$0x3FFD];
	_ =	sdelay $0x3  }
0x96: {  	_ =	strace s2  }
0x97: {  	_ =	strace $0x8FFFFFFF  }
0x98: {  	s18 =	sld [smem:$0x3FDB];
	_ =	sdelay $0x1  }
0x99: {  	s19 =	simm.s32 $_scs_section_size  }
0x9a: {  	s4 =	simm.s32 $_size__tile_overlayer_lowered;
	s5 =	simm.s32 $_tile_overlayer_lowered  }
0x9b: {  	s22 =	simm.s32 $0x1BFF;
	s21 =	sshll.u32 s5, $0x1;
	s2 =	sadd.s32 s19, s18  }
0x9c: {  	s6 =	simm.s32 $0x0;
	s20 =	sshll.u32 s4, $0x1;
	s4 =	sadd.s32 s21, s2  }
0x9d: {  	[timem:s6], [sflag:s22] =	dma.local [hbm:s4], s20  }
0x9e: {  	_ =	swait.ge [sflag:s22], s20  }
0x9f: {  	s3 =	ssub.s32 $0x0, s20;
	[sflag:s22] =	ssyncset.done $0x0  }
0xa0: {  	[sflag:s22] =	ssyncadd.s32 s3;
	_ =	sdelay $0x1  }
0xa1: {  	s23 =	simm.s32 $0x1B8B  }
0xa2: {  	_ =	swait.ge [sflag:s23], $0x1  }
0xa3: {  	[sflag:s23] =	ssyncset.done $0x0  }
0xa4: {  	s25 =	simm.s32 $0x1B8E;
	s24 =	sld [smem:$0x3FFE];
	[sflag:s23] =	ssyncadd.s32 $0xFFFFFFFF  }
0xa5: {  	s26 =	simm.s32 $execute0_lowered;
	[smem:$0x3FD2] =	sst s25  }
0xa6: {  	s4 =	sshll.u32 s26, $0x1;
	_ =	strace $0x8000004F;
	[dreg:$0x1] =	wrdreg $0xFFFFFFFF  }
0xa7: {  	s28 =	simm.s32 $_size_execute0_lowered;
	s2 =	sadd.s32 s2, s4;
	[dreg:$0x0] =	wrdreg $0x0  }
0xa8: {  	s4 =	sshll.u32 s28, $0x1;
	[dreg:$0x2] =	wrdreg s2  }
0xa9: {  	[dreg:$0x3] =	wrdreg s4  }
0xaa: {  	[dreg:$0x4] =	wrdreg $0xC0  }
0xab: {  	_ =	task [dreg:s6], $0x5FFFF  }
0xac: {  	[dreg:$0x1] =	wrdreg $0xFFFFFFFF  }
0xad: {  	[dreg:$0x0] =	wrdreg $0x60  }
0xae: {  	[dreg:$0x2] =	wrdreg s24  }
0xaf: {  	[dreg:$0x3] =	wrdreg $0xA8000  }
0xb0: {  	[dreg:$0x4] =	wrdreg $0x9  }
0xb1: {  	_ =	task.clear_ibuf [dreg:s6], $0x5FFFF;
	_ =	strace $0x9000004F  }
0xb2: {  	s29 =	simm.s32 $0x9;
	_ =	strace $0x80000051  }
0xb3: {  	_ =	swait.ge [sflag:s29], $0x1  }
0xb4: {  	[sflag:s29] =	ssyncadd.s32 $0xFFFFFFFF  }
0xb5: {  	_ =	strace $0x90000051  }
0xb6: {  	_ =	sfence  }
0xb7: {  	s30 =	sld [smem:$0x0];
	_ =	sdelay $0x2  }
0xb8: {  	s31 =	sshll.u32 s1, $0xD;
	s1 =	sshrl.u32 s1, $0x2  }
0xb9: {  	s3 =	sand.u32 $0x4000, s31;
	s1 =	sadd.s32 s1, s30  }
0xba: {  	s0 =	sor.u32 s3, s0;
	s1 =	sshll.u32 s1, $0x11  }
0xbb: {  	s0 =	sor.u32 s1, s0  }
0xbc: {  	s0 =	sadd.s32 $0x8F2B, s0  }
0xbd: {  	[sflag:s0] =	ssyncadd.remote.s32 $0x1  }
0xbe: {  	_ =	sfence.sel $0xFFFF  }
0xbf: {  	[dreg:$0x0] =	wrdreg $0xFFFFFFFF;
	(pc) =	sbr.abs _section_cstart, $3  }
0xc0: {  	[dreg:$0x1] =	wrdreg $0xFFFFFFFF  }
0xc1: {  	_ =	task.clear_ibuf [dreg:s6], $0x2FFFF;
	_ =	strace $0x9FFFFFFF  }
0xc2: {  	(tm) =	ssettm $0x7FFFFFFF  }
0xc3: {  	_ =	shalt  }
tec
execute0_lowered:
.L_overlay_start_1:
0x0: {  	(tag) =	ssettag $0x1  }
0x1: {  	s0 =	rddreg [dreg:$0x0]  }
0x2: {  	s1 =	rddreg [dreg:$0x1];
	s2 =	simm.s32 $0x0;
	s3 =	srdreg.scid  }
0x3: {  	s5 =	stileid.u32;
	s31 =	simm.s32 $0x8;
	s30 =	simm.s32 $0x300  }
0x4: {  	[smem:$0x7FF] =	sst s2;
	s4 =	sadd.s32 $0xB9C00, s0;
	s3 =	sand.u32 $0x1, s3  }
0x5: {  	s7 =	smul.u32 $0x2800, s5;
	s6 =	sshll.u32 s5, $0x1;
	s10 =	sadd.s32 $0xD600, s0  }
0x6: {  	s16 =	sadd.s32 $0x3800, s0;
	s11 =	smul.u32 $0x50000, s5;
	s12 =	sadd.s32 $0x17400, s0  }
0x7: {  	s19 =	sshll.u32 s5, $0x6;
	s25 =	smul.u32 $0x4E20, s5;
	_ =	strace $0x80000050  }
0x8: {  	s8 =	smul.u32 $0x28000, s3;
	s9 =	sor.u32 s3, s6;
	s6 =	smov.u32 s10  }
0x9: {  	s15 =	ssub.s32 $0x2, s3;
	[dreg:$0x7] =	wrdreg s12;
	s3 =	smul.u32 $0x2710, s3  }
0xa: {  	s21 =	sor.u32 $0x1C0E, s19;
	s9 =	smul.u32 $0x2710, s9;
	s17 =	sshrl.u32 s15, $0x1  }
0xb: {  	s18 =	sshrl.u32 s11, $0x2;
	s11 =	simm.s32 $0x2;
	[dreg:$0x9] =	wrdreg s21  }
0xc: {  	s7 =	sadd.s32 s7, s8;
	s8 =	sadd.s32 s18, s1;
	s3 =	sadd.s32 s3, s25  }
0xd: {  	s0 =	sadd.s32 s7, s0;
	s7 =	ssub.s32 s15, s17;
	s20 =	sshrl.u32 s9, $0x3  }
0xe: {  	[dreg:$0x8] =	wrdreg s8;
	s24 =	sadd.s32 $0x68, s9;
	s22 =	sadd.s32 s6, s20  }
0xf: {  	s28 =	sadd.s32 $0x138, s9;
	s23 =	sadd.s32 s16, s20;
	[dreg:$0xa] =	wrdreg s22  }
0x10: {  	s10 =	sadd.s32 $0x208, s3;
	s0 =	sadd.s32 $0xE0E00, s0;
	[dreg:$0xb] =	wrdreg s23  }
0x11: {  	s8 =	sshrl.u32 s24, $0x3;
	s25 =	smax.u32 s7, $0x1;
	[dreg:$0x13] =	wrdreg s0  }
0x12: {  	s9 =	simm.s32 $0xE;
	s29 =	sadd.s32 s6, s8;
	[dreg:$0x14] =	wrdreg s25  }
0x13: {  	s26 =	sadd.s32 $0x1A, s20;
	s1 =	sadd.s32 s16, s8;
	[dreg:$0xc] =	wrdreg s29  }
0x14: {  	s13 =	sshrl.u32 s28, $0x3;
	s8 =	sadd.s32 s6, s26;
	[dreg:$0xd] =	wrdreg s1  }
0x15: {  	s14 =	sadd.s32 $0x4E0, s20;
	s12 =	sadd.s32 s16, s26;
	[dreg:$0xe] =	wrdreg s8  }
0x16: {  	s18 =	sshrl.u32 s10, $0x3;
	s15 =	sadd.s32 s6, s13;
	[dreg:$0xf] =	wrdreg s12  }
0x17: {  	s7 =	simm.s32 $0x80;
	s17 =	sadd.s32 s6, s14;
	[dreg:$0x10] =	wrdreg s15  }
0x18: {  	s19 =	sadd.s32 s16, s14;
	s20 =	sadd.s32 s18, s16;
	[dreg:$0x11] =	wrdreg s17  }
0x19: {  	s22 =	sadd.s32 $0x1A0, s3;
	s0 =	simm.s32 $0x7;
	[dreg:$0x12] =	wrdreg s19  }
0x1a: {  	[dreg:$0x3] =	wrdreg s20;
	s8 =	sadd.s32 s18, s6;
	s23 =	sshrl.u32 s22, $0x3  }
0x1b: {  	s29 =	sadd.s32 $0x138, s3;
	s22 =	simm.s32 $0x180;
	s3 =	simm.s32 $0x4  }
0x1c: {  	s1 =	simm.s32 $0x100;
	s15 =	simm.s32 $0x9;
	s17 =	simm.s32 $0x6  }
0x1d: {  	s18 =	simm.s32 $0xB;
	s19 =	simm.s32 $0xC;
	[dreg:$0x4] =	wrdreg s8  }
0x1e: {  	s20 =	simm.s32 $0x3;
	s24 =	sadd.s32 s23, s16;
	[dreg:$0x15] =	wrdreg s29  }
0x1f: {  	s26 =	sadd.s32 s23, s6;
	s23 =	simm.s32 $0x300;
	[dreg:$0x5] =	wrdreg s24  }
0x20: {  	s8 =	simm.s32 $0x0;
	[dreg:$0x6] =	wrdreg s26;
	s26 =	simm.s32 $0x68  }
.LBB2_1:
0x21: {  	[dreg:$0x16] =	wrdreg s8  }
0x22: {  	s5 =	rddreg [dreg:$0x8]  }
0x23: {  	s25 =	rddreg [dreg:$0x7];
	s24 =	sshrl.u32 s5, $0x3  }
0x24: {  	[dreg:$0x17] =	wrdreg s24  }
0x25: {  	[spmem:s24], [sflag:s21] =	dma.local [hbm:s25], $0x2800  }
0x26: {  	_ =	swait.ge [sflag:s9], $0x2800  }
0x27: {  	[sflag:s9] =	ssyncset.done $0x0  }
0x28: {  	[sflag:s9] =	ssyncadd.s32 $0xFFFFD800  }
0x29: {  	[bflag:$0x0] =	sbarrier.arrive $0xFFFF  }
0x2a: {  	s9 =	rddreg [dreg:$0xa]  }
0x2b: {  	[tilespmem:s2], [sflag:$0x1] =	stream.linear.gather [hbm4b:s9+s2], $0x68, $0x38;
	[tilespmem:$0x1E800] =	vst v63  }
0x2c: {  	s24 =	simm.s32 $0x1;
	s10 =	rddreg [dreg:$0xb]  }
0x2d: {  	[tilespmem:s22], [sflag:$0x4] =	stream.linear.gather [hbm4b:s10+s2], $0x68, $0x38;
	[tilespmem:$0x1E800] =	vst v63  }
0x2e: {  	_ =	swait.ge [sflag:s24], $0x68  }
0x2f: {  	[sflag:s24] =	ssyncset.done $0x0  }
0x30: {  	[sflag:s24] =	ssyncadd.s32 $0xFFFFFF98  }
0x31: {  	[tilespmem:s23], [sflag:$0x7] =	stream.indirect.gather [hbm4b:s4+s26], $0x80, s2, s26, $0xb8;
	[tilespmem:$0x1E800] =	vst v63  }
0x32: {  	s12 =	rddreg [dreg:$0xc]  }
0x33: {  	[tilespmem:s7], [sflag:$0x2] =	stream.linear.gather [hbm4b:s12+s2], $0x68, $0x38;
	[tilespmem:$0x1E800] =	vst v63  }
0x34: {  	s8 =	simm.s32 $0x200;
	s13 =	rddreg [dreg:$0xd]  }
0x35: {  	[tilespmem:s8], [sflag:$0x5] =	stream.linear.gather [hbm4b:s13+s2], $0x68, $0x38;
	[tilespmem:$0x1E800] =	vst v63  }
0x36: {  	_ =	swait.ge [sflag:s0], $0x3400  }
0x37: {  	[sflag:s0] =	ssyncset.done $0x0  }
0x38: {  	[sflag:s0] =	ssyncadd.s32 $0xFFFFCC00  }
0x39: {  	_ =	swait.ge [sflag:s3], $0x68  }
0x3a: {  	[sflag:s3] =	ssyncset.done $0x0  }
0x3b: {  	[sflag:s3] =	ssyncadd.s32 $0xFFFFFF98  }
0x3c: {  	s13 =	rddreg [dreg:$0x1]  }
0x3d: {  	[spmem:s13] =	stream.indirect.scatter.add.f32 [tilespmem:s23], [sflag:$0xA], $0x80, s22, s26, $0xb8;
	[tilespmem:$0x1E800] =	vst v63  }
0x3e: {  	_ =	swait.ge [sflag:s11], $0x68  }
0x3f: {  	[sflag:s11] =	ssyncset.done $0x0  }
0x40: {  	s10 =	simm.s32 $0x3700;
	[sflag:s11] =	ssyncadd.s32 $0xFFFFFF98  }
0x41: {  	[tilespmem:s10], [sflag:$0x8] =	stream.indirect.gather [hbm4b:s4+s26], $0x80, s7, s26, $0xb8;
	[tilespmem:$0x1E800] =	vst v63  }
0x42: {  	s14 =	rddreg [dreg:$0xe]  }
0x43: {  	[tilespmem:s1], [sflag:$0x3] =	stream.linear.gather [hbm4b:s14+s2], $0x68, $0x38;
	[tilespmem:$0x1E800] =	vst v63  }
0x44: {  	s25 =	simm.s32 $0x280;
	s21 =	rddreg [dreg:$0xf]  }
0x45: {  	[tilespmem:s25], [sflag:$0x6] =	stream.linear.gather [hbm4b:s21+s2], $0x68, $0x38;
	[tilespmem:$0x1E800] =	vst v63  }
0x46: {  	_ =	swait.ge [sflag:s31], $0x3400  }
0x47: {  	[sflag:s31] =	ssyncset.done $0x0  }
0x48: {  	s14 =	simm.s32 $0x5;
	[sflag:s31] =	ssyncadd.s32 $0xFFFFCC00  }
0x49: {  	_ =	swait.ge [sflag:s14], $0x68  }
0x4a: {  	[sflag:s14] =	ssyncset.done $0x0  }
0x4b: {  	[sflag:s14] =	ssyncadd.s32 $0xFFFFFF98  }
0x4c: {  	[spmem:s13] =	stream.indirect.scatter.add.f32 [tilespmem:s10], [sflag:$0xB], $0x80, s8, s26, $0xb8;
	[tilespmem:$0x1E800] =	vst v63  }
0x4d: {  	_ =	swait.ge [sflag:s20], $0x68  }
0x4e: {  	[sflag:s20] =	ssyncset.done $0x0  }
0x4f: {  	s12 =	simm.s32 $0x6B00;
	[sflag:s20] =	ssyncadd.s32 $0xFFFFFF98  }
0x50: {  	[tilespmem:s12], [sflag:$0x9] =	stream.indirect.gather [hbm4b:s4+s26], $0x80, s1, s26, $0xb8;
	[tilespmem:$0x1E800] =	vst v63  }
0x51: {  	s29 =	simm.s32 $0xA;
	s9 =	rddreg [dreg:$0x10]  }
0x52: {  	[tilespmem:s2], [sflag:$0x1] =	stream.linear.gather [hbm4b:s9+s2], $0x68, $0x38;
	[tilespmem:$0x1E800] =	vst v63  }
0x53: {  	_ =	swait.ge [sflag:s29], $0x3400  }
0x54: {  	s5 =	rddreg [dreg:$0x15]  }
0x55: {  	[sflag:s29] =	ssyncset.done $0x0;
	s9 =	sshrl.u32 s5, $0x3  }
0x56: {  	s21 =	rddreg [dreg:$0x6];
	[sflag:s29] =	ssyncadd.s32 $0xFFFFCC00;
	s9 =	sadd.s32 s16, s9  }
0x57: {  	[tilespmem:s22], [sflag:$0x4] =	stream.linear.gather [hbm4b:s9+s2], $0x68, $0x38;
	[tilespmem:$0x1E800] =	vst v63  }
0x58: {  	s21 =	sadd.s32 $0x0, s21  }
0x59: {  	[tilespmem:s7], [sflag:$0x2] =	stream.linear.gather [hbm4b:s21+s2], $0x68, $0x38;
	[tilespmem:$0x1E800] =	vst v63  }
0x5a: {  	_ =	swait.ge [sflag:s24], $0x68  }
0x5b: {  	[sflag:s24] =	ssyncset.done $0x0  }
0x5c: {  	[sflag:s24] =	ssyncadd.s32 $0xFFFFFF98  }
0x5d: {  	[tilespmem:s23], [sflag:$0x7] =	stream.indirect.gather [hbm4b:s4+s26], $0x80, s2, s26, $0xb8;
	[tilespmem:$0x1E800] =	vst v63  }
0x5e: {  	_ =	swait.ge [sflag:s15], $0x3400  }
0x5f: {  	[sflag:s15] =	ssyncset.done $0x0  }
0x60: {  	[sflag:s15] =	ssyncadd.s32 $0xFFFFCC00  }
0x61: {  	_ =	swait.ge [sflag:s17], $0x68  }
0x62: {  	[sflag:s17] =	ssyncset.done $0x0  }
0x63: {  	[sflag:s17] =	ssyncadd.s32 $0xFFFFFF98  }
0x64: {  	[spmem:s13] =	stream.indirect.scatter.add.f32 [tilespmem:s12], [sflag:$0xC], $0x80, s25, s26, $0xb8;
	[tilespmem:$0x1E800] =	vst v63  }
0x65: {  	_ =	swait.ge [sflag:s18], $0x3400  }
0x66: {  	s21 =	rddreg [dreg:$0x5];
	[sflag:s18] =	ssyncset.done $0x0  }
0x67: {  	s24 =	rddreg [dreg:$0x4];
	[sflag:s18] =	ssyncadd.s32 $0xFFFFCC00;
	s9 =	sadd.s32 $0x0, s21  }
0x68: {  	[tilespmem:s8], [sflag:$0x5] =	stream.linear.gather [hbm4b:s9+s2], $0x68, $0x38;
	[tilespmem:$0x1E800] =	vst v63  }
0x69: {  	s21 =	sadd.s32 $0x0, s24  }
0x6a: {  	[tilespmem:s1], [sflag:$0x3] =	stream.linear.gather [hbm4b:s21+s2], $0x68, $0x38;
	[tilespmem:$0x1E800] =	vst v63  }
0x6b: {  	_ =	swait.ge [sflag:s11], $0x68  }
0x6c: {  	[sflag:s11] =	ssyncset.done $0x0  }
0x6d: {  	[sflag:s11] =	ssyncadd.s32 $0xFFFFFF98  }
0x6e: {  	[tilespmem:s10], [sflag:$0x8] =	stream.indirect.gather [hbm4b:s4+s26], $0x80, s7, s26, $0xb8;
	[tilespmem:$0x1E800] =	vst v63  }
0x6f: {  	_ =	swait.ge [sflag:s0], $0x3400  }
0x70: {  	[sflag:s0] =	ssyncset.done $0x0  }
0x71: {  	[sflag:s0] =	ssyncadd.s32 $0xFFFFCC00  }
0x72: {  	_ =	swait.ge [sflag:s3], $0x68  }
0x73: {  	[sflag:s3] =	ssyncset.done $0x0  }
0x74: {  	[sflag:s3] =	ssyncadd.s32 $0xFFFFFF98  }
0x75: {  	[spmem:s13] =	stream.indirect.scatter.add.f32 [tilespmem:s23], [sflag:$0xA], $0x80, s22, s26, $0xb8;
	[tilespmem:$0x1E800] =	vst v63  }
0x76: {  	s23 =	smin.u32 s20, $0x5C  }
0x77: {  	s9 =	smul.u32 $0x68, s23  }
0x78: {  	_ =	swait.ge [sflag:s19], $0x3400  }
0x79: {  	s24 =	rddreg [dreg:$0x3];
	[sflag:s19] =	ssyncset.done $0x0;
	s9 =	sadd.s32 s9, s28  }
0x7a: {  	[sflag:s19] =	ssyncadd.s32 $0xFFFFCC00;
	s21 =	sadd.s32 $0x0, s24;
	s9 =	sshrl.u32 s9, $0x3  }
0x7b: {  	[tilespmem:s25], [sflag:$0x6] =	stream.linear.gather [hbm4b:s21+s2], $0x68, $0x38;
	[tilespmem:$0x1E800] =	vst v63  }
0x7c: {  	s9 =	sadd.s32 s6, s9  }
0x7d: {  	[tilespmem:s2], [sflag:$0x1] =	stream.linear.gather [hbm4b:s9+s2], $0x68, $0x38;
	[tilespmem:$0x1E800] =	vst v63  }
0x7e: {  	_ =	swait.ge [sflag:s20], $0x68  }
0x7f: {  	[sflag:s20] =	ssyncset.done $0x0  }
0x80: {  	[sflag:s20] =	ssyncadd.s32 $0xFFFFFF98  }
0x81: {  	[tilespmem:s12], [sflag:$0x9] =	stream.indirect.gather [hbm4b:s4+s26], $0x80, s1, s26, $0xb8;
	[tilespmem:$0x1E800] =	vst v63  }
0x82: {  	s29 =	simm.s32 $0x180;
	_ =	swait.ge [sflag:s31], $0x3400  }
0x83: {  	s11 =	simm.s32 $0x2;
	s7 =	simm.s32 $0x80;
	[sflag:s31] =	ssyncset.done $0x0  }
0x84: {  	s0 =	simm.s32 $0x7;
	s3 =	simm.s32 $0x4;
	[sflag:s31] =	ssyncadd.s32 $0xFFFFCC00  }
0x85: {  	s22 =	simm.s32 $0x27;
	s23 =	simm.s32 $0x3;
	_ =	swait.ge [sflag:s14], $0x68  }
0x86: {  	s9 =	smov.u32 s5;
	s1 =	simm.s32 $0x100;
	[sflag:s14] =	ssyncset.done $0x0  }
.LBB2_2:
0x87: {  	s14 =	simm.s32 $0x5  }
0x88: {  	s9 =	sadd.s32 $0x138, s9;
	s10 =	simm.s32 $0x200;
	[sflag:s14] =	ssyncadd.s32 $0xFFFFFF98  }
0x89: {  	s13 =	simm.s32 $0x3700;
	s8 =	simm.s32 $0xA;
	s25 =	rddreg [dreg:$0x1]  }
0x8a: {  	[spmem:s25] =	stream.indirect.scatter.add.f32 [tilespmem:s13], [sflag:$0xB], $0x80, s10, s26, $0xb8;
	[tilespmem:$0x1E800] =	vst v63  }
0x8b: {  	s21 =	sshrl.u32 s9, $0x3;
	_ =	swait.ge [sflag:s8], $0x3400  }
0x8c: {  	s24 =	smov.u32 s16;
	s5 =	sadd.s32 s16, s21;
	[sflag:s8] =	ssyncset.done $0x0  }
0x8d: {  	s21 =	smov.u32 s22;
	s12 =	rddreg [dreg:$0x6];
	[sflag:s8] =	ssyncadd.s32 $0xFFFFCC00  }
0x8e: {  	[tilespmem:s29], [sflag:$0x4] =	stream.linear.gather [hbm4b:s5+s2], $0x68, $0x38;
	[tilespmem:$0x1E800] =	vst v63  }
0x8f: {  	s16 =	smov.u32 s6;
	s6 =	simm.s32 $0x1;
	s12 =	sadd.s32 s21, s12  }
0x90: {  	[tilespmem:s7], [sflag:$0x2] =	stream.linear.gather [hbm4b:s12+s2], $0x68, $0x38;
	[tilespmem:$0x1E800] =	vst v63  }
0x91: {  	_ =	swait.ge [sflag:s6], $0x68  }
0x92: {  	[sflag:s6] =	ssyncset.done $0x0  }
0x93: {  	[sflag:s6] =	ssyncadd.s32 $0xFFFFFF98  }
0x94: {  	[tilespmem:s30], [sflag:$0x7] =	stream.indirect.gather [hbm4b:s4+s26], $0x80, s2, s26, $0xb8;
	[tilespmem:$0x1E800] =	vst v63  }
0x95: {  	_ =	swait.ge [sflag:s15], $0x3400  }
0x96: {  	[sflag:s15] =	ssyncset.done $0x0  }
0x97: {  	[sflag:s15] =	ssyncadd.s32 $0xFFFFCC00  }
0x98: {  	_ =	swait.ge [sflag:s17], $0x68  }
0x99: {  	[sflag:s17] =	ssyncset.done $0x0  }
0x9a: {  	s31 =	simm.s32 $0x280;
	s12 =	simm.s32 $0x6B00;
	[sflag:s17] =	ssyncadd.s32 $0xFFFFFF98  }
0x9b: {  	[spmem:s25] =	stream.indirect.scatter.add.f32 [tilespmem:s12], [sflag:$0xC], $0x80, s31, s26, $0xb8;
	[tilespmem:$0x1E800] =	vst v63  }
0x9c: {  	_ =	swait.ge [sflag:s18], $0x3400  }
0x9d: {  	s8 =	rddreg [dreg:$0x5];
	[sflag:s18] =	ssyncset.done $0x0  }
0x9e: {  	s6 =	rddreg [dreg:$0x4];
	[sflag:s18] =	ssyncadd.s32 $0xFFFFCC00;
	s5 =	sadd.s32 s21, s8  }
0x9f: {  	[tilespmem:s10], [sflag:$0x5] =	stream.linear.gather [hbm4b:s5+s2], $0x68, $0x38;
	[tilespmem:$0x1E800] =	vst v63  }
0xa0: {  	s10 =	sadd.s32 s21, s6  }
0xa1: {  	[tilespmem:s1], [sflag:$0x3] =	stream.linear.gather [hbm4b:s10+s2], $0x68, $0x38;
	[tilespmem:$0x1E800] =	vst v63  }
0xa2: {  	_ =	swait.ge [sflag:s11], $0x68  }
0xa3: {  	[sflag:s11] =	ssyncset.done $0x0  }
0xa4: {  	[sflag:s11] =	ssyncadd.s32 $0xFFFFFF98  }
0xa5: {  	[tilespmem:s13], [sflag:$0x8] =	stream.indirect.gather [hbm4b:s4+s26], $0x80, s7, s26, $0xb8;
	[tilespmem:$0x1E800] =	vst v63  }
0xa6: {  	_ =	swait.ge [sflag:s0], $0x3400  }
0xa7: {  	[sflag:s0] =	ssyncset.done $0x0  }
0xa8: {  	[sflag:s0] =	ssyncadd.s32 $0xFFFFCC00  }
0xa9: {  	_ =	swait.ge [sflag:s3], $0x68  }
0xaa: {  	s23 =	sadd.s32 $0x3, s23;
	[sflag:s3] =	ssyncset.done $0x0  }
0xab: {  	s13 =	smin.u32 s23, $0x5C;
	[sflag:s3] =	ssyncadd.s32 $0xFFFFFF98  }
0xac: {  	[spmem:s25] =	stream.indirect.scatter.add.f32 [tilespmem:s30], [sflag:$0xA], $0x80, s29, s26, $0xb8;
	[tilespmem:$0x1E800] =	vst v63  }
0xad: {  	s5 =	smul.u32 $0x68, s13;
	_ =	swait.ge [sflag:s19], $0x3400  }
0xae: {  	s25 =	rddreg [dreg:$0x3];
	[sflag:s19] =	ssyncset.done $0x0  }
0xaf: {  	s5 =	sadd.s32 s5, s28;
	[sflag:s19] =	ssyncadd.s32 $0xFFFFCC00;
	s6 =	sadd.s32 s21, s25  }
0xb0: {  	[tilespmem:s31], [sflag:$0x6] =	stream.linear.gather [hbm4b:s6+s2], $0x68, $0x38;
	[tilespmem:$0x1E800] =	vst v63  }
0xb1: {  	s5 =	sshrl.u32 s5, $0x3;
	s6 =	smov.u32 s16  }
0xb2: {  	s5 =	sadd.s32 s6, s5  }
0xb3: {  	[tilespmem:s2], [sflag:$0x1] =	stream.linear.gather [hbm4b:s5+s2], $0x68, $0x38;
	[tilespmem:$0x1E800] =	vst v63  }
0xb4: {  	_ =	swait.ge [sflag:s20], $0x68  }
0xb5: {  	[sflag:s20] =	ssyncset.done $0x0  }
0xb6: {  	p0 =	sne.s32 s22, $0x492;
	s31 =	simm.s32 $0x8;
	[sflag:s20] =	ssyncadd.s32 $0xFFFFFF98  }
0xb7: {  	[tilespmem:s12], [sflag:$0x9] =	stream.indirect.gather [hbm4b:s4+s26], $0x80, s1, s26, $0xb8;
	[tilespmem:$0x1E800] =	vst v63  }
.Ltmp0:
0xb8: {  	_ =	swait.ge [sflag:s31], $0x3400;
	(pc) =	sbr.rel @p0 .LBB2_2-.Ltmp0, $4  }
0xb9: {  	s22 =	sadd.s32 $0x27, s22;
	[sflag:s31] =	ssyncset.done $0x0  }
0xba: {  	s8 =	simm.s32 $0x200;
	s10 =	simm.s32 $0x3700;
	[sflag:s31] =	ssyncadd.s32 $0xFFFFCC00  }
0xbb: {  	s13 =	simm.s32 $0x280;
	s21 =	simm.s32 $0x6B00;
	_ =	swait.ge [sflag:s14], $0x68  }
0xbc: {  	s16 =	smov.u32 s24;
	s5 =	simm.s32 $0x5;
	[sflag:s14] =	ssyncset.done $0x0  }
0xbd: {  	[sflag:s5] =	ssyncadd.s32 $0xFFFFFF98  }
0xbe: {  	s11 =	simm.s32 $0x1;
	s1 =	rddreg [dreg:$0x1]  }
0xbf: {  	[spmem:s1] =	stream.indirect.scatter.add.f32 [tilespmem:s10], [sflag:$0xB], $0x80, s8, s26, $0xb8;
	[tilespmem:$0x1E800] =	vst v63  }
0xc0: {  	_ =	swait.ge [sflag:s11], $0x68  }
0xc1: {  	[sflag:s11] =	ssyncset.done $0x0  }
0xc2: {  	[sflag:s11] =	ssyncadd.s32 $0xFFFFFF98  }
0xc3: {  	_ =	swait.ge [sflag:s15], $0x3400  }
0xc4: {  	[sflag:s15] =	ssyncset.done $0x0  }
0xc5: {  	[sflag:s15] =	ssyncadd.s32 $0xFFFFCC00  }
0xc6: {  	_ =	swait.ge [sflag:s17], $0x68  }
0xc7: {  	[sflag:s17] =	ssyncset.done $0x0  }
0xc8: {  	[sflag:s17] =	ssyncadd.s32 $0xFFFFFF98  }
0xc9: {  	[spmem:s1] =	stream.indirect.scatter.add.f32 [tilespmem:s21], [sflag:$0xC], $0x80, s13, s26, $0xb8;
	[tilespmem:$0x1E800] =	vst v63  }
0xca: {  	s0 =	simm.s32 $0x9F00;
	s9 =	simm.s32 $0xE;
	s12 =	rddreg [dreg:$0x11]  }
0xcb: {  	[tilespmem:s0], [sflag:$0xE] =	stream.linear.gather [hbm4b:s12+s2], $0x10, $0x38;
	[tilespmem:$0x1E800] =	vst v63  }
0xcc: {  	_ =	swait.ge [sflag:s9], $0x10  }
0xcd: {  	[sflag:s9] =	ssyncset.done $0x0  }
0xce: {  	s3 =	simm.s32 $0x9F80;
	s13 =	rddreg [dreg:$0x12];
	[sflag:s9] =	ssyncadd.s32 $0xFFFFFFF0  }
0xcf: {  	[tilespmem:s3], [sflag:$0xE] =	stream.linear.gather [hbm4b:s13+s2], $0x10, $0x38;
	[tilespmem:$0x1E800] =	vst v63  }
0xd0: {  	_ =	swait.ge [sflag:s9], $0x10  }
0xd1: {  	s14 =	simm.s32 $0x10;
	[sflag:s9] =	ssyncset.done $0x0  }
0xd2: {  	s7 =	simm.s32 $0xA000;
	s21 =	simm.s32 $0xD;
	[sflag:s9] =	ssyncadd.s32 $0xFFFFFFF0  }
0xd3: {  	[tilespmem:s7], [sflag:$0xD] =	stream.indirect.gather [hbm4b:s4+s14], $0x80, s0, s14, $0xb8;
	[tilespmem:$0x1E800] =	vst v63  }
0xd4: {  	_ =	swait.ge [sflag:s21], $0x800  }
0xd5: {  	[sflag:s21] =	ssyncset.done $0x0  }
0xd6: {  	[sflag:s21] =	ssyncadd.s32 $0xFFFFF800  }
0xd7: {  	[spmem:s1] =	stream.indirect.scatter.add.f32 [tilespmem:s7], [sflag:$0xE], $0x80, s3, s14, $0xb8;
	[tilespmem:$0x1E800] =	vst v63  }
0xd8: {  	_ =	swait.ge [sflag:s9], $0x800  }
0xd9: {  	[sflag:s9] =	ssyncset.done $0x0  }
0xda: {  	s22 =	simm.s32 $0xA;
	[sflag:s9] =	ssyncadd.s32 $0xFFFFF800  }
0xdb: {  	_ =	swait.ge [sflag:s22], $0x3400  }
0xdc: {  	[sflag:s22] =	ssyncset.done $0x0  }
0xdd: {  	[sflag:s22] =	ssyncadd.s32 $0xFFFFCC00  }
0xde: {  	_ =	swait.ge [sflag:s18], $0x3400  }
0xdf: {  	[sflag:s18] =	ssyncset.done $0x0  }
0xe0: {  	[sflag:s18] =	ssyncadd.s32 $0xFFFFCC00  }
0xe1: {  	_ =	swait.ge [sflag:s19], $0x3400  }
0xe2: {  	[sflag:s19] =	ssyncset.done $0x0  }
0xe3: {  	[sflag:s19] =	ssyncadd.s32 $0xFFFFCC00  }
0xe4: {  	[bflag:$0x0] =	sbarrier.arrive $0xFFFF  }
0xe5: {  	s21 =	rddreg [dreg:$0x9]  }
0xe6: {  	s23 =	rddreg [dreg:$0x13]  }
0xe7: {  	s24 =	rddreg [dreg:$0x17]  }
0xe8: {  	[hbm:s23], [sflag:s21] =	dma.local [spmem:s24], $0x2800  }
0xe9: {  	_ =	swait.ge [sflag:s9], $0x2800  }
0xea: {  	s25 =	rddreg [dreg:$0x16]  }
0xeb: {  	s29 =	rddreg [dreg:$0x14];
	s8 =	sadd.s32 $0x1, s25  }
0xec: {  	p0 =	sne.s32 s8, s29  }
.Ltmp1:
0xed: {  	_ = 	snop;
	(pc) =	sbr.rel @p0 .LBB2_1-.Ltmp1, $4  }
0xee: {  	_ = 	snop  }
0xef: {  	s11 =	simm.s32 $0x2;
	s0 =	simm.s32 $0x7;
	s7 =	simm.s32 $0x80  }
0xf0: {  	s1 =	simm.s32 $0x100;
	s3 =	simm.s32 $0x4;
	[sflag:s9] =	ssyncset.done $0x0  }
0xf1: {  	s22 =	simm.s32 $0x180;
	s23 =	simm.s32 $0x300;
	[sflag:s9] =	ssyncadd.s32 $0xFFFFD800  }
0xf2: {  	_ =	sfence.sel $0x180000  }
0xf3: {  	[bflag:$0x0] =	sbarrier.arrive $0xFFFF  }
0xf4: {  	_ =	strace $0x90000050  }
0xf5: {  	s0 =	stileid.u32;
	[bflag:$0x2] =	sbarrier.arrive $0xFFFF  }
0xf6: {  	p0 =	sne.s32 s0, $0x0;
	s0 =	rddreg [dreg:$0x2]  }
0xf7: {  	s0 =	sadd.s32 @!p0 $0x100000, s0  }
0xf8: {  	[sflag:s0] =	ssyncadd.tile.s32 @!p0 $0x1;
	_ =	shalt  }
.Lfunc_end2:
_tile_overlayer_lowered:
.L_overlay_start_2:
0xf9: {  	(tag) =	ssettag $0x2  }
0xfa: {  	s0 =	rddreg [dreg:$0x0];
	s2 =	stileid.u32  }
0xfb: {  	s1 =	rddreg [dreg:$0x1];
	p0 =	sne.s32 s2, $0x0  }
0xfc: {  	s3 =	rddreg [dreg:$0x2];
	[bflag:$0x3] =	sbarrier.arrive $0xFFFF;
	s2 =	simm.s32 @!p0 $0x1C0E  }
0xfd: {  	[timem:s3], [sflag:s2] =	dma.local @!p0 [hbm:s0], s1  }
0xfe: {  	s0 =	simm.s32 @!p0 $0xE  }
0xff: {  	_ =	swait.ge @!p0 [sflag:s0], s1  }
0x100: {  	s1 =	ssub.s32 @!p0 $0x0, s1;
	[sflag:s0] =	ssyncset.done @!p0 $0x0  }
0x101: {  	[sflag:s0] =	ssyncadd.s32 @!p0 s1  }
0x102: {  	[bflag:$0x3] =	sbarrier.arrive $0xFFFF  }
0x103: {  	_ =	shalt  }

// kernel: kernel.24.cloned.1.call-start
scs
__scs_entry_jumppad:
0x0: {  	(pc) =	sbr.rel $0x88, $3  }
0x1: {  	(tag) =	ssettag $0x0;
	lr =	simm.s32 $0x1  }
0x2: {  	[smem:$0x3F97] =	sst lr;
	_ =	strace $0xD0000000  }
0x3: {  	_ = 	snop  }
0x4: {  	_ = 	snop  }
0x5: {  	_ = 	snop  }
0x6: {  	_ = 	snop  }
0x7: {  	_ = 	snop  }
__scs_overlays_trampoline_lowered:
0x8: {  	[smem:$0x3FA6] =	sst s0  }
0x9: {  	[smem:$0x3FA7] =	sst s1  }
0xa: {  	[smem:$0x3FA8] =	sst s2  }
0xb: {  	[smem:$0x3FA9] =	sst s3  }
0xc: {  	[smem:$0x3FAA] =	sst s4  }
0xd: {  	[smem:$0x3FAB] =	sst s5  }
0xe: {  	[smem:$0x3FAC] =	sst s6  }
0xf: {  	[smem:$0x3FAD] =	sst s7  }
0x10: {  	[smem:$0x3FAE] =	sst s8  }
0x11: {  	[smem:$0x3FAF] =	sst s9;
	s0 =	simm.s32 @!p0 $0x0  }
0x12: {  	s1 =	sld [smem:$0x3F95];
	s0 =	simm.s32 @p0 $0x1  }
0x13: {  	[smem:$0x3FB0] =	sst s0;
	s0 =	simm.s32 @!p1 $0x0  }
0x14: {  	s2 =	sld [smem:$0x3F94];
	s0 =	simm.s32 @p1 $0x1  }
0x15: {  	[smem:$0x3FB1] =	sst s0;
	s0 =	simm.s32 @!p2 $0x0  }
0x16: {  	s3 =	sld [smem:$0x3FDB];
	s0 =	simm.s32 @p2 $0x1  }
0x17: {  	s4 =	simm.s32 $0x1BF5;
	[smem:$0x3FB3] =	sst s0  }
0x18: {  	s0 =	sld [smem:$0x3F96];
	_ =	swait.ge [sflag:s4], $0x0  }
0x19: {  	s7 =	sld [smem:$0x3F97]  }
0x1a: {  	s8 =	sadd.s32 $0xFFFFE003, lr  }
0x1b: {  	s9 =	sadd.s32 $0xFFFFFEF7, lr;
	s5 =	simm.s32 $0xFFFFFFFF;
	p2 =	slt.u32 s8, $0xFFFFF086  }
0x1c: {  	p1 =	slt.u32 s9, $0xF7A;
	s5 =	simm.s32 @!p2 $0x0  }
0x1d: {  	s5 =	simm.s32 @p1 $0x1;
	p0 =	seq.s32 s7, s2  }
0x1e: {  	s7 =	smul.u32 @!p0 $0xF7A, s2;
	p2 =	seq.s32 @!p0 s5, $0x0  }
0x1f: {  	s9 =	smul.u32 $0xF7A, s1;
	s8 =	simm.s32 @!p0 $0x1BF5;
	p2 =	por !p2, p0  }
0x20: {  	[sflag:s8] =	ssyncset.s32 @!p0 $0xFFFFF086;
	s6 =	sadd.s32 @!p0 s3, s7;
	s7 =	simm.s32 @!p0 $0x108  }
0x21: {  	s3 =	sadd.s32 s3, s9;
	s6 =	sadd.s32 @!p0 $0x88, s6;
	s7 =	simm.s32 @p2 $0x1082  }
0x22: {  	[simem:s7], [sflag:s8] =	dma.local @!p0 [hbm:s6], $0xF7A  }
0x23: {  	s9 =	sor.u32 $0xD0000000, s2;
	s6 =	simm.s32 $0x108;
	_ =	swait.ge @!p0 [sflag:s8], $0x0  }
0x24: {  	s3 =	sadd.s32 $0x88, s3;
	s6 =	simm.s32 @!p1 $0x1082;
	[sflag:s4] =	ssyncset.s32 $0xFFFFF086  }
0x25: {  	[simem:s6], [sflag:s4] =	dma.local [hbm:s3], $0xF7A  }
0x26: {  	[smem:$0x3F97] =	sst s1;
	(tag) =	ssettag s2;
	_ =	strace s9  }
0x27: {  	s1 =	sld [smem:$0x3FA7]  }
0x28: {  	s2 =	sld [smem:$0x3FA8]  }
0x29: {  	s4 =	sld [smem:$0x3FAA]  }
0x2a: {  	p0 =	seq.s32 s5, $0x0;
	s5 =	sld [smem:$0x3FAB]  }
0x2b: {  	s6 =	sld [smem:$0x3FAC]  }
0x2c: {  	s7 =	sld [smem:$0x3FAD]  }
0x2d: {  	s3 =	simm.s32 $0x108;
	s8 =	sld [smem:$0x3FAE]  }
0x2e: {  	s3 =	simm.s32 @!p0 $0x1082;
	s9 =	sld [smem:$0x3FAF]  }
0x2f: {  	lr =	sadd.s32 s0, s3;
	s0 =	sld [smem:$0x3FA6]  }
0x30: {  	s3 =	sld [smem:$0x3FA9]  }
0x31: {  	[smem:$0x3FB2] =	sst s10  }
0x32: {  	s10 =	sld [smem:$0x3FB0];
	_ =	sdelay $0x3  }
0x33: {  	p0 =	seq.s32 s10, $0x1;
	s10 =	sld [smem:$0x3FB2];
	_ =	sdelay $0x3  }
0x34: {  	[smem:$0x3FB2] =	sst s10  }
0x35: {  	s10 =	sld [smem:$0x3FB1];
	_ =	sdelay $0x3  }
0x36: {  	p1 =	seq.s32 s10, $0x1;
	s10 =	sld [smem:$0x3FB2];
	_ =	sdelay $0x3  }
0x37: {  	[smem:$0x3FB2] =	sst s10  }
0x38: {  	s10 =	sld [smem:$0x3FB3]  }
0x39: {  	_ = 	snop;
	(pc) =	sbr.ind lr, $3  }
0x3a: {  	_ = 	snop  }
0x3b: {  	_ = 	snop  }
0x3c: {  	p2 =	seq.s32 s10, $0x1;
	s10 =	sld [smem:$0x3FB2]  }
0x3d: {  	_ =	shalt  }
0x3e: {  	_ =	shalt  }
0x3f: {  	_ =	shalt  }
0x40: {  	_ =	shalt  }
0x41: {  	_ =	shalt  }
0x42: {  	_ =	shalt  }
0x43: {  	_ =	shalt  }
0x44: {  	_ =	shalt  }
0x45: {  	_ =	shalt  }
0x46: {  	_ =	shalt  }
0x47: {  	_ =	shalt  }
0x48: {  	_ =	shalt  }
0x49: {  	_ =	shalt  }
0x4a: {  	_ =	shalt  }
0x4b: {  	_ =	shalt  }
0x4c: {  	_ =	shalt  }
0x4d: {  	_ =	shalt  }
0x4e: {  	_ =	shalt  }
0x4f: {  	_ =	shalt  }
0x50: {  	_ =	shalt  }
0x51: {  	_ =	shalt  }
0x52: {  	_ =	shalt  }
0x53: {  	_ =	shalt  }
0x54: {  	_ =	shalt  }
0x55: {  	_ =	shalt  }
0x56: {  	_ =	shalt  }
0x57: {  	_ =	shalt  }
0x58: {  	_ =	shalt  }
0x59: {  	_ =	shalt  }
0x5a: {  	_ =	shalt  }
0x5b: {  	_ =	shalt  }
0x5c: {  	_ =	shalt  }
0x5d: {  	_ =	shalt  }
0x5e: {  	_ =	shalt  }
0x5f: {  	_ =	shalt  }
0x60: {  	_ =	shalt  }
0x61: {  	_ =	shalt  }
0x62: {  	_ =	shalt  }
0x63: {  	_ =	shalt  }
0x64: {  	_ =	shalt  }
0x65: {  	_ =	shalt  }
0x66: {  	_ =	shalt  }
0x67: {  	_ =	shalt  }
0x68: {  	_ =	shalt  }
0x69: {  	_ =	shalt  }
0x6a: {  	_ =	shalt  }
0x6b: {  	_ =	shalt  }
0x6c: {  	_ =	shalt  }
0x6d: {  	_ =	shalt  }
0x6e: {  	_ =	shalt  }
0x6f: {  	_ =	shalt  }
0x70: {  	_ =	shalt  }
0x71: {  	_ =	shalt  }
0x72: {  	_ =	shalt  }
0x73: {  	_ =	shalt  }
0x74: {  	_ =	shalt  }
0x75: {  	_ =	shalt  }
0x76: {  	_ =	shalt  }
0x77: {  	_ =	shalt  }
0x78: {  	_ =	shalt  }
0x79: {  	_ =	shalt  }
0x7a: {  	_ =	shalt  }
0x7b: {  	_ =	shalt  }
0x7c: {  	_ =	shalt  }
0x7d: {  	_ =	shalt  }
0x7e: {  	_ =	shalt  }
0x7f: {  	_ =	shalt  }
0x80: {  	_ =	shalt  }
0x81: {  	_ =	shalt  }
0x82: {  	_ =	shalt  }
0x83: {  	_ =	shalt  }
0x84: {  	_ =	shalt  }
0x85: {  	_ =	shalt  }
0x86: {  	_ =	shalt  }
0x87: {  	_ =	shalt  }
.Lfunc_end0:
.L_simem_size_0:
called_computation.4_lowered:
.L_overlay_start_0:
0x88: {  	s2 =	sld [smem:$0x3FD9]  }
0x89: {  	s3 =	sld [smem:$0x3FFE];
	_ =	sdelay $0x1  }
0x8a: {  	s1 =	srdreg.scid  }
0x8b: {  	s0 =	sand.u32 $0x1, s1  }
0x8c: {  	s16 =	sshll.u32 s0, $0xA;
	s2 =	sadd.s32 s3, s2  }
0x8d: {  	s2 =	sadd.s32 s2, s16  }
0x8e: {  	[smem:$0x3FBE] =	sst s2  }
0x8f: {  	_ = 	snop  }
0x90: {  	(tm) =	ssettm $0x1  }
0x91: {  	s17 =	sld [smem:$0x3FFB];
	_ =	sdelay $0x3  }
0x92: {  	_ =	strace s17  }
0x93: {  	s2 =	sld [smem:$0x3FFC];
	_ =	sdelay $0x3  }
0x94: {  	_ =	strace s2  }
0x95: {  	s2 =	sld [smem:$0x3FFD];
	_ =	sdelay $0x3  }
0x96: {  	_ =	strace s2  }
0x97: {  	_ =	strace $0x8FFFFFFF  }
0x98: {  	s18 =	sld [smem:$0x3FDB];
	_ =	sdelay $0x1  }
0x99: {  	s19 =	simm.s32 $_scs_section_size  }
0x9a: {  	s4 =	simm.s32 $_size__tile_overlayer_lowered;
	s5 =	simm.s32 $_tile_overlayer_lowered  }
0x9b: {  	s22 =	simm.s32 $0x1BFF;
	s21 =	sshll.u32 s5, $0x1;
	s2 =	sadd.s32 s19, s18  }
0x9c: {  	s6 =	simm.s32 $0x0;
	s20 =	sshll.u32 s4, $0x1;
	s4 =	sadd.s32 s21, s2  }
0x9d: {  	[timem:s6], [sflag:s22] =	dma.local [hbm:s4], s20  }
0x9e: {  	_ =	swait.ge [sflag:s22], s20  }
0x9f: {  	s3 =	ssub.s32 $0x0, s20;
	[sflag:s22] =	ssyncset.done $0x0  }
0xa0: {  	[sflag:s22] =	ssyncadd.s32 s3;
	_ =	sdelay $0x1  }
0xa1: {  	s23 =	simm.s32 $0x1B8B  }
0xa2: {  	_ =	swait.ge [sflag:s23], $0x1  }
0xa3: {  	[sflag:s23] =	ssyncset.done $0x0  }
0xa4: {  	s25 =	simm.s32 $0x1B8E;
	s24 =	sld [smem:$0x3FFE];
	[sflag:s23] =	ssyncadd.s32 $0xFFFFFFFF  }
0xa5: {  	s26 =	simm.s32 $execute0_lowered;
	[smem:$0x3FD2] =	sst s25  }
0xa6: {  	s4 =	sshll.u32 s26, $0x1;
	_ =	strace $0x80000052;
	[dreg:$0x1] =	wrdreg $0xFFFFFFFF  }
0xa7: {  	s28 =	simm.s32 $_size_execute0_lowered;
	s2 =	sadd.s32 s2, s4;
	[dreg:$0x0] =	wrdreg $0x0  }
0xa8: {  	s4 =	sshll.u32 s28, $0x1;
	[dreg:$0x2] =	wrdreg s2  }
0xa9: {  	[dreg:$0x3] =	wrdreg s4  }
0xaa: {  	[dreg:$0x4] =	wrdreg $0xC0  }
0xab: {  	_ =	task [dreg:s6], $0x5FFFF  }
0xac: {  	[dreg:$0x1] =	wrdreg $0xFFFFFFFF  }
0xad: {  	[dreg:$0x0] =	wrdreg $0x60  }
0xae: {  	[dreg:$0x2] =	wrdreg s24  }
0xaf: {  	[dreg:$0x3] =	wrdreg $0xA8000  }
0xb0: {  	[dreg:$0x4] =	wrdreg $0x9  }
0xb1: {  	_ =	task.clear_ibuf [dreg:s6], $0x5FFFF;
	_ =	strace $0x90000052  }
0xb2: {  	s29 =	simm.s32 $0x9;
	_ =	strace $0x80000054  }
0xb3: {  	_ =	swait.ge [sflag:s29], $0x1  }
0xb4: {  	[sflag:s29] =	ssyncadd.s32 $0xFFFFFFFF  }
0xb5: {  	_ =	strace $0x90000054  }
0xb6: {  	_ =	sfence  }
0xb7: {  	s30 =	sld [smem:$0x0];
	_ =	sdelay $0x2  }
0xb8: {  	s31 =	sshll.u32 s1, $0xD;
	s1 =	sshrl.u32 s1, $0x2  }
0xb9: {  	s3 =	sand.u32 $0x4000, s31;
	s1 =	sadd.s32 s1, s30  }
0xba: {  	s0 =	sor.u32 s3, s0;
	s1 =	sshll.u32 s1, $0x11  }
0xbb: {  	s0 =	sor.u32 s1, s0  }
0xbc: {  	s0 =	sadd.s32 $0x8F2B, s0  }
0xbd: {  	[sflag:s0] =	ssyncadd.remote.s32 $0x1  }
0xbe: {  	_ =	sfence.sel $0xFFFF  }
0xbf: {  	[dreg:$0x0] =	wrdreg $0xFFFFFFFF;
	(pc) =	sbr.abs _section_cstart, $3  }
0xc0: {  	[dreg:$0x1] =	wrdreg $0xFFFFFFFF  }
0xc1: {  	_ =	task.clear_ibuf [dreg:s6], $0x2FFFF;
	_ =	strace $0x9FFFFFFF  }
0xc2: {  	(tm) =	ssettm $0x7FFFFFFF  }
0xc3: {  	_ =	shalt  }
tec
execute0_lowered:
.L_overlay_start_1:
0x0: {  	(tag) =	ssettag $0x1  }
0x1: {  	s0 =	rddreg [dreg:$0x0]  }
0x2: {  	s1 =	rddreg [dreg:$0x1];
	s2 =	simm.s32 $0x0;
	s3 =	srdreg.scid  }
0x3: {  	s5 =	stileid.u32;
	s31 =	simm.s32 $0x8;
	s30 =	simm.s32 $0x300  }
0x4: {  	[smem:$0x7FF] =	sst s2;
	s4 =	sadd.s32 $0x19C00, s0;
	s3 =	sand.u32 $0x1, s3  }
0x5: {  	s7 =	smul.u32 $0x2800, s5;
	s6 =	sshll.u32 s5, $0x1;
	s10 =	sadd.s32 $0x3800, s0  }
0x6: {  	s16 =	sadd.s32 $0xD600, s0;
	s11 =	smul.u32 $0x50000, s5;
	s12 =	sadd.s32 $0x17400, s0  }
0x7: {  	s19 =	sshll.u32 s5, $0x6;
	s25 =	smul.u32 $0x4E20, s5;
	_ =	strace $0x80000053  }
0x8: {  	s8 =	smul.u32 $0x28000, s3;
	s9 =	sor.u32 s3, s6;
	s6 =	smov.u32 s10  }
0x9: {  	s15 =	ssub.s32 $0x2, s3;
	[dreg:$0x7] =	wrdreg s12;
	s3 =	smul.u32 $0x2710, s3  }
0xa: {  	s21 =	sor.u32 $0x1C0E, s19;
	s9 =	smul.u32 $0x2710, s9;
	s17 =	sshrl.u32 s15, $0x1  }
0xb: {  	s18 =	sshrl.u32 s11, $0x2;
	s11 =	simm.s32 $0x2;
	[dreg:$0x9] =	wrdreg s21  }
0xc: {  	s7 =	sadd.s32 s7, s8;
	s8 =	sadd.s32 s18, s1;
	s3 =	sadd.s32 s3, s25  }
0xd: {  	s0 =	sadd.s32 s7, s0;
	s7 =	ssub.s32 s15, s17;
	s20 =	sshrl.u32 s9, $0x3  }
0xe: {  	[dreg:$0x8] =	wrdreg s8;
	s24 =	sadd.s32 $0x68, s9;
	s22 =	sadd.s32 s6, s20  }
0xf: {  	s28 =	sadd.s32 $0x138, s9;
	s23 =	sadd.s32 s16, s20;
	[dreg:$0xa] =	wrdreg s22  }
0x10: {  	s10 =	sadd.s32 $0x208, s3;
	s0 =	sadd.s32 $0xB9C00, s0;
	[dreg:$0xb] =	wrdreg s23  }
0x11: {  	s8 =	sshrl.u32 s24, $0x3;
	s25 =	smax.u32 s7, $0x1;
	[dreg:$0x13] =	wrdreg s0  }
0x12: {  	s9 =	simm.s32 $0xE;
	s29 =	sadd.s32 s6, s8;
	[dreg:$0x14] =	wrdreg s25  }
0x13: {  	s26 =	sadd.s32 $0x1A, s20;
	s1 =	sadd.s32 s16, s8;
	[dreg:$0xc] =	wrdreg s29  }
0x14: {  	s13 =	sshrl.u32 s28, $0x3;
	s8 =	sadd.s32 s6, s26;
	[dreg:$0xd] =	wrdreg s1  }
0x15: {  	s14 =	sadd.s32 $0x4E0, s20;
	s12 =	sadd.s32 s16, s26;
	[dreg:$0xe] =	wrdreg s8  }
0x16: {  	s18 =	sshrl.u32 s10, $0x3;
	s15 =	sadd.s32 s6, s13;
	[dreg:$0xf] =	wrdreg s12  }
0x17: {  	s7 =	simm.s32 $0x80;
	s17 =	sadd.s32 s6, s14;
	[dreg:$0x10] =	wrdreg s15  }
0x18: {  	s19 =	sadd.s32 s16, s14;
	s20 =	sadd.s32 s18, s16;
	[dreg:$0x11] =	wrdreg s17  }
0x19: {  	s22 =	sadd.s32 $0x1A0, s3;
	s0 =	simm.s32 $0x7;
	[dreg:$0x12] =	wrdreg s19  }
0x1a: {  	[dreg:$0x3] =	wrdreg s20;
	s8 =	sadd.s32 s18, s6;
	s23 =	sshrl.u32 s22, $0x3  }
0x1b: {  	s29 =	sadd.s32 $0x138, s3;
	s22 =	simm.s32 $0x180;
	s3 =	simm.s32 $0x4  }
0x1c: {  	s1 =	simm.s32 $0x100;
	s15 =	simm.s32 $0x9;
	s17 =	simm.s32 $0x6  }
0x1d: {  	s18 =	simm.s32 $0xB;
	s19 =	simm.s32 $0xC;
	[dreg:$0x4] =	wrdreg s8  }
0x1e: {  	s20 =	simm.s32 $0x3;
	s24 =	sadd.s32 s23, s16;
	[dreg:$0x15] =	wrdreg s29  }
0x1f: {  	s26 =	sadd.s32 s23, s6;
	s23 =	simm.s32 $0x300;
	[dreg:$0x5] =	wrdreg s24  }
0x20: {  	s8 =	simm.s32 $0x0;
	[dreg:$0x6] =	wrdreg s26;
	s26 =	simm.s32 $0x68  }
.LBB2_1:
0x21: {  	[dreg:$0x16] =	wrdreg s8  }
0x22: {  	s5 =	rddreg [dreg:$0x8]  }
0x23: {  	s25 =	rddreg [dreg:$0x7];
	s24 =	sshrl.u32 s5, $0x3  }
0x24: {  	[dreg:$0x17] =	wrdreg s24  }
0x25: {  	[spmem:s24], [sflag:s21] =	dma.local [hbm:s25], $0x2800  }
0x26: {  	_ =	swait.ge [sflag:s9], $0x2800  }
0x27: {  	[sflag:s9] =	ssyncset.done $0x0  }
0x28: {  	[sflag:s9] =	ssyncadd.s32 $0xFFFFD800  }
0x29: {  	[bflag:$0x0] =	sbarrier.arrive $0xFFFF  }
0x2a: {  	s9 =	rddreg [dreg:$0xa]  }
0x2b: {  	[tilespmem:s2], [sflag:$0x1] =	stream.linear.gather [hbm4b:s9+s2], $0x68, $0x38;
	[tilespmem:$0x1E800] =	vst v63  }
0x2c: {  	s24 =	simm.s32 $0x1;
	s10 =	rddreg [dreg:$0xb]  }
0x2d: {  	[tilespmem:s22], [sflag:$0x4] =	stream.linear.gather [hbm4b:s10+s2], $0x68, $0x38;
	[tilespmem:$0x1E800] =	vst v63  }
0x2e: {  	_ =	swait.ge [sflag:s24], $0x68  }
0x2f: {  	[sflag:s24] =	ssyncset.done $0x0  }
0x30: {  	[sflag:s24] =	ssyncadd.s32 $0xFFFFFF98  }
0x31: {  	[tilespmem:s23], [sflag:$0x7] =	stream.indirect.gather [hbm4b:s4+s26], $0x80, s2, s26, $0xb8;
	[tilespmem:$0x1E800] =	vst v63  }
0x32: {  	s12 =	rddreg [dreg:$0xc]  }
0x33: {  	[tilespmem:s7], [sflag:$0x2] =	stream.linear.gather [hbm4b:s12+s2], $0x68, $0x38;
	[tilespmem:$0x1E800] =	vst v63  }
0x34: {  	s8 =	simm.s32 $0x200;
	s13 =	rddreg [dreg:$0xd]  }
0x35: {  	[tilespmem:s8], [sflag:$0x5] =	stream.linear.gather [hbm4b:s13+s2], $0x68, $0x38;
	[tilespmem:$0x1E800] =	vst v63  }
0x36: {  	_ =	swait.ge [sflag:s0], $0x3400  }
0x37: {  	[sflag:s0] =	ssyncset.done $0x0  }
0x38: {  	[sflag:s0] =	ssyncadd.s32 $0xFFFFCC00  }
0x39: {  	_ =	swait.ge [sflag:s3], $0x68  }
0x3a: {  	[sflag:s3] =	ssyncset.done $0x0  }
0x3b: {  	[sflag:s3] =	ssyncadd.s32 $0xFFFFFF98  }
0x3c: {  	s13 =	rddreg [dreg:$0x1]  }
0x3d: {  	[spmem:s13] =	stream.indirect.scatter.add.f32 [tilespmem:s23], [sflag:$0xA], $0x80, s22, s26, $0xb8;
	[tilespmem:$0x1E800] =	vst v63  }
0x3e: {  	_ =	swait.ge [sflag:s11], $0x68  }
0x3f: {  	[sflag:s11] =	ssyncset.done $0x0  }
0x40: {  	s10 =	simm.s32 $0x3700;
	[sflag:s11] =	ssyncadd.s32 $0xFFFFFF98  }
0x41: {  	[tilespmem:s10], [sflag:$0x8] =	stream.indirect.gather [hbm4b:s4+s26], $0x80, s7, s26, $0xb8;
	[tilespmem:$0x1E800] =	vst v63  }
0x42: {  	s14 =	rddreg [dreg:$0xe]  }
0x43: {  	[tilespmem:s1], [sflag:$0x3] =	stream.linear.gather [hbm4b:s14+s2], $0x68, $0x38;
	[tilespmem:$0x1E800] =	vst v63  }
0x44: {  	s25 =	simm.s32 $0x280;
	s21 =	rddreg [dreg:$0xf]  }
0x45: {  	[tilespmem:s25], [sflag:$0x6] =	stream.linear.gather [hbm4b:s21+s2], $0x68, $0x38;
	[tilespmem:$0x1E800] =	vst v63  }
0x46: {  	_ =	swait.ge [sflag:s31], $0x3400  }
0x47: {  	[sflag:s31] =	ssyncset.done $0x0  }
0x48: {  	s14 =	simm.s32 $0x5;
	[sflag:s31] =	ssyncadd.s32 $0xFFFFCC00  }
0x49: {  	_ =	swait.ge [sflag:s14], $0x68  }
0x4a: {  	[sflag:s14] =	ssyncset.done $0x0  }
0x4b: {  	[sflag:s14] =	ssyncadd.s32 $0xFFFFFF98  }
0x4c: {  	[spmem:s13] =	stream.indirect.scatter.add.f32 [tilespmem:s10], [sflag:$0xB], $0x80, s8, s26, $0xb8;
	[tilespmem:$0x1E800] =	vst v63  }
0x4d: {  	_ =	swait.ge [sflag:s20], $0x68  }
0x4e: {  	[sflag:s20] =	ssyncset.done $0x0  }
0x4f: {  	s12 =	simm.s32 $0x6B00;
	[sflag:s20] =	ssyncadd.s32 $0xFFFFFF98  }
0x50: {  	[tilespmem:s12], [sflag:$0x9] =	stream.indirect.gather [hbm4b:s4+s26], $0x80, s1, s26, $0xb8;
	[tilespmem:$0x1E800] =	vst v63  }
0x51: {  	s29 =	simm.s32 $0xA;
	s9 =	rddreg [dreg:$0x10]  }
0x52: {  	[tilespmem:s2], [sflag:$0x1] =	stream.linear.gather [hbm4b:s9+s2], $0x68, $0x38;
	[tilespmem:$0x1E800] =	vst v63  }
0x53: {  	_ =	swait.ge [sflag:s29], $0x3400  }
0x54: {  	s5 =	rddreg [dreg:$0x15]  }
0x55: {  	[sflag:s29] =	ssyncset.done $0x0;
	s9 =	sshrl.u32 s5, $0x3  }
0x56: {  	s21 =	rddreg [dreg:$0x6];
	[sflag:s29] =	ssyncadd.s32 $0xFFFFCC00;
	s9 =	sadd.s32 s16, s9  }
0x57: {  	[tilespmem:s22], [sflag:$0x4] =	stream.linear.gather [hbm4b:s9+s2], $0x68, $0x38;
	[tilespmem:$0x1E800] =	vst v63  }
0x58: {  	s21 =	sadd.s32 $0x0, s21  }
0x59: {  	[tilespmem:s7], [sflag:$0x2] =	stream.linear.gather [hbm4b:s21+s2], $0x68, $0x38;
	[tilespmem:$0x1E800] =	vst v63  }
0x5a: {  	_ =	swait.ge [sflag:s24], $0x68  }
0x5b: {  	[sflag:s24] =	ssyncset.done $0x0  }
0x5c: {  	[sflag:s24] =	ssyncadd.s32 $0xFFFFFF98  }
0x5d: {  	[tilespmem:s23], [sflag:$0x7] =	stream.indirect.gather [hbm4b:s4+s26], $0x80, s2, s26, $0xb8;
	[tilespmem:$0x1E800] =	vst v63  }
0x5e: {  	_ =	swait.ge [sflag:s15], $0x3400  }
0x5f: {  	[sflag:s15] =	ssyncset.done $0x0  }
0x60: {  	[sflag:s15] =	ssyncadd.s32 $0xFFFFCC00  }
0x61: {  	_ =	swait.ge [sflag:s17], $0x68  }
0x62: {  	[sflag:s17] =	ssyncset.done $0x0  }
0x63: {  	[sflag:s17] =	ssyncadd.s32 $0xFFFFFF98  }
0x64: {  	[spmem:s13] =	stream.indirect.scatter.add.f32 [tilespmem:s12], [sflag:$0xC], $0x80, s25, s26, $0xb8;
	[tilespmem:$0x1E800] =	vst v63  }
0x65: {  	_ =	swait.ge [sflag:s18], $0x3400  }
0x66: {  	s21 =	rddreg [dreg:$0x5];
	[sflag:s18] =	ssyncset.done $0x0  }
0x67: {  	s24 =	rddreg [dreg:$0x4];
	[sflag:s18] =	ssyncadd.s32 $0xFFFFCC00;
	s9 =	sadd.s32 $0x0, s21  }
0x68: {  	[tilespmem:s8], [sflag:$0x5] =	stream.linear.gather [hbm4b:s9+s2], $0x68, $0x38;
	[tilespmem:$0x1E800] =	vst v63  }
0x69: {  	s21 =	sadd.s32 $0x0, s24  }
0x6a: {  	[tilespmem:s1], [sflag:$0x3] =	stream.linear.gather [hbm4b:s21+s2], $0x68, $0x38;
	[tilespmem:$0x1E800] =	vst v63  }
0x6b: {  	_ =	swait.ge [sflag:s11], $0x68  }
0x6c: {  	[sflag:s11] =	ssyncset.done $0x0  }
0x6d: {  	[sflag:s11] =	ssyncadd.s32 $0xFFFFFF98  }
0x6e: {  	[tilespmem:s10], [sflag:$0x8] =	stream.indirect.gather [hbm4b:s4+s26], $0x80, s7, s26, $0xb8;
	[tilespmem:$0x1E800] =	vst v63  }
0x6f: {  	_ =	swait.ge [sflag:s0], $0x3400  }
0x70: {  	[sflag:s0] =	ssyncset.done $0x0  }
0x71: {  	[sflag:s0] =	ssyncadd.s32 $0xFFFFCC00  }
0x72: {  	_ =	swait.ge [sflag:s3], $0x68  }
0x73: {  	[sflag:s3] =	ssyncset.done $0x0  }
0x74: {  	[sflag:s3] =	ssyncadd.s32 $0xFFFFFF98  }
0x75: {  	[spmem:s13] =	stream.indirect.scatter.add.f32 [tilespmem:s23], [sflag:$0xA], $0x80, s22, s26, $0xb8;
	[tilespmem:$0x1E800] =	vst v63  }
0x76: {  	s23 =	smin.u32 s20, $0x5C  }
0x77: {  	s9 =	smul.u32 $0x68, s23  }
0x78: {  	_ =	swait.ge [sflag:s19], $0x3400  }
0x79: {  	s24 =	rddreg [dreg:$0x3];
	[sflag:s19] =	ssyncset.done $0x0;
	s9 =	sadd.s32 s9, s28  }
0x7a: {  	[sflag:s19] =	ssyncadd.s32 $0xFFFFCC00;
	s21 =	sadd.s32 $0x0, s24;
	s9 =	sshrl.u32 s9, $0x3  }
0x7b: {  	[tilespmem:s25], [sflag:$0x6] =	stream.linear.gather [hbm4b:s21+s2], $0x68, $0x38;
	[tilespmem:$0x1E800] =	vst v63  }
0x7c: {  	s9 =	sadd.s32 s6, s9  }
0x7d: {  	[tilespmem:s2], [sflag:$0x1] =	stream.linear.gather [hbm4b:s9+s2], $0x68, $0x38;
	[tilespmem:$0x1E800] =	vst v63  }
0x7e: {  	_ =	swait.ge [sflag:s20], $0x68  }
0x7f: {  	[sflag:s20] =	ssyncset.done $0x0  }
0x80: {  	[sflag:s20] =	ssyncadd.s32 $0xFFFFFF98  }
0x81: {  	[tilespmem:s12], [sflag:$0x9] =	stream.indirect.gather [hbm4b:s4+s26], $0x80, s1, s26, $0xb8;
	[tilespmem:$0x1E800] =	vst v63  }
0x82: {  	s29 =	simm.s32 $0x180;
	_ =	swait.ge [sflag:s31], $0x3400  }
0x83: {  	s11 =	simm.s32 $0x2;
	s7 =	simm.s32 $0x80;
	[sflag:s31] =	ssyncset.done $0x0  }
0x84: {  	s0 =	simm.s32 $0x7;
	s3 =	simm.s32 $0x4;
	[sflag:s31] =	ssyncadd.s32 $0xFFFFCC00  }
0x85: {  	s22 =	simm.s32 $0x27;
	s23 =	simm.s32 $0x3;
	_ =	swait.ge [sflag:s14], $0x68  }
0x86: {  	s9 =	smov.u32 s5;
	s1 =	simm.s32 $0x100;
	[sflag:s14] =	ssyncset.done $0x0  }
.LBB2_2:
0x87: {  	s14 =	simm.s32 $0x5  }
0x88: {  	s9 =	sadd.s32 $0x138, s9;
	s10 =	simm.s32 $0x200;
	[sflag:s14] =	ssyncadd.s32 $0xFFFFFF98  }
0x89: {  	s13 =	simm.s32 $0x3700;
	s8 =	simm.s32 $0xA;
	s25 =	rddreg [dreg:$0x1]  }
0x8a: {  	[spmem:s25] =	stream.indirect.scatter.add.f32 [tilespmem:s13], [sflag:$0xB], $0x80, s10, s26, $0xb8;
	[tilespmem:$0x1E800] =	vst v63  }
0x8b: {  	s21 =	sshrl.u32 s9, $0x3;
	_ =	swait.ge [sflag:s8], $0x3400  }
0x8c: {  	s24 =	smov.u32 s16;
	s5 =	sadd.s32 s16, s21;
	[sflag:s8] =	ssyncset.done $0x0  }
0x8d: {  	s21 =	smov.u32 s22;
	s12 =	rddreg [dreg:$0x6];
	[sflag:s8] =	ssyncadd.s32 $0xFFFFCC00  }
0x8e: {  	[tilespmem:s29], [sflag:$0x4] =	stream.linear.gather [hbm4b:s5+s2], $0x68, $0x38;
	[tilespmem:$0x1E800] =	vst v63  }
0x8f: {  	s16 =	smov.u32 s6;
	s6 =	simm.s32 $0x1;
	s12 =	sadd.s32 s21, s12  }
0x90: {  	[tilespmem:s7], [sflag:$0x2] =	stream.linear.gather [hbm4b:s12+s2], $0x68, $0x38;
	[tilespmem:$0x1E800] =	vst v63  }
0x91: {  	_ =	swait.ge [sflag:s6], $0x68  }
0x92: {  	[sflag:s6] =	ssyncset.done $0x0  }
0x93: {  	[sflag:s6] =	ssyncadd.s32 $0xFFFFFF98  }
0x94: {  	[tilespmem:s30], [sflag:$0x7] =	stream.indirect.gather [hbm4b:s4+s26], $0x80, s2, s26, $0xb8;
	[tilespmem:$0x1E800] =	vst v63  }
0x95: {  	_ =	swait.ge [sflag:s15], $0x3400  }
0x96: {  	[sflag:s15] =	ssyncset.done $0x0  }
0x97: {  	[sflag:s15] =	ssyncadd.s32 $0xFFFFCC00  }
0x98: {  	_ =	swait.ge [sflag:s17], $0x68  }
0x99: {  	[sflag:s17] =	ssyncset.done $0x0  }
0x9a: {  	s31 =	simm.s32 $0x280;
	s12 =	simm.s32 $0x6B00;
	[sflag:s17] =	ssyncadd.s32 $0xFFFFFF98  }
0x9b: {  	[spmem:s25] =	stream.indirect.scatter.add.f32 [tilespmem:s12], [sflag:$0xC], $0x80, s31, s26, $0xb8;
	[tilespmem:$0x1E800] =	vst v63  }
0x9c: {  	_ =	swait.ge [sflag:s18], $0x3400  }
0x9d: {  	s8 =	rddreg [dreg:$0x5];
	[sflag:s18] =	ssyncset.done $0x0  }
0x9e: {  	s6 =	rddreg [dreg:$0x4];
	[sflag:s18] =	ssyncadd.s32 $0xFFFFCC00;
	s5 =	sadd.s32 s21, s8  }
0x9f: {  	[tilespmem:s10], [sflag:$0x5] =	stream.linear.gather [hbm4b:s5+s2], $0x68, $0x38;
	[tilespmem:$0x1E800] =	vst v63  }
0xa0: {  	s10 =	sadd.s32 s21, s6  }
0xa1: {  	[tilespmem:s1], [sflag:$0x3] =	stream.linear.gather [hbm4b:s10+s2], $0x68, $0x38;
	[tilespmem:$0x1E800] =	vst v63  }
0xa2: {  	_ =	swait.ge [sflag:s11], $0x68  }
0xa3: {  	[sflag:s11] =	ssyncset.done $0x0  }
0xa4: {  	[sflag:s11] =	ssyncadd.s32 $0xFFFFFF98  }
0xa5: {  	[tilespmem:s13], [sflag:$0x8] =	stream.indirect.gather [hbm4b:s4+s26], $0x80, s7, s26, $0xb8;
	[tilespmem:$0x1E800] =	vst v63  }
0xa6: {  	_ =	swait.ge [sflag:s0], $0x3400  }
0xa7: {  	[sflag:s0] =	ssyncset.done $0x0  }
0xa8: {  	[sflag:s0] =	ssyncadd.s32 $0xFFFFCC00  }
0xa9: {  	_ =	swait.ge [sflag:s3], $0x68  }
0xaa: {  	s23 =	sadd.s32 $0x3, s23;
	[sflag:s3] =	ssyncset.done $0x0  }
0xab: {  	s13 =	smin.u32 s23, $0x5C;
	[sflag:s3] =	ssyncadd.s32 $0xFFFFFF98  }
0xac: {  	[spmem:s25] =	stream.indirect.scatter.add.f32 [tilespmem:s30], [sflag:$0xA], $0x80, s29, s26, $0xb8;
	[tilespmem:$0x1E800] =	vst v63  }
0xad: {  	s5 =	smul.u32 $0x68, s13;
	_ =	swait.ge [sflag:s19], $0x3400  }
0xae: {  	s25 =	rddreg [dreg:$0x3];
	[sflag:s19] =	ssyncset.done $0x0  }
0xaf: {  	s5 =	sadd.s32 s5, s28;
	[sflag:s19] =	ssyncadd.s32 $0xFFFFCC00;
	s6 =	sadd.s32 s21, s25  }
0xb0: {  	[tilespmem:s31], [sflag:$0x6] =	stream.linear.gather [hbm4b:s6+s2], $0x68, $0x38;
	[tilespmem:$0x1E800] =	vst v63  }
0xb1: {  	s5 =	sshrl.u32 s5, $0x3;
	s6 =	smov.u32 s16  }
0xb2: {  	s5 =	sadd.s32 s6, s5  }
0xb3: {  	[tilespmem:s2], [sflag:$0x1] =	stream.linear.gather [hbm4b:s5+s2], $0x68, $0x38;
	[tilespmem:$0x1E800] =	vst v63  }
0xb4: {  	_ =	swait.ge [sflag:s20], $0x68  }
0xb5: {  	[sflag:s20] =	ssyncset.done $0x0  }
0xb6: {  	p0 =	sne.s32 s22, $0x492;
	s31 =	simm.s32 $0x8;
	[sflag:s20] =	ssyncadd.s32 $0xFFFFFF98  }
0xb7: {  	[tilespmem:s12], [sflag:$0x9] =	stream.indirect.gather [hbm4b:s4+s26], $0x80, s1, s26, $0xb8;
	[tilespmem:$0x1E800] =	vst v63  }
.Ltmp0:
0xb8: {  	_ =	swait.ge [sflag:s31], $0x3400;
	(pc) =	sbr.rel @p0 .LBB2_2-.Ltmp0, $4  }
0xb9: {  	s22 =	sadd.s32 $0x27, s22;
	[sflag:s31] =	ssyncset.done $0x0  }
0xba: {  	s8 =	simm.s32 $0x200;
	s10 =	simm.s32 $0x3700;
	[sflag:s31] =	ssyncadd.s32 $0xFFFFCC00  }
0xbb: {  	s13 =	simm.s32 $0x280;
	s21 =	simm.s32 $0x6B00;
	_ =	swait.ge [sflag:s14], $0x68  }
0xbc: {  	s16 =	smov.u32 s24;
	s5 =	simm.s32 $0x5;
	[sflag:s14] =	ssyncset.done $0x0  }
0xbd: {  	[sflag:s5] =	ssyncadd.s32 $0xFFFFFF98  }
0xbe: {  	s11 =	simm.s32 $0x1;
	s1 =	rddreg [dreg:$0x1]  }
0xbf: {  	[spmem:s1] =	stream.indirect.scatter.add.f32 [tilespmem:s10], [sflag:$0xB], $0x80, s8, s26, $0xb8;
	[tilespmem:$0x1E800] =	vst v63  }
0xc0: {  	_ =	swait.ge [sflag:s11], $0x68  }
0xc1: {  	[sflag:s11] =	ssyncset.done $0x0  }
0xc2: {  	[sflag:s11] =	ssyncadd.s32 $0xFFFFFF98  }
0xc3: {  	_ =	swait.ge [sflag:s15], $0x3400  }
0xc4: {  	[sflag:s15] =	ssyncset.done $0x0  }
0xc5: {  	[sflag:s15] =	ssyncadd.s32 $0xFFFFCC00  }
0xc6: {  	_ =	swait.ge [sflag:s17], $0x68  }
0xc7: {  	[sflag:s17] =	ssyncset.done $0x0  }
0xc8: {  	[sflag:s17] =	ssyncadd.s32 $0xFFFFFF98  }
0xc9: {  	[spmem:s1] =	stream.indirect.scatter.add.f32 [tilespmem:s21], [sflag:$0xC], $0x80, s13, s26, $0xb8;
	[tilespmem:$0x1E800] =	vst v63  }
0xca: {  	s0 =	simm.s32 $0x9F00;
	s9 =	simm.s32 $0xE;
	s12 =	rddreg [dreg:$0x11]  }
0xcb: {  	[tilespmem:s0], [sflag:$0xE] =	stream.linear.gather [hbm4b:s12+s2], $0x10, $0x38;
	[tilespmem:$0x1E800] =	vst v63  }
0xcc: {  	_ =	swait.ge [sflag:s9], $0x10  }
0xcd: {  	[sflag:s9] =	ssyncset.done $0x0  }
0xce: {  	s3 =	simm.s32 $0x9F80;
	s13 =	rddreg [dreg:$0x12];
	[sflag:s9] =	ssyncadd.s32 $0xFFFFFFF0  }
0xcf: {  	[tilespmem:s3], [sflag:$0xE] =	stream.linear.gather [hbm4b:s13+s2], $0x10, $0x38;
	[tilespmem:$0x1E800] =	vst v63  }
0xd0: {  	_ =	swait.ge [sflag:s9], $0x10  }
0xd1: {  	s14 =	simm.s32 $0x10;
	[sflag:s9] =	ssyncset.done $0x0  }
0xd2: {  	s7 =	simm.s32 $0xA000;
	s21 =	simm.s32 $0xD;
	[sflag:s9] =	ssyncadd.s32 $0xFFFFFFF0  }
0xd3: {  	[tilespmem:s7], [sflag:$0xD] =	stream.indirect.gather [hbm4b:s4+s14], $0x80, s0, s14, $0xb8;
	[tilespmem:$0x1E800] =	vst v63  }
0xd4: {  	_ =	swait.ge [sflag:s21], $0x800  }
0xd5: {  	[sflag:s21] =	ssyncset.done $0x0  }
0xd6: {  	[sflag:s21] =	ssyncadd.s32 $0xFFFFF800  }
0xd7: {  	[spmem:s1] =	stream.indirect.scatter.add.f32 [tilespmem:s7], [sflag:$0xE], $0x80, s3, s14, $0xb8;
	[tilespmem:$0x1E800] =	vst v63  }
0xd8: {  	_ =	swait.ge [sflag:s9], $0x800  }
0xd9: {  	[sflag:s9] =	ssyncset.done $0x0  }
0xda: {  	s22 =	simm.s32 $0xA;
	[sflag:s9] =	ssyncadd.s32 $0xFFFFF800  }
0xdb: {  	_ =	swait.ge [sflag:s22], $0x3400  }
0xdc: {  	[sflag:s22] =	ssyncset.done $0x0  }
0xdd: {  	[sflag:s22] =	ssyncadd.s32 $0xFFFFCC00  }
0xde: {  	_ =	swait.ge [sflag:s18], $0x3400  }
0xdf: {  	[sflag:s18] =	ssyncset.done $0x0  }
0xe0: {  	[sflag:s18] =	ssyncadd.s32 $0xFFFFCC00  }
0xe1: {  	_ =	swait.ge [sflag:s19], $0x3400  }
0xe2: {  	[sflag:s19] =	ssyncset.done $0x0  }
0xe3: {  	[sflag:s19] =	ssyncadd.s32 $0xFFFFCC00  }
0xe4: {  	[bflag:$0x0] =	sbarrier.arrive $0xFFFF  }
0xe5: {  	s21 =	rddreg [dreg:$0x9]  }
0xe6: {  	s23 =	rddreg [dreg:$0x13]  }
0xe7: {  	s24 =	rddreg [dreg:$0x17]  }
0xe8: {  	[hbm:s23], [sflag:s21] =	dma.local [spmem:s24], $0x2800  }
0xe9: {  	_ =	swait.ge [sflag:s9], $0x2800  }
0xea: {  	s25 =	rddreg [dreg:$0x16]  }
0xeb: {  	s29 =	rddreg [dreg:$0x14];
	s8 =	sadd.s32 $0x1, s25  }
0xec: {  	p0 =	sne.s32 s8, s29  }
.Ltmp1:
0xed: {  	_ = 	snop;
	(pc) =	sbr.rel @p0 .LBB2_1-.Ltmp1, $4  }
0xee: {  	_ = 	snop  }
0xef: {  	s11 =	simm.s32 $0x2;
	s0 =	simm.s32 $0x7;
	s7 =	simm.s32 $0x80  }
0xf0: {  	s1 =	simm.s32 $0x100;
	s3 =	simm.s32 $0x4;
	[sflag:s9] =	ssyncset.done $0x0  }
0xf1: {  	s22 =	simm.s32 $0x180;
	s23 =	simm.s32 $0x300;
	[sflag:s9] =	ssyncadd.s32 $0xFFFFD800  }
0xf2: {  	_ =	sfence.sel $0x180000  }
0xf3: {  	[bflag:$0x0] =	sbarrier.arrive $0xFFFF  }
0xf4: {  	_ =	strace $0x90000053  }
0xf5: {  	s0 =	stileid.u32;
	[bflag:$0x2] =	sbarrier.arrive $0xFFFF  }
0xf6: {  	p0 =	sne.s32 s0, $0x0;
	s0 =	rddreg [dreg:$0x2]  }
0xf7: {  	s0 =	sadd.s32 @!p0 $0x100000, s0  }
0xf8: {  	[sflag:s0] =	ssyncadd.tile.s32 @!p0 $0x1;
	_ =	shalt  }
.Lfunc_end2:
_tile_overlayer_lowered:
.L_overlay_start_2:
0xf9: {  	(tag) =	ssettag $0x2  }
0xfa: {  	s0 =	rddreg [dreg:$0x0];
	s2 =	stileid.u32  }
0xfb: {  	s1 =	rddreg [dreg:$0x1];
	p0 =	sne.s32 s2, $0x0  }
0xfc: {  	s3 =	rddreg [dreg:$0x2];
	[bflag:$0x3] =	sbarrier.arrive $0xFFFF;
	s2 =	simm.s32 @!p0 $0x1C0E  }
0xfd: {  	[timem:s3], [sflag:s2] =	dma.local @!p0 [hbm:s0], s1  }
0xfe: {  	s0 =	simm.s32 @!p0 $0xE  }
0xff: {  	_ =	swait.ge @!p0 [sflag:s0], s1  }
0x100: {  	s1 =	ssub.s32 @!p0 $0x0, s1;
	[sflag:s0] =	ssyncset.done @!p0 $0x0  }
0x101: {  	[sflag:s0] =	ssyncadd.s32 @!p0 s1  }
0x102: {  	[bflag:$0x3] =	sbarrier.arrive $0xFFFF  }
0x103: {  	_ =	shalt  }

</sc_bundles>
